<compile_context>
chip_gen: v7x
topology: tpu7x:2x2x1
jax: 0.10.2.dev20260603
libtpu: 0.0.44.dev20260713+nightly
codegen_flags: <defaults>
</compile_context>

<pallas_src>
import functools

import jax
import jax.numpy as jnp
from jax import lax
from jax.experimental import pallas as pl
from jax.experimental.pallas import tpu as pltpu
from jax.experimental.pallas import tpu_sc as plsc

VOCAB = 100000
HID = 128
L = 200
B = 1024
EPS = 1e-12

NW = 32
TOK = B * L
PER_W = TOK // NW
CHUNK = 80
NCHUNK = PER_W // CHUNK
NBUF = 5
NH = HID // 16
COMB_ROWS = 240


def _tree_sum(vs):
    while len(vs) > 1:
        vs = [vs[i] + vs[i + 1] for i in range(0, len(vs) - 1, 2)] + (
            [vs[-1]] if len(vs) % 2 else [])
    return vs[0]


_GATHER_DNUMS = lax.GatherDimensionNumbers(
    offset_dims=(), collapsed_slice_dims=(0,), start_index_map=(0,))


def _shuffle(v, idx):
    return lax.gather(v, idx[:, None], _GATHER_DNUMS, slice_sizes=(1,),
                      mode=lax.GatherScatterMode.PROMISE_IN_BOUNDS)


def _xlane_sum(v):
    lanes = lax.iota(jnp.int32, 16)
    for sh in (8, 4, 2, 1):
        v = v + _shuffle(v, lanes ^ sh)
    return v


def _rsqrt(x):
    i = lax.bitcast_convert_type(x, jnp.int32)
    i = jnp.int32(0x5F3759DF) - (i >> 1)
    y = lax.bitcast_convert_type(i, jnp.float32)
    for _ in range(2):
        y = y * (1.5 - 0.5 * x * y * y)
    return y


def _sc_body(ids_hbm, word_hbm, comb_hbm, gamma_hbm, beta_hbm,
             out_hbm, idx_v, gb_v,
             rows0, rows1, rows2, rows3, rows4,
             sem0, sem1, sem2, sem3, sem4):
    bufs = [rows0, rows1, rows2, rows3, rows4]
    sems = [sem0, sem1, sem2, sem3, sem4]
    c = lax.axis_index("c")
    s = lax.axis_index("s")
    wid = s * 2 + c

    pltpu.sync_copy(ids_hbm.at[pl.ds(wid * PER_W, PER_W)], idx_v)
    pltpu.sync_copy(gamma_hbm, gb_v.at[0])
    pltpu.sync_copy(beta_hbm, gb_v.at[1])

    inv_h = jnp.float32(1.0 / HID)

    def pos0(g):
        return lax.rem(g * CHUNK, L)

    def issue_fill(g, b):
        pltpu.async_copy(comb_hbm.at[pl.ds(pos0(g), CHUNK)], bufs[b],
                         sems[b])

    def wait_fill(b):
        pltpu.make_async_copy(comb_hbm.at[pl.ds(0, CHUNK)], bufs[b],
                              sems[b]).wait()

    def issue_gather(g, b):
        pltpu.async_copy(
            word_hbm.at[idx_v.at[pl.ds(g * CHUNK, CHUNK)]], bufs[b],
            sems[b], add=True)

    def wait_gather(g, b):
        pltpu.make_async_copy(
            word_hbm.at[idx_v.at[pl.ds(g * CHUNK, CHUNK)]], bufs[b],
            sems[b]).wait()

    def issue_wb(g, b):
        pltpu.async_copy(
            bufs[b], out_hbm.at[pl.ds(wid * PER_W + g * CHUNK, CHUNK)],
            sems[b])

    def wait_wb(b):
        pltpu.make_async_copy(bufs[b], out_hbm.at[pl.ds(0, CHUNK)],
                              sems[b]).wait()

    def process(g, b):
        rows_v = bufs[b]

        @plsc.parallel_loop(0, CHUNK, unroll=1)
        def row(i):
            x = [rows_v[i, pl.ds(h * 16, 16)] for h in range(NH)]
            ssum = _xlane_sum(_tree_sum(x)) * inv_h
            qsum = _xlane_sum(_tree_sum([xh * xh for xh in x])) * inv_h
            inv = _rsqrt(qsum - ssum * ssum + EPS)
            for h in range(NH):
                sl = pl.ds(h * 16, 16)
                rows_v[i, sl] = (x[h] - ssum) * inv * gb_v[0, sl] + gb_v[1, sl]

    issue_fill(0, 0)
    wait_fill(0)
    issue_gather(0, 0)
    issue_fill(1, 1)

    def super_chunk(gq, carry):
        for j in range(NBUF):
            g = gq * NBUF + j
            b1 = (j + 1) % NBUF
            b2 = (j + 2) % NBUF

            @pl.when(g + 1 < NCHUNK)
            def _launch_next_gather():
                wait_fill(b1)
                issue_gather(g + 1, b1)

            wait_gather(g, j)
            process(g, j)
            issue_wb(g, j)

            @pl.when(g + 2 < NCHUNK)
            def _prefetch_fill():
                @pl.when(g >= NBUF - 2)
                def _drain_wb():
                    wait_wb(b2)
                issue_fill(g + 2, b2)
        return carry

    lax.fori_loop(0, NCHUNK // NBUF, super_chunk, 0)
    for b in range(NBUF):
        wait_wb(b)


@jax.jit
def _run(ids2, word_emb, comb_ext, ln_gamma, ln_beta):
    mesh = plsc.VectorSubcoreMesh(core_axis_name="c", subcore_axis_name="s")
    k = functools.partial(
        pl.kernel,
        mesh=mesh,
        out_type=jax.ShapeDtypeStruct((TOK, HID), jnp.float32),
        scratch_types=[
            pltpu.VMEM((PER_W,), jnp.int32),
            pltpu.VMEM((2, HID), jnp.float32),
        ] + [pltpu.VMEM((CHUNK, HID), jnp.float32) for _ in range(NBUF)]
          + [pltpu.SemaphoreType.DMA for _ in range(NBUF)],
    )(_sc_body)
    return k(ids2, word_emb, comb_ext, ln_gamma, ln_beta)


def kernel(input_ids, word_emb, pos_emb, type_emb, ln_gamma, ln_beta):
    ids2 = input_ids.reshape(TOK).astype(jnp.int32)
    comb = pos_emb[:L] + type_emb[0][None, :]
    comb_ext = jnp.concatenate([comb, comb[:COMB_ROWS - L]], axis=0)
    out = _run(ids2, word_emb, comb_ext, ln_gamma, ln_beta)
    return out.reshape(B, L, HID)

# --- scband reference (transcript-rebuilt; emitter-appended) ---
"""Pipeline reference for scband-mo-co-seembeddings-26001732010619 (READ-ONLY COPY).

The authoritative reference and input builder live on the scoring server;
editing this copy changes nothing except your own understanding.
"""

import jax, jax.numpy as jnp
import numpy as np

VOCAB = 100000
HID = 128
MAXPOS = 512
TYPES = 2
B = 1024
L = 200
EPS = 1e-12


def setup_inputs(seed: int = 0) -> dict:
    key = jax.random.key(seed)
    ks = jax.random.split(key, 5)
    input_ids = jax.random.randint(ks[0], (B, L), 0, VOCAB, dtype=jnp.int64 if jax.config.jax_enable_x64 else jnp.int32)
    word_emb = jax.random.normal(ks[1], (VOCAB, HID), dtype=jnp.float32) * 0.02
    word_emb = word_emb.at[0].set(0.0)  # padding_idx = 0
    pos_emb = jax.random.normal(ks[2], (MAXPOS, HID), dtype=jnp.float32) * 0.02
    type_emb = jax.random.normal(ks[3], (TYPES, HID), dtype=jnp.float32) * 0.02
    ln_gamma = jnp.ones((HID,), dtype=jnp.float32)
    ln_beta = jnp.zeros((HID,), dtype=jnp.float32)
    return {
        "input_ids": input_ids,
        "word_emb": word_emb,
        "pos_emb": pos_emb,
        "type_emb": type_emb,
        "ln_gamma": ln_gamma,
        "ln_beta": ln_beta,
    }


def reference(input_ids, word_emb, pos_emb, type_emb, ln_gamma, ln_beta):
    # Eval-mode forward: fgsm=0, token_drop_prob=0, feature_drop_prob=0,
    # token_shuffle=False, dropout p=0 -> pure embedding sum + LayerNorm.
    seq_length = input_ids.shape[1]
    position_ids = jnp.arange(seq_length, dtype=input_ids.dtype)[None, :]  # [1, L]
    token_type_ids = jnp.zeros(input_ids.shape, dtype=input_ids.dtype)
    inputs_embeds = jnp.take(word_emb, input_ids, axis=0)            # [B, L, H]
    token_type_embeddings = jnp.take(type_emb, token_type_ids, axis=0)  # [B, L, H]
    embeddings = inputs_embeds + token_type_embeddings
    position_embeddings = jnp.take(pos_emb, position_ids, axis=0)   # [1, L, H]
    embeddings = embeddings + position_embeddings
    mean = jnp.mean(embeddings, axis=-1, keepdims=True)
    var = jnp.mean(jnp.square(embeddings - mean), axis=-1, keepdims=True)
    normed = (embeddings - mean) / jnp.sqrt(var + EPS)
    out = normed * ln_gamma + ln_beta
    return out

if __name__ == "__main__":
    import jax
    _d = setup_inputs()
    print(jax.jit(kernel)(*tuple(_d.values())))

</pallas_src>

<mosaic_0001>
#map = affine_map<(d0, d1) -> (0)>
#map1 = affine_map<(d0, d1) -> (0, 0)>
module attributes {stable_mosaic.version = 14 : i64} {
  func.func @_sc_body(%arg0: i32, %arg1: i32, %arg2: memref<204800xi32, #tpu.memory_space<hbm>>, %arg3: memref<100000x128xf32, #tpu.memory_space<hbm>>, %arg4: memref<240x128xf32, #tpu.memory_space<hbm>>, %arg5: memref<128xf32, #tpu.memory_space<hbm>>, %arg6: memref<128xf32, #tpu.memory_space<hbm>>, %arg7: memref<204800x128xf32, #tpu.memory_space<hbm>>, %arg8: memref<6400xi32, #tpu.memory_space<vmem>>, %arg9: memref<2x128xf32, #tpu.memory_space<vmem>>, %arg10: memref<80x128xf32, #tpu.memory_space<vmem>>, %arg11: memref<80x128xf32, #tpu.memory_space<vmem>>, %arg12: memref<80x128xf32, #tpu.memory_space<vmem>>, %arg13: memref<80x128xf32, #tpu.memory_space<vmem>>, %arg14: memref<80x128xf32, #tpu.memory_space<vmem>>, %arg15: memref<!tpu.dma_semaphore, #tpu.memory_space<semaphore_mem>>, %arg16: memref<!tpu.dma_semaphore, #tpu.memory_space<semaphore_mem>>, %arg17: memref<!tpu.dma_semaphore, #tpu.memory_space<semaphore_mem>>, %arg18: memref<!tpu.dma_semaphore, #tpu.memory_space<semaphore_mem>>, %arg19: memref<!tpu.dma_semaphore, #tpu.memory_space<semaphore_mem>>) attributes {dimension_semantics = [#tpu.dimension_semantics<core_parallel>, #tpu.dimension_semantics<subcore_parallel>], iteration_bounds = array<i64: 2, 16>, scalar_prefetch = 0 : i64, scratch_operands = 12 : i64, tpu.core_type = #tpu.core_type<sc_vector_subcore>, window_params = [{transform_indices = #map}, {transform_indices = #map1}, {transform_indices = #map1}, {transform_indices = #map}, {transform_indices = #map}, {transform_indices = #map1}]} {
    %mul3A = arith.constant 2 : i32
    %mul3A_0 = arith.muli %arg1, %mul3A : i32
    %add3A = arith.addi %mul3A_0, %arg0 : i32
    %mul3A_1 = arith.constant 6400 : i32
    %mul3A_2 = arith.muli %add3A, %mul3A_1 : i32
    "tpu.region"() ({
      %run_scoped3A_62 = tpu.sem_alloc : memref<!tpu.dma_semaphore, #tpu.memory_space<semaphore_mem>>
      %dma_start3A_63 = tpu.memref_slice %arg2[%mul3A_2] : memref<204800xi32, #tpu.memory_space<hbm>> -> memref<6400xi32, #tpu.memory_space<hbm>>
      %dma_start3A_64 = tpu.memref_slice %arg2[%mul3A_2] : memref<204800xi32, #tpu.memory_space<hbm>> -> memref<6400xi32, #tpu.memory_space<hbm>>
      tpu.enqueue_dma source(%dma_start3A_64 : memref<6400xi32, #tpu.memory_space<hbm>>) target(%arg8 : memref<6400xi32, #tpu.memory_space<vmem>>) target_semaphore(%run_scoped3A_62 : memref<!tpu.dma_semaphore, #tpu.memory_space<semaphore_mem>>)
      %dma_wait3A_65 = tpu.memref_slice %arg2[%mul3A_2] : memref<204800xi32, #tpu.memory_space<hbm>> -> memref<6400xi32, #tpu.memory_space<hbm>>
      %dma_wait3A_66 = tpu.memref_slice %arg2[%mul3A_2] : memref<204800xi32, #tpu.memory_space<hbm>> -> memref<6400xi32, #tpu.memory_space<hbm>>
      tpu.wait_dma2 semaphore(%run_scoped3A_62 : memref<!tpu.dma_semaphore, #tpu.memory_space<semaphore_mem>>) src(%dma_wait3A_66 : memref<6400xi32, #tpu.memory_space<hbm>>) dst(%arg8 : memref<6400xi32, #tpu.memory_space<vmem>>)
      tpu.yield
    }) : () -> ()
    %run_scoped3A = arith.constant 0 : i32
    "tpu.region"() ({
      %run_scoped3A_62 = tpu.sem_alloc : memref<!tpu.dma_semaphore, #tpu.memory_space<semaphore_mem>>
      %dma_start3A_63 = arith.constant 0 : i32
      %dma_start3A_64 = tpu.memref_slice %arg9[%run_scoped3A, %dma_start3A_63] : memref<2x128xf32, #tpu.memory_space<vmem>> -> memref<1x128xf32, #tpu.memory_space<vmem>>
      %dma_start3A_65 = tpu.memref_squeeze %dma_start3A_64 : memref<1x128xf32, #tpu.memory_space<vmem>> -> memref<128xf32, #tpu.memory_space<vmem>>
      %dma_start3A_66 = arith.constant 0 : i32
      %dma_start3A_67 = tpu.memref_slice %arg9[%run_scoped3A, %dma_start3A_66] : memref<2x128xf32, #tpu.memory_space<vmem>> -> memref<1x128xf32, #tpu.memory_space<vmem>>
      %dma_start3A_68 = tpu.memref_squeeze %dma_start3A_67 : memref<1x128xf32, #tpu.memory_space<vmem>> -> memref<128xf32, #tpu.memory_space<vmem>>
      tpu.enqueue_dma source(%arg5 : memref<128xf32, #tpu.memory_space<hbm>>) target(%dma_start3A_68 : memref<128xf32, #tpu.memory_space<vmem>>) target_semaphore(%run_scoped3A_62 : memref<!tpu.dma_semaphore, #tpu.memory_space<semaphore_mem>>)
      %dma_wait3A_69 = arith.constant 0 : i32
      %dma_wait3A_70 = tpu.memref_slice %arg9[%run_scoped3A, %dma_wait3A_69] : memref<2x128xf32, #tpu.memory_space<vmem>> -> memref<1x128xf32, #tpu.memory_space<vmem>>
      %dma_wait3A_71 = tpu.memref_squeeze %dma_wait3A_70 : memref<1x128xf32, #tpu.memory_space<vmem>> -> memref<128xf32, #tpu.memory_space<vmem>>
      %dma_wait3A_72 = arith.constant 0 : i32
      %dma_wait3A_73 = tpu.memref_slice %arg9[%run_scoped3A, %dma_wait3A_72] : memref<2x128xf32, #tpu.memory_space<vmem>> -> memref<1x128xf32, #tpu.memory_space<vmem>>
      %dma_wait3A_74 = tpu.memref_squeeze %dma_wait3A_73 : memref<1x128xf32, #tpu.memory_space<vmem>> -> memref<128xf32, #tpu.memory_space<vmem>>
      tpu.wait_dma2 semaphore(%run_scoped3A_62 : memref<!tpu.dma_semaphore, #tpu.memory_space<semaphore_mem>>) src(%arg5 : memref<128xf32, #tpu.memory_space<hbm>>) dst(%dma_wait3A_74 : memref<128xf32, #tpu.memory_space<vmem>>)
      tpu.yield
    }) : () -> ()
    %run_scoped3A_3 = arith.constant 1 : i32
    "tpu.region"() ({
      %run_scoped3A_62 = tpu.sem_alloc : memref<!tpu.dma_semaphore, #tpu.memory_space<semaphore_mem>>
      %dma_start3A_63 = arith.constant 0 : i32
      %dma_start3A_64 = tpu.memref_slice %arg9[%run_scoped3A_3, %dma_start3A_63] : memref<2x128xf32, #tpu.memory_space<vmem>> -> memref<1x128xf32, #tpu.memory_space<vmem>>
      %dma_start3A_65 = tpu.memref_squeeze %dma_start3A_64 : memref<1x128xf32, #tpu.memory_space<vmem>> -> memref<128xf32, #tpu.memory_space<vmem>>
      %dma_start3A_66 = arith.constant 0 : i32
      %dma_start3A_67 = tpu.memref_slice %arg9[%run_scoped3A_3, %dma_start3A_66] : memref<2x128xf32, #tpu.memory_space<vmem>> -> memref<1x128xf32, #tpu.memory_space<vmem>>
      %dma_start3A_68 = tpu.memref_squeeze %dma_start3A_67 : memref<1x128xf32, #tpu.memory_space<vmem>> -> memref<128xf32, #tpu.memory_space<vmem>>
      tpu.enqueue_dma source(%arg6 : memref<128xf32, #tpu.memory_space<hbm>>) target(%dma_start3A_68 : memref<128xf32, #tpu.memory_space<vmem>>) target_semaphore(%run_scoped3A_62 : memref<!tpu.dma_semaphore, #tpu.memory_space<semaphore_mem>>)
      %dma_wait3A_69 = arith.constant 0 : i32
      %dma_wait3A_70 = tpu.memref_slice %arg9[%run_scoped3A_3, %dma_wait3A_69] : memref<2x128xf32, #tpu.memory_space<vmem>> -> memref<1x128xf32, #tpu.memory_space<vmem>>
      %dma_wait3A_71 = tpu.memref_squeeze %dma_wait3A_70 : memref<1x128xf32, #tpu.memory_space<vmem>> -> memref<128xf32, #tpu.memory_space<vmem>>
      %dma_wait3A_72 = arith.constant 0 : i32
      %dma_wait3A_73 = tpu.memref_slice %arg9[%run_scoped3A_3, %dma_wait3A_72] : memref<2x128xf32, #tpu.memory_space<vmem>> -> memref<1x128xf32, #tpu.memory_space<vmem>>
      %dma_wait3A_74 = tpu.memref_squeeze %dma_wait3A_73 : memref<1x128xf32, #tpu.memory_space<vmem>> -> memref<128xf32, #tpu.memory_space<vmem>>
      tpu.wait_dma2 semaphore(%run_scoped3A_62 : memref<!tpu.dma_semaphore, #tpu.memory_space<semaphore_mem>>) src(%arg6 : memref<128xf32, #tpu.memory_space<hbm>>) dst(%dma_wait3A_74 : memref<128xf32, #tpu.memory_space<vmem>>)
      tpu.yield
    }) : () -> ()
    %rem3A = arith.constant 0 : i32
    %rem3A_4 = arith.constant 200 : i32
    %rem3A_5 = arith.remsi %rem3A, %rem3A_4 : i32
    %dma_start3A = arith.constant 0 : i32
    %dma_start3A_6 = tpu.memref_slice %arg4[%rem3A_5, %dma_start3A] : memref<240x128xf32, #tpu.memory_space<hbm>> -> memref<80x128xf32, #tpu.memory_space<hbm>>
    %dma_start3A_7 = arith.constant 0 : i32
    %dma_start3A_8 = tpu.memref_slice %arg4[%rem3A_5, %dma_start3A_7] : memref<240x128xf32, #tpu.memory_space<hbm>> -> memref<80x128xf32, #tpu.memory_space<hbm>>
    tpu.enqueue_dma source(%dma_start3A_8 : memref<80x128xf32, #tpu.memory_space<hbm>>) target(%arg10 : memref<80x128xf32, #tpu.memory_space<vmem>>) target_semaphore(%arg15 : memref<!tpu.dma_semaphore, #tpu.memory_space<semaphore_mem>>)
    %dma_wait3A = arith.constant 0 : i32
    %dma_wait3A_9 = arith.constant 0 : i32
    %dma_wait3A_10 = tpu.memref_slice %arg4[%dma_wait3A, %dma_wait3A_9] : memref<240x128xf32, #tpu.memory_space<hbm>> -> memref<80x128xf32, #tpu.memory_space<hbm>>
    %dma_wait3A_11 = arith.constant 0 : i32
    %dma_wait3A_12 = arith.constant 0 : i32
    %dma_wait3A_13 = tpu.memref_slice %arg4[%dma_wait3A_11, %dma_wait3A_12] : memref<240x128xf32, #tpu.memory_space<hbm>> -> memref<80x128xf32, #tpu.memory_space<hbm>>
    tpu.wait_dma2 semaphore(%arg15 : memref<!tpu.dma_semaphore, #tpu.memory_space<semaphore_mem>>) src(%dma_wait3A_13 : memref<80x128xf32, #tpu.memory_space<hbm>>) dst(%arg10 : memref<80x128xf32, #tpu.memory_space<vmem>>)
    %dma_start3A_14 = arith.constant 0 : i32
    %dma_start3A_15 = tpu.memref_slice %arg8[%dma_start3A_14] : memref<6400xi32, #tpu.memory_space<vmem>> -> memref<80xi32, #tpu.memory_space<vmem>>
    %dma_start3A_16 = arith.constant 0 : i32
    %dma_start3A_17 = arith.constant 0 : i32
    %dma_start3A_18 = tpu.memref_slice %arg3[%dma_start3A_16, %dma_start3A_17] : memref<100000x128xf32, #tpu.memory_space<hbm>> -> memref<100000x128xf32, #tpu.memory_space<hbm>>
    tpu.enqueue_indirect_dma source(%dma_start3A_18 : memref<100000x128xf32, #tpu.memory_space<hbm>>) target(%arg10 : memref<80x128xf32, #tpu.memory_space<vmem>>) offsets(%dma_start3A_15 : memref<80xi32, #tpu.memory_space<vmem>>) semaphore(%arg15 : memref<!tpu.dma_semaphore, #tpu.memory_space<semaphore_mem>>) {add = true}
    %rem3A_19 = arith.constant 80 : i32
    %rem3A_20 = arith.constant 200 : i32
    %rem3A_21 = arith.remsi %rem3A_19, %rem3A_20 : i32
    %dma_start3A_22 = arith.constant 0 : i32
    %dma_start3A_23 = tpu.memref_slice %arg4[%rem3A_21, %dma_start3A_22] : memref<240x128xf32, #tpu.memory_space<hbm>> -> memref<80x128xf32, #tpu.memory_space<hbm>>
    %dma_start3A_24 = arith.constant 0 : i32
    %dma_start3A_25 = tpu.memref_slice %arg4[%rem3A_21, %dma_start3A_24] : memref<240x128xf32, #tpu.memory_space<hbm>> -> memref<80x128xf32, #tpu.memory_space<hbm>>
    tpu.enqueue_dma source(%dma_start3A_25 : memref<80x128xf32, #tpu.memory_space<hbm>>) target(%arg11 : memref<80x128xf32, #tpu.memory_space<vmem>>) target_semaphore(%arg16 : memref<!tpu.dma_semaphore, #tpu.memory_space<semaphore_mem>>)
    %scan3A = arith.constant 0 : i32
    %scan3A_26 = arith.constant 7.812500e-03 : f32
    %scan3A_27 = arith.constant 0 : i32
    %scan3A_28 = arith.constant 16 : i32
    %scan3A_29 = arith.addi %scan3A_27, %scan3A_28 : i32
    %scan3A_30 = arith.constant 1 : i32
    scf.for %scan3A_62 = %scan3A_27 to %scan3A_29 step %scan3A_30  : i32 {
      %mul3A_63 = arith.constant 5 : i32
      %mul3A_64 = arith.muli %scan3A_62, %mul3A_63 : i32
      %add3A_65 = arith.constant 0 : i32
      %add3A_66 = arith.addi %mul3A_64, %add3A_65 : i32
      %add3A_67 = arith.constant 1 : i32
      %add3A_68 = arith.addi %add3A_66, %add3A_67 : i32
      %lt3A = arith.constant 80 : i32
      %lt3A_69 = arith.cmpi slt, %add3A_68, %lt3A : i32
      %convert_element_type3A = arith.extui %lt3A_69 : i1 to i32
      %cond3A = arith.constant 0 : i32
      %cond3A_70 = arith.cmpi ne, %convert_element_type3A, %cond3A : i32
      scf.if %cond3A_70 {
        %dma_wait3A_239 = arith.constant 0 : i32
        %dma_wait3A_240 = arith.constant 0 : i32
        %dma_wait3A_241 = tpu.memref_slice %arg4[%dma_wait3A_239, %dma_wait3A_240] : memref<240x128xf32, #tpu.memory_space<hbm>> -> memref<80x128xf32, #tpu.memory_space<hbm>>
        %dma_wait3A_242 = arith.constant 0 : i32
        %dma_wait3A_243 = arith.constant 0 : i32
        %dma_wait3A_244 = tpu.memref_slice %arg4[%dma_wait3A_242, %dma_wait3A_243] : memref<240x128xf32, #tpu.memory_space<hbm>> -> memref<80x128xf32, #tpu.memory_space<hbm>>
        tpu.wait_dma2 semaphore(%arg16 : memref<!tpu.dma_semaphore, #tpu.memory_space<semaphore_mem>>) src(%dma_wait3A_244 : memref<80x128xf32, #tpu.memory_space<hbm>>) dst(%arg11 : memref<80x128xf32, #tpu.memory_space<vmem>>)
        %add3A_245 = arith.constant 1 : i32
        %add3A_246 = arith.addi %add3A_66, %add3A_245 : i32
        %mul3A_247 = arith.constant 80 : i32
        %mul3A_248 = arith.muli %add3A_246, %mul3A_247 : i32
        %dma_start3A_249 = tpu.memref_slice %arg8[%mul3A_248] : memref<6400xi32, #tpu.memory_space<vmem>> -> memref<80xi32, #tpu.memory_space<vmem>>
        %dma_start3A_250 = arith.constant 0 : i32
        %dma_start3A_251 = arith.constant 0 : i32
        %dma_start3A_252 = tpu.memref_slice %arg3[%dma_start3A_250, %dma_start3A_251] : memref<100000x128xf32, #tpu.memory_space<hbm>> -> memref<100000x128xf32, #tpu.memory_space<hbm>>
        tpu.enqueue_indirect_dma source(%dma_start3A_252 : memref<100000x128xf32, #tpu.memory_space<hbm>>) target(%arg11 : memref<80x128xf32, #tpu.memory_space<vmem>>) offsets(%dma_start3A_249 : memref<80xi32, #tpu.memory_space<vmem>>) semaphore(%arg16 : memref<!tpu.dma_semaphore, #tpu.memory_space<semaphore_mem>>) {add = true}
      } else {
      }
      %mul3A_71 = arith.constant 80 : i32
      %mul3A_72 = arith.muli %add3A_66, %mul3A_71 : i32
      %dma_wait3A_73 = tpu.memref_slice %arg8[%mul3A_72] : memref<6400xi32, #tpu.memory_space<vmem>> -> memref<80xi32, #tpu.memory_space<vmem>>
      %dma_wait3A_74 = arith.constant 0 : i32
      %dma_wait3A_75 = arith.constant 0 : i32
      %dma_wait3A_76 = tpu.memref_slice %arg3[%dma_wait3A_74, %dma_wait3A_75] : memref<100000x128xf32, #tpu.memory_space<hbm>> -> memref<100000x128xf32, #tpu.memory_space<hbm>>
      tpu.wait_indirect_dma semaphore(%arg15 : memref<!tpu.dma_semaphore, #tpu.memory_space<semaphore_mem>>) src(%dma_wait3A_76 : memref<100000x128xf32, #tpu.memory_space<hbm>>) dst(%arg10 : memref<80x128xf32, #tpu.memory_space<vmem>>)
      %parallel_loop3A = arith.constant 0 : i32
      %parallel_loop3A_77 = arith.constant 80 : i32
      %parallel_loop3A_78 = arith.constant 1 : i32
      scf.for %parallel_loop3A_239 = %parallel_loop3A to %parallel_loop3A_77 step %parallel_loop3A_78  : i32 {
        %parallel_loop3A_240 = arith.index_cast %parallel_loop3A_239 : i32 to index
        %parallel_loop3A_241 = arith.constant 0 : index
        %parallel_loop3A_242 = tpu.vector_load %arg10[%parallel_loop3A_240, %parallel_loop3A_241] {strides = array<i32>} : memref<80x128xf32, #tpu.memory_space<vmem>>, vector<1x16xf32>,
        %parallel_loop3A_243 = vector.shape_cast %parallel_loop3A_242 : vector<1x16xf32> to vector<16xf32>
        %parallel_loop3A_244 = arith.index_cast %parallel_loop3A_239 : i32 to index
        %parallel_loop3A_245 = arith.constant 16 : index
        %parallel_loop3A_246 = tpu.vector_load %arg10[%parallel_loop3A_244, %parallel_loop3A_245] {strides = array<i32>} : memref<80x128xf32, #tpu.memory_space<vmem>>, vector<1x16xf32>,
        %parallel_loop3A_247 = vector.shape_cast %parallel_loop3A_246 : vector<1x16xf32> to vector<16xf32>
        %parallel_loop3A_248 = arith.index_cast %parallel_loop3A_239 : i32 to index
        %parallel_loop3A_249 = arith.constant 32 : index
        %parallel_loop3A_250 = tpu.vector_load %arg10[%parallel_loop3A_248, %parallel_loop3A_249] {strides = array<i32>} : memref<80x128xf32, #tpu.memory_space<vmem>>, vector<1x16xf32>,
        %parallel_loop3A_251 = vector.shape_cast %parallel_loop3A_250 : vector<1x16xf32> to vector<16xf32>
        %parallel_loop3A_252 = arith.index_cast %parallel_loop3A_239 : i32 to index
        %parallel_loop3A_253 = arith.constant 48 : index
        %parallel_loop3A_254 = tpu.vector_load %arg10[%parallel_loop3A_252, %parallel_loop3A_253] {strides = array<i32>} : memref<80x128xf32, #tpu.memory_space<vmem>>, vector<1x16xf32>,
        %parallel_loop3A_255 = vector.shape_cast %parallel_loop3A_254 : vector<1x16xf32> to vector<16xf32>
        %parallel_loop3A_256 = arith.index_cast %parallel_loop3A_239 : i32 to index
        %parallel_loop3A_257 = arith.constant 64 : index
        %parallel_loop3A_258 = tpu.vector_load %arg10[%parallel_loop3A_256, %parallel_loop3A_257] {strides = array<i32>} : memref<80x128xf32, #tpu.memory_space<vmem>>, vector<1x16xf32>,
        %parallel_loop3A_259 = vector.shape_cast %parallel_loop3A_258 : vector<1x16xf32> to vector<16xf32>
        %parallel_loop3A_260 = arith.index_cast %parallel_loop3A_239 : i32 to index
        %parallel_loop3A_261 = arith.constant 80 : index
        %parallel_loop3A_262 = tpu.vector_load %arg10[%parallel_loop3A_260, %parallel_loop3A_261] {strides = array<i32>} : memref<80x128xf32, #tpu.memory_space<vmem>>, vector<1x16xf32>,
        %parallel_loop3A_263 = vector.shape_cast %parallel_loop3A_262 : vector<1x16xf32> to vector<16xf32>
        %parallel_loop3A_264 = arith.index_cast %parallel_loop3A_239 : i32 to index
        %parallel_loop3A_265 = arith.constant 96 : index
        %parallel_loop3A_266 = tpu.vector_load %arg10[%parallel_loop3A_264, %parallel_loop3A_265] {strides = array<i32>} : memref<80x128xf32, #tpu.memory_space<vmem>>, vector<1x16xf32>,
        %parallel_loop3A_267 = vector.shape_cast %parallel_loop3A_266 : vector<1x16xf32> to vector<16xf32>
        %parallel_loop3A_268 = arith.index_cast %parallel_loop3A_239 : i32 to index
        %parallel_loop3A_269 = arith.constant 112 : index
        %parallel_loop3A_270 = tpu.vector_load %arg10[%parallel_loop3A_268, %parallel_loop3A_269] {strides = array<i32>} : memref<80x128xf32, #tpu.memory_space<vmem>>, vector<1x16xf32>,
        %parallel_loop3A_271 = vector.shape_cast %parallel_loop3A_270 : vector<1x16xf32> to vector<16xf32>
        %parallel_loop3A_272 = arith.addf %parallel_loop3A_243, %parallel_loop3A_247 : vector<16xf32>
        %parallel_loop3A_273 = arith.addf %parallel_loop3A_251, %parallel_loop3A_255 : vector<16xf32>
        %parallel_loop3A_274 = arith.addf %parallel_loop3A_259, %parallel_loop3A_263 : vector<16xf32>
        %parallel_loop3A_275 = arith.addf %parallel_loop3A_267, %parallel_loop3A_271 : vector<16xf32>
        %parallel_loop3A_276 = arith.addf %parallel_loop3A_272, %parallel_loop3A_273 : vector<16xf32>
        %parallel_loop3A_277 = arith.addf %parallel_loop3A_274, %parallel_loop3A_275 : vector<16xf32>
        %parallel_loop3A_278 = arith.addf %parallel_loop3A_276, %parallel_loop3A_277 : vector<16xf32>
        %parallel_loop3A_279 = tpu.iota {dimensions = array<i32: 0>} : vector<16xi32>
        %parallel_loop3A_280 = arith.constant 8 : i32
        %parallel_loop3A_281 = vector.broadcast %parallel_loop3A_280 : i32 to vector<16xi32>
        %parallel_loop3A_282 = arith.xori %parallel_loop3A_279, %parallel_loop3A_281 : vector<16xi32>
        %parallel_loop3A_283 = vector.shape_cast %parallel_loop3A_282 : vector<16xi32> to vector<16x1xi32>
        %parallel_loop3A_284 = vector.shape_cast %parallel_loop3A_283 : vector<16x1xi32> to vector<16xi32>
        %parallel_loop3A_285 = tpu.dynamic_gather %parallel_loop3A_278[%parallel_loop3A_284] in [0] : vector<16xf32>, vector<16xi32> -> vector<16xf32>
        %parallel_loop3A_286 = arith.addf %parallel_loop3A_278, %parallel_loop3A_285 : vector<16xf32>
        %parallel_loop3A_287 = arith.constant 4 : i32
        %parallel_loop3A_288 = vector.broadcast %parallel_loop3A_287 : i32 to vector<16xi32>
        %parallel_loop3A_289 = arith.xori %parallel_loop3A_279, %parallel_loop3A_288 : vector<16xi32>
        %parallel_loop3A_290 = vector.shape_cast %parallel_loop3A_289 : vector<16xi32> to vector<16x1xi32>
        %parallel_loop3A_291 = vector.shape_cast %parallel_loop3A_290 : vector<16x1xi32> to vector<16xi32>
        %parallel_loop3A_292 = tpu.dynamic_gather %parallel_loop3A_286[%parallel_loop3A_291] in [0] : vector<16xf32>, vector<16xi32> -> vector<16xf32>
        %parallel_loop3A_293 = arith.addf %parallel_loop3A_286, %parallel_loop3A_292 : vector<16xf32>
        %parallel_loop3A_294 = arith.constant 2 : i32
        %parallel_loop3A_295 = vector.broadcast %parallel_loop3A_294 : i32 to vector<16xi32>
        %parallel_loop3A_296 = arith.xori %parallel_loop3A_279, %parallel_loop3A_295 : vector<16xi32>
        %parallel_loop3A_297 = vector.shape_cast %parallel_loop3A_296 : vector<16xi32> to vector<16x1xi32>
        %parallel_loop3A_298 = vector.shape_cast %parallel_loop3A_297 : vector<16x1xi32> to vector<16xi32>
        %parallel_loop3A_299 = tpu.dynamic_gather %parallel_loop3A_293[%parallel_loop3A_298] in [0] : vector<16xf32>, vector<16xi32> -> vector<16xf32>
        %parallel_loop3A_300 = arith.addf %parallel_loop3A_293, %parallel_loop3A_299 : vector<16xf32>
        %parallel_loop3A_301 = arith.constant 1 : i32
        %parallel_loop3A_302 = vector.broadcast %parallel_loop3A_301 : i32 to vector<16xi32>
        %parallel_loop3A_303 = arith.xori %parallel_loop3A_279, %parallel_loop3A_302 : vector<16xi32>
        %parallel_loop3A_304 = vector.shape_cast %parallel_loop3A_303 : vector<16xi32> to vector<16x1xi32>
        %parallel_loop3A_305 = vector.shape_cast %parallel_loop3A_304 : vector<16x1xi32> to vector<16xi32>
        %parallel_loop3A_306 = tpu.dynamic_gather %parallel_loop3A_300[%parallel_loop3A_305] in [0] : vector<16xf32>, vector<16xi32> -> vector<16xf32>
        %parallel_loop3A_307 = arith.addf %parallel_loop3A_300, %parallel_loop3A_306 : vector<16xf32>
        %parallel_loop3A_308 = vector.broadcast %scan3A_26 : f32 to vector<16xf32>
        %parallel_loop3A_309 = arith.mulf %parallel_loop3A_307, %parallel_loop3A_308 : vector<16xf32>
        %parallel_loop3A_310 = arith.mulf %parallel_loop3A_243, %parallel_loop3A_243 : vector<16xf32>
        %parallel_loop3A_311 = arith.mulf %parallel_loop3A_247, %parallel_loop3A_247 : vector<16xf32>
        %parallel_loop3A_312 = arith.mulf %parallel_loop3A_251, %parallel_loop3A_251 : vector<16xf32>
        %parallel_loop3A_313 = arith.mulf %parallel_loop3A_255, %parallel_loop3A_255 : vector<16xf32>
        %parallel_loop3A_314 = arith.mulf %parallel_loop3A_259, %parallel_loop3A_259 : vector<16xf32>
        %parallel_loop3A_315 = arith.mulf %parallel_loop3A_263, %parallel_loop3A_263 : vector<16xf32>
        %parallel_loop3A_316 = arith.mulf %parallel_loop3A_267, %parallel_loop3A_267 : vector<16xf32>
        %parallel_loop3A_317 = arith.mulf %parallel_loop3A_271, %parallel_loop3A_271 : vector<16xf32>
        %parallel_loop3A_318 = arith.addf %parallel_loop3A_310, %parallel_loop3A_311 : vector<16xf32>
        %parallel_loop3A_319 = arith.addf %parallel_loop3A_312, %parallel_loop3A_313 : vector<16xf32>
        %parallel_loop3A_320 = arith.addf %parallel_loop3A_314, %parallel_loop3A_315 : vector<16xf32>
        %parallel_loop3A_321 = arith.addf %parallel_loop3A_316, %parallel_loop3A_317 : vector<16xf32>
        %parallel_loop3A_322 = arith.addf %parallel_loop3A_318, %parallel_loop3A_319 : vector<16xf32>
        %parallel_loop3A_323 = arith.addf %parallel_loop3A_320, %parallel_loop3A_321 : vector<16xf32>
        %parallel_loop3A_324 = arith.addf %parallel_loop3A_322, %parallel_loop3A_323 : vector<16xf32>
        %parallel_loop3A_325 = tpu.iota {dimensions = array<i32: 0>} : vector<16xi32>
        %parallel_loop3A_326 = arith.constant 8 : i32
        %parallel_loop3A_327 = vector.broadcast %parallel_loop3A_326 : i32 to vector<16xi32>
        %parallel_loop3A_328 = arith.xori %parallel_loop3A_325, %parallel_loop3A_327 : vector<16xi32>
        %parallel_loop3A_329 = vector.shape_cast %parallel_loop3A_328 : vector<16xi32> to vector<16x1xi32>
        %parallel_loop3A_330 = vector.shape_cast %parallel_loop3A_329 : vector<16x1xi32> to vector<16xi32>
        %parallel_loop3A_331 = tpu.dynamic_gather %parallel_loop3A_324[%parallel_loop3A_330] in [0] : vector<16xf32>, vector<16xi32> -> vector<16xf32>
        %parallel_loop3A_332 = arith.addf %parallel_loop3A_324, %parallel_loop3A_331 : vector<16xf32>
        %parallel_loop3A_333 = arith.constant 4 : i32
        %parallel_loop3A_334 = vector.broadcast %parallel_loop3A_333 : i32 to vector<16xi32>
        %parallel_loop3A_335 = arith.xori %parallel_loop3A_325, %parallel_loop3A_334 : vector<16xi32>
        %parallel_loop3A_336 = vector.shape_cast %parallel_loop3A_335 : vector<16xi32> to vector<16x1xi32>
        %parallel_loop3A_337 = vector.shape_cast %parallel_loop3A_336 : vector<16x1xi32> to vector<16xi32>
        %parallel_loop3A_338 = tpu.dynamic_gather %parallel_loop3A_332[%parallel_loop3A_337] in [0] : vector<16xf32>, vector<16xi32> -> vector<16xf32>
        %parallel_loop3A_339 = arith.addf %parallel_loop3A_332, %parallel_loop3A_338 : vector<16xf32>
        %parallel_loop3A_340 = arith.constant 2 : i32
        %parallel_loop3A_341 = vector.broadcast %parallel_loop3A_340 : i32 to vector<16xi32>
        %parallel_loop3A_342 = arith.xori %parallel_loop3A_325, %parallel_loop3A_341 : vector<16xi32>
        %parallel_loop3A_343 = vector.shape_cast %parallel_loop3A_342 : vector<16xi32> to vector<16x1xi32>
        %parallel_loop3A_344 = vector.shape_cast %parallel_loop3A_343 : vector<16x1xi32> to vector<16xi32>
        %parallel_loop3A_345 = tpu.dynamic_gather %parallel_loop3A_339[%parallel_loop3A_344] in [0] : vector<16xf32>, vector<16xi32> -> vector<16xf32>
        %parallel_loop3A_346 = arith.addf %parallel_loop3A_339, %parallel_loop3A_345 : vector<16xf32>
        %parallel_loop3A_347 = arith.constant 1 : i32
        %parallel_loop3A_348 = vector.broadcast %parallel_loop3A_347 : i32 to vector<16xi32>
        %parallel_loop3A_349 = arith.xori %parallel_loop3A_325, %parallel_loop3A_348 : vector<16xi32>
        %parallel_loop3A_350 = vector.shape_cast %parallel_loop3A_349 : vector<16xi32> to vector<16x1xi32>
        %parallel_loop3A_351 = vector.shape_cast %parallel_loop3A_350 : vector<16x1xi32> to vector<16xi32>
        %parallel_loop3A_352 = tpu.dynamic_gather %parallel_loop3A_346[%parallel_loop3A_351] in [0] : vector<16xf32>, vector<16xi32> -> vector<16xf32>
        %parallel_loop3A_353 = arith.addf %parallel_loop3A_346, %parallel_loop3A_352 : vector<16xf32>
        %parallel_loop3A_354 = vector.broadcast %scan3A_26 : f32 to vector<16xf32>
        %parallel_loop3A_355 = arith.mulf %parallel_loop3A_353, %parallel_loop3A_354 : vector<16xf32>
        %parallel_loop3A_356 = arith.mulf %parallel_loop3A_309, %parallel_loop3A_309 : vector<16xf32>
        %parallel_loop3A_357 = arith.subf %parallel_loop3A_355, %parallel_loop3A_356 : vector<16xf32>
        %parallel_loop3A_358 = arith.constant 9.99999996E-13 : f32
        %parallel_loop3A_359 = vector.broadcast %parallel_loop3A_358 : f32 to vector<16xf32>
        %parallel_loop3A_360 = arith.addf %parallel_loop3A_357, %parallel_loop3A_359 : vector<16xf32>
        %parallel_loop3A_361 = tpu.bitcast %parallel_loop3A_360 : vector<16xf32> -> vector<16xi32>
        %parallel_loop3A_362 = arith.constant 1 : i32
        %parallel_loop3A_363 = vector.broadcast %parallel_loop3A_362 : i32 to vector<16xi32>
        %parallel_loop3A_364 = arith.shrsi %parallel_loop3A_361, %parallel_loop3A_363 : vector<16xi32>
        %parallel_loop3A_365 = arith.constant 1597463007 : i32
        %parallel_loop3A_366 = vector.broadcast %parallel_loop3A_365 : i32 to vector<16xi32>
        %parallel_loop3A_367 = arith.subi %parallel_loop3A_366, %parallel_loop3A_364 : vector<16xi32>
        %parallel_loop3A_368 = tpu.bitcast %parallel_loop3A_367 : vector<16xi32> -> vector<16xf32>
        %parallel_loop3A_369 = arith.constant 5.000000e-01 : f32
        %parallel_loop3A_370 = vector.broadcast %parallel_loop3A_369 : f32 to vector<16xf32>
        %parallel_loop3A_371 = arith.mulf %parallel_loop3A_370, %parallel_loop3A_360 : vector<16xf32>
        %parallel_loop3A_372 = arith.mulf %parallel_loop3A_371, %parallel_loop3A_368 : vector<16xf32>
        %parallel_loop3A_373 = arith.mulf %parallel_loop3A_372, %parallel_loop3A_368 : vector<16xf32>
        %parallel_loop3A_374 = arith.constant 1.500000e+00 : f32
        %parallel_loop3A_375 = vector.broadcast %parallel_loop3A_374 : f32 to vector<16xf32>
        %parallel_loop3A_376 = arith.subf %parallel_loop3A_375, %parallel_loop3A_373 : vector<16xf32>
        %parallel_loop3A_377 = arith.mulf %parallel_loop3A_368, %parallel_loop3A_376 : vector<16xf32>
        %parallel_loop3A_378 = arith.constant 5.000000e-01 : f32
        %parallel_loop3A_379 = vector.broadcast %parallel_loop3A_378 : f32 to vector<16xf32>
        %parallel_loop3A_380 = arith.mulf %parallel_loop3A_379, %parallel_loop3A_360 : vector<16xf32>
        %parallel_loop3A_381 = arith.mulf %parallel_loop3A_380, %parallel_loop3A_377 : vector<16xf32>
        %parallel_loop3A_382 = arith.mulf %parallel_loop3A_381, %parallel_loop3A_377 : vector<16xf32>
        %parallel_loop3A_383 = arith.constant 1.500000e+00 : f32
        %parallel_loop3A_384 = vector.broadcast %parallel_loop3A_383 : f32 to vector<16xf32>
        %parallel_loop3A_385 = arith.subf %parallel_loop3A_384, %parallel_loop3A_382 : vector<16xf32>
        %parallel_loop3A_386 = arith.mulf %parallel_loop3A_377, %parallel_loop3A_385 : vector<16xf32>
        %parallel_loop3A_387 = arith.subf %parallel_loop3A_243, %parallel_loop3A_309 : vector<16xf32>
        %parallel_loop3A_388 = arith.mulf %parallel_loop3A_387, %parallel_loop3A_386 : vector<16xf32>
        %parallel_loop3A_389 = arith.constant 0 : i32
        %parallel_loop3A_390 = arith.index_cast %parallel_loop3A_389 : i32 to index
        %parallel_loop3A_391 = arith.constant 0 : index
        %parallel_loop3A_392 = tpu.vector_load %arg9[%parallel_loop3A_390, %parallel_loop3A_391] {strides = array<i32>} : memref<2x128xf32, #tpu.memory_space<vmem>>, vector<1x16xf32>,
        %parallel_loop3A_393 = vector.shape_cast %parallel_loop3A_392 : vector<1x16xf32> to vector<16xf32>
        %parallel_loop3A_394 = arith.mulf %parallel_loop3A_388, %parallel_loop3A_393 : vector<16xf32>
        %parallel_loop3A_395 = arith.constant 1 : i32
        %parallel_loop3A_396 = arith.index_cast %parallel_loop3A_395 : i32 to index
        %parallel_loop3A_397 = arith.constant 0 : index
        %parallel_loop3A_398 = tpu.vector_load %arg9[%parallel_loop3A_396, %parallel_loop3A_397] {strides = array<i32>} : memref<2x128xf32, #tpu.memory_space<vmem>>, vector<1x16xf32>,
        %parallel_loop3A_399 = vector.shape_cast %parallel_loop3A_398 : vector<1x16xf32> to vector<16xf32>
        %parallel_loop3A_400 = arith.addf %parallel_loop3A_394, %parallel_loop3A_399 : vector<16xf32>
        %parallel_loop3A_401 = arith.index_cast %parallel_loop3A_239 : i32 to index
        %parallel_loop3A_402 = arith.constant 0 : index
        %parallel_loop3A_403 = tpu.vector_load %arg10[%parallel_loop3A_401, %parallel_loop3A_402] {strides = array<i32>} : memref<80x128xf32, #tpu.memory_space<vmem>>, vector<1x16xf32>,
        %parallel_loop3A_404 = vector.shape_cast %parallel_loop3A_403 : vector<1x16xf32> to vector<16xf32>
        %parallel_loop3A_405 = vector.shape_cast %parallel_loop3A_400 : vector<16xf32> to vector<1x16xf32>
        tpu.vector_store %arg10[%parallel_loop3A_401, %parallel_loop3A_402], %parallel_loop3A_405 {strides = array<i32>} : memref<80x128xf32, #tpu.memory_space<vmem>>, vector<1x16xf32>,
        %parallel_loop3A_406 = arith.subf %parallel_loop3A_247, %parallel_loop3A_309 : vector<16xf32>
        %parallel_loop3A_407 = arith.mulf %parallel_loop3A_406, %parallel_loop3A_386 : vector<16xf32>
        %parallel_loop3A_408 = arith.constant 0 : i32
        %parallel_loop3A_409 = arith.index_cast %parallel_loop3A_408 : i32 to index
        %parallel_loop3A_410 = arith.constant 16 : index
        %parallel_loop3A_411 = tpu.vector_load %arg9[%parallel_loop3A_409, %parallel_loop3A_410] {strides = array<i32>} : memref<2x128xf32, #tpu.memory_space<vmem>>, vector<1x16xf32>,
        %parallel_loop3A_412 = vector.shape_cast %parallel_loop3A_411 : vector<1x16xf32> to vector<16xf32>
        %parallel_loop3A_413 = arith.mulf %parallel_loop3A_407, %parallel_loop3A_412 : vector<16xf32>
        %parallel_loop3A_414 = arith.constant 1 : i32
        %parallel_loop3A_415 = arith.index_cast %parallel_loop3A_414 : i32 to index
        %parallel_loop3A_416 = arith.constant 16 : index
        %parallel_loop3A_417 = tpu.vector_load %arg9[%parallel_loop3A_415, %parallel_loop3A_416] {strides = array<i32>} : memref<2x128xf32, #tpu.memory_space<vmem>>, vector<1x16xf32>,
        %parallel_loop3A_418 = vector.shape_cast %parallel_loop3A_417 : vector<1x16xf32> to vector<16xf32>
        %parallel_loop3A_419 = arith.addf %parallel_loop3A_413, %parallel_loop3A_418 : vector<16xf32>
        %parallel_loop3A_420 = arith.index_cast %parallel_loop3A_239 : i32 to index
        %parallel_loop3A_421 = arith.constant 16 : index
        %parallel_loop3A_422 = tpu.vector_load %arg10[%parallel_loop3A_420, %parallel_loop3A_421] {strides = array<i32>} : memref<80x128xf32, #tpu.memory_space<vmem>>, vector<1x16xf32>,
        %parallel_loop3A_423 = vector.shape_cast %parallel_loop3A_422 : vector<1x16xf32> to vector<16xf32>
        %parallel_loop3A_424 = vector.shape_cast %parallel_loop3A_419 : vector<16xf32> to vector<1x16xf32>
        tpu.vector_store %arg10[%parallel_loop3A_420, %parallel_loop3A_421], %parallel_loop3A_424 {strides = array<i32>} : memref<80x128xf32, #tpu.memory_space<vmem>>, vector<1x16xf32>,
        %parallel_loop3A_425 = arith.subf %parallel_loop3A_251, %parallel_loop3A_309 : vector<16xf32>
        %parallel_loop3A_426 = arith.mulf %parallel_loop3A_425, %parallel_loop3A_386 : vector<16xf32>
        %parallel_loop3A_427 = arith.constant 0 : i32
        %parallel_loop3A_428 = arith.index_cast %parallel_loop3A_427 : i32 to index
        %parallel_loop3A_429 = arith.constant 32 : index
        %parallel_loop3A_430 = tpu.vector_load %arg9[%parallel_loop3A_428, %parallel_loop3A_429] {strides = array<i32>} : memref<2x128xf32, #tpu.memory_space<vmem>>, vector<1x16xf32>,
        %parallel_loop3A_431 = vector.shape_cast %parallel_loop3A_430 : vector<1x16xf32> to vector<16xf32>
        %parallel_loop3A_432 = arith.mulf %parallel_loop3A_426, %parallel_loop3A_431 : vector<16xf32>
        %parallel_loop3A_433 = arith.constant 1 : i32
        %parallel_loop3A_434 = arith.index_cast %parallel_loop3A_433 : i32 to index
        %parallel_loop3A_435 = arith.constant 32 : index
        %parallel_loop3A_436 = tpu.vector_load %arg9[%parallel_loop3A_434, %parallel_loop3A_435] {strides = array<i32>} : memref<2x128xf32, #tpu.memory_space<vmem>>, vector<1x16xf32>,
        %parallel_loop3A_437 = vector.shape_cast %parallel_loop3A_436 : vector<1x16xf32> to vector<16xf32>
        %parallel_loop3A_438 = arith.addf %parallel_loop3A_432, %parallel_loop3A_437 : vector<16xf32>
        %parallel_loop3A_439 = arith.index_cast %parallel_loop3A_239 : i32 to index
        %parallel_loop3A_440 = arith.constant 32 : index
        %parallel_loop3A_441 = tpu.vector_load %arg10[%parallel_loop3A_439, %parallel_loop3A_440] {strides = array<i32>} : memref<80x128xf32, #tpu.memory_space<vmem>>, vector<1x16xf32>,
        %parallel_loop3A_442 = vector.shape_cast %parallel_loop3A_441 : vector<1x16xf32> to vector<16xf32>
        %parallel_loop3A_443 = vector.shape_cast %parallel_loop3A_438 : vector<16xf32> to vector<1x16xf32>
        tpu.vector_store %arg10[%parallel_loop3A_439, %parallel_loop3A_440], %parallel_loop3A_443 {strides = array<i32>} : memref<80x128xf32, #tpu.memory_space<vmem>>, vector<1x16xf32>,
        %parallel_loop3A_444 = arith.subf %parallel_loop3A_255, %parallel_loop3A_309 : vector<16xf32>
        %parallel_loop3A_445 = arith.mulf %parallel_loop3A_444, %parallel_loop3A_386 : vector<16xf32>
        %parallel_loop3A_446 = arith.constant 0 : i32
        %parallel_loop3A_447 = arith.index_cast %parallel_loop3A_446 : i32 to index
        %parallel_loop3A_448 = arith.constant 48 : index
        %parallel_loop3A_449 = tpu.vector_load %arg9[%parallel_loop3A_447, %parallel_loop3A_448] {strides = array<i32>} : memref<2x128xf32, #tpu.memory_space<vmem>>, vector<1x16xf32>,
        %parallel_loop3A_450 = vector.shape_cast %parallel_loop3A_449 : vector<1x16xf32> to vector<16xf32>
        %parallel_loop3A_451 = arith.mulf %parallel_loop3A_445, %parallel_loop3A_450 : vector<16xf32>
        %parallel_loop3A_452 = arith.constant 1 : i32
        %parallel_loop3A_453 = arith.index_cast %parallel_loop3A_452 : i32 to index
        %parallel_loop3A_454 = arith.constant 48 : index
        %parallel_loop3A_455 = tpu.vector_load %arg9[%parallel_loop3A_453, %parallel_loop3A_454] {strides = array<i32>} : memref<2x128xf32, #tpu.memory_space<vmem>>, vector<1x16xf32>,
        %parallel_loop3A_456 = vector.shape_cast %parallel_loop3A_455 : vector<1x16xf32> to vector<16xf32>
        %parallel_loop3A_457 = arith.addf %parallel_loop3A_451, %parallel_loop3A_456 : vector<16xf32>
        %parallel_loop3A_458 = arith.index_cast %parallel_loop3A_239 : i32 to index
        %parallel_loop3A_459 = arith.constant 48 : index
        %parallel_loop3A_460 = tpu.vector_load %arg10[%parallel_loop3A_458, %parallel_loop3A_459] {strides = array<i32>} : memref<80x128xf32, #tpu.memory_space<vmem>>, vector<1x16xf32>,
        %parallel_loop3A_461 = vector.shape_cast %parallel_loop3A_460 : vector<1x16xf32> to vector<16xf32>
        %parallel_loop3A_462 = vector.shape_cast %parallel_loop3A_457 : vector<16xf32> to vector<1x16xf32>
        tpu.vector_store %arg10[%parallel_loop3A_458, %parallel_loop3A_459], %parallel_loop3A_462 {strides = array<i32>} : memref<80x128xf32, #tpu.memory_space<vmem>>, vector<1x16xf32>,
        %parallel_loop3A_463 = arith.subf %parallel_loop3A_259, %parallel_loop3A_309 : vector<16xf32>
        %parallel_loop3A_464 = arith.mulf %parallel_loop3A_463, %parallel_loop3A_386 : vector<16xf32>
        %parallel_loop3A_465 = arith.constant 0 : i32
        %parallel_loop3A_466 = arith.index_cast %parallel_loop3A_465 : i32 to index
        %parallel_loop3A_467 = arith.constant 64 : index
        %parallel_loop3A_468 = tpu.vector_load %arg9[%parallel_loop3A_466, %parallel_loop3A_467] {strides = array<i32>} : memref<2x128xf32, #tpu.memory_space<vmem>>, vector<1x16xf32>,
        %parallel_loop3A_469 = vector.shape_cast %parallel_loop3A_468 : vector<1x16xf32> to vector<16xf32>
        %parallel_loop3A_470 = arith.mulf %parallel_loop3A_464, %parallel_loop3A_469 : vector<16xf32>
        %parallel_loop3A_471 = arith.constant 1 : i32
        %parallel_loop3A_472 = arith.index_cast %parallel_loop3A_471 : i32 to index
        %parallel_loop3A_473 = arith.constant 64 : index
        %parallel_loop3A_474 = tpu.vector_load %arg9[%parallel_loop3A_472, %parallel_loop3A_473] {strides = array<i32>} : memref<2x128xf32, #tpu.memory_space<vmem>>, vector<1x16xf32>,
        %parallel_loop3A_475 = vector.shape_cast %parallel_loop3A_474 : vector<1x16xf32> to vector<16xf32>
        %parallel_loop3A_476 = arith.addf %parallel_loop3A_470, %parallel_loop3A_475 : vector<16xf32>
        %parallel_loop3A_477 = arith.index_cast %parallel_loop3A_239 : i32 to index
        %parallel_loop3A_478 = arith.constant 64 : index
        %parallel_loop3A_479 = tpu.vector_load %arg10[%parallel_loop3A_477, %parallel_loop3A_478] {strides = array<i32>} : memref<80x128xf32, #tpu.memory_space<vmem>>, vector<1x16xf32>,
        %parallel_loop3A_480 = vector.shape_cast %parallel_loop3A_479 : vector<1x16xf32> to vector<16xf32>
        %parallel_loop3A_481 = vector.shape_cast %parallel_loop3A_476 : vector<16xf32> to vector<1x16xf32>
        tpu.vector_store %arg10[%parallel_loop3A_477, %parallel_loop3A_478], %parallel_loop3A_481 {strides = array<i32>} : memref<80x128xf32, #tpu.memory_space<vmem>>, vector<1x16xf32>,
        %parallel_loop3A_482 = arith.subf %parallel_loop3A_263, %parallel_loop3A_309 : vector<16xf32>
        %parallel_loop3A_483 = arith.mulf %parallel_loop3A_482, %parallel_loop3A_386 : vector<16xf32>
        %parallel_loop3A_484 = arith.constant 0 : i32
        %parallel_loop3A_485 = arith.index_cast %parallel_loop3A_484 : i32 to index
        %parallel_loop3A_486 = arith.constant 80 : index
        %parallel_loop3A_487 = tpu.vector_load %arg9[%parallel_loop3A_485, %parallel_loop3A_486] {strides = array<i32>} : memref<2x128xf32, #tpu.memory_space<vmem>>, vector<1x16xf32>,
        %parallel_loop3A_488 = vector.shape_cast %parallel_loop3A_487 : vector<1x16xf32> to vector<16xf32>
        %parallel_loop3A_489 = arith.mulf %parallel_loop3A_483, %parallel_loop3A_488 : vector<16xf32>
        %parallel_loop3A_490 = arith.constant 1 : i32
        %parallel_loop3A_491 = arith.index_cast %parallel_loop3A_490 : i32 to index
        %parallel_loop3A_492 = arith.constant 80 : index
        %parallel_loop3A_493 = tpu.vector_load %arg9[%parallel_loop3A_491, %parallel_loop3A_492] {strides = array<i32>} : memref<2x128xf32, #tpu.memory_space<vmem>>, vector<1x16xf32>,
        %parallel_loop3A_494 = vector.shape_cast %parallel_loop3A_493 : vector<1x16xf32> to vector<16xf32>
        %parallel_loop3A_495 = arith.addf %parallel_loop3A_489, %parallel_loop3A_494 : vector<16xf32>
        %parallel_loop3A_496 = arith.index_cast %parallel_loop3A_239 : i32 to index
        %parallel_loop3A_497 = arith.constant 80 : index
        %parallel_loop3A_498 = tpu.vector_load %arg10[%parallel_loop3A_496, %parallel_loop3A_497] {strides = array<i32>} : memref<80x128xf32, #tpu.memory_space<vmem>>, vector<1x16xf32>,
        %parallel_loop3A_499 = vector.shape_cast %parallel_loop3A_498 : vector<1x16xf32> to vector<16xf32>
        %parallel_loop3A_500 = vector.shape_cast %parallel_loop3A_495 : vector<16xf32> to vector<1x16xf32>
        tpu.vector_store %arg10[%parallel_loop3A_496, %parallel_loop3A_497], %parallel_loop3A_500 {strides = array<i32>} : memref<80x128xf32, #tpu.memory_space<vmem>>, vector<1x16xf32>,
        %parallel_loop3A_501 = arith.subf %parallel_loop3A_267, %parallel_loop3A_309 : vector<16xf32>
        %parallel_loop3A_502 = arith.mulf %parallel_loop3A_501, %parallel_loop3A_386 : vector<16xf32>
        %parallel_loop3A_503 = arith.constant 0 : i32
        %parallel_loop3A_504 = arith.index_cast %parallel_loop3A_503 : i32 to index
        %parallel_loop3A_505 = arith.constant 96 : index
        %parallel_loop3A_506 = tpu.vector_load %arg9[%parallel_loop3A_504, %parallel_loop3A_505] {strides = array<i32>} : memref<2x128xf32, #tpu.memory_space<vmem>>, vector<1x16xf32>,
        %parallel_loop3A_507 = vector.shape_cast %parallel_loop3A_506 : vector<1x16xf32> to vector<16xf32>
        %parallel_loop3A_508 = arith.mulf %parallel_loop3A_502, %parallel_loop3A_507 : vector<16xf32>
        %parallel_loop3A_509 = arith.constant 1 : i32
        %parallel_loop3A_510 = arith.index_cast %parallel_loop3A_509 : i32 to index
        %parallel_loop3A_511 = arith.constant 96 : index
        %parallel_loop3A_512 = tpu.vector_load %arg9[%parallel_loop3A_510, %parallel_loop3A_511] {strides = array<i32>} : memref<2x128xf32, #tpu.memory_space<vmem>>, vector<1x16xf32>,
        %parallel_loop3A_513 = vector.shape_cast %parallel_loop3A_512 : vector<1x16xf32> to vector<16xf32>
        %parallel_loop3A_514 = arith.addf %parallel_loop3A_508, %parallel_loop3A_513 : vector<16xf32>
        %parallel_loop3A_515 = arith.index_cast %parallel_loop3A_239 : i32 to index
        %parallel_loop3A_516 = arith.constant 96 : index
        %parallel_loop3A_517 = tpu.vector_load %arg10[%parallel_loop3A_515, %parallel_loop3A_516] {strides = array<i32>} : memref<80x128xf32, #tpu.memory_space<vmem>>, vector<1x16xf32>,
        %parallel_loop3A_518 = vector.shape_cast %parallel_loop3A_517 : vector<1x16xf32> to vector<16xf32>
        %parallel_loop3A_519 = vector.shape_cast %parallel_loop3A_514 : vector<16xf32> to vector<1x16xf32>
        tpu.vector_store %arg10[%parallel_loop3A_515, %parallel_loop3A_516], %parallel_loop3A_519 {strides = array<i32>} : memref<80x128xf32, #tpu.memory_space<vmem>>, vector<1x16xf32>,
        %parallel_loop3A_520 = arith.subf %parallel_loop3A_271, %parallel_loop3A_309 : vector<16xf32>
        %parallel_loop3A_521 = arith.mulf %parallel_loop3A_520, %parallel_loop3A_386 : vector<16xf32>
        %parallel_loop3A_522 = arith.constant 0 : i32
        %parallel_loop3A_523 = arith.index_cast %parallel_loop3A_522 : i32 to index
        %parallel_loop3A_524 = arith.constant 112 : index
        %parallel_loop3A_525 = tpu.vector_load %arg9[%parallel_loop3A_523, %parallel_loop3A_524] {strides = array<i32>} : memref<2x128xf32, #tpu.memory_space<vmem>>, vector<1x16xf32>,
        %parallel_loop3A_526 = vector.shape_cast %parallel_loop3A_525 : vector<1x16xf32> to vector<16xf32>
        %parallel_loop3A_527 = arith.mulf %parallel_loop3A_521, %parallel_loop3A_526 : vector<16xf32>
        %parallel_loop3A_528 = arith.constant 1 : i32
        %parallel_loop3A_529 = arith.index_cast %parallel_loop3A_528 : i32 to index
        %parallel_loop3A_530 = arith.constant 112 : index
        %parallel_loop3A_531 = tpu.vector_load %arg9[%parallel_loop3A_529, %parallel_loop3A_530] {strides = array<i32>} : memref<2x128xf32, #tpu.memory_space<vmem>>, vector<1x16xf32>,
        %parallel_loop3A_532 = vector.shape_cast %parallel_loop3A_531 : vector<1x16xf32> to vector<16xf32>
        %parallel_loop3A_533 = arith.addf %parallel_loop3A_527, %parallel_loop3A_532 : vector<16xf32>
        %parallel_loop3A_534 = arith.index_cast %parallel_loop3A_239 : i32 to index
        %parallel_loop3A_535 = arith.constant 112 : index
        %parallel_loop3A_536 = tpu.vector_load %arg10[%parallel_loop3A_534, %parallel_loop3A_535] {strides = array<i32>} : memref<80x128xf32, #tpu.memory_space<vmem>>, vector<1x16xf32>,
        %parallel_loop3A_537 = vector.shape_cast %parallel_loop3A_536 : vector<1x16xf32> to vector<16xf32>
        %parallel_loop3A_538 = vector.shape_cast %parallel_loop3A_533 : vector<16xf32> to vector<1x16xf32>
        tpu.vector_store %arg10[%parallel_loop3A_534, %parallel_loop3A_535], %parallel_loop3A_538 {strides = array<i32>} : memref<80x128xf32, #tpu.memory_space<vmem>>, vector<1x16xf32>,
      } {sc.loop_unroll_factor = 1 : i64, sc.parallel_access}
      %mul3A_79 = arith.constant 6400 : i32
      %mul3A_80 = arith.muli %add3A, %mul3A_79 : i32
      %mul3A_81 = arith.constant 80 : i32
      %mul3A_82 = arith.muli %add3A_66, %mul3A_81 : i32
      %add3A_83 = arith.addi %mul3A_80, %mul3A_82 : i32
      %dma_start3A_84 = arith.constant 0 : i32
      %dma_start3A_85 = tpu.memref_slice %arg7[%add3A_83, %dma_start3A_84] : memref<204800x128xf32, #tpu.memory_space<hbm>> -> memref<80x128xf32, #tpu.memory_space<hbm>>
      %dma_start3A_86 = arith.constant 0 : i32
      %dma_start3A_87 = tpu.memref_slice %arg7[%add3A_83, %dma_start3A_86] : memref<204800x128xf32, #tpu.memory_space<hbm>> -> memref<80x128xf32, #tpu.memory_space<hbm>>
      tpu.enqueue_dma source(%arg10 : memref<80x128xf32, #tpu.memory_space<vmem>>) target(%dma_start3A_87 : memref<80x128xf32, #tpu.memory_space<hbm>>) target_semaphore(%arg15 : memref<!tpu.dma_semaphore, #tpu.memory_space<semaphore_mem>>)
      %add3A_88 = arith.constant 2 : i32
      %add3A_89 = arith.addi %add3A_66, %add3A_88 : i32
      %lt3A_90 = arith.constant 80 : i32
      %lt3A_91 = arith.cmpi slt, %add3A_89, %lt3A_90 : i32
      %convert_element_type3A_92 = arith.extui %lt3A_91 : i1 to i32
      %cond3A_93 = arith.constant 0 : i32
      %cond3A_94 = arith.cmpi ne, %convert_element_type3A_92, %cond3A_93 : i32
      scf.if %cond3A_94 {
        %ge3A = arith.constant 3 : i32
        %ge3A_239 = arith.cmpi sge, %add3A_66, %ge3A : i32
        %convert_element_type3A_240 = arith.extui %ge3A_239 : i1 to i32
        %cond3A_241 = arith.constant 0 : i32
        %cond3A_242 = arith.cmpi ne, %convert_element_type3A_240, %cond3A_241 : i32
        scf.if %cond3A_242 {
          %dma_wait3A_253 = arith.constant 0 : i32
          %dma_wait3A_254 = arith.constant 0 : i32
          %dma_wait3A_255 = tpu.memref_slice %arg7[%dma_wait3A_253, %dma_wait3A_254] : memref<204800x128xf32, #tpu.memory_space<hbm>> -> memref<80x128xf32, #tpu.memory_space<hbm>>
          %dma_wait3A_256 = arith.constant 0 : i32
          %dma_wait3A_257 = arith.constant 0 : i32
          %dma_wait3A_258 = tpu.memref_slice %arg7[%dma_wait3A_256, %dma_wait3A_257] : memref<204800x128xf32, #tpu.memory_space<hbm>> -> memref<80x128xf32, #tpu.memory_space<hbm>>
          tpu.wait_dma2 semaphore(%arg17 : memref<!tpu.dma_semaphore, #tpu.memory_space<semaphore_mem>>) src(%arg12 : memref<80x128xf32, #tpu.memory_space<vmem>>) dst(%dma_wait3A_258 : memref<80x128xf32, #tpu.memory_space<hbm>>)
        } else {
        }
        %add3A_243 = arith.constant 2 : i32
        %add3A_244 = arith.addi %add3A_66, %add3A_243 : i32
        %mul3A_245 = arith.constant 80 : i32
        %mul3A_246 = arith.muli %add3A_244, %mul3A_245 : i32
        %rem3A_247 = arith.constant 200 : i32
        %rem3A_248 = arith.remsi %mul3A_246, %rem3A_247 : i32
        %dma_start3A_249 = arith.constant 0 : i32
        %dma_start3A_250 = tpu.memref_slice %arg4[%rem3A_248, %dma_start3A_249] : memref<240x128xf32, #tpu.memory_space<hbm>> -> memref<80x128xf32, #tpu.memory_space<hbm>>
        %dma_start3A_251 = arith.constant 0 : i32
        %dma_start3A_252 = tpu.memref_slice %arg4[%rem3A_248, %dma_start3A_251] : memref<240x128xf32, #tpu.memory_space<hbm>> -> memref<80x128xf32, #tpu.memory_space<hbm>>
        tpu.enqueue_dma source(%dma_start3A_252 : memref<80x128xf32, #tpu.memory_space<hbm>>) target(%arg12 : memref<80x128xf32, #tpu.memory_space<vmem>>) target_semaphore(%arg17 : memref<!tpu.dma_semaphore, #tpu.memory_space<semaphore_mem>>)
      } else {
      }
      %mul3A_95 = arith.constant 5 : i32
      %mul3A_96 = arith.muli %scan3A_62, %mul3A_95 : i32
      %add3A_97 = arith.constant 1 : i32
      %add3A_98 = arith.addi %mul3A_96, %add3A_97 : i32
      %add3A_99 = arith.constant 1 : i32
      %add3A_100 = arith.addi %add3A_98, %add3A_99 : i32
      %lt3A_101 = arith.constant 80 : i32
      %lt3A_102 = arith.cmpi slt, %add3A_100, %lt3A_101 : i32
      %convert_element_type3A_103 = arith.extui %lt3A_102 : i1 to i32
      %cond3A_104 = arith.constant 0 : i32
      %cond3A_105 = arith.cmpi ne, %convert_element_type3A_103, %cond3A_104 : i32
      scf.if %cond3A_105 {
        %dma_wait3A_239 = arith.constant 0 : i32
        %dma_wait3A_240 = arith.constant 0 : i32
        %dma_wait3A_241 = tpu.memref_slice %arg4[%dma_wait3A_239, %dma_wait3A_240] : memref<240x128xf32, #tpu.memory_space<hbm>> -> memref<80x128xf32, #tpu.memory_space<hbm>>
        %dma_wait3A_242 = arith.constant 0 : i32
        %dma_wait3A_243 = arith.constant 0 : i32
        %dma_wait3A_244 = tpu.memref_slice %arg4[%dma_wait3A_242, %dma_wait3A_243] : memref<240x128xf32, #tpu.memory_space<hbm>> -> memref<80x128xf32, #tpu.memory_space<hbm>>
        tpu.wait_dma2 semaphore(%arg17 : memref<!tpu.dma_semaphore, #tpu.memory_space<semaphore_mem>>) src(%dma_wait3A_244 : memref<80x128xf32, #tpu.memory_space<hbm>>) dst(%arg12 : memref<80x128xf32, #tpu.memory_space<vmem>>)
        %add3A_245 = arith.constant 1 : i32
        %add3A_246 = arith.addi %add3A_98, %add3A_245 : i32
        %mul3A_247 = arith.constant 80 : i32
        %mul3A_248 = arith.muli %add3A_246, %mul3A_247 : i32
        %dma_start3A_249 = tpu.memref_slice %arg8[%mul3A_248] : memref<6400xi32, #tpu.memory_space<vmem>> -> memref<80xi32, #tpu.memory_space<vmem>>
        %dma_start3A_250 = arith.constant 0 : i32
        %dma_start3A_251 = arith.constant 0 : i32
        %dma_start3A_252 = tpu.memref_slice %arg3[%dma_start3A_250, %dma_start3A_251] : memref<100000x128xf32, #tpu.memory_space<hbm>> -> memref<100000x128xf32, #tpu.memory_space<hbm>>
        tpu.enqueue_indirect_dma source(%dma_start3A_252 : memref<100000x128xf32, #tpu.memory_space<hbm>>) target(%arg12 : memref<80x128xf32, #tpu.memory_space<vmem>>) offsets(%dma_start3A_249 : memref<80xi32, #tpu.memory_space<vmem>>) semaphore(%arg17 : memref<!tpu.dma_semaphore, #tpu.memory_space<semaphore_mem>>) {add = true}
      } else {
      }
      %mul3A_106 = arith.constant 80 : i32
      %mul3A_107 = arith.muli %add3A_98, %mul3A_106 : i32
      %dma_wait3A_108 = tpu.memref_slice %arg8[%mul3A_107] : memref<6400xi32, #tpu.memory_space<vmem>> -> memref<80xi32, #tpu.memory_space<vmem>>
      %dma_wait3A_109 = arith.constant 0 : i32
      %dma_wait3A_110 = arith.constant 0 : i32
      %dma_wait3A_111 = tpu.memref_slice %arg3[%dma_wait3A_109, %dma_wait3A_110] : memref<100000x128xf32, #tpu.memory_space<hbm>> -> memref<100000x128xf32, #tpu.memory_space<hbm>>
      tpu.wait_indirect_dma semaphore(%arg16 : memref<!tpu.dma_semaphore, #tpu.memory_space<semaphore_mem>>) src(%dma_wait3A_111 : memref<100000x128xf32, #tpu.memory_space<hbm>>) dst(%arg11 : memref<80x128xf32, #tpu.memory_space<vmem>>)
      %parallel_loop3A_112 = arith.constant 0 : i32
      %parallel_loop3A_113 = arith.constant 80 : i32
      %parallel_loop3A_114 = arith.constant 1 : i32
      scf.for %parallel_loop3A_239 = %parallel_loop3A_112 to %parallel_loop3A_113 step %parallel_loop3A_114  : i32 {
        %parallel_loop3A_240 = arith.index_cast %parallel_loop3A_239 : i32 to index
        %parallel_loop3A_241 = arith.constant 0 : index
        %parallel_loop3A_242 = tpu.vector_load %arg11[%parallel_loop3A_240, %parallel_loop3A_241] {strides = array<i32>} : memref<80x128xf32, #tpu.memory_space<vmem>>, vector<1x16xf32>,
        %parallel_loop3A_243 = vector.shape_cast %parallel_loop3A_242 : vector<1x16xf32> to vector<16xf32>
        %parallel_loop3A_244 = arith.index_cast %parallel_loop3A_239 : i32 to index
        %parallel_loop3A_245 = arith.constant 16 : index
        %parallel_loop3A_246 = tpu.vector_load %arg11[%parallel_loop3A_244, %parallel_loop3A_245] {strides = array<i32>} : memref<80x128xf32, #tpu.memory_space<vmem>>, vector<1x16xf32>,
        %parallel_loop3A_247 = vector.shape_cast %parallel_loop3A_246 : vector<1x16xf32> to vector<16xf32>
        %parallel_loop3A_248 = arith.index_cast %parallel_loop3A_239 : i32 to index
        %parallel_loop3A_249 = arith.constant 32 : index
        %parallel_loop3A_250 = tpu.vector_load %arg11[%parallel_loop3A_248, %parallel_loop3A_249] {strides = array<i32>} : memref<80x128xf32, #tpu.memory_space<vmem>>, vector<1x16xf32>,
        %parallel_loop3A_251 = vector.shape_cast %parallel_loop3A_250 : vector<1x16xf32> to vector<16xf32>
        %parallel_loop3A_252 = arith.index_cast %parallel_loop3A_239 : i32 to index
        %parallel_loop3A_253 = arith.constant 48 : index
        %parallel_loop3A_254 = tpu.vector_load %arg11[%parallel_loop3A_252, %parallel_loop3A_253] {strides = array<i32>} : memref<80x128xf32, #tpu.memory_space<vmem>>, vector<1x16xf32>,
        %parallel_loop3A_255 = vector.shape_cast %parallel_loop3A_254 : vector<1x16xf32> to vector<16xf32>
        %parallel_loop3A_256 = arith.index_cast %parallel_loop3A_239 : i32 to index
        %parallel_loop3A_257 = arith.constant 64 : index
        %parallel_loop3A_258 = tpu.vector_load %arg11[%parallel_loop3A_256, %parallel_loop3A_257] {strides = array<i32>} : memref<80x128xf32, #tpu.memory_space<vmem>>, vector<1x16xf32>,
        %parallel_loop3A_259 = vector.shape_cast %parallel_loop3A_258 : vector<1x16xf32> to vector<16xf32>
        %parallel_loop3A_260 = arith.index_cast %parallel_loop3A_239 : i32 to index
        %parallel_loop3A_261 = arith.constant 80 : index
        %parallel_loop3A_262 = tpu.vector_load %arg11[%parallel_loop3A_260, %parallel_loop3A_261] {strides = array<i32>} : memref<80x128xf32, #tpu.memory_space<vmem>>, vector<1x16xf32>,
        %parallel_loop3A_263 = vector.shape_cast %parallel_loop3A_262 : vector<1x16xf32> to vector<16xf32>
        %parallel_loop3A_264 = arith.index_cast %parallel_loop3A_239 : i32 to index
        %parallel_loop3A_265 = arith.constant 96 : index
        %parallel_loop3A_266 = tpu.vector_load %arg11[%parallel_loop3A_264, %parallel_loop3A_265] {strides = array<i32>} : memref<80x128xf32, #tpu.memory_space<vmem>>, vector<1x16xf32>,
        %parallel_loop3A_267 = vector.shape_cast %parallel_loop3A_266 : vector<1x16xf32> to vector<16xf32>
        %parallel_loop3A_268 = arith.index_cast %parallel_loop3A_239 : i32 to index
        %parallel_loop3A_269 = arith.constant 112 : index
        %parallel_loop3A_270 = tpu.vector_load %arg11[%parallel_loop3A_268, %parallel_loop3A_269] {strides = array<i32>} : memref<80x128xf32, #tpu.memory_space<vmem>>, vector<1x16xf32>,
        %parallel_loop3A_271 = vector.shape_cast %parallel_loop3A_270 : vector<1x16xf32> to vector<16xf32>
        %parallel_loop3A_272 = arith.addf %parallel_loop3A_243, %parallel_loop3A_247 : vector<16xf32>
        %parallel_loop3A_273 = arith.addf %parallel_loop3A_251, %parallel_loop3A_255 : vector<16xf32>
        %parallel_loop3A_274 = arith.addf %parallel_loop3A_259, %parallel_loop3A_263 : vector<16xf32>
        %parallel_loop3A_275 = arith.addf %parallel_loop3A_267, %parallel_loop3A_271 : vector<16xf32>
        %parallel_loop3A_276 = arith.addf %parallel_loop3A_272, %parallel_loop3A_273 : vector<16xf32>
        %parallel_loop3A_277 = arith.addf %parallel_loop3A_274, %parallel_loop3A_275 : vector<16xf32>
        %parallel_loop3A_278 = arith.addf %parallel_loop3A_276, %parallel_loop3A_277 : vector<16xf32>
        %parallel_loop3A_279 = tpu.iota {dimensions = array<i32: 0>} : vector<16xi32>
        %parallel_loop3A_280 = arith.constant 8 : i32
        %parallel_loop3A_281 = vector.broadcast %parallel_loop3A_280 : i32 to vector<16xi32>
        %parallel_loop3A_282 = arith.xori %parallel_loop3A_279, %parallel_loop3A_281 : vector<16xi32>
        %parallel_loop3A_283 = vector.shape_cast %parallel_loop3A_282 : vector<16xi32> to vector<16x1xi32>
        %parallel_loop3A_284 = vector.shape_cast %parallel_loop3A_283 : vector<16x1xi32> to vector<16xi32>
        %parallel_loop3A_285 = tpu.dynamic_gather %parallel_loop3A_278[%parallel_loop3A_284] in [0] : vector<16xf32>, vector<16xi32> -> vector<16xf32>
        %parallel_loop3A_286 = arith.addf %parallel_loop3A_278, %parallel_loop3A_285 : vector<16xf32>
        %parallel_loop3A_287 = arith.constant 4 : i32
        %parallel_loop3A_288 = vector.broadcast %parallel_loop3A_287 : i32 to vector<16xi32>
        %parallel_loop3A_289 = arith.xori %parallel_loop3A_279, %parallel_loop3A_288 : vector<16xi32>
        %parallel_loop3A_290 = vector.shape_cast %parallel_loop3A_289 : vector<16xi32> to vector<16x1xi32>
        %parallel_loop3A_291 = vector.shape_cast %parallel_loop3A_290 : vector<16x1xi32> to vector<16xi32>
        %parallel_loop3A_292 = tpu.dynamic_gather %parallel_loop3A_286[%parallel_loop3A_291] in [0] : vector<16xf32>, vector<16xi32> -> vector<16xf32>
        %parallel_loop3A_293 = arith.addf %parallel_loop3A_286, %parallel_loop3A_292 : vector<16xf32>
        %parallel_loop3A_294 = arith.constant 2 : i32
        %parallel_loop3A_295 = vector.broadcast %parallel_loop3A_294 : i32 to vector<16xi32>
        %parallel_loop3A_296 = arith.xori %parallel_loop3A_279, %parallel_loop3A_295 : vector<16xi32>
        %parallel_loop3A_297 = vector.shape_cast %parallel_loop3A_296 : vector<16xi32> to vector<16x1xi32>
        %parallel_loop3A_298 = vector.shape_cast %parallel_loop3A_297 : vector<16x1xi32> to vector<16xi32>
        %parallel_loop3A_299 = tpu.dynamic_gather %parallel_loop3A_293[%parallel_loop3A_298] in [0] : vector<16xf32>, vector<16xi32> -> vector<16xf32>
        %parallel_loop3A_300 = arith.addf %parallel_loop3A_293, %parallel_loop3A_299 : vector<16xf32>
        %parallel_loop3A_301 = arith.constant 1 : i32
        %parallel_loop3A_302 = vector.broadcast %parallel_loop3A_301 : i32 to vector<16xi32>
        %parallel_loop3A_303 = arith.xori %parallel_loop3A_279, %parallel_loop3A_302 : vector<16xi32>
        %parallel_loop3A_304 = vector.shape_cast %parallel_loop3A_303 : vector<16xi32> to vector<16x1xi32>
        %parallel_loop3A_305 = vector.shape_cast %parallel_loop3A_304 : vector<16x1xi32> to vector<16xi32>
        %parallel_loop3A_306 = tpu.dynamic_gather %parallel_loop3A_300[%parallel_loop3A_305] in [0] : vector<16xf32>, vector<16xi32> -> vector<16xf32>
        %parallel_loop3A_307 = arith.addf %parallel_loop3A_300, %parallel_loop3A_306 : vector<16xf32>
        %parallel_loop3A_308 = vector.broadcast %scan3A_26 : f32 to vector<16xf32>
        %parallel_loop3A_309 = arith.mulf %parallel_loop3A_307, %parallel_loop3A_308 : vector<16xf32>
        %parallel_loop3A_310 = arith.mulf %parallel_loop3A_243, %parallel_loop3A_243 : vector<16xf32>
        %parallel_loop3A_311 = arith.mulf %parallel_loop3A_247, %parallel_loop3A_247 : vector<16xf32>
        %parallel_loop3A_312 = arith.mulf %parallel_loop3A_251, %parallel_loop3A_251 : vector<16xf32>
        %parallel_loop3A_313 = arith.mulf %parallel_loop3A_255, %parallel_loop3A_255 : vector<16xf32>
        %parallel_loop3A_314 = arith.mulf %parallel_loop3A_259, %parallel_loop3A_259 : vector<16xf32>
        %parallel_loop3A_315 = arith.mulf %parallel_loop3A_263, %parallel_loop3A_263 : vector<16xf32>
        %parallel_loop3A_316 = arith.mulf %parallel_loop3A_267, %parallel_loop3A_267 : vector<16xf32>
        %parallel_loop3A_317 = arith.mulf %parallel_loop3A_271, %parallel_loop3A_271 : vector<16xf32>
        %parallel_loop3A_318 = arith.addf %parallel_loop3A_310, %parallel_loop3A_311 : vector<16xf32>
        %parallel_loop3A_319 = arith.addf %parallel_loop3A_312, %parallel_loop3A_313 : vector<16xf32>
        %parallel_loop3A_320 = arith.addf %parallel_loop3A_314, %parallel_loop3A_315 : vector<16xf32>
        %parallel_loop3A_321 = arith.addf %parallel_loop3A_316, %parallel_loop3A_317 : vector<16xf32>
        %parallel_loop3A_322 = arith.addf %parallel_loop3A_318, %parallel_loop3A_319 : vector<16xf32>
        %parallel_loop3A_323 = arith.addf %parallel_loop3A_320, %parallel_loop3A_321 : vector<16xf32>
        %parallel_loop3A_324 = arith.addf %parallel_loop3A_322, %parallel_loop3A_323 : vector<16xf32>
        %parallel_loop3A_325 = tpu.iota {dimensions = array<i32: 0>} : vector<16xi32>
        %parallel_loop3A_326 = arith.constant 8 : i32
        %parallel_loop3A_327 = vector.broadcast %parallel_loop3A_326 : i32 to vector<16xi32>
        %parallel_loop3A_328 = arith.xori %parallel_loop3A_325, %parallel_loop3A_327 : vector<16xi32>
        %parallel_loop3A_329 = vector.shape_cast %parallel_loop3A_328 : vector<16xi32> to vector<16x1xi32>
        %parallel_loop3A_330 = vector.shape_cast %parallel_loop3A_329 : vector<16x1xi32> to vector<16xi32>
        %parallel_loop3A_331 = tpu.dynamic_gather %parallel_loop3A_324[%parallel_loop3A_330] in [0] : vector<16xf32>, vector<16xi32> -> vector<16xf32>
        %parallel_loop3A_332 = arith.addf %parallel_loop3A_324, %parallel_loop3A_331 : vector<16xf32>
        %parallel_loop3A_333 = arith.constant 4 : i32
        %parallel_loop3A_334 = vector.broadcast %parallel_loop3A_333 : i32 to vector<16xi32>
        %parallel_loop3A_335 = arith.xori %parallel_loop3A_325, %parallel_loop3A_334 : vector<16xi32>
        %parallel_loop3A_336 = vector.shape_cast %parallel_loop3A_335 : vector<16xi32> to vector<16x1xi32>
        %parallel_loop3A_337 = vector.shape_cast %parallel_loop3A_336 : vector<16x1xi32> to vector<16xi32>
        %parallel_loop3A_338 = tpu.dynamic_gather %parallel_loop3A_332[%parallel_loop3A_337] in [0] : vector<16xf32>, vector<16xi32> -> vector<16xf32>
        %parallel_loop3A_339 = arith.addf %parallel_loop3A_332, %parallel_loop3A_338 : vector<16xf32>
        %parallel_loop3A_340 = arith.constant 2 : i32
        %parallel_loop3A_341 = vector.broadcast %parallel_loop3A_340 : i32 to vector<16xi32>
        %parallel_loop3A_342 = arith.xori %parallel_loop3A_325, %parallel_loop3A_341 : vector<16xi32>
        %parallel_loop3A_343 = vector.shape_cast %parallel_loop3A_342 : vector<16xi32> to vector<16x1xi32>
        %parallel_loop3A_344 = vector.shape_cast %parallel_loop3A_343 : vector<16x1xi32> to vector<16xi32>
        %parallel_loop3A_345 = tpu.dynamic_gather %parallel_loop3A_339[%parallel_loop3A_344] in [0] : vector<16xf32>, vector<16xi32> -> vector<16xf32>
        %parallel_loop3A_346 = arith.addf %parallel_loop3A_339, %parallel_loop3A_345 : vector<16xf32>
        %parallel_loop3A_347 = arith.constant 1 : i32
        %parallel_loop3A_348 = vector.broadcast %parallel_loop3A_347 : i32 to vector<16xi32>
        %parallel_loop3A_349 = arith.xori %parallel_loop3A_325, %parallel_loop3A_348 : vector<16xi32>
        %parallel_loop3A_350 = vector.shape_cast %parallel_loop3A_349 : vector<16xi32> to vector<16x1xi32>
        %parallel_loop3A_351 = vector.shape_cast %parallel_loop3A_350 : vector<16x1xi32> to vector<16xi32>
        %parallel_loop3A_352 = tpu.dynamic_gather %parallel_loop3A_346[%parallel_loop3A_351] in [0] : vector<16xf32>, vector<16xi32> -> vector<16xf32>
        %parallel_loop3A_353 = arith.addf %parallel_loop3A_346, %parallel_loop3A_352 : vector<16xf32>
        %parallel_loop3A_354 = vector.broadcast %scan3A_26 : f32 to vector<16xf32>
        %parallel_loop3A_355 = arith.mulf %parallel_loop3A_353, %parallel_loop3A_354 : vector<16xf32>
        %parallel_loop3A_356 = arith.mulf %parallel_loop3A_309, %parallel_loop3A_309 : vector<16xf32>
        %parallel_loop3A_357 = arith.subf %parallel_loop3A_355, %parallel_loop3A_356 : vector<16xf32>
        %parallel_loop3A_358 = arith.constant 9.99999996E-13 : f32
        %parallel_loop3A_359 = vector.broadcast %parallel_loop3A_358 : f32 to vector<16xf32>
        %parallel_loop3A_360 = arith.addf %parallel_loop3A_357, %parallel_loop3A_359 : vector<16xf32>
        %parallel_loop3A_361 = tpu.bitcast %parallel_loop3A_360 : vector<16xf32> -> vector<16xi32>
        %parallel_loop3A_362 = arith.constant 1 : i32
        %parallel_loop3A_363 = vector.broadcast %parallel_loop3A_362 : i32 to vector<16xi32>
        %parallel_loop3A_364 = arith.shrsi %parallel_loop3A_361, %parallel_loop3A_363 : vector<16xi32>
        %parallel_loop3A_365 = arith.constant 1597463007 : i32
        %parallel_loop3A_366 = vector.broadcast %parallel_loop3A_365 : i32 to vector<16xi32>
        %parallel_loop3A_367 = arith.subi %parallel_loop3A_366, %parallel_loop3A_364 : vector<16xi32>
        %parallel_loop3A_368 = tpu.bitcast %parallel_loop3A_367 : vector<16xi32> -> vector<16xf32>
        %parallel_loop3A_369 = arith.constant 5.000000e-01 : f32
        %parallel_loop3A_370 = vector.broadcast %parallel_loop3A_369 : f32 to vector<16xf32>
        %parallel_loop3A_371 = arith.mulf %parallel_loop3A_370, %parallel_loop3A_360 : vector<16xf32>
        %parallel_loop3A_372 = arith.mulf %parallel_loop3A_371, %parallel_loop3A_368 : vector<16xf32>
        %parallel_loop3A_373 = arith.mulf %parallel_loop3A_372, %parallel_loop3A_368 : vector<16xf32>
        %parallel_loop3A_374 = arith.constant 1.500000e+00 : f32
        %parallel_loop3A_375 = vector.broadcast %parallel_loop3A_374 : f32 to vector<16xf32>
        %parallel_loop3A_376 = arith.subf %parallel_loop3A_375, %parallel_loop3A_373 : vector<16xf32>
        %parallel_loop3A_377 = arith.mulf %parallel_loop3A_368, %parallel_loop3A_376 : vector<16xf32>
        %parallel_loop3A_378 = arith.constant 5.000000e-01 : f32
        %parallel_loop3A_379 = vector.broadcast %parallel_loop3A_378 : f32 to vector<16xf32>
        %parallel_loop3A_380 = arith.mulf %parallel_loop3A_379, %parallel_loop3A_360 : vector<16xf32>
        %parallel_loop3A_381 = arith.mulf %parallel_loop3A_380, %parallel_loop3A_377 : vector<16xf32>
        %parallel_loop3A_382 = arith.mulf %parallel_loop3A_381, %parallel_loop3A_377 : vector<16xf32>
        %parallel_loop3A_383 = arith.constant 1.500000e+00 : f32
        %parallel_loop3A_384 = vector.broadcast %parallel_loop3A_383 : f32 to vector<16xf32>
        %parallel_loop3A_385 = arith.subf %parallel_loop3A_384, %parallel_loop3A_382 : vector<16xf32>
        %parallel_loop3A_386 = arith.mulf %parallel_loop3A_377, %parallel_loop3A_385 : vector<16xf32>
        %parallel_loop3A_387 = arith.subf %parallel_loop3A_243, %parallel_loop3A_309 : vector<16xf32>
        %parallel_loop3A_388 = arith.mulf %parallel_loop3A_387, %parallel_loop3A_386 : vector<16xf32>
        %parallel_loop3A_389 = arith.constant 0 : i32
        %parallel_loop3A_390 = arith.index_cast %parallel_loop3A_389 : i32 to index
        %parallel_loop3A_391 = arith.constant 0 : index
        %parallel_loop3A_392 = tpu.vector_load %arg9[%parallel_loop3A_390, %parallel_loop3A_391] {strides = array<i32>} : memref<2x128xf32, #tpu.memory_space<vmem>>, vector<1x16xf32>,
        %parallel_loop3A_393 = vector.shape_cast %parallel_loop3A_392 : vector<1x16xf32> to vector<16xf32>
        %parallel_loop3A_394 = arith.mulf %parallel_loop3A_388, %parallel_loop3A_393 : vector<16xf32>
        %parallel_loop3A_395 = arith.constant 1 : i32
        %parallel_loop3A_396 = arith.index_cast %parallel_loop3A_395 : i32 to index
        %parallel_loop3A_397 = arith.constant 0 : index
        %parallel_loop3A_398 = tpu.vector_load %arg9[%parallel_loop3A_396, %parallel_loop3A_397] {strides = array<i32>} : memref<2x128xf32, #tpu.memory_space<vmem>>, vector<1x16xf32>,
        %parallel_loop3A_399 = vector.shape_cast %parallel_loop3A_398 : vector<1x16xf32> to vector<16xf32>
        %parallel_loop3A_400 = arith.addf %parallel_loop3A_394, %parallel_loop3A_399 : vector<16xf32>
        %parallel_loop3A_401 = arith.index_cast %parallel_loop3A_239 : i32 to index
        %parallel_loop3A_402 = arith.constant 0 : index
        %parallel_loop3A_403 = tpu.vector_load %arg11[%parallel_loop3A_401, %parallel_loop3A_402] {strides = array<i32>} : memref<80x128xf32, #tpu.memory_space<vmem>>, vector<1x16xf32>,
        %parallel_loop3A_404 = vector.shape_cast %parallel_loop3A_403 : vector<1x16xf32> to vector<16xf32>
        %parallel_loop3A_405 = vector.shape_cast %parallel_loop3A_400 : vector<16xf32> to vector<1x16xf32>
        tpu.vector_store %arg11[%parallel_loop3A_401, %parallel_loop3A_402], %parallel_loop3A_405 {strides = array<i32>} : memref<80x128xf32, #tpu.memory_space<vmem>>, vector<1x16xf32>,
        %parallel_loop3A_406 = arith.subf %parallel_loop3A_247, %parallel_loop3A_309 : vector<16xf32>
        %parallel_loop3A_407 = arith.mulf %parallel_loop3A_406, %parallel_loop3A_386 : vector<16xf32>
        %parallel_loop3A_408 = arith.constant 0 : i32
        %parallel_loop3A_409 = arith.index_cast %parallel_loop3A_408 : i32 to index
        %parallel_loop3A_410 = arith.constant 16 : index
        %parallel_loop3A_411 = tpu.vector_load %arg9[%parallel_loop3A_409, %parallel_loop3A_410] {strides = array<i32>} : memref<2x128xf32, #tpu.memory_space<vmem>>, vector<1x16xf32>,
        %parallel_loop3A_412 = vector.shape_cast %parallel_loop3A_411 : vector<1x16xf32> to vector<16xf32>
        %parallel_loop3A_413 = arith.mulf %parallel_loop3A_407, %parallel_loop3A_412 : vector<16xf32>
        %parallel_loop3A_414 = arith.constant 1 : i32
        %parallel_loop3A_415 = arith.index_cast %parallel_loop3A_414 : i32 to index
        %parallel_loop3A_416 = arith.constant 16 : index
        %parallel_loop3A_417 = tpu.vector_load %arg9[%parallel_loop3A_415, %parallel_loop3A_416] {strides = array<i32>} : memref<2x128xf32, #tpu.memory_space<vmem>>, vector<1x16xf32>,
        %parallel_loop3A_418 = vector.shape_cast %parallel_loop3A_417 : vector<1x16xf32> to vector<16xf32>
        %parallel_loop3A_419 = arith.addf %parallel_loop3A_413, %parallel_loop3A_418 : vector<16xf32>
        %parallel_loop3A_420 = arith.index_cast %parallel_loop3A_239 : i32 to index
        %parallel_loop3A_421 = arith.constant 16 : index
        %parallel_loop3A_422 = tpu.vector_load %arg11[%parallel_loop3A_420, %parallel_loop3A_421] {strides = array<i32>} : memref<80x128xf32, #tpu.memory_space<vmem>>, vector<1x16xf32>,
        %parallel_loop3A_423 = vector.shape_cast %parallel_loop3A_422 : vector<1x16xf32> to vector<16xf32>
        %parallel_loop3A_424 = vector.shape_cast %parallel_loop3A_419 : vector<16xf32> to vector<1x16xf32>
        tpu.vector_store %arg11[%parallel_loop3A_420, %parallel_loop3A_421], %parallel_loop3A_424 {strides = array<i32>} : memref<80x128xf32, #tpu.memory_space<vmem>>, vector<1x16xf32>,
        %parallel_loop3A_425 = arith.subf %parallel_loop3A_251, %parallel_loop3A_309 : vector<16xf32>
        %parallel_loop3A_426 = arith.mulf %parallel_loop3A_425, %parallel_loop3A_386 : vector<16xf32>
        %parallel_loop3A_427 = arith.constant 0 : i32
        %parallel_loop3A_428 = arith.index_cast %parallel_loop3A_427 : i32 to index
        %parallel_loop3A_429 = arith.constant 32 : index
        %parallel_loop3A_430 = tpu.vector_load %arg9[%parallel_loop3A_428, %parallel_loop3A_429] {strides = array<i32>} : memref<2x128xf32, #tpu.memory_space<vmem>>, vector<1x16xf32>,
        %parallel_loop3A_431 = vector.shape_cast %parallel_loop3A_430 : vector<1x16xf32> to vector<16xf32>
        %parallel_loop3A_432 = arith.mulf %parallel_loop3A_426, %parallel_loop3A_431 : vector<16xf32>
        %parallel_loop3A_433 = arith.constant 1 : i32
        %parallel_loop3A_434 = arith.index_cast %parallel_loop3A_433 : i32 to index
        %parallel_loop3A_435 = arith.constant 32 : index
        %parallel_loop3A_436 = tpu.vector_load %arg9[%parallel_loop3A_434, %parallel_loop3A_435] {strides = array<i32>} : memref<2x128xf32, #tpu.memory_space<vmem>>, vector<1x16xf32>,
        %parallel_loop3A_437 = vector.shape_cast %parallel_loop3A_436 : vector<1x16xf32> to vector<16xf32>
        %parallel_loop3A_438 = arith.addf %parallel_loop3A_432, %parallel_loop3A_437 : vector<16xf32>
        %parallel_loop3A_439 = arith.index_cast %parallel_loop3A_239 : i32 to index
        %parallel_loop3A_440 = arith.constant 32 : index
        %parallel_loop3A_441 = tpu.vector_load %arg11[%parallel_loop3A_439, %parallel_loop3A_440] {strides = array<i32>} : memref<80x128xf32, #tpu.memory_space<vmem>>, vector<1x16xf32>,
        %parallel_loop3A_442 = vector.shape_cast %parallel_loop3A_441 : vector<1x16xf32> to vector<16xf32>
        %parallel_loop3A_443 = vector.shape_cast %parallel_loop3A_438 : vector<16xf32> to vector<1x16xf32>
        tpu.vector_store %arg11[%parallel_loop3A_439, %parallel_loop3A_440], %parallel_loop3A_443 {strides = array<i32>} : memref<80x128xf32, #tpu.memory_space<vmem>>, vector<1x16xf32>,
        %parallel_loop3A_444 = arith.subf %parallel_loop3A_255, %parallel_loop3A_309 : vector<16xf32>
        %parallel_loop3A_445 = arith.mulf %parallel_loop3A_444, %parallel_loop3A_386 : vector<16xf32>
        %parallel_loop3A_446 = arith.constant 0 : i32
        %parallel_loop3A_447 = arith.index_cast %parallel_loop3A_446 : i32 to index
        %parallel_loop3A_448 = arith.constant 48 : index
        %parallel_loop3A_449 = tpu.vector_load %arg9[%parallel_loop3A_447, %parallel_loop3A_448] {strides = array<i32>} : memref<2x128xf32, #tpu.memory_space<vmem>>, vector<1x16xf32>,
        %parallel_loop3A_450 = vector.shape_cast %parallel_loop3A_449 : vector<1x16xf32> to vector<16xf32>
        %parallel_loop3A_451 = arith.mulf %parallel_loop3A_445, %parallel_loop3A_450 : vector<16xf32>
        %parallel_loop3A_452 = arith.constant 1 : i32
        %parallel_loop3A_453 = arith.index_cast %parallel_loop3A_452 : i32 to index
        %parallel_loop3A_454 = arith.constant 48 : index
        %parallel_loop3A_455 = tpu.vector_load %arg9[%parallel_loop3A_453, %parallel_loop3A_454] {strides = array<i32>} : memref<2x128xf32, #tpu.memory_space<vmem>>, vector<1x16xf32>,
        %parallel_loop3A_456 = vector.shape_cast %parallel_loop3A_455 : vector<1x16xf32> to vector<16xf32>
        %parallel_loop3A_457 = arith.addf %parallel_loop3A_451, %parallel_loop3A_456 : vector<16xf32>
        %parallel_loop3A_458 = arith.index_cast %parallel_loop3A_239 : i32 to index
        %parallel_loop3A_459 = arith.constant 48 : index
        %parallel_loop3A_460 = tpu.vector_load %arg11[%parallel_loop3A_458, %parallel_loop3A_459] {strides = array<i32>} : memref<80x128xf32, #tpu.memory_space<vmem>>, vector<1x16xf32>,
        %parallel_loop3A_461 = vector.shape_cast %parallel_loop3A_460 : vector<1x16xf32> to vector<16xf32>
        %parallel_loop3A_462 = vector.shape_cast %parallel_loop3A_457 : vector<16xf32> to vector<1x16xf32>
        tpu.vector_store %arg11[%parallel_loop3A_458, %parallel_loop3A_459], %parallel_loop3A_462 {strides = array<i32>} : memref<80x128xf32, #tpu.memory_space<vmem>>, vector<1x16xf32>,
        %parallel_loop3A_463 = arith.subf %parallel_loop3A_259, %parallel_loop3A_309 : vector<16xf32>
        %parallel_loop3A_464 = arith.mulf %parallel_loop3A_463, %parallel_loop3A_386 : vector<16xf32>
        %parallel_loop3A_465 = arith.constant 0 : i32
        %parallel_loop3A_466 = arith.index_cast %parallel_loop3A_465 : i32 to index
        %parallel_loop3A_467 = arith.constant 64 : index
        %parallel_loop3A_468 = tpu.vector_load %arg9[%parallel_loop3A_466, %parallel_loop3A_467] {strides = array<i32>} : memref<2x128xf32, #tpu.memory_space<vmem>>, vector<1x16xf32>,
        %parallel_loop3A_469 = vector.shape_cast %parallel_loop3A_468 : vector<1x16xf32> to vector<16xf32>
        %parallel_loop3A_470 = arith.mulf %parallel_loop3A_464, %parallel_loop3A_469 : vector<16xf32>
        %parallel_loop3A_471 = arith.constant 1 : i32
        %parallel_loop3A_472 = arith.index_cast %parallel_loop3A_471 : i32 to index
        %parallel_loop3A_473 = arith.constant 64 : index
        %parallel_loop3A_474 = tpu.vector_load %arg9[%parallel_loop3A_472, %parallel_loop3A_473] {strides = array<i32>} : memref<2x128xf32, #tpu.memory_space<vmem>>, vector<1x16xf32>,
        %parallel_loop3A_475 = vector.shape_cast %parallel_loop3A_474 : vector<1x16xf32> to vector<16xf32>
        %parallel_loop3A_476 = arith.addf %parallel_loop3A_470, %parallel_loop3A_475 : vector<16xf32>
        %parallel_loop3A_477 = arith.index_cast %parallel_loop3A_239 : i32 to index
        %parallel_loop3A_478 = arith.constant 64 : index
        %parallel_loop3A_479 = tpu.vector_load %arg11[%parallel_loop3A_477, %parallel_loop3A_478] {strides = array<i32>} : memref<80x128xf32, #tpu.memory_space<vmem>>, vector<1x16xf32>,
        %parallel_loop3A_480 = vector.shape_cast %parallel_loop3A_479 : vector<1x16xf32> to vector<16xf32>
        %parallel_loop3A_481 = vector.shape_cast %parallel_loop3A_476 : vector<16xf32> to vector<1x16xf32>
        tpu.vector_store %arg11[%parallel_loop3A_477, %parallel_loop3A_478], %parallel_loop3A_481 {strides = array<i32>} : memref<80x128xf32, #tpu.memory_space<vmem>>, vector<1x16xf32>,
        %parallel_loop3A_482 = arith.subf %parallel_loop3A_263, %parallel_loop3A_309 : vector<16xf32>
        %parallel_loop3A_483 = arith.mulf %parallel_loop3A_482, %parallel_loop3A_386 : vector<16xf32>
        %parallel_loop3A_484 = arith.constant 0 : i32
        %parallel_loop3A_485 = arith.index_cast %parallel_loop3A_484 : i32 to index
        %parallel_loop3A_486 = arith.constant 80 : index
        %parallel_loop3A_487 = tpu.vector_load %arg9[%parallel_loop3A_485, %parallel_loop3A_486] {strides = array<i32>} : memref<2x128xf32, #tpu.memory_space<vmem>>, vector<1x16xf32>,
        %parallel_loop3A_488 = vector.shape_cast %parallel_loop3A_487 : vector<1x16xf32> to vector<16xf32>
        %parallel_loop3A_489 = arith.mulf %parallel_loop3A_483, %parallel_loop3A_488 : vector<16xf32>
        %parallel_loop3A_490 = arith.constant 1 : i32
        %parallel_loop3A_491 = arith.index_cast %parallel_loop3A_490 : i32 to index
        %parallel_loop3A_492 = arith.constant 80 : index
        %parallel_loop3A_493 = tpu.vector_load %arg9[%parallel_loop3A_491, %parallel_loop3A_492] {strides = array<i32>} : memref<2x128xf32, #tpu.memory_space<vmem>>, vector<1x16xf32>,
        %parallel_loop3A_494 = vector.shape_cast %parallel_loop3A_493 : vector<1x16xf32> to vector<16xf32>
        %parallel_loop3A_495 = arith.addf %parallel_loop3A_489, %parallel_loop3A_494 : vector<16xf32>
        %parallel_loop3A_496 = arith.index_cast %parallel_loop3A_239 : i32 to index
        %parallel_loop3A_497 = arith.constant 80 : index
        %parallel_loop3A_498 = tpu.vector_load %arg11[%parallel_loop3A_496, %parallel_loop3A_497] {strides = array<i32>} : memref<80x128xf32, #tpu.memory_space<vmem>>, vector<1x16xf32>,
        %parallel_loop3A_499 = vector.shape_cast %parallel_loop3A_498 : vector<1x16xf32> to vector<16xf32>
        %parallel_loop3A_500 = vector.shape_cast %parallel_loop3A_495 : vector<16xf32> to vector<1x16xf32>
        tpu.vector_store %arg11[%parallel_loop3A_496, %parallel_loop3A_497], %parallel_loop3A_500 {strides = array<i32>} : memref<80x128xf32, #tpu.memory_space<vmem>>, vector<1x16xf32>,
        %parallel_loop3A_501 = arith.subf %parallel_loop3A_267, %parallel_loop3A_309 : vector<16xf32>
        %parallel_loop3A_502 = arith.mulf %parallel_loop3A_501, %parallel_loop3A_386 : vector<16xf32>
        %parallel_loop3A_503 = arith.constant 0 : i32
        %parallel_loop3A_504 = arith.index_cast %parallel_loop3A_503 : i32 to index
        %parallel_loop3A_505 = arith.constant 96 : index
        %parallel_loop3A_506 = tpu.vector_load %arg9[%parallel_loop3A_504, %parallel_loop3A_505] {strides = array<i32>} : memref<2x128xf32, #tpu.memory_space<vmem>>, vector<1x16xf32>,
        %parallel_loop3A_507 = vector.shape_cast %parallel_loop3A_506 : vector<1x16xf32> to vector<16xf32>
        %parallel_loop3A_508 = arith.mulf %parallel_loop3A_502, %parallel_loop3A_507 : vector<16xf32>
        %parallel_loop3A_509 = arith.constant 1 : i32
        %parallel_loop3A_510 = arith.index_cast %parallel_loop3A_509 : i32 to index
        %parallel_loop3A_511 = arith.constant 96 : index
        %parallel_loop3A_512 = tpu.vector_load %arg9[%parallel_loop3A_510, %parallel_loop3A_511] {strides = array<i32>} : memref<2x128xf32, #tpu.memory_space<vmem>>, vector<1x16xf32>,
        %parallel_loop3A_513 = vector.shape_cast %parallel_loop3A_512 : vector<1x16xf32> to vector<16xf32>
        %parallel_loop3A_514 = arith.addf %parallel_loop3A_508, %parallel_loop3A_513 : vector<16xf32>
        %parallel_loop3A_515 = arith.index_cast %parallel_loop3A_239 : i32 to index
        %parallel_loop3A_516 = arith.constant 96 : index
        %parallel_loop3A_517 = tpu.vector_load %arg11[%parallel_loop3A_515, %parallel_loop3A_516] {strides = array<i32>} : memref<80x128xf32, #tpu.memory_space<vmem>>, vector<1x16xf32>,
        %parallel_loop3A_518 = vector.shape_cast %parallel_loop3A_517 : vector<1x16xf32> to vector<16xf32>
        %parallel_loop3A_519 = vector.shape_cast %parallel_loop3A_514 : vector<16xf32> to vector<1x16xf32>
        tpu.vector_store %arg11[%parallel_loop3A_515, %parallel_loop3A_516], %parallel_loop3A_519 {strides = array<i32>} : memref<80x128xf32, #tpu.memory_space<vmem>>, vector<1x16xf32>,
        %parallel_loop3A_520 = arith.subf %parallel_loop3A_271, %parallel_loop3A_309 : vector<16xf32>
        %parallel_loop3A_521 = arith.mulf %parallel_loop3A_520, %parallel_loop3A_386 : vector<16xf32>
        %parallel_loop3A_522 = arith.constant 0 : i32
        %parallel_loop3A_523 = arith.index_cast %parallel_loop3A_522 : i32 to index
        %parallel_loop3A_524 = arith.constant 112 : index
        %parallel_loop3A_525 = tpu.vector_load %arg9[%parallel_loop3A_523, %parallel_loop3A_524] {strides = array<i32>} : memref<2x128xf32, #tpu.memory_space<vmem>>, vector<1x16xf32>,
        %parallel_loop3A_526 = vector.shape_cast %parallel_loop3A_525 : vector<1x16xf32> to vector<16xf32>
        %parallel_loop3A_527 = arith.mulf %parallel_loop3A_521, %parallel_loop3A_526 : vector<16xf32>
        %parallel_loop3A_528 = arith.constant 1 : i32
        %parallel_loop3A_529 = arith.index_cast %parallel_loop3A_528 : i32 to index
        %parallel_loop3A_530 = arith.constant 112 : index
        %parallel_loop3A_531 = tpu.vector_load %arg9[%parallel_loop3A_529, %parallel_loop3A_530] {strides = array<i32>} : memref<2x128xf32, #tpu.memory_space<vmem>>, vector<1x16xf32>,
        %parallel_loop3A_532 = vector.shape_cast %parallel_loop3A_531 : vector<1x16xf32> to vector<16xf32>
        %parallel_loop3A_533 = arith.addf %parallel_loop3A_527, %parallel_loop3A_532 : vector<16xf32>
        %parallel_loop3A_534 = arith.index_cast %parallel_loop3A_239 : i32 to index
        %parallel_loop3A_535 = arith.constant 112 : index
        %parallel_loop3A_536 = tpu.vector_load %arg11[%parallel_loop3A_534, %parallel_loop3A_535] {strides = array<i32>} : memref<80x128xf32, #tpu.memory_space<vmem>>, vector<1x16xf32>,
        %parallel_loop3A_537 = vector.shape_cast %parallel_loop3A_536 : vector<1x16xf32> to vector<16xf32>
        %parallel_loop3A_538 = vector.shape_cast %parallel_loop3A_533 : vector<16xf32> to vector<1x16xf32>
        tpu.vector_store %arg11[%parallel_loop3A_534, %parallel_loop3A_535], %parallel_loop3A_538 {strides = array<i32>} : memref<80x128xf32, #tpu.memory_space<vmem>>, vector<1x16xf32>,
      } {sc.loop_unroll_factor = 1 : i64, sc.parallel_access}
      %mul3A_115 = arith.constant 6400 : i32
      %mul3A_116 = arith.muli %add3A, %mul3A_115 : i32
      %mul3A_117 = arith.constant 80 : i32
      %mul3A_118 = arith.muli %add3A_98, %mul3A_117 : i32
      %add3A_119 = arith.addi %mul3A_116, %mul3A_118 : i32
      %dma_start3A_120 = arith.constant 0 : i32
      %dma_start3A_121 = tpu.memref_slice %arg7[%add3A_119, %dma_start3A_120] : memref<204800x128xf32, #tpu.memory_space<hbm>> -> memref<80x128xf32, #tpu.memory_space<hbm>>
      %dma_start3A_122 = arith.constant 0 : i32
      %dma_start3A_123 = tpu.memref_slice %arg7[%add3A_119, %dma_start3A_122] : memref<204800x128xf32, #tpu.memory_space<hbm>> -> memref<80x128xf32, #tpu.memory_space<hbm>>
      tpu.enqueue_dma source(%arg11 : memref<80x128xf32, #tpu.memory_space<vmem>>) target(%dma_start3A_123 : memref<80x128xf32, #tpu.memory_space<hbm>>) target_semaphore(%arg16 : memref<!tpu.dma_semaphore, #tpu.memory_space<semaphore_mem>>)
      %add3A_124 = arith.constant 2 : i32
      %add3A_125 = arith.addi %add3A_98, %add3A_124 : i32
      %lt3A_126 = arith.constant 80 : i32
      %lt3A_127 = arith.cmpi slt, %add3A_125, %lt3A_126 : i32
      %convert_element_type3A_128 = arith.extui %lt3A_127 : i1 to i32
      %cond3A_129 = arith.constant 0 : i32
      %cond3A_130 = arith.cmpi ne, %convert_element_type3A_128, %cond3A_129 : i32
      scf.if %cond3A_130 {
        %ge3A = arith.constant 3 : i32
        %ge3A_239 = arith.cmpi sge, %add3A_98, %ge3A : i32
        %convert_element_type3A_240 = arith.extui %ge3A_239 : i1 to i32
        %cond3A_241 = arith.constant 0 : i32
        %cond3A_242 = arith.cmpi ne, %convert_element_type3A_240, %cond3A_241 : i32
        scf.if %cond3A_242 {
          %dma_wait3A_253 = arith.constant 0 : i32
          %dma_wait3A_254 = arith.constant 0 : i32
          %dma_wait3A_255 = tpu.memref_slice %arg7[%dma_wait3A_253, %dma_wait3A_254] : memref<204800x128xf32, #tpu.memory_space<hbm>> -> memref<80x128xf32, #tpu.memory_space<hbm>>
          %dma_wait3A_256 = arith.constant 0 : i32
          %dma_wait3A_257 = arith.constant 0 : i32
          %dma_wait3A_258 = tpu.memref_slice %arg7[%dma_wait3A_256, %dma_wait3A_257] : memref<204800x128xf32, #tpu.memory_space<hbm>> -> memref<80x128xf32, #tpu.memory_space<hbm>>
          tpu.wait_dma2 semaphore(%arg18 : memref<!tpu.dma_semaphore, #tpu.memory_space<semaphore_mem>>) src(%arg13 : memref<80x128xf32, #tpu.memory_space<vmem>>) dst(%dma_wait3A_258 : memref<80x128xf32, #tpu.memory_space<hbm>>)
        } else {
        }
        %add3A_243 = arith.constant 2 : i32
        %add3A_244 = arith.addi %add3A_98, %add3A_243 : i32
        %mul3A_245 = arith.constant 80 : i32
        %mul3A_246 = arith.muli %add3A_244, %mul3A_245 : i32
        %rem3A_247 = arith.constant 200 : i32
        %rem3A_248 = arith.remsi %mul3A_246, %rem3A_247 : i32
        %dma_start3A_249 = arith.constant 0 : i32
        %dma_start3A_250 = tpu.memref_slice %arg4[%rem3A_248, %dma_start3A_249] : memref<240x128xf32, #tpu.memory_space<hbm>> -> memref<80x128xf32, #tpu.memory_space<hbm>>
        %dma_start3A_251 = arith.constant 0 : i32
        %dma_start3A_252 = tpu.memref_slice %arg4[%rem3A_248, %dma_start3A_251] : memref<240x128xf32, #tpu.memory_space<hbm>> -> memref<80x128xf32, #tpu.memory_space<hbm>>
        tpu.enqueue_dma source(%dma_start3A_252 : memref<80x128xf32, #tpu.memory_space<hbm>>) target(%arg13 : memref<80x128xf32, #tpu.memory_space<vmem>>) target_semaphore(%arg18 : memref<!tpu.dma_semaphore, #tpu.memory_space<semaphore_mem>>)
      } else {
      }
      %mul3A_131 = arith.constant 5 : i32
      %mul3A_132 = arith.muli %scan3A_62, %mul3A_131 : i32
      %add3A_133 = arith.constant 2 : i32
      %add3A_134 = arith.addi %mul3A_132, %add3A_133 : i32
      %add3A_135 = arith.constant 1 : i32
      %add3A_136 = arith.addi %add3A_134, %add3A_135 : i32
      %lt3A_137 = arith.constant 80 : i32
      %lt3A_138 = arith.cmpi slt, %add3A_136, %lt3A_137 : i32
      %convert_element_type3A_139 = arith.extui %lt3A_138 : i1 to i32
      %cond3A_140 = arith.constant 0 : i32
      %cond3A_141 = arith.cmpi ne, %convert_element_type3A_139, %cond3A_140 : i32
      scf.if %cond3A_141 {
        %dma_wait3A_239 = arith.constant 0 : i32
        %dma_wait3A_240 = arith.constant 0 : i32
        %dma_wait3A_241 = tpu.memref_slice %arg4[%dma_wait3A_239, %dma_wait3A_240] : memref<240x128xf32, #tpu.memory_space<hbm>> -> memref<80x128xf32, #tpu.memory_space<hbm>>
        %dma_wait3A_242 = arith.constant 0 : i32
        %dma_wait3A_243 = arith.constant 0 : i32
        %dma_wait3A_244 = tpu.memref_slice %arg4[%dma_wait3A_242, %dma_wait3A_243] : memref<240x128xf32, #tpu.memory_space<hbm>> -> memref<80x128xf32, #tpu.memory_space<hbm>>
        tpu.wait_dma2 semaphore(%arg18 : memref<!tpu.dma_semaphore, #tpu.memory_space<semaphore_mem>>) src(%dma_wait3A_244 : memref<80x128xf32, #tpu.memory_space<hbm>>) dst(%arg13 : memref<80x128xf32, #tpu.memory_space<vmem>>)
        %add3A_245 = arith.constant 1 : i32
        %add3A_246 = arith.addi %add3A_134, %add3A_245 : i32
        %mul3A_247 = arith.constant 80 : i32
        %mul3A_248 = arith.muli %add3A_246, %mul3A_247 : i32
        %dma_start3A_249 = tpu.memref_slice %arg8[%mul3A_248] : memref<6400xi32, #tpu.memory_space<vmem>> -> memref<80xi32, #tpu.memory_space<vmem>>
        %dma_start3A_250 = arith.constant 0 : i32
        %dma_start3A_251 = arith.constant 0 : i32
        %dma_start3A_252 = tpu.memref_slice %arg3[%dma_start3A_250, %dma_start3A_251] : memref<100000x128xf32, #tpu.memory_space<hbm>> -> memref<100000x128xf32, #tpu.memory_space<hbm>>
        tpu.enqueue_indirect_dma source(%dma_start3A_252 : memref<100000x128xf32, #tpu.memory_space<hbm>>) target(%arg13 : memref<80x128xf32, #tpu.memory_space<vmem>>) offsets(%dma_start3A_249 : memref<80xi32, #tpu.memory_space<vmem>>) semaphore(%arg18 : memref<!tpu.dma_semaphore, #tpu.memory_space<semaphore_mem>>) {add = true}
      } else {
      }
      %mul3A_142 = arith.constant 80 : i32
      %mul3A_143 = arith.muli %add3A_134, %mul3A_142 : i32
      %dma_wait3A_144 = tpu.memref_slice %arg8[%mul3A_143] : memref<6400xi32, #tpu.memory_space<vmem>> -> memref<80xi32, #tpu.memory_space<vmem>>
      %dma_wait3A_145 = arith.constant 0 : i32
      %dma_wait3A_146 = arith.constant 0 : i32
      %dma_wait3A_147 = tpu.memref_slice %arg3[%dma_wait3A_145, %dma_wait3A_146] : memref<100000x128xf32, #tpu.memory_space<hbm>> -> memref<100000x128xf32, #tpu.memory_space<hbm>>
      tpu.wait_indirect_dma semaphore(%arg17 : memref<!tpu.dma_semaphore, #tpu.memory_space<semaphore_mem>>) src(%dma_wait3A_147 : memref<100000x128xf32, #tpu.memory_space<hbm>>) dst(%arg12 : memref<80x128xf32, #tpu.memory_space<vmem>>)
      %parallel_loop3A_148 = arith.constant 0 : i32
      %parallel_loop3A_149 = arith.constant 80 : i32
      %parallel_loop3A_150 = arith.constant 1 : i32
      scf.for %parallel_loop3A_239 = %parallel_loop3A_148 to %parallel_loop3A_149 step %parallel_loop3A_150  : i32 {
        %parallel_loop3A_240 = arith.index_cast %parallel_loop3A_239 : i32 to index
        %parallel_loop3A_241 = arith.constant 0 : index
        %parallel_loop3A_242 = tpu.vector_load %arg12[%parallel_loop3A_240, %parallel_loop3A_241] {strides = array<i32>} : memref<80x128xf32, #tpu.memory_space<vmem>>, vector<1x16xf32>,
        %parallel_loop3A_243 = vector.shape_cast %parallel_loop3A_242 : vector<1x16xf32> to vector<16xf32>
        %parallel_loop3A_244 = arith.index_cast %parallel_loop3A_239 : i32 to index
        %parallel_loop3A_245 = arith.constant 16 : index
        %parallel_loop3A_246 = tpu.vector_load %arg12[%parallel_loop3A_244, %parallel_loop3A_245] {strides = array<i32>} : memref<80x128xf32, #tpu.memory_space<vmem>>, vector<1x16xf32>,
        %parallel_loop3A_247 = vector.shape_cast %parallel_loop3A_246 : vector<1x16xf32> to vector<16xf32>
        %parallel_loop3A_248 = arith.index_cast %parallel_loop3A_239 : i32 to index
        %parallel_loop3A_249 = arith.constant 32 : index
        %parallel_loop3A_250 = tpu.vector_load %arg12[%parallel_loop3A_248, %parallel_loop3A_249] {strides = array<i32>} : memref<80x128xf32, #tpu.memory_space<vmem>>, vector<1x16xf32>,
        %parallel_loop3A_251 = vector.shape_cast %parallel_loop3A_250 : vector<1x16xf32> to vector<16xf32>
        %parallel_loop3A_252 = arith.index_cast %parallel_loop3A_239 : i32 to index
        %parallel_loop3A_253 = arith.constant 48 : index
        %parallel_loop3A_254 = tpu.vector_load %arg12[%parallel_loop3A_252, %parallel_loop3A_253] {strides = array<i32>} : memref<80x128xf32, #tpu.memory_space<vmem>>, vector<1x16xf32>,
        %parallel_loop3A_255 = vector.shape_cast %parallel_loop3A_254 : vector<1x16xf32> to vector<16xf32>
        %parallel_loop3A_256 = arith.index_cast %parallel_loop3A_239 : i32 to index
        %parallel_loop3A_257 = arith.constant 64 : index
        %parallel_loop3A_258 = tpu.vector_load %arg12[%parallel_loop3A_256, %parallel_loop3A_257] {strides = array<i32>} : memref<80x128xf32, #tpu.memory_space<vmem>>, vector<1x16xf32>,
        %parallel_loop3A_259 = vector.shape_cast %parallel_loop3A_258 : vector<1x16xf32> to vector<16xf32>
        %parallel_loop3A_260 = arith.index_cast %parallel_loop3A_239 : i32 to index
        %parallel_loop3A_261 = arith.constant 80 : index
        %parallel_loop3A_262 = tpu.vector_load %arg12[%parallel_loop3A_260, %parallel_loop3A_261] {strides = array<i32>} : memref<80x128xf32, #tpu.memory_space<vmem>>, vector<1x16xf32>,
        %parallel_loop3A_263 = vector.shape_cast %parallel_loop3A_262 : vector<1x16xf32> to vector<16xf32>
        %parallel_loop3A_264 = arith.index_cast %parallel_loop3A_239 : i32 to index
        %parallel_loop3A_265 = arith.constant 96 : index
        %parallel_loop3A_266 = tpu.vector_load %arg12[%parallel_loop3A_264, %parallel_loop3A_265] {strides = array<i32>} : memref<80x128xf32, #tpu.memory_space<vmem>>, vector<1x16xf32>,
        %parallel_loop3A_267 = vector.shape_cast %parallel_loop3A_266 : vector<1x16xf32> to vector<16xf32>
        %parallel_loop3A_268 = arith.index_cast %parallel_loop3A_239 : i32 to index
        %parallel_loop3A_269 = arith.constant 112 : index
        %parallel_loop3A_270 = tpu.vector_load %arg12[%parallel_loop3A_268, %parallel_loop3A_269] {strides = array<i32>} : memref<80x128xf32, #tpu.memory_space<vmem>>, vector<1x16xf32>,
        %parallel_loop3A_271 = vector.shape_cast %parallel_loop3A_270 : vector<1x16xf32> to vector<16xf32>
        %parallel_loop3A_272 = arith.addf %parallel_loop3A_243, %parallel_loop3A_247 : vector<16xf32>
        %parallel_loop3A_273 = arith.addf %parallel_loop3A_251, %parallel_loop3A_255 : vector<16xf32>
        %parallel_loop3A_274 = arith.addf %parallel_loop3A_259, %parallel_loop3A_263 : vector<16xf32>
        %parallel_loop3A_275 = arith.addf %parallel_loop3A_267, %parallel_loop3A_271 : vector<16xf32>
        %parallel_loop3A_276 = arith.addf %parallel_loop3A_272, %parallel_loop3A_273 : vector<16xf32>
        %parallel_loop3A_277 = arith.addf %parallel_loop3A_274, %parallel_loop3A_275 : vector<16xf32>
        %parallel_loop3A_278 = arith.addf %parallel_loop3A_276, %parallel_loop3A_277 : vector<16xf32>
        %parallel_loop3A_279 = tpu.iota {dimensions = array<i32: 0>} : vector<16xi32>
        %parallel_loop3A_280 = arith.constant 8 : i32
        %parallel_loop3A_281 = vector.broadcast %parallel_loop3A_280 : i32 to vector<16xi32>
        %parallel_loop3A_282 = arith.xori %parallel_loop3A_279, %parallel_loop3A_281 : vector<16xi32>
        %parallel_loop3A_283 = vector.shape_cast %parallel_loop3A_282 : vector<16xi32> to vector<16x1xi32>
        %parallel_loop3A_284 = vector.shape_cast %parallel_loop3A_283 : vector<16x1xi32> to vector<16xi32>
        %parallel_loop3A_285 = tpu.dynamic_gather %parallel_loop3A_278[%parallel_loop3A_284] in [0] : vector<16xf32>, vector<16xi32> -> vector<16xf32>
        %parallel_loop3A_286 = arith.addf %parallel_loop3A_278, %parallel_loop3A_285 : vector<16xf32>
        %parallel_loop3A_287 = arith.constant 4 : i32
        %parallel_loop3A_288 = vector.broadcast %parallel_loop3A_287 : i32 to vector<16xi32>
        %parallel_loop3A_289 = arith.xori %parallel_loop3A_279, %parallel_loop3A_288 : vector<16xi32>
        %parallel_loop3A_290 = vector.shape_cast %parallel_loop3A_289 : vector<16xi32> to vector<16x1xi32>
        %parallel_loop3A_291 = vector.shape_cast %parallel_loop3A_290 : vector<16x1xi32> to vector<16xi32>
        %parallel_loop3A_292 = tpu.dynamic_gather %parallel_loop3A_286[%parallel_loop3A_291] in [0] : vector<16xf32>, vector<16xi32> -> vector<16xf32>
        %parallel_loop3A_293 = arith.addf %parallel_loop3A_286, %parallel_loop3A_292 : vector<16xf32>
        %parallel_loop3A_294 = arith.constant 2 : i32
        %parallel_loop3A_295 = vector.broadcast %parallel_loop3A_294 : i32 to vector<16xi32>
        %parallel_loop3A_296 = arith.xori %parallel_loop3A_279, %parallel_loop3A_295 : vector<16xi32>
        %parallel_loop3A_297 = vector.shape_cast %parallel_loop3A_296 : vector<16xi32> to vector<16x1xi32>
        %parallel_loop3A_298 = vector.shape_cast %parallel_loop3A_297 : vector<16x1xi32> to vector<16xi32>
        %parallel_loop3A_299 = tpu.dynamic_gather %parallel_loop3A_293[%parallel_loop3A_298] in [0] : vector<16xf32>, vector<16xi32> -> vector<16xf32>
        %parallel_loop3A_300 = arith.addf %parallel_loop3A_293, %parallel_loop3A_299 : vector<16xf32>
        %parallel_loop3A_301 = arith.constant 1 : i32
        %parallel_loop3A_302 = vector.broadcast %parallel_loop3A_301 : i32 to vector<16xi32>
        %parallel_loop3A_303 = arith.xori %parallel_loop3A_279, %parallel_loop3A_302 : vector<16xi32>
        %parallel_loop3A_304 = vector.shape_cast %parallel_loop3A_303 : vector<16xi32> to vector<16x1xi32>
        %parallel_loop3A_305 = vector.shape_cast %parallel_loop3A_304 : vector<16x1xi32> to vector<16xi32>
        %parallel_loop3A_306 = tpu.dynamic_gather %parallel_loop3A_300[%parallel_loop3A_305] in [0] : vector<16xf32>, vector<16xi32> -> vector<16xf32>
        %parallel_loop3A_307 = arith.addf %parallel_loop3A_300, %parallel_loop3A_306 : vector<16xf32>
        %parallel_loop3A_308 = vector.broadcast %scan3A_26 : f32 to vector<16xf32>
        %parallel_loop3A_309 = arith.mulf %parallel_loop3A_307, %parallel_loop3A_308 : vector<16xf32>
        %parallel_loop3A_310 = arith.mulf %parallel_loop3A_243, %parallel_loop3A_243 : vector<16xf32>
        %parallel_loop3A_311 = arith.mulf %parallel_loop3A_247, %parallel_loop3A_247 : vector<16xf32>
        %parallel_loop3A_312 = arith.mulf %parallel_loop3A_251, %parallel_loop3A_251 : vector<16xf32>
        %parallel_loop3A_313 = arith.mulf %parallel_loop3A_255, %parallel_loop3A_255 : vector<16xf32>
        %parallel_loop3A_314 = arith.mulf %parallel_loop3A_259, %parallel_loop3A_259 : vector<16xf32>
        %parallel_loop3A_315 = arith.mulf %parallel_loop3A_263, %parallel_loop3A_263 : vector<16xf32>
        %parallel_loop3A_316 = arith.mulf %parallel_loop3A_267, %parallel_loop3A_267 : vector<16xf32>
        %parallel_loop3A_317 = arith.mulf %parallel_loop3A_271, %parallel_loop3A_271 : vector<16xf32>
        %parallel_loop3A_318 = arith.addf %parallel_loop3A_310, %parallel_loop3A_311 : vector<16xf32>
        %parallel_loop3A_319 = arith.addf %parallel_loop3A_312, %parallel_loop3A_313 : vector<16xf32>
        %parallel_loop3A_320 = arith.addf %parallel_loop3A_314, %parallel_loop3A_315 : vector<16xf32>
        %parallel_loop3A_321 = arith.addf %parallel_loop3A_316, %parallel_loop3A_317 : vector<16xf32>
        %parallel_loop3A_322 = arith.addf %parallel_loop3A_318, %parallel_loop3A_319 : vector<16xf32>
        %parallel_loop3A_323 = arith.addf %parallel_loop3A_320, %parallel_loop3A_321 : vector<16xf32>
        %parallel_loop3A_324 = arith.addf %parallel_loop3A_322, %parallel_loop3A_323 : vector<16xf32>
        %parallel_loop3A_325 = tpu.iota {dimensions = array<i32: 0>} : vector<16xi32>
        %parallel_loop3A_326 = arith.constant 8 : i32
        %parallel_loop3A_327 = vector.broadcast %parallel_loop3A_326 : i32 to vector<16xi32>
        %parallel_loop3A_328 = arith.xori %parallel_loop3A_325, %parallel_loop3A_327 : vector<16xi32>
        %parallel_loop3A_329 = vector.shape_cast %parallel_loop3A_328 : vector<16xi32> to vector<16x1xi32>
        %parallel_loop3A_330 = vector.shape_cast %parallel_loop3A_329 : vector<16x1xi32> to vector<16xi32>
        %parallel_loop3A_331 = tpu.dynamic_gather %parallel_loop3A_324[%parallel_loop3A_330] in [0] : vector<16xf32>, vector<16xi32> -> vector<16xf32>
        %parallel_loop3A_332 = arith.addf %parallel_loop3A_324, %parallel_loop3A_331 : vector<16xf32>
        %parallel_loop3A_333 = arith.constant 4 : i32
        %parallel_loop3A_334 = vector.broadcast %parallel_loop3A_333 : i32 to vector<16xi32>
        %parallel_loop3A_335 = arith.xori %parallel_loop3A_325, %parallel_loop3A_334 : vector<16xi32>
        %parallel_loop3A_336 = vector.shape_cast %parallel_loop3A_335 : vector<16xi32> to vector<16x1xi32>
        %parallel_loop3A_337 = vector.shape_cast %parallel_loop3A_336 : vector<16x1xi32> to vector<16xi32>
        %parallel_loop3A_338 = tpu.dynamic_gather %parallel_loop3A_332[%parallel_loop3A_337] in [0] : vector<16xf32>, vector<16xi32> -> vector<16xf32>
        %parallel_loop3A_339 = arith.addf %parallel_loop3A_332, %parallel_loop3A_338 : vector<16xf32>
        %parallel_loop3A_340 = arith.constant 2 : i32
        %parallel_loop3A_341 = vector.broadcast %parallel_loop3A_340 : i32 to vector<16xi32>
        %parallel_loop3A_342 = arith.xori %parallel_loop3A_325, %parallel_loop3A_341 : vector<16xi32>
        %parallel_loop3A_343 = vector.shape_cast %parallel_loop3A_342 : vector<16xi32> to vector<16x1xi32>
        %parallel_loop3A_344 = vector.shape_cast %parallel_loop3A_343 : vector<16x1xi32> to vector<16xi32>
        %parallel_loop3A_345 = tpu.dynamic_gather %parallel_loop3A_339[%parallel_loop3A_344] in [0] : vector<16xf32>, vector<16xi32> -> vector<16xf32>
        %parallel_loop3A_346 = arith.addf %parallel_loop3A_339, %parallel_loop3A_345 : vector<16xf32>
        %parallel_loop3A_347 = arith.constant 1 : i32
        %parallel_loop3A_348 = vector.broadcast %parallel_loop3A_347 : i32 to vector<16xi32>
        %parallel_loop3A_349 = arith.xori %parallel_loop3A_325, %parallel_loop3A_348 : vector<16xi32>
        %parallel_loop3A_350 = vector.shape_cast %parallel_loop3A_349 : vector<16xi32> to vector<16x1xi32>
        %parallel_loop3A_351 = vector.shape_cast %parallel_loop3A_350 : vector<16x1xi32> to vector<16xi32>
        %parallel_loop3A_352 = tpu.dynamic_gather %parallel_loop3A_346[%parallel_loop3A_351] in [0] : vector<16xf32>, vector<16xi32> -> vector<16xf32>
        %parallel_loop3A_353 = arith.addf %parallel_loop3A_346, %parallel_loop3A_352 : vector<16xf32>
        %parallel_loop3A_354 = vector.broadcast %scan3A_26 : f32 to vector<16xf32>
        %parallel_loop3A_355 = arith.mulf %parallel_loop3A_353, %parallel_loop3A_354 : vector<16xf32>
        %parallel_loop3A_356 = arith.mulf %parallel_loop3A_309, %parallel_loop3A_309 : vector<16xf32>
        %parallel_loop3A_357 = arith.subf %parallel_loop3A_355, %parallel_loop3A_356 : vector<16xf32>
        %parallel_loop3A_358 = arith.constant 9.99999996E-13 : f32
        %parallel_loop3A_359 = vector.broadcast %parallel_loop3A_358 : f32 to vector<16xf32>
        %parallel_loop3A_360 = arith.addf %parallel_loop3A_357, %parallel_loop3A_359 : vector<16xf32>
        %parallel_loop3A_361 = tpu.bitcast %parallel_loop3A_360 : vector<16xf32> -> vector<16xi32>
        %parallel_loop3A_362 = arith.constant 1 : i32
        %parallel_loop3A_363 = vector.broadcast %parallel_loop3A_362 : i32 to vector<16xi32>
        %parallel_loop3A_364 = arith.shrsi %parallel_loop3A_361, %parallel_loop3A_363 : vector<16xi32>
        %parallel_loop3A_365 = arith.constant 1597463007 : i32
        %parallel_loop3A_366 = vector.broadcast %parallel_loop3A_365 : i32 to vector<16xi32>
        %parallel_loop3A_367 = arith.subi %parallel_loop3A_366, %parallel_loop3A_364 : vector<16xi32>
        %parallel_loop3A_368 = tpu.bitcast %parallel_loop3A_367 : vector<16xi32> -> vector<16xf32>
        %parallel_loop3A_369 = arith.constant 5.000000e-01 : f32
        %parallel_loop3A_370 = vector.broadcast %parallel_loop3A_369 : f32 to vector<16xf32>
        %parallel_loop3A_371 = arith.mulf %parallel_loop3A_370, %parallel_loop3A_360 : vector<16xf32>
        %parallel_loop3A_372 = arith.mulf %parallel_loop3A_371, %parallel_loop3A_368 : vector<16xf32>
        %parallel_loop3A_373 = arith.mulf %parallel_loop3A_372, %parallel_loop3A_368 : vector<16xf32>
        %parallel_loop3A_374 = arith.constant 1.500000e+00 : f32
        %parallel_loop3A_375 = vector.broadcast %parallel_loop3A_374 : f32 to vector<16xf32>
        %parallel_loop3A_376 = arith.subf %parallel_loop3A_375, %parallel_loop3A_373 : vector<16xf32>
        %parallel_loop3A_377 = arith.mulf %parallel_loop3A_368, %parallel_loop3A_376 : vector<16xf32>
        %parallel_loop3A_378 = arith.constant 5.000000e-01 : f32
        %parallel_loop3A_379 = vector.broadcast %parallel_loop3A_378 : f32 to vector<16xf32>
        %parallel_loop3A_380 = arith.mulf %parallel_loop3A_379, %parallel_loop3A_360 : vector<16xf32>
        %parallel_loop3A_381 = arith.mulf %parallel_loop3A_380, %parallel_loop3A_377 : vector<16xf32>
        %parallel_loop3A_382 = arith.mulf %parallel_loop3A_381, %parallel_loop3A_377 : vector<16xf32>
        %parallel_loop3A_383 = arith.constant 1.500000e+00 : f32
        %parallel_loop3A_384 = vector.broadcast %parallel_loop3A_383 : f32 to vector<16xf32>
        %parallel_loop3A_385 = arith.subf %parallel_loop3A_384, %parallel_loop3A_382 : vector<16xf32>
        %parallel_loop3A_386 = arith.mulf %parallel_loop3A_377, %parallel_loop3A_385 : vector<16xf32>
        %parallel_loop3A_387 = arith.subf %parallel_loop3A_243, %parallel_loop3A_309 : vector<16xf32>
        %parallel_loop3A_388 = arith.mulf %parallel_loop3A_387, %parallel_loop3A_386 : vector<16xf32>
        %parallel_loop3A_389 = arith.constant 0 : i32
        %parallel_loop3A_390 = arith.index_cast %parallel_loop3A_389 : i32 to index
        %parallel_loop3A_391 = arith.constant 0 : index
        %parallel_loop3A_392 = tpu.vector_load %arg9[%parallel_loop3A_390, %parallel_loop3A_391] {strides = array<i32>} : memref<2x128xf32, #tpu.memory_space<vmem>>, vector<1x16xf32>,
        %parallel_loop3A_393 = vector.shape_cast %parallel_loop3A_392 : vector<1x16xf32> to vector<16xf32>
        %parallel_loop3A_394 = arith.mulf %parallel_loop3A_388, %parallel_loop3A_393 : vector<16xf32>
        %parallel_loop3A_395 = arith.constant 1 : i32
        %parallel_loop3A_396 = arith.index_cast %parallel_loop3A_395 : i32 to index
        %parallel_loop3A_397 = arith.constant 0 : index
        %parallel_loop3A_398 = tpu.vector_load %arg9[%parallel_loop3A_396, %parallel_loop3A_397] {strides = array<i32>} : memref<2x128xf32, #tpu.memory_space<vmem>>, vector<1x16xf32>,
        %parallel_loop3A_399 = vector.shape_cast %parallel_loop3A_398 : vector<1x16xf32> to vector<16xf32>
        %parallel_loop3A_400 = arith.addf %parallel_loop3A_394, %parallel_loop3A_399 : vector<16xf32>
        %parallel_loop3A_401 = arith.index_cast %parallel_loop3A_239 : i32 to index
        %parallel_loop3A_402 = arith.constant 0 : index
        %parallel_loop3A_403 = tpu.vector_load %arg12[%parallel_loop3A_401, %parallel_loop3A_402] {strides = array<i32>} : memref<80x128xf32, #tpu.memory_space<vmem>>, vector<1x16xf32>,
        %parallel_loop3A_404 = vector.shape_cast %parallel_loop3A_403 : vector<1x16xf32> to vector<16xf32>
        %parallel_loop3A_405 = vector.shape_cast %parallel_loop3A_400 : vector<16xf32> to vector<1x16xf32>
        tpu.vector_store %arg12[%parallel_loop3A_401, %parallel_loop3A_402], %parallel_loop3A_405 {strides = array<i32>} : memref<80x128xf32, #tpu.memory_space<vmem>>, vector<1x16xf32>,
        %parallel_loop3A_406 = arith.subf %parallel_loop3A_247, %parallel_loop3A_309 : vector<16xf32>
        %parallel_loop3A_407 = arith.mulf %parallel_loop3A_406, %parallel_loop3A_386 : vector<16xf32>
        %parallel_loop3A_408 = arith.constant 0 : i32
        %parallel_loop3A_409 = arith.index_cast %parallel_loop3A_408 : i32 to index
        %parallel_loop3A_410 = arith.constant 16 : index
        %parallel_loop3A_411 = tpu.vector_load %arg9[%parallel_loop3A_409, %parallel_loop3A_410] {strides = array<i32>} : memref<2x128xf32, #tpu.memory_space<vmem>>, vector<1x16xf32>,
        %parallel_loop3A_412 = vector.shape_cast %parallel_loop3A_411 : vector<1x16xf32> to vector<16xf32>
        %parallel_loop3A_413 = arith.mulf %parallel_loop3A_407, %parallel_loop3A_412 : vector<16xf32>
        %parallel_loop3A_414 = arith.constant 1 : i32
        %parallel_loop3A_415 = arith.index_cast %parallel_loop3A_414 : i32 to index
        %parallel_loop3A_416 = arith.constant 16 : index
        %parallel_loop3A_417 = tpu.vector_load %arg9[%parallel_loop3A_415, %parallel_loop3A_416] {strides = array<i32>} : memref<2x128xf32, #tpu.memory_space<vmem>>, vector<1x16xf32>,
        %parallel_loop3A_418 = vector.shape_cast %parallel_loop3A_417 : vector<1x16xf32> to vector<16xf32>
        %parallel_loop3A_419 = arith.addf %parallel_loop3A_413, %parallel_loop3A_418 : vector<16xf32>
        %parallel_loop3A_420 = arith.index_cast %parallel_loop3A_239 : i32 to index
        %parallel_loop3A_421 = arith.constant 16 : index
        %parallel_loop3A_422 = tpu.vector_load %arg12[%parallel_loop3A_420, %parallel_loop3A_421] {strides = array<i32>} : memref<80x128xf32, #tpu.memory_space<vmem>>, vector<1x16xf32>,
        %parallel_loop3A_423 = vector.shape_cast %parallel_loop3A_422 : vector<1x16xf32> to vector<16xf32>
        %parallel_loop3A_424 = vector.shape_cast %parallel_loop3A_419 : vector<16xf32> to vector<1x16xf32>
        tpu.vector_store %arg12[%parallel_loop3A_420, %parallel_loop3A_421], %parallel_loop3A_424 {strides = array<i32>} : memref<80x128xf32, #tpu.memory_space<vmem>>, vector<1x16xf32>,
        %parallel_loop3A_425 = arith.subf %parallel_loop3A_251, %parallel_loop3A_309 : vector<16xf32>
        %parallel_loop3A_426 = arith.mulf %parallel_loop3A_425, %parallel_loop3A_386 : vector<16xf32>
        %parallel_loop3A_427 = arith.constant 0 : i32
        %parallel_loop3A_428 = arith.index_cast %parallel_loop3A_427 : i32 to index
        %parallel_loop3A_429 = arith.constant 32 : index
        %parallel_loop3A_430 = tpu.vector_load %arg9[%parallel_loop3A_428, %parallel_loop3A_429] {strides = array<i32>} : memref<2x128xf32, #tpu.memory_space<vmem>>, vector<1x16xf32>,
        %parallel_loop3A_431 = vector.shape_cast %parallel_loop3A_430 : vector<1x16xf32> to vector<16xf32>
        %parallel_loop3A_432 = arith.mulf %parallel_loop3A_426, %parallel_loop3A_431 : vector<16xf32>
        %parallel_loop3A_433 = arith.constant 1 : i32
        %parallel_loop3A_434 = arith.index_cast %parallel_loop3A_433 : i32 to index
        %parallel_loop3A_435 = arith.constant 32 : index
        %parallel_loop3A_436 = tpu.vector_load %arg9[%parallel_loop3A_434, %parallel_loop3A_435] {strides = array<i32>} : memref<2x128xf32, #tpu.memory_space<vmem>>, vector<1x16xf32>,
        %parallel_loop3A_437 = vector.shape_cast %parallel_loop3A_436 : vector<1x16xf32> to vector<16xf32>
        %parallel_loop3A_438 = arith.addf %parallel_loop3A_432, %parallel_loop3A_437 : vector<16xf32>
        %parallel_loop3A_439 = arith.index_cast %parallel_loop3A_239 : i32 to index
        %parallel_loop3A_440 = arith.constant 32 : index
        %parallel_loop3A_441 = tpu.vector_load %arg12[%parallel_loop3A_439, %parallel_loop3A_440] {strides = array<i32>} : memref<80x128xf32, #tpu.memory_space<vmem>>, vector<1x16xf32>,
        %parallel_loop3A_442 = vector.shape_cast %parallel_loop3A_441 : vector<1x16xf32> to vector<16xf32>
        %parallel_loop3A_443 = vector.shape_cast %parallel_loop3A_438 : vector<16xf32> to vector<1x16xf32>
        tpu.vector_store %arg12[%parallel_loop3A_439, %parallel_loop3A_440], %parallel_loop3A_443 {strides = array<i32>} : memref<80x128xf32, #tpu.memory_space<vmem>>, vector<1x16xf32>,
        %parallel_loop3A_444 = arith.subf %parallel_loop3A_255, %parallel_loop3A_309 : vector<16xf32>
        %parallel_loop3A_445 = arith.mulf %parallel_loop3A_444, %parallel_loop3A_386 : vector<16xf32>
        %parallel_loop3A_446 = arith.constant 0 : i32
        %parallel_loop3A_447 = arith.index_cast %parallel_loop3A_446 : i32 to index
        %parallel_loop3A_448 = arith.constant 48 : index
        %parallel_loop3A_449 = tpu.vector_load %arg9[%parallel_loop3A_447, %parallel_loop3A_448] {strides = array<i32>} : memref<2x128xf32, #tpu.memory_space<vmem>>, vector<1x16xf32>,
        %parallel_loop3A_450 = vector.shape_cast %parallel_loop3A_449 : vector<1x16xf32> to vector<16xf32>
        %parallel_loop3A_451 = arith.mulf %parallel_loop3A_445, %parallel_loop3A_450 : vector<16xf32>
        %parallel_loop3A_452 = arith.constant 1 : i32
        %parallel_loop3A_453 = arith.index_cast %parallel_loop3A_452 : i32 to index
        %parallel_loop3A_454 = arith.constant 48 : index
        %parallel_loop3A_455 = tpu.vector_load %arg9[%parallel_loop3A_453, %parallel_loop3A_454] {strides = array<i32>} : memref<2x128xf32, #tpu.memory_space<vmem>>, vector<1x16xf32>,
        %parallel_loop3A_456 = vector.shape_cast %parallel_loop3A_455 : vector<1x16xf32> to vector<16xf32>
        %parallel_loop3A_457 = arith.addf %parallel_loop3A_451, %parallel_loop3A_456 : vector<16xf32>
        %parallel_loop3A_458 = arith.index_cast %parallel_loop3A_239 : i32 to index
        %parallel_loop3A_459 = arith.constant 48 : index
        %parallel_loop3A_460 = tpu.vector_load %arg12[%parallel_loop3A_458, %parallel_loop3A_459] {strides = array<i32>} : memref<80x128xf32, #tpu.memory_space<vmem>>, vector<1x16xf32>,
        %parallel_loop3A_461 = vector.shape_cast %parallel_loop3A_460 : vector<1x16xf32> to vector<16xf32>
        %parallel_loop3A_462 = vector.shape_cast %parallel_loop3A_457 : vector<16xf32> to vector<1x16xf32>
        tpu.vector_store %arg12[%parallel_loop3A_458, %parallel_loop3A_459], %parallel_loop3A_462 {strides = array<i32>} : memref<80x128xf32, #tpu.memory_space<vmem>>, vector<1x16xf32>,
        %parallel_loop3A_463 = arith.subf %parallel_loop3A_259, %parallel_loop3A_309 : vector<16xf32>
        %parallel_loop3A_464 = arith.mulf %parallel_loop3A_463, %parallel_loop3A_386 : vector<16xf32>
        %parallel_loop3A_465 = arith.constant 0 : i32
        %parallel_loop3A_466 = arith.index_cast %parallel_loop3A_465 : i32 to index
        %parallel_loop3A_467 = arith.constant 64 : index
        %parallel_loop3A_468 = tpu.vector_load %arg9[%parallel_loop3A_466, %parallel_loop3A_467] {strides = array<i32>} : memref<2x128xf32, #tpu.memory_space<vmem>>, vector<1x16xf32>,
        %parallel_loop3A_469 = vector.shape_cast %parallel_loop3A_468 : vector<1x16xf32> to vector<16xf32>
        %parallel_loop3A_470 = arith.mulf %parallel_loop3A_464, %parallel_loop3A_469 : vector<16xf32>
        %parallel_loop3A_471 = arith.constant 1 : i32
        %parallel_loop3A_472 = arith.index_cast %parallel_loop3A_471 : i32 to index
        %parallel_loop3A_473 = arith.constant 64 : index
        %parallel_loop3A_474 = tpu.vector_load %arg9[%parallel_loop3A_472, %parallel_loop3A_473] {strides = array<i32>} : memref<2x128xf32, #tpu.memory_space<vmem>>, vector<1x16xf32>,
        %parallel_loop3A_475 = vector.shape_cast %parallel_loop3A_474 : vector<1x16xf32> to vector<16xf32>
        %parallel_loop3A_476 = arith.addf %parallel_loop3A_470, %parallel_loop3A_475 : vector<16xf32>
        %parallel_loop3A_477 = arith.index_cast %parallel_loop3A_239 : i32 to index
        %parallel_loop3A_478 = arith.constant 64 : index
        %parallel_loop3A_479 = tpu.vector_load %arg12[%parallel_loop3A_477, %parallel_loop3A_478] {strides = array<i32>} : memref<80x128xf32, #tpu.memory_space<vmem>>, vector<1x16xf32>,
        %parallel_loop3A_480 = vector.shape_cast %parallel_loop3A_479 : vector<1x16xf32> to vector<16xf32>
        %parallel_loop3A_481 = vector.shape_cast %parallel_loop3A_476 : vector<16xf32> to vector<1x16xf32>
        tpu.vector_store %arg12[%parallel_loop3A_477, %parallel_loop3A_478], %parallel_loop3A_481 {strides = array<i32>} : memref<80x128xf32, #tpu.memory_space<vmem>>, vector<1x16xf32>,
        %parallel_loop3A_482 = arith.subf %parallel_loop3A_263, %parallel_loop3A_309 : vector<16xf32>
        %parallel_loop3A_483 = arith.mulf %parallel_loop3A_482, %parallel_loop3A_386 : vector<16xf32>
        %parallel_loop3A_484 = arith.constant 0 : i32
        %parallel_loop3A_485 = arith.index_cast %parallel_loop3A_484 : i32 to index
        %parallel_loop3A_486 = arith.constant 80 : index
        %parallel_loop3A_487 = tpu.vector_load %arg9[%parallel_loop3A_485, %parallel_loop3A_486] {strides = array<i32>} : memref<2x128xf32, #tpu.memory_space<vmem>>, vector<1x16xf32>,
        %parallel_loop3A_488 = vector.shape_cast %parallel_loop3A_487 : vector<1x16xf32> to vector<16xf32>
        %parallel_loop3A_489 = arith.mulf %parallel_loop3A_483, %parallel_loop3A_488 : vector<16xf32>
        %parallel_loop3A_490 = arith.constant 1 : i32
        %parallel_loop3A_491 = arith.index_cast %parallel_loop3A_490 : i32 to index
        %parallel_loop3A_492 = arith.constant 80 : index
        %parallel_loop3A_493 = tpu.vector_load %arg9[%parallel_loop3A_491, %parallel_loop3A_492] {strides = array<i32>} : memref<2x128xf32, #tpu.memory_space<vmem>>, vector<1x16xf32>,
        %parallel_loop3A_494 = vector.shape_cast %parallel_loop3A_493 : vector<1x16xf32> to vector<16xf32>
        %parallel_loop3A_495 = arith.addf %parallel_loop3A_489, %parallel_loop3A_494 : vector<16xf32>
        %parallel_loop3A_496 = arith.index_cast %parallel_loop3A_239 : i32 to index
        %parallel_loop3A_497 = arith.constant 80 : index
        %parallel_loop3A_498 = tpu.vector_load %arg12[%parallel_loop3A_496, %parallel_loop3A_497] {strides = array<i32>} : memref<80x128xf32, #tpu.memory_space<vmem>>, vector<1x16xf32>,
        %parallel_loop3A_499 = vector.shape_cast %parallel_loop3A_498 : vector<1x16xf32> to vector<16xf32>
        %parallel_loop3A_500 = vector.shape_cast %parallel_loop3A_495 : vector<16xf32> to vector<1x16xf32>
        tpu.vector_store %arg12[%parallel_loop3A_496, %parallel_loop3A_497], %parallel_loop3A_500 {strides = array<i32>} : memref<80x128xf32, #tpu.memory_space<vmem>>, vector<1x16xf32>,
        %parallel_loop3A_501 = arith.subf %parallel_loop3A_267, %parallel_loop3A_309 : vector<16xf32>
        %parallel_loop3A_502 = arith.mulf %parallel_loop3A_501, %parallel_loop3A_386 : vector<16xf32>
        %parallel_loop3A_503 = arith.constant 0 : i32
        %parallel_loop3A_504 = arith.index_cast %parallel_loop3A_503 : i32 to index
        %parallel_loop3A_505 = arith.constant 96 : index
        %parallel_loop3A_506 = tpu.vector_load %arg9[%parallel_loop3A_504, %parallel_loop3A_505] {strides = array<i32>} : memref<2x128xf32, #tpu.memory_space<vmem>>, vector<1x16xf32>,
        %parallel_loop3A_507 = vector.shape_cast %parallel_loop3A_506 : vector<1x16xf32> to vector<16xf32>
        %parallel_loop3A_508 = arith.mulf %parallel_loop3A_502, %parallel_loop3A_507 : vector<16xf32>
        %parallel_loop3A_509 = arith.constant 1 : i32
        %parallel_loop3A_510 = arith.index_cast %parallel_loop3A_509 : i32 to index
        %parallel_loop3A_511 = arith.constant 96 : index
        %parallel_loop3A_512 = tpu.vector_load %arg9[%parallel_loop3A_510, %parallel_loop3A_511] {strides = array<i32>} : memref<2x128xf32, #tpu.memory_space<vmem>>, vector<1x16xf32>,
        %parallel_loop3A_513 = vector.shape_cast %parallel_loop3A_512 : vector<1x16xf32> to vector<16xf32>
        %parallel_loop3A_514 = arith.addf %parallel_loop3A_508, %parallel_loop3A_513 : vector<16xf32>
        %parallel_loop3A_515 = arith.index_cast %parallel_loop3A_239 : i32 to index
        %parallel_loop3A_516 = arith.constant 96 : index
        %parallel_loop3A_517 = tpu.vector_load %arg12[%parallel_loop3A_515, %parallel_loop3A_516] {strides = array<i32>} : memref<80x128xf32, #tpu.memory_space<vmem>>, vector<1x16xf32>,
        %parallel_loop3A_518 = vector.shape_cast %parallel_loop3A_517 : vector<1x16xf32> to vector<16xf32>
        %parallel_loop3A_519 = vector.shape_cast %parallel_loop3A_514 : vector<16xf32> to vector<1x16xf32>
        tpu.vector_store %arg12[%parallel_loop3A_515, %parallel_loop3A_516], %parallel_loop3A_519 {strides = array<i32>} : memref<80x128xf32, #tpu.memory_space<vmem>>, vector<1x16xf32>,
        %parallel_loop3A_520 = arith.subf %parallel_loop3A_271, %parallel_loop3A_309 : vector<16xf32>
        %parallel_loop3A_521 = arith.mulf %parallel_loop3A_520, %parallel_loop3A_386 : vector<16xf32>
        %parallel_loop3A_522 = arith.constant 0 : i32
        %parallel_loop3A_523 = arith.index_cast %parallel_loop3A_522 : i32 to index
        %parallel_loop3A_524 = arith.constant 112 : index
        %parallel_loop3A_525 = tpu.vector_load %arg9[%parallel_loop3A_523, %parallel_loop3A_524] {strides = array<i32>} : memref<2x128xf32, #tpu.memory_space<vmem>>, vector<1x16xf32>,
        %parallel_loop3A_526 = vector.shape_cast %parallel_loop3A_525 : vector<1x16xf32> to vector<16xf32>
        %parallel_loop3A_527 = arith.mulf %parallel_loop3A_521, %parallel_loop3A_526 : vector<16xf32>
        %parallel_loop3A_528 = arith.constant 1 : i32
        %parallel_loop3A_529 = arith.index_cast %parallel_loop3A_528 : i32 to index
        %parallel_loop3A_530 = arith.constant 112 : index
        %parallel_loop3A_531 = tpu.vector_load %arg9[%parallel_loop3A_529, %parallel_loop3A_530] {strides = array<i32>} : memref<2x128xf32, #tpu.memory_space<vmem>>, vector<1x16xf32>,
        %parallel_loop3A_532 = vector.shape_cast %parallel_loop3A_531 : vector<1x16xf32> to vector<16xf32>
        %parallel_loop3A_533 = arith.addf %parallel_loop3A_527, %parallel_loop3A_532 : vector<16xf32>
        %parallel_loop3A_534 = arith.index_cast %parallel_loop3A_239 : i32 to index
        %parallel_loop3A_535 = arith.constant 112 : index
        %parallel_loop3A_536 = tpu.vector_load %arg12[%parallel_loop3A_534, %parallel_loop3A_535] {strides = array<i32>} : memref<80x128xf32, #tpu.memory_space<vmem>>, vector<1x16xf32>,
        %parallel_loop3A_537 = vector.shape_cast %parallel_loop3A_536 : vector<1x16xf32> to vector<16xf32>
        %parallel_loop3A_538 = vector.shape_cast %parallel_loop3A_533 : vector<16xf32> to vector<1x16xf32>
        tpu.vector_store %arg12[%parallel_loop3A_534, %parallel_loop3A_535], %parallel_loop3A_538 {strides = array<i32>} : memref<80x128xf32, #tpu.memory_space<vmem>>, vector<1x16xf32>,
      } {sc.loop_unroll_factor = 1 : i64, sc.parallel_access}
      %mul3A_151 = arith.constant 6400 : i32
      %mul3A_152 = arith.muli %add3A, %mul3A_151 : i32
      %mul3A_153 = arith.constant 80 : i32
      %mul3A_154 = arith.muli %add3A_134, %mul3A_153 : i32
      %add3A_155 = arith.addi %mul3A_152, %mul3A_154 : i32
      %dma_start3A_156 = arith.constant 0 : i32
      %dma_start3A_157 = tpu.memref_slice %arg7[%add3A_155, %dma_start3A_156] : memref<204800x128xf32, #tpu.memory_space<hbm>> -> memref<80x128xf32, #tpu.memory_space<hbm>>
      %dma_start3A_158 = arith.constant 0 : i32
      %dma_start3A_159 = tpu.memref_slice %arg7[%add3A_155, %dma_start3A_158] : memref<204800x128xf32, #tpu.memory_space<hbm>> -> memref<80x128xf32, #tpu.memory_space<hbm>>
      tpu.enqueue_dma source(%arg12 : memref<80x128xf32, #tpu.memory_space<vmem>>) target(%dma_start3A_159 : memref<80x128xf32, #tpu.memory_space<hbm>>) target_semaphore(%arg17 : memref<!tpu.dma_semaphore, #tpu.memory_space<semaphore_mem>>)
      %add3A_160 = arith.constant 2 : i32
      %add3A_161 = arith.addi %add3A_134, %add3A_160 : i32
      %lt3A_162 = arith.constant 80 : i32
      %lt3A_163 = arith.cmpi slt, %add3A_161, %lt3A_162 : i32
      %convert_element_type3A_164 = arith.extui %lt3A_163 : i1 to i32
      %cond3A_165 = arith.constant 0 : i32
      %cond3A_166 = arith.cmpi ne, %convert_element_type3A_164, %cond3A_165 : i32
      scf.if %cond3A_166 {
        %ge3A = arith.constant 3 : i32
        %ge3A_239 = arith.cmpi sge, %add3A_134, %ge3A : i32
        %convert_element_type3A_240 = arith.extui %ge3A_239 : i1 to i32
        %cond3A_241 = arith.constant 0 : i32
        %cond3A_242 = arith.cmpi ne, %convert_element_type3A_240, %cond3A_241 : i32
        scf.if %cond3A_242 {
          %dma_wait3A_253 = arith.constant 0 : i32
          %dma_wait3A_254 = arith.constant 0 : i32
          %dma_wait3A_255 = tpu.memref_slice %arg7[%dma_wait3A_253, %dma_wait3A_254] : memref<204800x128xf32, #tpu.memory_space<hbm>> -> memref<80x128xf32, #tpu.memory_space<hbm>>
          %dma_wait3A_256 = arith.constant 0 : i32
          %dma_wait3A_257 = arith.constant 0 : i32
          %dma_wait3A_258 = tpu.memref_slice %arg7[%dma_wait3A_256, %dma_wait3A_257] : memref<204800x128xf32, #tpu.memory_space<hbm>> -> memref<80x128xf32, #tpu.memory_space<hbm>>
          tpu.wait_dma2 semaphore(%arg19 : memref<!tpu.dma_semaphore, #tpu.memory_space<semaphore_mem>>) src(%arg14 : memref<80x128xf32, #tpu.memory_space<vmem>>) dst(%dma_wait3A_258 : memref<80x128xf32, #tpu.memory_space<hbm>>)
        } else {
        }
        %add3A_243 = arith.constant 2 : i32
        %add3A_244 = arith.addi %add3A_134, %add3A_243 : i32
        %mul3A_245 = arith.constant 80 : i32
        %mul3A_246 = arith.muli %add3A_244, %mul3A_245 : i32
        %rem3A_247 = arith.constant 200 : i32
        %rem3A_248 = arith.remsi %mul3A_246, %rem3A_247 : i32
        %dma_start3A_249 = arith.constant 0 : i32
        %dma_start3A_250 = tpu.memref_slice %arg4[%rem3A_248, %dma_start3A_249] : memref<240x128xf32, #tpu.memory_space<hbm>> -> memref<80x128xf32, #tpu.memory_space<hbm>>
        %dma_start3A_251 = arith.constant 0 : i32
        %dma_start3A_252 = tpu.memref_slice %arg4[%rem3A_248, %dma_start3A_251] : memref<240x128xf32, #tpu.memory_space<hbm>> -> memref<80x128xf32, #tpu.memory_space<hbm>>
        tpu.enqueue_dma source(%dma_start3A_252 : memref<80x128xf32, #tpu.memory_space<hbm>>) target(%arg14 : memref<80x128xf32, #tpu.memory_space<vmem>>) target_semaphore(%arg19 : memref<!tpu.dma_semaphore, #tpu.memory_space<semaphore_mem>>)
      } else {
      }
      %mul3A_167 = arith.constant 5 : i32
      %mul3A_168 = arith.muli %scan3A_62, %mul3A_167 : i32
      %add3A_169 = arith.constant 3 : i32
      %add3A_170 = arith.addi %mul3A_168, %add3A_169 : i32
      %add3A_171 = arith.constant 1 : i32
      %add3A_172 = arith.addi %add3A_170, %add3A_171 : i32
      %lt3A_173 = arith.constant 80 : i32
      %lt3A_174 = arith.cmpi slt, %add3A_172, %lt3A_173 : i32
      %convert_element_type3A_175 = arith.extui %lt3A_174 : i1 to i32
      %cond3A_176 = arith.constant 0 : i32
      %cond3A_177 = arith.cmpi ne, %convert_element_type3A_175, %cond3A_176 : i32
      scf.if %cond3A_177 {
        %dma_wait3A_239 = arith.constant 0 : i32
        %dma_wait3A_240 = arith.constant 0 : i32
        %dma_wait3A_241 = tpu.memref_slice %arg4[%dma_wait3A_239, %dma_wait3A_240] : memref<240x128xf32, #tpu.memory_space<hbm>> -> memref<80x128xf32, #tpu.memory_space<hbm>>
        %dma_wait3A_242 = arith.constant 0 : i32
        %dma_wait3A_243 = arith.constant 0 : i32
        %dma_wait3A_244 = tpu.memref_slice %arg4[%dma_wait3A_242, %dma_wait3A_243] : memref<240x128xf32, #tpu.memory_space<hbm>> -> memref<80x128xf32, #tpu.memory_space<hbm>>
        tpu.wait_dma2 semaphore(%arg19 : memref<!tpu.dma_semaphore, #tpu.memory_space<semaphore_mem>>) src(%dma_wait3A_244 : memref<80x128xf32, #tpu.memory_space<hbm>>) dst(%arg14 : memref<80x128xf32, #tpu.memory_space<vmem>>)
        %add3A_245 = arith.constant 1 : i32
        %add3A_246 = arith.addi %add3A_170, %add3A_245 : i32
        %mul3A_247 = arith.constant 80 : i32
        %mul3A_248 = arith.muli %add3A_246, %mul3A_247 : i32
        %dma_start3A_249 = tpu.memref_slice %arg8[%mul3A_248] : memref<6400xi32, #tpu.memory_space<vmem>> -> memref<80xi32, #tpu.memory_space<vmem>>
        %dma_start3A_250 = arith.constant 0 : i32
        %dma_start3A_251 = arith.constant 0 : i32
        %dma_start3A_252 = tpu.memref_slice %arg3[%dma_start3A_250, %dma_start3A_251] : memref<100000x128xf32, #tpu.memory_space<hbm>> -> memref<100000x128xf32, #tpu.memory_space<hbm>>
        tpu.enqueue_indirect_dma source(%dma_start3A_252 : memref<100000x128xf32, #tpu.memory_space<hbm>>) target(%arg14 : memref<80x128xf32, #tpu.memory_space<vmem>>) offsets(%dma_start3A_249 : memref<80xi32, #tpu.memory_space<vmem>>) semaphore(%arg19 : memref<!tpu.dma_semaphore, #tpu.memory_space<semaphore_mem>>) {add = true}
      } else {
      }
      %mul3A_178 = arith.constant 80 : i32
      %mul3A_179 = arith.muli %add3A_170, %mul3A_178 : i32
      %dma_wait3A_180 = tpu.memref_slice %arg8[%mul3A_179] : memref<6400xi32, #tpu.memory_space<vmem>> -> memref<80xi32, #tpu.memory_space<vmem>>
      %dma_wait3A_181 = arith.constant 0 : i32
      %dma_wait3A_182 = arith.constant 0 : i32
      %dma_wait3A_183 = tpu.memref_slice %arg3[%dma_wait3A_181, %dma_wait3A_182] : memref<100000x128xf32, #tpu.memory_space<hbm>> -> memref<100000x128xf32, #tpu.memory_space<hbm>>
      tpu.wait_indirect_dma semaphore(%arg18 : memref<!tpu.dma_semaphore, #tpu.memory_space<semaphore_mem>>) src(%dma_wait3A_183 : memref<100000x128xf32, #tpu.memory_space<hbm>>) dst(%arg13 : memref<80x128xf32, #tpu.memory_space<vmem>>)
      %parallel_loop3A_184 = arith.constant 0 : i32
      %parallel_loop3A_185 = arith.constant 80 : i32
      %parallel_loop3A_186 = arith.constant 1 : i32
      scf.for %parallel_loop3A_239 = %parallel_loop3A_184 to %parallel_loop3A_185 step %parallel_loop3A_186  : i32 {
        %parallel_loop3A_240 = arith.index_cast %parallel_loop3A_239 : i32 to index
        %parallel_loop3A_241 = arith.constant 0 : index
        %parallel_loop3A_242 = tpu.vector_load %arg13[%parallel_loop3A_240, %parallel_loop3A_241] {strides = array<i32>} : memref<80x128xf32, #tpu.memory_space<vmem>>, vector<1x16xf32>,
        %parallel_loop3A_243 = vector.shape_cast %parallel_loop3A_242 : vector<1x16xf32> to vector<16xf32>
        %parallel_loop3A_244 = arith.index_cast %parallel_loop3A_239 : i32 to index
        %parallel_loop3A_245 = arith.constant 16 : index
        %parallel_loop3A_246 = tpu.vector_load %arg13[%parallel_loop3A_244, %parallel_loop3A_245] {strides = array<i32>} : memref<80x128xf32, #tpu.memory_space<vmem>>, vector<1x16xf32>,
        %parallel_loop3A_247 = vector.shape_cast %parallel_loop3A_246 : vector<1x16xf32> to vector<16xf32>
        %parallel_loop3A_248 = arith.index_cast %parallel_loop3A_239 : i32 to index
        %parallel_loop3A_249 = arith.constant 32 : index
        %parallel_loop3A_250 = tpu.vector_load %arg13[%parallel_loop3A_248, %parallel_loop3A_249] {strides = array<i32>} : memref<80x128xf32, #tpu.memory_space<vmem>>, vector<1x16xf32>,
        %parallel_loop3A_251 = vector.shape_cast %parallel_loop3A_250 : vector<1x16xf32> to vector<16xf32>
        %parallel_loop3A_252 = arith.index_cast %parallel_loop3A_239 : i32 to index
        %parallel_loop3A_253 = arith.constant 48 : index
        %parallel_loop3A_254 = tpu.vector_load %arg13[%parallel_loop3A_252, %parallel_loop3A_253] {strides = array<i32>} : memref<80x128xf32, #tpu.memory_space<vmem>>, vector<1x16xf32>,
        %parallel_loop3A_255 = vector.shape_cast %parallel_loop3A_254 : vector<1x16xf32> to vector<16xf32>
        %parallel_loop3A_256 = arith.index_cast %parallel_loop3A_239 : i32 to index
        %parallel_loop3A_257 = arith.constant 64 : index
        %parallel_loop3A_258 = tpu.vector_load %arg13[%parallel_loop3A_256, %parallel_loop3A_257] {strides = array<i32>} : memref<80x128xf32, #tpu.memory_space<vmem>>, vector<1x16xf32>,
        %parallel_loop3A_259 = vector.shape_cast %parallel_loop3A_258 : vector<1x16xf32> to vector<16xf32>
        %parallel_loop3A_260 = arith.index_cast %parallel_loop3A_239 : i32 to index
        %parallel_loop3A_261 = arith.constant 80 : index
        %parallel_loop3A_262 = tpu.vector_load %arg13[%parallel_loop3A_260, %parallel_loop3A_261] {strides = array<i32>} : memref<80x128xf32, #tpu.memory_space<vmem>>, vector<1x16xf32>,
        %parallel_loop3A_263 = vector.shape_cast %parallel_loop3A_262 : vector<1x16xf32> to vector<16xf32>
        %parallel_loop3A_264 = arith.index_cast %parallel_loop3A_239 : i32 to index
        %parallel_loop3A_265 = arith.constant 96 : index
        %parallel_loop3A_266 = tpu.vector_load %arg13[%parallel_loop3A_264, %parallel_loop3A_265] {strides = array<i32>} : memref<80x128xf32, #tpu.memory_space<vmem>>, vector<1x16xf32>,
        %parallel_loop3A_267 = vector.shape_cast %parallel_loop3A_266 : vector<1x16xf32> to vector<16xf32>
        %parallel_loop3A_268 = arith.index_cast %parallel_loop3A_239 : i32 to index
        %parallel_loop3A_269 = arith.constant 112 : index
        %parallel_loop3A_270 = tpu.vector_load %arg13[%parallel_loop3A_268, %parallel_loop3A_269] {strides = array<i32>} : memref<80x128xf32, #tpu.memory_space<vmem>>, vector<1x16xf32>,
        %parallel_loop3A_271 = vector.shape_cast %parallel_loop3A_270 : vector<1x16xf32> to vector<16xf32>
        %parallel_loop3A_272 = arith.addf %parallel_loop3A_243, %parallel_loop3A_247 : vector<16xf32>
        %parallel_loop3A_273 = arith.addf %parallel_loop3A_251, %parallel_loop3A_255 : vector<16xf32>
        %parallel_loop3A_274 = arith.addf %parallel_loop3A_259, %parallel_loop3A_263 : vector<16xf32>
        %parallel_loop3A_275 = arith.addf %parallel_loop3A_267, %parallel_loop3A_271 : vector<16xf32>
        %parallel_loop3A_276 = arith.addf %parallel_loop3A_272, %parallel_loop3A_273 : vector<16xf32>
        %parallel_loop3A_277 = arith.addf %parallel_loop3A_274, %parallel_loop3A_275 : vector<16xf32>
        %parallel_loop3A_278 = arith.addf %parallel_loop3A_276, %parallel_loop3A_277 : vector<16xf32>
        %parallel_loop3A_279 = tpu.iota {dimensions = array<i32: 0>} : vector<16xi32>
        %parallel_loop3A_280 = arith.constant 8 : i32
        %parallel_loop3A_281 = vector.broadcast %parallel_loop3A_280 : i32 to vector<16xi32>
        %parallel_loop3A_282 = arith.xori %parallel_loop3A_279, %parallel_loop3A_281 : vector<16xi32>
        %parallel_loop3A_283 = vector.shape_cast %parallel_loop3A_282 : vector<16xi32> to vector<16x1xi32>
        %parallel_loop3A_284 = vector.shape_cast %parallel_loop3A_283 : vector<16x1xi32> to vector<16xi32>
        %parallel_loop3A_285 = tpu.dynamic_gather %parallel_loop3A_278[%parallel_loop3A_284] in [0] : vector<16xf32>, vector<16xi32> -> vector<16xf32>
        %parallel_loop3A_286 = arith.addf %parallel_loop3A_278, %parallel_loop3A_285 : vector<16xf32>
        %parallel_loop3A_287 = arith.constant 4 : i32
        %parallel_loop3A_288 = vector.broadcast %parallel_loop3A_287 : i32 to vector<16xi32>
        %parallel_loop3A_289 = arith.xori %parallel_loop3A_279, %parallel_loop3A_288 : vector<16xi32>
        %parallel_loop3A_290 = vector.shape_cast %parallel_loop3A_289 : vector<16xi32> to vector<16x1xi32>
        %parallel_loop3A_291 = vector.shape_cast %parallel_loop3A_290 : vector<16x1xi32> to vector<16xi32>
        %parallel_loop3A_292 = tpu.dynamic_gather %parallel_loop3A_286[%parallel_loop3A_291] in [0] : vector<16xf32>, vector<16xi32> -> vector<16xf32>
        %parallel_loop3A_293 = arith.addf %parallel_loop3A_286, %parallel_loop3A_292 : vector<16xf32>
        %parallel_loop3A_294 = arith.constant 2 : i32
        %parallel_loop3A_295 = vector.broadcast %parallel_loop3A_294 : i32 to vector<16xi32>
        %parallel_loop3A_296 = arith.xori %parallel_loop3A_279, %parallel_loop3A_295 : vector<16xi32>
        %parallel_loop3A_297 = vector.shape_cast %parallel_loop3A_296 : vector<16xi32> to vector<16x1xi32>
        %parallel_loop3A_298 = vector.shape_cast %parallel_loop3A_297 : vector<16x1xi32> to vector<16xi32>
        %parallel_loop3A_299 = tpu.dynamic_gather %parallel_loop3A_293[%parallel_loop3A_298] in [0] : vector<16xf32>, vector<16xi32> -> vector<16xf32>
        %parallel_loop3A_300 = arith.addf %parallel_loop3A_293, %parallel_loop3A_299 : vector<16xf32>
        %parallel_loop3A_301 = arith.constant 1 : i32
        %parallel_loop3A_302 = vector.broadcast %parallel_loop3A_301 : i32 to vector<16xi32>
        %parallel_loop3A_303 = arith.xori %parallel_loop3A_279, %parallel_loop3A_302 : vector<16xi32>
        %parallel_loop3A_304 = vector.shape_cast %parallel_loop3A_303 : vector<16xi32> to vector<16x1xi32>
        %parallel_loop3A_305 = vector.shape_cast %parallel_loop3A_304 : vector<16x1xi32> to vector<16xi32>
        %parallel_loop3A_306 = tpu.dynamic_gather %parallel_loop3A_300[%parallel_loop3A_305] in [0] : vector<16xf32>, vector<16xi32> -> vector<16xf32>
        %parallel_loop3A_307 = arith.addf %parallel_loop3A_300, %parallel_loop3A_306 : vector<16xf32>
        %parallel_loop3A_308 = vector.broadcast %scan3A_26 : f32 to vector<16xf32>
        %parallel_loop3A_309 = arith.mulf %parallel_loop3A_307, %parallel_loop3A_308 : vector<16xf32>
        %parallel_loop3A_310 = arith.mulf %parallel_loop3A_243, %parallel_loop3A_243 : vector<16xf32>
        %parallel_loop3A_311 = arith.mulf %parallel_loop3A_247, %parallel_loop3A_247 : vector<16xf32>
        %parallel_loop3A_312 = arith.mulf %parallel_loop3A_251, %parallel_loop3A_251 : vector<16xf32>
        %parallel_loop3A_313 = arith.mulf %parallel_loop3A_255, %parallel_loop3A_255 : vector<16xf32>
        %parallel_loop3A_314 = arith.mulf %parallel_loop3A_259, %parallel_loop3A_259 : vector<16xf32>
        %parallel_loop3A_315 = arith.mulf %parallel_loop3A_263, %parallel_loop3A_263 : vector<16xf32>
        %parallel_loop3A_316 = arith.mulf %parallel_loop3A_267, %parallel_loop3A_267 : vector<16xf32>
        %parallel_loop3A_317 = arith.mulf %parallel_loop3A_271, %parallel_loop3A_271 : vector<16xf32>
        %parallel_loop3A_318 = arith.addf %parallel_loop3A_310, %parallel_loop3A_311 : vector<16xf32>
        %parallel_loop3A_319 = arith.addf %parallel_loop3A_312, %parallel_loop3A_313 : vector<16xf32>
        %parallel_loop3A_320 = arith.addf %parallel_loop3A_314, %parallel_loop3A_315 : vector<16xf32>
        %parallel_loop3A_321 = arith.addf %parallel_loop3A_316, %parallel_loop3A_317 : vector<16xf32>
        %parallel_loop3A_322 = arith.addf %parallel_loop3A_318, %parallel_loop3A_319 : vector<16xf32>
        %parallel_loop3A_323 = arith.addf %parallel_loop3A_320, %parallel_loop3A_321 : vector<16xf32>
        %parallel_loop3A_324 = arith.addf %parallel_loop3A_322, %parallel_loop3A_323 : vector<16xf32>
        %parallel_loop3A_325 = tpu.iota {dimensions = array<i32: 0>} : vector<16xi32>
        %parallel_loop3A_326 = arith.constant 8 : i32
        %parallel_loop3A_327 = vector.broadcast %parallel_loop3A_326 : i32 to vector<16xi32>
        %parallel_loop3A_328 = arith.xori %parallel_loop3A_325, %parallel_loop3A_327 : vector<16xi32>
        %parallel_loop3A_329 = vector.shape_cast %parallel_loop3A_328 : vector<16xi32> to vector<16x1xi32>
        %parallel_loop3A_330 = vector.shape_cast %parallel_loop3A_329 : vector<16x1xi32> to vector<16xi32>
        %parallel_loop3A_331 = tpu.dynamic_gather %parallel_loop3A_324[%parallel_loop3A_330] in [0] : vector<16xf32>, vector<16xi32> -> vector<16xf32>
        %parallel_loop3A_332 = arith.addf %parallel_loop3A_324, %parallel_loop3A_331 : vector<16xf32>
        %parallel_loop3A_333 = arith.constant 4 : i32
        %parallel_loop3A_334 = vector.broadcast %parallel_loop3A_333 : i32 to vector<16xi32>
        %parallel_loop3A_335 = arith.xori %parallel_loop3A_325, %parallel_loop3A_334 : vector<16xi32>
        %parallel_loop3A_336 = vector.shape_cast %parallel_loop3A_335 : vector<16xi32> to vector<16x1xi32>
        %parallel_loop3A_337 = vector.shape_cast %parallel_loop3A_336 : vector<16x1xi32> to vector<16xi32>
        %parallel_loop3A_338 = tpu.dynamic_gather %parallel_loop3A_332[%parallel_loop3A_337] in [0] : vector<16xf32>, vector<16xi32> -> vector<16xf32>
        %parallel_loop3A_339 = arith.addf %parallel_loop3A_332, %parallel_loop3A_338 : vector<16xf32>
        %parallel_loop3A_340 = arith.constant 2 : i32
        %parallel_loop3A_341 = vector.broadcast %parallel_loop3A_340 : i32 to vector<16xi32>
        %parallel_loop3A_342 = arith.xori %parallel_loop3A_325, %parallel_loop3A_341 : vector<16xi32>
        %parallel_loop3A_343 = vector.shape_cast %parallel_loop3A_342 : vector<16xi32> to vector<16x1xi32>
        %parallel_loop3A_344 = vector.shape_cast %parallel_loop3A_343 : vector<16x1xi32> to vector<16xi32>
        %parallel_loop3A_345 = tpu.dynamic_gather %parallel_loop3A_339[%parallel_loop3A_344] in [0] : vector<16xf32>, vector<16xi32> -> vector<16xf32>
        %parallel_loop3A_346 = arith.addf %parallel_loop3A_339, %parallel_loop3A_345 : vector<16xf32>
        %parallel_loop3A_347 = arith.constant 1 : i32
        %parallel_loop3A_348 = vector.broadcast %parallel_loop3A_347 : i32 to vector<16xi32>
        %parallel_loop3A_349 = arith.xori %parallel_loop3A_325, %parallel_loop3A_348 : vector<16xi32>
        %parallel_loop3A_350 = vector.shape_cast %parallel_loop3A_349 : vector<16xi32> to vector<16x1xi32>
        %parallel_loop3A_351 = vector.shape_cast %parallel_loop3A_350 : vector<16x1xi32> to vector<16xi32>
        %parallel_loop3A_352 = tpu.dynamic_gather %parallel_loop3A_346[%parallel_loop3A_351] in [0] : vector<16xf32>, vector<16xi32> -> vector<16xf32>
        %parallel_loop3A_353 = arith.addf %parallel_loop3A_346, %parallel_loop3A_352 : vector<16xf32>
        %parallel_loop3A_354 = vector.broadcast %scan3A_26 : f32 to vector<16xf32>
        %parallel_loop3A_355 = arith.mulf %parallel_loop3A_353, %parallel_loop3A_354 : vector<16xf32>
        %parallel_loop3A_356 = arith.mulf %parallel_loop3A_309, %parallel_loop3A_309 : vector<16xf32>
        %parallel_loop3A_357 = arith.subf %parallel_loop3A_355, %parallel_loop3A_356 : vector<16xf32>
        %parallel_loop3A_358 = arith.constant 9.99999996E-13 : f32
        %parallel_loop3A_359 = vector.broadcast %parallel_loop3A_358 : f32 to vector<16xf32>
        %parallel_loop3A_360 = arith.addf %parallel_loop3A_357, %parallel_loop3A_359 : vector<16xf32>
        %parallel_loop3A_361 = tpu.bitcast %parallel_loop3A_360 : vector<16xf32> -> vector<16xi32>
        %parallel_loop3A_362 = arith.constant 1 : i32
        %parallel_loop3A_363 = vector.broadcast %parallel_loop3A_362 : i32 to vector<16xi32>
        %parallel_loop3A_364 = arith.shrsi %parallel_loop3A_361, %parallel_loop3A_363 : vector<16xi32>
        %parallel_loop3A_365 = arith.constant 1597463007 : i32
        %parallel_loop3A_366 = vector.broadcast %parallel_loop3A_365 : i32 to vector<16xi32>
        %parallel_loop3A_367 = arith.subi %parallel_loop3A_366, %parallel_loop3A_364 : vector<16xi32>
        %parallel_loop3A_368 = tpu.bitcast %parallel_loop3A_367 : vector<16xi32> -> vector<16xf32>
        %parallel_loop3A_369 = arith.constant 5.000000e-01 : f32
        %parallel_loop3A_370 = vector.broadcast %parallel_loop3A_369 : f32 to vector<16xf32>
        %parallel_loop3A_371 = arith.mulf %parallel_loop3A_370, %parallel_loop3A_360 : vector<16xf32>
        %parallel_loop3A_372 = arith.mulf %parallel_loop3A_371, %parallel_loop3A_368 : vector<16xf32>
        %parallel_loop3A_373 = arith.mulf %parallel_loop3A_372, %parallel_loop3A_368 : vector<16xf32>
        %parallel_loop3A_374 = arith.constant 1.500000e+00 : f32
        %parallel_loop3A_375 = vector.broadcast %parallel_loop3A_374 : f32 to vector<16xf32>
        %parallel_loop3A_376 = arith.subf %parallel_loop3A_375, %parallel_loop3A_373 : vector<16xf32>
        %parallel_loop3A_377 = arith.mulf %parallel_loop3A_368, %parallel_loop3A_376 : vector<16xf32>
        %parallel_loop3A_378 = arith.constant 5.000000e-01 : f32
        %parallel_loop3A_379 = vector.broadcast %parallel_loop3A_378 : f32 to vector<16xf32>
        %parallel_loop3A_380 = arith.mulf %parallel_loop3A_379, %parallel_loop3A_360 : vector<16xf32>
        %parallel_loop3A_381 = arith.mulf %parallel_loop3A_380, %parallel_loop3A_377 : vector<16xf32>
        %parallel_loop3A_382 = arith.mulf %parallel_loop3A_381, %parallel_loop3A_377 : vector<16xf32>
        %parallel_loop3A_383 = arith.constant 1.500000e+00 : f32
        %parallel_loop3A_384 = vector.broadcast %parallel_loop3A_383 : f32 to vector<16xf32>
        %parallel_loop3A_385 = arith.subf %parallel_loop3A_384, %parallel_loop3A_382 : vector<16xf32>
        %parallel_loop3A_386 = arith.mulf %parallel_loop3A_377, %parallel_loop3A_385 : vector<16xf32>
        %parallel_loop3A_387 = arith.subf %parallel_loop3A_243, %parallel_loop3A_309 : vector<16xf32>
        %parallel_loop3A_388 = arith.mulf %parallel_loop3A_387, %parallel_loop3A_386 : vector<16xf32>
        %parallel_loop3A_389 = arith.constant 0 : i32
        %parallel_loop3A_390 = arith.index_cast %parallel_loop3A_389 : i32 to index
        %parallel_loop3A_391 = arith.constant 0 : index
        %parallel_loop3A_392 = tpu.vector_load %arg9[%parallel_loop3A_390, %parallel_loop3A_391] {strides = array<i32>} : memref<2x128xf32, #tpu.memory_space<vmem>>, vector<1x16xf32>,
        %parallel_loop3A_393 = vector.shape_cast %parallel_loop3A_392 : vector<1x16xf32> to vector<16xf32>
        %parallel_loop3A_394 = arith.mulf %parallel_loop3A_388, %parallel_loop3A_393 : vector<16xf32>
        %parallel_loop3A_395 = arith.constant 1 : i32
        %parallel_loop3A_396 = arith.index_cast %parallel_loop3A_395 : i32 to index
        %parallel_loop3A_397 = arith.constant 0 : index
        %parallel_loop3A_398 = tpu.vector_load %arg9[%parallel_loop3A_396, %parallel_loop3A_397] {strides = array<i32>} : memref<2x128xf32, #tpu.memory_space<vmem>>, vector<1x16xf32>,
        %parallel_loop3A_399 = vector.shape_cast %parallel_loop3A_398 : vector<1x16xf32> to vector<16xf32>
        %parallel_loop3A_400 = arith.addf %parallel_loop3A_394, %parallel_loop3A_399 : vector<16xf32>
        %parallel_loop3A_401 = arith.index_cast %parallel_loop3A_239 : i32 to index
        %parallel_loop3A_402 = arith.constant 0 : index
        %parallel_loop3A_403 = tpu.vector_load %arg13[%parallel_loop3A_401, %parallel_loop3A_402] {strides = array<i32>} : memref<80x128xf32, #tpu.memory_space<vmem>>, vector<1x16xf32>,
        %parallel_loop3A_404 = vector.shape_cast %parallel_loop3A_403 : vector<1x16xf32> to vector<16xf32>
        %parallel_loop3A_405 = vector.shape_cast %parallel_loop3A_400 : vector<16xf32> to vector<1x16xf32>
        tpu.vector_store %arg13[%parallel_loop3A_401, %parallel_loop3A_402], %parallel_loop3A_405 {strides = array<i32>} : memref<80x128xf32, #tpu.memory_space<vmem>>, vector<1x16xf32>,
        %parallel_loop3A_406 = arith.subf %parallel_loop3A_247, %parallel_loop3A_309 : vector<16xf32>
        %parallel_loop3A_407 = arith.mulf %parallel_loop3A_406, %parallel_loop3A_386 : vector<16xf32>
        %parallel_loop3A_408 = arith.constant 0 : i32
        %parallel_loop3A_409 = arith.index_cast %parallel_loop3A_408 : i32 to index
        %parallel_loop3A_410 = arith.constant 16 : index
        %parallel_loop3A_411 = tpu.vector_load %arg9[%parallel_loop3A_409, %parallel_loop3A_410] {strides = array<i32>} : memref<2x128xf32, #tpu.memory_space<vmem>>, vector<1x16xf32>,
        %parallel_loop3A_412 = vector.shape_cast %parallel_loop3A_411 : vector<1x16xf32> to vector<16xf32>
        %parallel_loop3A_413 = arith.mulf %parallel_loop3A_407, %parallel_loop3A_412 : vector<16xf32>
        %parallel_loop3A_414 = arith.constant 1 : i32
        %parallel_loop3A_415 = arith.index_cast %parallel_loop3A_414 : i32 to index
        %parallel_loop3A_416 = arith.constant 16 : index
        %parallel_loop3A_417 = tpu.vector_load %arg9[%parallel_loop3A_415, %parallel_loop3A_416] {strides = array<i32>} : memref<2x128xf32, #tpu.memory_space<vmem>>, vector<1x16xf32>,
        %parallel_loop3A_418 = vector.shape_cast %parallel_loop3A_417 : vector<1x16xf32> to vector<16xf32>
        %parallel_loop3A_419 = arith.addf %parallel_loop3A_413, %parallel_loop3A_418 : vector<16xf32>
        %parallel_loop3A_420 = arith.index_cast %parallel_loop3A_239 : i32 to index
        %parallel_loop3A_421 = arith.constant 16 : index
        %parallel_loop3A_422 = tpu.vector_load %arg13[%parallel_loop3A_420, %parallel_loop3A_421] {strides = array<i32>} : memref<80x128xf32, #tpu.memory_space<vmem>>, vector<1x16xf32>,
        %parallel_loop3A_423 = vector.shape_cast %parallel_loop3A_422 : vector<1x16xf32> to vector<16xf32>
        %parallel_loop3A_424 = vector.shape_cast %parallel_loop3A_419 : vector<16xf32> to vector<1x16xf32>
        tpu.vector_store %arg13[%parallel_loop3A_420, %parallel_loop3A_421], %parallel_loop3A_424 {strides = array<i32>} : memref<80x128xf32, #tpu.memory_space<vmem>>, vector<1x16xf32>,
        %parallel_loop3A_425 = arith.subf %parallel_loop3A_251, %parallel_loop3A_309 : vector<16xf32>
        %parallel_loop3A_426 = arith.mulf %parallel_loop3A_425, %parallel_loop3A_386 : vector<16xf32>
        %parallel_loop3A_427 = arith.constant 0 : i32
        %parallel_loop3A_428 = arith.index_cast %parallel_loop3A_427 : i32 to index
        %parallel_loop3A_429 = arith.constant 32 : index
        %parallel_loop3A_430 = tpu.vector_load %arg9[%parallel_loop3A_428, %parallel_loop3A_429] {strides = array<i32>} : memref<2x128xf32, #tpu.memory_space<vmem>>, vector<1x16xf32>,
        %parallel_loop3A_431 = vector.shape_cast %parallel_loop3A_430 : vector<1x16xf32> to vector<16xf32>
        %parallel_loop3A_432 = arith.mulf %parallel_loop3A_426, %parallel_loop3A_431 : vector<16xf32>
        %parallel_loop3A_433 = arith.constant 1 : i32
        %parallel_loop3A_434 = arith.index_cast %parallel_loop3A_433 : i32 to index
        %parallel_loop3A_435 = arith.constant 32 : index
        %parallel_loop3A_436 = tpu.vector_load %arg9[%parallel_loop3A_434, %parallel_loop3A_435] {strides = array<i32>} : memref<2x128xf32, #tpu.memory_space<vmem>>, vector<1x16xf32>,
        %parallel_loop3A_437 = vector.shape_cast %parallel_loop3A_436 : vector<1x16xf32> to vector<16xf32>
        %parallel_loop3A_438 = arith.addf %parallel_loop3A_432, %parallel_loop3A_437 : vector<16xf32>
        %parallel_loop3A_439 = arith.index_cast %parallel_loop3A_239 : i32 to index
        %parallel_loop3A_440 = arith.constant 32 : index
        %parallel_loop3A_441 = tpu.vector_load %arg13[%parallel_loop3A_439, %parallel_loop3A_440] {strides = array<i32>} : memref<80x128xf32, #tpu.memory_space<vmem>>, vector<1x16xf32>,
        %parallel_loop3A_442 = vector.shape_cast %parallel_loop3A_441 : vector<1x16xf32> to vector<16xf32>
        %parallel_loop3A_443 = vector.shape_cast %parallel_loop3A_438 : vector<16xf32> to vector<1x16xf32>
        tpu.vector_store %arg13[%parallel_loop3A_439, %parallel_loop3A_440], %parallel_loop3A_443 {strides = array<i32>} : memref<80x128xf32, #tpu.memory_space<vmem>>, vector<1x16xf32>,
        %parallel_loop3A_444 = arith.subf %parallel_loop3A_255, %parallel_loop3A_309 : vector<16xf32>
        %parallel_loop3A_445 = arith.mulf %parallel_loop3A_444, %parallel_loop3A_386 : vector<16xf32>
        %parallel_loop3A_446 = arith.constant 0 : i32
        %parallel_loop3A_447 = arith.index_cast %parallel_loop3A_446 : i32 to index
        %parallel_loop3A_448 = arith.constant 48 : index
        %parallel_loop3A_449 = tpu.vector_load %arg9[%parallel_loop3A_447, %parallel_loop3A_448] {strides = array<i32>} : memref<2x128xf32, #tpu.memory_space<vmem>>, vector<1x16xf32>,
        %parallel_loop3A_450 = vector.shape_cast %parallel_loop3A_449 : vector<1x16xf32> to vector<16xf32>
        %parallel_loop3A_451 = arith.mulf %parallel_loop3A_445, %parallel_loop3A_450 : vector<16xf32>
        %parallel_loop3A_452 = arith.constant 1 : i32
        %parallel_loop3A_453 = arith.index_cast %parallel_loop3A_452 : i32 to index
        %parallel_loop3A_454 = arith.constant 48 : index
        %parallel_loop3A_455 = tpu.vector_load %arg9[%parallel_loop3A_453, %parallel_loop3A_454] {strides = array<i32>} : memref<2x128xf32, #tpu.memory_space<vmem>>, vector<1x16xf32>,
        %parallel_loop3A_456 = vector.shape_cast %parallel_loop3A_455 : vector<1x16xf32> to vector<16xf32>
        %parallel_loop3A_457 = arith.addf %parallel_loop3A_451, %parallel_loop3A_456 : vector<16xf32>
        %parallel_loop3A_458 = arith.index_cast %parallel_loop3A_239 : i32 to index
        %parallel_loop3A_459 = arith.constant 48 : index
        %parallel_loop3A_460 = tpu.vector_load %arg13[%parallel_loop3A_458, %parallel_loop3A_459] {strides = array<i32>} : memref<80x128xf32, #tpu.memory_space<vmem>>, vector<1x16xf32>,
        %parallel_loop3A_461 = vector.shape_cast %parallel_loop3A_460 : vector<1x16xf32> to vector<16xf32>
        %parallel_loop3A_462 = vector.shape_cast %parallel_loop3A_457 : vector<16xf32> to vector<1x16xf32>
        tpu.vector_store %arg13[%parallel_loop3A_458, %parallel_loop3A_459], %parallel_loop3A_462 {strides = array<i32>} : memref<80x128xf32, #tpu.memory_space<vmem>>, vector<1x16xf32>,
        %parallel_loop3A_463 = arith.subf %parallel_loop3A_259, %parallel_loop3A_309 : vector<16xf32>
        %parallel_loop3A_464 = arith.mulf %parallel_loop3A_463, %parallel_loop3A_386 : vector<16xf32>
        %parallel_loop3A_465 = arith.constant 0 : i32
        %parallel_loop3A_466 = arith.index_cast %parallel_loop3A_465 : i32 to index
        %parallel_loop3A_467 = arith.constant 64 : index
        %parallel_loop3A_468 = tpu.vector_load %arg9[%parallel_loop3A_466, %parallel_loop3A_467] {strides = array<i32>} : memref<2x128xf32, #tpu.memory_space<vmem>>, vector<1x16xf32>,
        %parallel_loop3A_469 = vector.shape_cast %parallel_loop3A_468 : vector<1x16xf32> to vector<16xf32>
        %parallel_loop3A_470 = arith.mulf %parallel_loop3A_464, %parallel_loop3A_469 : vector<16xf32>
        %parallel_loop3A_471 = arith.constant 1 : i32
        %parallel_loop3A_472 = arith.index_cast %parallel_loop3A_471 : i32 to index
        %parallel_loop3A_473 = arith.constant 64 : index
        %parallel_loop3A_474 = tpu.vector_load %arg9[%parallel_loop3A_472, %parallel_loop3A_473] {strides = array<i32>} : memref<2x128xf32, #tpu.memory_space<vmem>>, vector<1x16xf32>,
        %parallel_loop3A_475 = vector.shape_cast %parallel_loop3A_474 : vector<1x16xf32> to vector<16xf32>
        %parallel_loop3A_476 = arith.addf %parallel_loop3A_470, %parallel_loop3A_475 : vector<16xf32>
        %parallel_loop3A_477 = arith.index_cast %parallel_loop3A_239 : i32 to index
        %parallel_loop3A_478 = arith.constant 64 : index
        %parallel_loop3A_479 = tpu.vector_load %arg13[%parallel_loop3A_477, %parallel_loop3A_478] {strides = array<i32>} : memref<80x128xf32, #tpu.memory_space<vmem>>, vector<1x16xf32>,
        %parallel_loop3A_480 = vector.shape_cast %parallel_loop3A_479 : vector<1x16xf32> to vector<16xf32>
        %parallel_loop3A_481 = vector.shape_cast %parallel_loop3A_476 : vector<16xf32> to vector<1x16xf32>
        tpu.vector_store %arg13[%parallel_loop3A_477, %parallel_loop3A_478], %parallel_loop3A_481 {strides = array<i32>} : memref<80x128xf32, #tpu.memory_space<vmem>>, vector<1x16xf32>,
        %parallel_loop3A_482 = arith.subf %parallel_loop3A_263, %parallel_loop3A_309 : vector<16xf32>
        %parallel_loop3A_483 = arith.mulf %parallel_loop3A_482, %parallel_loop3A_386 : vector<16xf32>
        %parallel_loop3A_484 = arith.constant 0 : i32
        %parallel_loop3A_485 = arith.index_cast %parallel_loop3A_484 : i32 to index
        %parallel_loop3A_486 = arith.constant 80 : index
        %parallel_loop3A_487 = tpu.vector_load %arg9[%parallel_loop3A_485, %parallel_loop3A_486] {strides = array<i32>} : memref<2x128xf32, #tpu.memory_space<vmem>>, vector<1x16xf32>,
        %parallel_loop3A_488 = vector.shape_cast %parallel_loop3A_487 : vector<1x16xf32> to vector<16xf32>
        %parallel_loop3A_489 = arith.mulf %parallel_loop3A_483, %parallel_loop3A_488 : vector<16xf32>
        %parallel_loop3A_490 = arith.constant 1 : i32
        %parallel_loop3A_491 = arith.index_cast %parallel_loop3A_490 : i32 to index
        %parallel_loop3A_492 = arith.constant 80 : index
        %parallel_loop3A_493 = tpu.vector_load %arg9[%parallel_loop3A_491, %parallel_loop3A_492] {strides = array<i32>} : memref<2x128xf32, #tpu.memory_space<vmem>>, vector<1x16xf32>,
        %parallel_loop3A_494 = vector.shape_cast %parallel_loop3A_493 : vector<1x16xf32> to vector<16xf32>
        %parallel_loop3A_495 = arith.addf %parallel_loop3A_489, %parallel_loop3A_494 : vector<16xf32>
        %parallel_loop3A_496 = arith.index_cast %parallel_loop3A_239 : i32 to index
        %parallel_loop3A_497 = arith.constant 80 : index
        %parallel_loop3A_498 = tpu.vector_load %arg13[%parallel_loop3A_496, %parallel_loop3A_497] {strides = array<i32>} : memref<80x128xf32, #tpu.memory_space<vmem>>, vector<1x16xf32>,
        %parallel_loop3A_499 = vector.shape_cast %parallel_loop3A_498 : vector<1x16xf32> to vector<16xf32>
        %parallel_loop3A_500 = vector.shape_cast %parallel_loop3A_495 : vector<16xf32> to vector<1x16xf32>
        tpu.vector_store %arg13[%parallel_loop3A_496, %parallel_loop3A_497], %parallel_loop3A_500 {strides = array<i32>} : memref<80x128xf32, #tpu.memory_space<vmem>>, vector<1x16xf32>,
        %parallel_loop3A_501 = arith.subf %parallel_loop3A_267, %parallel_loop3A_309 : vector<16xf32>
        %parallel_loop3A_502 = arith.mulf %parallel_loop3A_501, %parallel_loop3A_386 : vector<16xf32>
        %parallel_loop3A_503 = arith.constant 0 : i32
        %parallel_loop3A_504 = arith.index_cast %parallel_loop3A_503 : i32 to index
        %parallel_loop3A_505 = arith.constant 96 : index
        %parallel_loop3A_506 = tpu.vector_load %arg9[%parallel_loop3A_504, %parallel_loop3A_505] {strides = array<i32>} : memref<2x128xf32, #tpu.memory_space<vmem>>, vector<1x16xf32>,
        %parallel_loop3A_507 = vector.shape_cast %parallel_loop3A_506 : vector<1x16xf32> to vector<16xf32>
        %parallel_loop3A_508 = arith.mulf %parallel_loop3A_502, %parallel_loop3A_507 : vector<16xf32>
        %parallel_loop3A_509 = arith.constant 1 : i32
        %parallel_loop3A_510 = arith.index_cast %parallel_loop3A_509 : i32 to index
        %parallel_loop3A_511 = arith.constant 96 : index
        %parallel_loop3A_512 = tpu.vector_load %arg9[%parallel_loop3A_510, %parallel_loop3A_511] {strides = array<i32>} : memref<2x128xf32, #tpu.memory_space<vmem>>, vector<1x16xf32>,
        %parallel_loop3A_513 = vector.shape_cast %parallel_loop3A_512 : vector<1x16xf32> to vector<16xf32>
        %parallel_loop3A_514 = arith.addf %parallel_loop3A_508, %parallel_loop3A_513 : vector<16xf32>
        %parallel_loop3A_515 = arith.index_cast %parallel_loop3A_239 : i32 to index
        %parallel_loop3A_516 = arith.constant 96 : index
        %parallel_loop3A_517 = tpu.vector_load %arg13[%parallel_loop3A_515, %parallel_loop3A_516] {strides = array<i32>} : memref<80x128xf32, #tpu.memory_space<vmem>>, vector<1x16xf32>,
        %parallel_loop3A_518 = vector.shape_cast %parallel_loop3A_517 : vector<1x16xf32> to vector<16xf32>
        %parallel_loop3A_519 = vector.shape_cast %parallel_loop3A_514 : vector<16xf32> to vector<1x16xf32>
        tpu.vector_store %arg13[%parallel_loop3A_515, %parallel_loop3A_516], %parallel_loop3A_519 {strides = array<i32>} : memref<80x128xf32, #tpu.memory_space<vmem>>, vector<1x16xf32>,
        %parallel_loop3A_520 = arith.subf %parallel_loop3A_271, %parallel_loop3A_309 : vector<16xf32>
        %parallel_loop3A_521 = arith.mulf %parallel_loop3A_520, %parallel_loop3A_386 : vector<16xf32>
        %parallel_loop3A_522 = arith.constant 0 : i32
        %parallel_loop3A_523 = arith.index_cast %parallel_loop3A_522 : i32 to index
        %parallel_loop3A_524 = arith.constant 112 : index
        %parallel_loop3A_525 = tpu.vector_load %arg9[%parallel_loop3A_523, %parallel_loop3A_524] {strides = array<i32>} : memref<2x128xf32, #tpu.memory_space<vmem>>, vector<1x16xf32>,
        %parallel_loop3A_526 = vector.shape_cast %parallel_loop3A_525 : vector<1x16xf32> to vector<16xf32>
        %parallel_loop3A_527 = arith.mulf %parallel_loop3A_521, %parallel_loop3A_526 : vector<16xf32>
        %parallel_loop3A_528 = arith.constant 1 : i32
        %parallel_loop3A_529 = arith.index_cast %parallel_loop3A_528 : i32 to index
        %parallel_loop3A_530 = arith.constant 112 : index
        %parallel_loop3A_531 = tpu.vector_load %arg9[%parallel_loop3A_529, %parallel_loop3A_530] {strides = array<i32>} : memref<2x128xf32, #tpu.memory_space<vmem>>, vector<1x16xf32>,
        %parallel_loop3A_532 = vector.shape_cast %parallel_loop3A_531 : vector<1x16xf32> to vector<16xf32>
        %parallel_loop3A_533 = arith.addf %parallel_loop3A_527, %parallel_loop3A_532 : vector<16xf32>
        %parallel_loop3A_534 = arith.index_cast %parallel_loop3A_239 : i32 to index
        %parallel_loop3A_535 = arith.constant 112 : index
        %parallel_loop3A_536 = tpu.vector_load %arg13[%parallel_loop3A_534, %parallel_loop3A_535] {strides = array<i32>} : memref<80x128xf32, #tpu.memory_space<vmem>>, vector<1x16xf32>,
        %parallel_loop3A_537 = vector.shape_cast %parallel_loop3A_536 : vector<1x16xf32> to vector<16xf32>
        %parallel_loop3A_538 = vector.shape_cast %parallel_loop3A_533 : vector<16xf32> to vector<1x16xf32>
        tpu.vector_store %arg13[%parallel_loop3A_534, %parallel_loop3A_535], %parallel_loop3A_538 {strides = array<i32>} : memref<80x128xf32, #tpu.memory_space<vmem>>, vector<1x16xf32>,
      } {sc.loop_unroll_factor = 1 : i64, sc.parallel_access}
      %mul3A_187 = arith.constant 6400 : i32
      %mul3A_188 = arith.muli %add3A, %mul3A_187 : i32
      %mul3A_189 = arith.constant 80 : i32
      %mul3A_190 = arith.muli %add3A_170, %mul3A_189 : i32
      %add3A_191 = arith.addi %mul3A_188, %mul3A_190 : i32
      %dma_start3A_192 = arith.constant 0 : i32
      %dma_start3A_193 = tpu.memref_slice %arg7[%add3A_191, %dma_start3A_192] : memref<204800x128xf32, #tpu.memory_space<hbm>> -> memref<80x128xf32, #tpu.memory_space<hbm>>
      %dma_start3A_194 = arith.constant 0 : i32
      %dma_start3A_195 = tpu.memref_slice %arg7[%add3A_191, %dma_start3A_194] : memref<204800x128xf32, #tpu.memory_space<hbm>> -> memref<80x128xf32, #tpu.memory_space<hbm>>
      tpu.enqueue_dma source(%arg13 : memref<80x128xf32, #tpu.memory_space<vmem>>) target(%dma_start3A_195 : memref<80x128xf32, #tpu.memory_space<hbm>>) target_semaphore(%arg18 : memref<!tpu.dma_semaphore, #tpu.memory_space<semaphore_mem>>)
      %add3A_196 = arith.constant 2 : i32
      %add3A_197 = arith.addi %add3A_170, %add3A_196 : i32
      %lt3A_198 = arith.constant 80 : i32
      %lt3A_199 = arith.cmpi slt, %add3A_197, %lt3A_198 : i32
      %convert_element_type3A_200 = arith.extui %lt3A_199 : i1 to i32
      %cond3A_201 = arith.constant 0 : i32
      %cond3A_202 = arith.cmpi ne, %convert_element_type3A_200, %cond3A_201 : i32
      scf.if %cond3A_202 {
        %ge3A = arith.constant 3 : i32
        %ge3A_239 = arith.cmpi sge, %add3A_170, %ge3A : i32
        %convert_element_type3A_240 = arith.extui %ge3A_239 : i1 to i32
        %cond3A_241 = arith.constant 0 : i32
        %cond3A_242 = arith.cmpi ne, %convert_element_type3A_240, %cond3A_241 : i32
        scf.if %cond3A_242 {
          %dma_wait3A_253 = arith.constant 0 : i32
          %dma_wait3A_254 = arith.constant 0 : i32
          %dma_wait3A_255 = tpu.memref_slice %arg7[%dma_wait3A_253, %dma_wait3A_254] : memref<204800x128xf32, #tpu.memory_space<hbm>> -> memref<80x128xf32, #tpu.memory_space<hbm>>
          %dma_wait3A_256 = arith.constant 0 : i32
          %dma_wait3A_257 = arith.constant 0 : i32
          %dma_wait3A_258 = tpu.memref_slice %arg7[%dma_wait3A_256, %dma_wait3A_257] : memref<204800x128xf32, #tpu.memory_space<hbm>> -> memref<80x128xf32, #tpu.memory_space<hbm>>
          tpu.wait_dma2 semaphore(%arg15 : memref<!tpu.dma_semaphore, #tpu.memory_space<semaphore_mem>>) src(%arg10 : memref<80x128xf32, #tpu.memory_space<vmem>>) dst(%dma_wait3A_258 : memref<80x128xf32, #tpu.memory_space<hbm>>)
        } else {
        }
        %add3A_243 = arith.constant 2 : i32
        %add3A_244 = arith.addi %add3A_170, %add3A_243 : i32
        %mul3A_245 = arith.constant 80 : i32
        %mul3A_246 = arith.muli %add3A_244, %mul3A_245 : i32
        %rem3A_247 = arith.constant 200 : i32
        %rem3A_248 = arith.remsi %mul3A_246, %rem3A_247 : i32
        %dma_start3A_249 = arith.constant 0 : i32
        %dma_start3A_250 = tpu.memref_slice %arg4[%rem3A_248, %dma_start3A_249] : memref<240x128xf32, #tpu.memory_space<hbm>> -> memref<80x128xf32, #tpu.memory_space<hbm>>
        %dma_start3A_251 = arith.constant 0 : i32
        %dma_start3A_252 = tpu.memref_slice %arg4[%rem3A_248, %dma_start3A_251] : memref<240x128xf32, #tpu.memory_space<hbm>> -> memref<80x128xf32, #tpu.memory_space<hbm>>
        tpu.enqueue_dma source(%dma_start3A_252 : memref<80x128xf32, #tpu.memory_space<hbm>>) target(%arg10 : memref<80x128xf32, #tpu.memory_space<vmem>>) target_semaphore(%arg15 : memref<!tpu.dma_semaphore, #tpu.memory_space<semaphore_mem>>)
      } else {
      }
      %mul3A_203 = arith.constant 5 : i32
      %mul3A_204 = arith.muli %scan3A_62, %mul3A_203 : i32
      %add3A_205 = arith.constant 4 : i32
      %add3A_206 = arith.addi %mul3A_204, %add3A_205 : i32
      %add3A_207 = arith.constant 1 : i32
      %add3A_208 = arith.addi %add3A_206, %add3A_207 : i32
      %lt3A_209 = arith.constant 80 : i32
      %lt3A_210 = arith.cmpi slt, %add3A_208, %lt3A_209 : i32
      %convert_element_type3A_211 = arith.extui %lt3A_210 : i1 to i32
      %cond3A_212 = arith.constant 0 : i32
      %cond3A_213 = arith.cmpi ne, %convert_element_type3A_211, %cond3A_212 : i32
      scf.if %cond3A_213 {
        %dma_wait3A_239 = arith.constant 0 : i32
        %dma_wait3A_240 = arith.constant 0 : i32
        %dma_wait3A_241 = tpu.memref_slice %arg4[%dma_wait3A_239, %dma_wait3A_240] : memref<240x128xf32, #tpu.memory_space<hbm>> -> memref<80x128xf32, #tpu.memory_space<hbm>>
        %dma_wait3A_242 = arith.constant 0 : i32
        %dma_wait3A_243 = arith.constant 0 : i32
        %dma_wait3A_244 = tpu.memref_slice %arg4[%dma_wait3A_242, %dma_wait3A_243] : memref<240x128xf32, #tpu.memory_space<hbm>> -> memref<80x128xf32, #tpu.memory_space<hbm>>
        tpu.wait_dma2 semaphore(%arg15 : memref<!tpu.dma_semaphore, #tpu.memory_space<semaphore_mem>>) src(%dma_wait3A_244 : memref<80x128xf32, #tpu.memory_space<hbm>>) dst(%arg10 : memref<80x128xf32, #tpu.memory_space<vmem>>)
        %add3A_245 = arith.constant 1 : i32
        %add3A_246 = arith.addi %add3A_206, %add3A_245 : i32
        %mul3A_247 = arith.constant 80 : i32
        %mul3A_248 = arith.muli %add3A_246, %mul3A_247 : i32
        %dma_start3A_249 = tpu.memref_slice %arg8[%mul3A_248] : memref<6400xi32, #tpu.memory_space<vmem>> -> memref<80xi32, #tpu.memory_space<vmem>>
        %dma_start3A_250 = arith.constant 0 : i32
        %dma_start3A_251 = arith.constant 0 : i32
        %dma_start3A_252 = tpu.memref_slice %arg3[%dma_start3A_250, %dma_start3A_251] : memref<100000x128xf32, #tpu.memory_space<hbm>> -> memref<100000x128xf32, #tpu.memory_space<hbm>>
        tpu.enqueue_indirect_dma source(%dma_start3A_252 : memref<100000x128xf32, #tpu.memory_space<hbm>>) target(%arg10 : memref<80x128xf32, #tpu.memory_space<vmem>>) offsets(%dma_start3A_249 : memref<80xi32, #tpu.memory_space<vmem>>) semaphore(%arg15 : memref<!tpu.dma_semaphore, #tpu.memory_space<semaphore_mem>>) {add = true}
      } else {
      }
      %mul3A_214 = arith.constant 80 : i32
      %mul3A_215 = arith.muli %add3A_206, %mul3A_214 : i32
      %dma_wait3A_216 = tpu.memref_slice %arg8[%mul3A_215] : memref<6400xi32, #tpu.memory_space<vmem>> -> memref<80xi32, #tpu.memory_space<vmem>>
      %dma_wait3A_217 = arith.constant 0 : i32
      %dma_wait3A_218 = arith.constant 0 : i32
      %dma_wait3A_219 = tpu.memref_slice %arg3[%dma_wait3A_217, %dma_wait3A_218] : memref<100000x128xf32, #tpu.memory_space<hbm>> -> memref<100000x128xf32, #tpu.memory_space<hbm>>
      tpu.wait_indirect_dma semaphore(%arg19 : memref<!tpu.dma_semaphore, #tpu.memory_space<semaphore_mem>>) src(%dma_wait3A_219 : memref<100000x128xf32, #tpu.memory_space<hbm>>) dst(%arg14 : memref<80x128xf32, #tpu.memory_space<vmem>>)
      %parallel_loop3A_220 = arith.constant 0 : i32
      %parallel_loop3A_221 = arith.constant 80 : i32
      %parallel_loop3A_222 = arith.constant 1 : i32
      scf.for %parallel_loop3A_239 = %parallel_loop3A_220 to %parallel_loop3A_221 step %parallel_loop3A_222  : i32 {
        %parallel_loop3A_240 = arith.index_cast %parallel_loop3A_239 : i32 to index
        %parallel_loop3A_241 = arith.constant 0 : index
        %parallel_loop3A_242 = tpu.vector_load %arg14[%parallel_loop3A_240, %parallel_loop3A_241] {strides = array<i32>} : memref<80x128xf32, #tpu.memory_space<vmem>>, vector<1x16xf32>,
        %parallel_loop3A_243 = vector.shape_cast %parallel_loop3A_242 : vector<1x16xf32> to vector<16xf32>
        %parallel_loop3A_244 = arith.index_cast %parallel_loop3A_239 : i32 to index
        %parallel_loop3A_245 = arith.constant 16 : index
        %parallel_loop3A_246 = tpu.vector_load %arg14[%parallel_loop3A_244, %parallel_loop3A_245] {strides = array<i32>} : memref<80x128xf32, #tpu.memory_space<vmem>>, vector<1x16xf32>,
        %parallel_loop3A_247 = vector.shape_cast %parallel_loop3A_246 : vector<1x16xf32> to vector<16xf32>
        %parallel_loop3A_248 = arith.index_cast %parallel_loop3A_239 : i32 to index
        %parallel_loop3A_249 = arith.constant 32 : index
        %parallel_loop3A_250 = tpu.vector_load %arg14[%parallel_loop3A_248, %parallel_loop3A_249] {strides = array<i32>} : memref<80x128xf32, #tpu.memory_space<vmem>>, vector<1x16xf32>,
        %parallel_loop3A_251 = vector.shape_cast %parallel_loop3A_250 : vector<1x16xf32> to vector<16xf32>
        %parallel_loop3A_252 = arith.index_cast %parallel_loop3A_239 : i32 to index
        %parallel_loop3A_253 = arith.constant 48 : index
        %parallel_loop3A_254 = tpu.vector_load %arg14[%parallel_loop3A_252, %parallel_loop3A_253] {strides = array<i32>} : memref<80x128xf32, #tpu.memory_space<vmem>>, vector<1x16xf32>,
        %parallel_loop3A_255 = vector.shape_cast %parallel_loop3A_254 : vector<1x16xf32> to vector<16xf32>
        %parallel_loop3A_256 = arith.index_cast %parallel_loop3A_239 : i32 to index
        %parallel_loop3A_257 = arith.constant 64 : index
        %parallel_loop3A_258 = tpu.vector_load %arg14[%parallel_loop3A_256, %parallel_loop3A_257] {strides = array<i32>} : memref<80x128xf32, #tpu.memory_space<vmem>>, vector<1x16xf32>,
        %parallel_loop3A_259 = vector.shape_cast %parallel_loop3A_258 : vector<1x16xf32> to vector<16xf32>
        %parallel_loop3A_260 = arith.index_cast %parallel_loop3A_239 : i32 to index
        %parallel_loop3A_261 = arith.constant 80 : index
        %parallel_loop3A_262 = tpu.vector_load %arg14[%parallel_loop3A_260, %parallel_loop3A_261] {strides = array<i32>} : memref<80x128xf32, #tpu.memory_space<vmem>>, vector<1x16xf32>,
        %parallel_loop3A_263 = vector.shape_cast %parallel_loop3A_262 : vector<1x16xf32> to vector<16xf32>
        %parallel_loop3A_264 = arith.index_cast %parallel_loop3A_239 : i32 to index
        %parallel_loop3A_265 = arith.constant 96 : index
        %parallel_loop3A_266 = tpu.vector_load %arg14[%parallel_loop3A_264, %parallel_loop3A_265] {strides = array<i32>} : memref<80x128xf32, #tpu.memory_space<vmem>>, vector<1x16xf32>,
        %parallel_loop3A_267 = vector.shape_cast %parallel_loop3A_266 : vector<1x16xf32> to vector<16xf32>
        %parallel_loop3A_268 = arith.index_cast %parallel_loop3A_239 : i32 to index
        %parallel_loop3A_269 = arith.constant 112 : index
        %parallel_loop3A_270 = tpu.vector_load %arg14[%parallel_loop3A_268, %parallel_loop3A_269] {strides = array<i32>} : memref<80x128xf32, #tpu.memory_space<vmem>>, vector<1x16xf32>,
        %parallel_loop3A_271 = vector.shape_cast %parallel_loop3A_270 : vector<1x16xf32> to vector<16xf32>
        %parallel_loop3A_272 = arith.addf %parallel_loop3A_243, %parallel_loop3A_247 : vector<16xf32>
        %parallel_loop3A_273 = arith.addf %parallel_loop3A_251, %parallel_loop3A_255 : vector<16xf32>
        %parallel_loop3A_274 = arith.addf %parallel_loop3A_259, %parallel_loop3A_263 : vector<16xf32>
        %parallel_loop3A_275 = arith.addf %parallel_loop3A_267, %parallel_loop3A_271 : vector<16xf32>
        %parallel_loop3A_276 = arith.addf %parallel_loop3A_272, %parallel_loop3A_273 : vector<16xf32>
        %parallel_loop3A_277 = arith.addf %parallel_loop3A_274, %parallel_loop3A_275 : vector<16xf32>
        %parallel_loop3A_278 = arith.addf %parallel_loop3A_276, %parallel_loop3A_277 : vector<16xf32>
        %parallel_loop3A_279 = tpu.iota {dimensions = array<i32: 0>} : vector<16xi32>
        %parallel_loop3A_280 = arith.constant 8 : i32
        %parallel_loop3A_281 = vector.broadcast %parallel_loop3A_280 : i32 to vector<16xi32>
        %parallel_loop3A_282 = arith.xori %parallel_loop3A_279, %parallel_loop3A_281 : vector<16xi32>
        %parallel_loop3A_283 = vector.shape_cast %parallel_loop3A_282 : vector<16xi32> to vector<16x1xi32>
        %parallel_loop3A_284 = vector.shape_cast %parallel_loop3A_283 : vector<16x1xi32> to vector<16xi32>
        %parallel_loop3A_285 = tpu.dynamic_gather %parallel_loop3A_278[%parallel_loop3A_284] in [0] : vector<16xf32>, vector<16xi32> -> vector<16xf32>
        %parallel_loop3A_286 = arith.addf %parallel_loop3A_278, %parallel_loop3A_285 : vector<16xf32>
        %parallel_loop3A_287 = arith.constant 4 : i32
        %parallel_loop3A_288 = vector.broadcast %parallel_loop3A_287 : i32 to vector<16xi32>
        %parallel_loop3A_289 = arith.xori %parallel_loop3A_279, %parallel_loop3A_288 : vector<16xi32>
        %parallel_loop3A_290 = vector.shape_cast %parallel_loop3A_289 : vector<16xi32> to vector<16x1xi32>
        %parallel_loop3A_291 = vector.shape_cast %parallel_loop3A_290 : vector<16x1xi32> to vector<16xi32>
        %parallel_loop3A_292 = tpu.dynamic_gather %parallel_loop3A_286[%parallel_loop3A_291] in [0] : vector<16xf32>, vector<16xi32> -> vector<16xf32>
        %parallel_loop3A_293 = arith.addf %parallel_loop3A_286, %parallel_loop3A_292 : vector<16xf32>
        %parallel_loop3A_294 = arith.constant 2 : i32
        %parallel_loop3A_295 = vector.broadcast %parallel_loop3A_294 : i32 to vector<16xi32>
        %parallel_loop3A_296 = arith.xori %parallel_loop3A_279, %parallel_loop3A_295 : vector<16xi32>
        %parallel_loop3A_297 = vector.shape_cast %parallel_loop3A_296 : vector<16xi32> to vector<16x1xi32>
        %parallel_loop3A_298 = vector.shape_cast %parallel_loop3A_297 : vector<16x1xi32> to vector<16xi32>
        %parallel_loop3A_299 = tpu.dynamic_gather %parallel_loop3A_293[%parallel_loop3A_298] in [0] : vector<16xf32>, vector<16xi32> -> vector<16xf32>
        %parallel_loop3A_300 = arith.addf %parallel_loop3A_293, %parallel_loop3A_299 : vector<16xf32>
        %parallel_loop3A_301 = arith.constant 1 : i32
        %parallel_loop3A_302 = vector.broadcast %parallel_loop3A_301 : i32 to vector<16xi32>
        %parallel_loop3A_303 = arith.xori %parallel_loop3A_279, %parallel_loop3A_302 : vector<16xi32>
        %parallel_loop3A_304 = vector.shape_cast %parallel_loop3A_303 : vector<16xi32> to vector<16x1xi32>
        %parallel_loop3A_305 = vector.shape_cast %parallel_loop3A_304 : vector<16x1xi32> to vector<16xi32>
        %parallel_loop3A_306 = tpu.dynamic_gather %parallel_loop3A_300[%parallel_loop3A_305] in [0] : vector<16xf32>, vector<16xi32> -> vector<16xf32>
        %parallel_loop3A_307 = arith.addf %parallel_loop3A_300, %parallel_loop3A_306 : vector<16xf32>
        %parallel_loop3A_308 = vector.broadcast %scan3A_26 : f32 to vector<16xf32>
        %parallel_loop3A_309 = arith.mulf %parallel_loop3A_307, %parallel_loop3A_308 : vector<16xf32>
        %parallel_loop3A_310 = arith.mulf %parallel_loop3A_243, %parallel_loop3A_243 : vector<16xf32>
        %parallel_loop3A_311 = arith.mulf %parallel_loop3A_247, %parallel_loop3A_247 : vector<16xf32>
        %parallel_loop3A_312 = arith.mulf %parallel_loop3A_251, %parallel_loop3A_251 : vector<16xf32>
        %parallel_loop3A_313 = arith.mulf %parallel_loop3A_255, %parallel_loop3A_255 : vector<16xf32>
        %parallel_loop3A_314 = arith.mulf %parallel_loop3A_259, %parallel_loop3A_259 : vector<16xf32>
        %parallel_loop3A_315 = arith.mulf %parallel_loop3A_263, %parallel_loop3A_263 : vector<16xf32>
        %parallel_loop3A_316 = arith.mulf %parallel_loop3A_267, %parallel_loop3A_267 : vector<16xf32>
        %parallel_loop3A_317 = arith.mulf %parallel_loop3A_271, %parallel_loop3A_271 : vector<16xf32>
        %parallel_loop3A_318 = arith.addf %parallel_loop3A_310, %parallel_loop3A_311 : vector<16xf32>
        %parallel_loop3A_319 = arith.addf %parallel_loop3A_312, %parallel_loop3A_313 : vector<16xf32>
        %parallel_loop3A_320 = arith.addf %parallel_loop3A_314, %parallel_loop3A_315 : vector<16xf32>
        %parallel_loop3A_321 = arith.addf %parallel_loop3A_316, %parallel_loop3A_317 : vector<16xf32>
        %parallel_loop3A_322 = arith.addf %parallel_loop3A_318, %parallel_loop3A_319 : vector<16xf32>
        %parallel_loop3A_323 = arith.addf %parallel_loop3A_320, %parallel_loop3A_321 : vector<16xf32>
        %parallel_loop3A_324 = arith.addf %parallel_loop3A_322, %parallel_loop3A_323 : vector<16xf32>
        %parallel_loop3A_325 = tpu.iota {dimensions = array<i32: 0>} : vector<16xi32>
        %parallel_loop3A_326 = arith.constant 8 : i32
        %parallel_loop3A_327 = vector.broadcast %parallel_loop3A_326 : i32 to vector<16xi32>
        %parallel_loop3A_328 = arith.xori %parallel_loop3A_325, %parallel_loop3A_327 : vector<16xi32>
        %parallel_loop3A_329 = vector.shape_cast %parallel_loop3A_328 : vector<16xi32> to vector<16x1xi32>
        %parallel_loop3A_330 = vector.shape_cast %parallel_loop3A_329 : vector<16x1xi32> to vector<16xi32>
        %parallel_loop3A_331 = tpu.dynamic_gather %parallel_loop3A_324[%parallel_loop3A_330] in [0] : vector<16xf32>, vector<16xi32> -> vector<16xf32>
        %parallel_loop3A_332 = arith.addf %parallel_loop3A_324, %parallel_loop3A_331 : vector<16xf32>
        %parallel_loop3A_333 = arith.constant 4 : i32
        %parallel_loop3A_334 = vector.broadcast %parallel_loop3A_333 : i32 to vector<16xi32>
        %parallel_loop3A_335 = arith.xori %parallel_loop3A_325, %parallel_loop3A_334 : vector<16xi32>
        %parallel_loop3A_336 = vector.shape_cast %parallel_loop3A_335 : vector<16xi32> to vector<16x1xi32>
        %parallel_loop3A_337 = vector.shape_cast %parallel_loop3A_336 : vector<16x1xi32> to vector<16xi32>
        %parallel_loop3A_338 = tpu.dynamic_gather %parallel_loop3A_332[%parallel_loop3A_337] in [0] : vector<16xf32>, vector<16xi32> -> vector<16xf32>
        %parallel_loop3A_339 = arith.addf %parallel_loop3A_332, %parallel_loop3A_338 : vector<16xf32>
        %parallel_loop3A_340 = arith.constant 2 : i32
        %parallel_loop3A_341 = vector.broadcast %parallel_loop3A_340 : i32 to vector<16xi32>
        %parallel_loop3A_342 = arith.xori %parallel_loop3A_325, %parallel_loop3A_341 : vector<16xi32>
        %parallel_loop3A_343 = vector.shape_cast %parallel_loop3A_342 : vector<16xi32> to vector<16x1xi32>
        %parallel_loop3A_344 = vector.shape_cast %parallel_loop3A_343 : vector<16x1xi32> to vector<16xi32>
        %parallel_loop3A_345 = tpu.dynamic_gather %parallel_loop3A_339[%parallel_loop3A_344] in [0] : vector<16xf32>, vector<16xi32> -> vector<16xf32>
        %parallel_loop3A_346 = arith.addf %parallel_loop3A_339, %parallel_loop3A_345 : vector<16xf32>
        %parallel_loop3A_347 = arith.constant 1 : i32
        %parallel_loop3A_348 = vector.broadcast %parallel_loop3A_347 : i32 to vector<16xi32>
        %parallel_loop3A_349 = arith.xori %parallel_loop3A_325, %parallel_loop3A_348 : vector<16xi32>
        %parallel_loop3A_350 = vector.shape_cast %parallel_loop3A_349 : vector<16xi32> to vector<16x1xi32>
        %parallel_loop3A_351 = vector.shape_cast %parallel_loop3A_350 : vector<16x1xi32> to vector<16xi32>
        %parallel_loop3A_352 = tpu.dynamic_gather %parallel_loop3A_346[%parallel_loop3A_351] in [0] : vector<16xf32>, vector<16xi32> -> vector<16xf32>
        %parallel_loop3A_353 = arith.addf %parallel_loop3A_346, %parallel_loop3A_352 : vector<16xf32>
        %parallel_loop3A_354 = vector.broadcast %scan3A_26 : f32 to vector<16xf32>
        %parallel_loop3A_355 = arith.mulf %parallel_loop3A_353, %parallel_loop3A_354 : vector<16xf32>
        %parallel_loop3A_356 = arith.mulf %parallel_loop3A_309, %parallel_loop3A_309 : vector<16xf32>
        %parallel_loop3A_357 = arith.subf %parallel_loop3A_355, %parallel_loop3A_356 : vector<16xf32>
        %parallel_loop3A_358 = arith.constant 9.99999996E-13 : f32
        %parallel_loop3A_359 = vector.broadcast %parallel_loop3A_358 : f32 to vector<16xf32>
        %parallel_loop3A_360 = arith.addf %parallel_loop3A_357, %parallel_loop3A_359 : vector<16xf32>
        %parallel_loop3A_361 = tpu.bitcast %parallel_loop3A_360 : vector<16xf32> -> vector<16xi32>
        %parallel_loop3A_362 = arith.constant 1 : i32
        %parallel_loop3A_363 = vector.broadcast %parallel_loop3A_362 : i32 to vector<16xi32>
        %parallel_loop3A_364 = arith.shrsi %parallel_loop3A_361, %parallel_loop3A_363 : vector<16xi32>
        %parallel_loop3A_365 = arith.constant 1597463007 : i32
        %parallel_loop3A_366 = vector.broadcast %parallel_loop3A_365 : i32 to vector<16xi32>
        %parallel_loop3A_367 = arith.subi %parallel_loop3A_366, %parallel_loop3A_364 : vector<16xi32>
        %parallel_loop3A_368 = tpu.bitcast %parallel_loop3A_367 : vector<16xi32> -> vector<16xf32>
        %parallel_loop3A_369 = arith.constant 5.000000e-01 : f32
        %parallel_loop3A_370 = vector.broadcast %parallel_loop3A_369 : f32 to vector<16xf32>
        %parallel_loop3A_371 = arith.mulf %parallel_loop3A_370, %parallel_loop3A_360 : vector<16xf32>
        %parallel_loop3A_372 = arith.mulf %parallel_loop3A_371, %parallel_loop3A_368 : vector<16xf32>
        %parallel_loop3A_373 = arith.mulf %parallel_loop3A_372, %parallel_loop3A_368 : vector<16xf32>
        %parallel_loop3A_374 = arith.constant 1.500000e+00 : f32
        %parallel_loop3A_375 = vector.broadcast %parallel_loop3A_374 : f32 to vector<16xf32>
        %parallel_loop3A_376 = arith.subf %parallel_loop3A_375, %parallel_loop3A_373 : vector<16xf32>
        %parallel_loop3A_377 = arith.mulf %parallel_loop3A_368, %parallel_loop3A_376 : vector<16xf32>
        %parallel_loop3A_378 = arith.constant 5.000000e-01 : f32
        %parallel_loop3A_379 = vector.broadcast %parallel_loop3A_378 : f32 to vector<16xf32>
        %parallel_loop3A_380 = arith.mulf %parallel_loop3A_379, %parallel_loop3A_360 : vector<16xf32>
        %parallel_loop3A_381 = arith.mulf %parallel_loop3A_380, %parallel_loop3A_377 : vector<16xf32>
        %parallel_loop3A_382 = arith.mulf %parallel_loop3A_381, %parallel_loop3A_377 : vector<16xf32>
        %parallel_loop3A_383 = arith.constant 1.500000e+00 : f32
        %parallel_loop3A_384 = vector.broadcast %parallel_loop3A_383 : f32 to vector<16xf32>
        %parallel_loop3A_385 = arith.subf %parallel_loop3A_384, %parallel_loop3A_382 : vector<16xf32>
        %parallel_loop3A_386 = arith.mulf %parallel_loop3A_377, %parallel_loop3A_385 : vector<16xf32>
        %parallel_loop3A_387 = arith.subf %parallel_loop3A_243, %parallel_loop3A_309 : vector<16xf32>
        %parallel_loop3A_388 = arith.mulf %parallel_loop3A_387, %parallel_loop3A_386 : vector<16xf32>
        %parallel_loop3A_389 = arith.constant 0 : i32
        %parallel_loop3A_390 = arith.index_cast %parallel_loop3A_389 : i32 to index
        %parallel_loop3A_391 = arith.constant 0 : index
        %parallel_loop3A_392 = tpu.vector_load %arg9[%parallel_loop3A_390, %parallel_loop3A_391] {strides = array<i32>} : memref<2x128xf32, #tpu.memory_space<vmem>>, vector<1x16xf32>,
        %parallel_loop3A_393 = vector.shape_cast %parallel_loop3A_392 : vector<1x16xf32> to vector<16xf32>
        %parallel_loop3A_394 = arith.mulf %parallel_loop3A_388, %parallel_loop3A_393 : vector<16xf32>
        %parallel_loop3A_395 = arith.constant 1 : i32
        %parallel_loop3A_396 = arith.index_cast %parallel_loop3A_395 : i32 to index
        %parallel_loop3A_397 = arith.constant 0 : index
        %parallel_loop3A_398 = tpu.vector_load %arg9[%parallel_loop3A_396, %parallel_loop3A_397] {strides = array<i32>} : memref<2x128xf32, #tpu.memory_space<vmem>>, vector<1x16xf32>,
        %parallel_loop3A_399 = vector.shape_cast %parallel_loop3A_398 : vector<1x16xf32> to vector<16xf32>
        %parallel_loop3A_400 = arith.addf %parallel_loop3A_394, %parallel_loop3A_399 : vector<16xf32>
        %parallel_loop3A_401 = arith.index_cast %parallel_loop3A_239 : i32 to index
        %parallel_loop3A_402 = arith.constant 0 : index
        %parallel_loop3A_403 = tpu.vector_load %arg14[%parallel_loop3A_401, %parallel_loop3A_402] {strides = array<i32>} : memref<80x128xf32, #tpu.memory_space<vmem>>, vector<1x16xf32>,
        %parallel_loop3A_404 = vector.shape_cast %parallel_loop3A_403 : vector<1x16xf32> to vector<16xf32>
        %parallel_loop3A_405 = vector.shape_cast %parallel_loop3A_400 : vector<16xf32> to vector<1x16xf32>
        tpu.vector_store %arg14[%parallel_loop3A_401, %parallel_loop3A_402], %parallel_loop3A_405 {strides = array<i32>} : memref<80x128xf32, #tpu.memory_space<vmem>>, vector<1x16xf32>,
        %parallel_loop3A_406 = arith.subf %parallel_loop3A_247, %parallel_loop3A_309 : vector<16xf32>
        %parallel_loop3A_407 = arith.mulf %parallel_loop3A_406, %parallel_loop3A_386 : vector<16xf32>
        %parallel_loop3A_408 = arith.constant 0 : i32
        %parallel_loop3A_409 = arith.index_cast %parallel_loop3A_408 : i32 to index
        %parallel_loop3A_410 = arith.constant 16 : index
        %parallel_loop3A_411 = tpu.vector_load %arg9[%parallel_loop3A_409, %parallel_loop3A_410] {strides = array<i32>} : memref<2x128xf32, #tpu.memory_space<vmem>>, vector<1x16xf32>,
        %parallel_loop3A_412 = vector.shape_cast %parallel_loop3A_411 : vector<1x16xf32> to vector<16xf32>
        %parallel_loop3A_413 = arith.mulf %parallel_loop3A_407, %parallel_loop3A_412 : vector<16xf32>
        %parallel_loop3A_414 = arith.constant 1 : i32
        %parallel_loop3A_415 = arith.index_cast %parallel_loop3A_414 : i32 to index
        %parallel_loop3A_416 = arith.constant 16 : index
        %parallel_loop3A_417 = tpu.vector_load %arg9[%parallel_loop3A_415, %parallel_loop3A_416] {strides = array<i32>} : memref<2x128xf32, #tpu.memory_space<vmem>>, vector<1x16xf32>,
        %parallel_loop3A_418 = vector.shape_cast %parallel_loop3A_417 : vector<1x16xf32> to vector<16xf32>
        %parallel_loop3A_419 = arith.addf %parallel_loop3A_413, %parallel_loop3A_418 : vector<16xf32>
        %parallel_loop3A_420 = arith.index_cast %parallel_loop3A_239 : i32 to index
        %parallel_loop3A_421 = arith.constant 16 : index
        %parallel_loop3A_422 = tpu.vector_load %arg14[%parallel_loop3A_420, %parallel_loop3A_421] {strides = array<i32>} : memref<80x128xf32, #tpu.memory_space<vmem>>, vector<1x16xf32>,
        %parallel_loop3A_423 = vector.shape_cast %parallel_loop3A_422 : vector<1x16xf32> to vector<16xf32>
        %parallel_loop3A_424 = vector.shape_cast %parallel_loop3A_419 : vector<16xf32> to vector<1x16xf32>
        tpu.vector_store %arg14[%parallel_loop3A_420, %parallel_loop3A_421], %parallel_loop3A_424 {strides = array<i32>} : memref<80x128xf32, #tpu.memory_space<vmem>>, vector<1x16xf32>,
        %parallel_loop3A_425 = arith.subf %parallel_loop3A_251, %parallel_loop3A_309 : vector<16xf32>
        %parallel_loop3A_426 = arith.mulf %parallel_loop3A_425, %parallel_loop3A_386 : vector<16xf32>
        %parallel_loop3A_427 = arith.constant 0 : i32
        %parallel_loop3A_428 = arith.index_cast %parallel_loop3A_427 : i32 to index
        %parallel_loop3A_429 = arith.constant 32 : index
        %parallel_loop3A_430 = tpu.vector_load %arg9[%parallel_loop3A_428, %parallel_loop3A_429] {strides = array<i32>} : memref<2x128xf32, #tpu.memory_space<vmem>>, vector<1x16xf32>,
        %parallel_loop3A_431 = vector.shape_cast %parallel_loop3A_430 : vector<1x16xf32> to vector<16xf32>
        %parallel_loop3A_432 = arith.mulf %parallel_loop3A_426, %parallel_loop3A_431 : vector<16xf32>
        %parallel_loop3A_433 = arith.constant 1 : i32
        %parallel_loop3A_434 = arith.index_cast %parallel_loop3A_433 : i32 to index
        %parallel_loop3A_435 = arith.constant 32 : index
        %parallel_loop3A_436 = tpu.vector_load %arg9[%parallel_loop3A_434, %parallel_loop3A_435] {strides = array<i32>} : memref<2x128xf32, #tpu.memory_space<vmem>>, vector<1x16xf32>,
        %parallel_loop3A_437 = vector.shape_cast %parallel_loop3A_436 : vector<1x16xf32> to vector<16xf32>
        %parallel_loop3A_438 = arith.addf %parallel_loop3A_432, %parallel_loop3A_437 : vector<16xf32>
        %parallel_loop3A_439 = arith.index_cast %parallel_loop3A_239 : i32 to index
        %parallel_loop3A_440 = arith.constant 32 : index
        %parallel_loop3A_441 = tpu.vector_load %arg14[%parallel_loop3A_439, %parallel_loop3A_440] {strides = array<i32>} : memref<80x128xf32, #tpu.memory_space<vmem>>, vector<1x16xf32>,
        %parallel_loop3A_442 = vector.shape_cast %parallel_loop3A_441 : vector<1x16xf32> to vector<16xf32>
        %parallel_loop3A_443 = vector.shape_cast %parallel_loop3A_438 : vector<16xf32> to vector<1x16xf32>
        tpu.vector_store %arg14[%parallel_loop3A_439, %parallel_loop3A_440], %parallel_loop3A_443 {strides = array<i32>} : memref<80x128xf32, #tpu.memory_space<vmem>>, vector<1x16xf32>,
        %parallel_loop3A_444 = arith.subf %parallel_loop3A_255, %parallel_loop3A_309 : vector<16xf32>
        %parallel_loop3A_445 = arith.mulf %parallel_loop3A_444, %parallel_loop3A_386 : vector<16xf32>
        %parallel_loop3A_446 = arith.constant 0 : i32
        %parallel_loop3A_447 = arith.index_cast %parallel_loop3A_446 : i32 to index
        %parallel_loop3A_448 = arith.constant 48 : index
        %parallel_loop3A_449 = tpu.vector_load %arg9[%parallel_loop3A_447, %parallel_loop3A_448] {strides = array<i32>} : memref<2x128xf32, #tpu.memory_space<vmem>>, vector<1x16xf32>,
        %parallel_loop3A_450 = vector.shape_cast %parallel_loop3A_449 : vector<1x16xf32> to vector<16xf32>
        %parallel_loop3A_451 = arith.mulf %parallel_loop3A_445, %parallel_loop3A_450 : vector<16xf32>
        %parallel_loop3A_452 = arith.constant 1 : i32
        %parallel_loop3A_453 = arith.index_cast %parallel_loop3A_452 : i32 to index
        %parallel_loop3A_454 = arith.constant 48 : index
        %parallel_loop3A_455 = tpu.vector_load %arg9[%parallel_loop3A_453, %parallel_loop3A_454] {strides = array<i32>} : memref<2x128xf32, #tpu.memory_space<vmem>>, vector<1x16xf32>,
        %parallel_loop3A_456 = vector.shape_cast %parallel_loop3A_455 : vector<1x16xf32> to vector<16xf32>
        %parallel_loop3A_457 = arith.addf %parallel_loop3A_451, %parallel_loop3A_456 : vector<16xf32>
        %parallel_loop3A_458 = arith.index_cast %parallel_loop3A_239 : i32 to index
        %parallel_loop3A_459 = arith.constant 48 : index
        %parallel_loop3A_460 = tpu.vector_load %arg14[%parallel_loop3A_458, %parallel_loop3A_459] {strides = array<i32>} : memref<80x128xf32, #tpu.memory_space<vmem>>, vector<1x16xf32>,
        %parallel_loop3A_461 = vector.shape_cast %parallel_loop3A_460 : vector<1x16xf32> to vector<16xf32>
        %parallel_loop3A_462 = vector.shape_cast %parallel_loop3A_457 : vector<16xf32> to vector<1x16xf32>
        tpu.vector_store %arg14[%parallel_loop3A_458, %parallel_loop3A_459], %parallel_loop3A_462 {strides = array<i32>} : memref<80x128xf32, #tpu.memory_space<vmem>>, vector<1x16xf32>,
        %parallel_loop3A_463 = arith.subf %parallel_loop3A_259, %parallel_loop3A_309 : vector<16xf32>
        %parallel_loop3A_464 = arith.mulf %parallel_loop3A_463, %parallel_loop3A_386 : vector<16xf32>
        %parallel_loop3A_465 = arith.constant 0 : i32
        %parallel_loop3A_466 = arith.index_cast %parallel_loop3A_465 : i32 to index
        %parallel_loop3A_467 = arith.constant 64 : index
        %parallel_loop3A_468 = tpu.vector_load %arg9[%parallel_loop3A_466, %parallel_loop3A_467] {strides = array<i32>} : memref<2x128xf32, #tpu.memory_space<vmem>>, vector<1x16xf32>,
        %parallel_loop3A_469 = vector.shape_cast %parallel_loop3A_468 : vector<1x16xf32> to vector<16xf32>
        %parallel_loop3A_470 = arith.mulf %parallel_loop3A_464, %parallel_loop3A_469 : vector<16xf32>
        %parallel_loop3A_471 = arith.constant 1 : i32
        %parallel_loop3A_472 = arith.index_cast %parallel_loop3A_471 : i32 to index
        %parallel_loop3A_473 = arith.constant 64 : index
        %parallel_loop3A_474 = tpu.vector_load %arg9[%parallel_loop3A_472, %parallel_loop3A_473] {strides = array<i32>} : memref<2x128xf32, #tpu.memory_space<vmem>>, vector<1x16xf32>,
        %parallel_loop3A_475 = vector.shape_cast %parallel_loop3A_474 : vector<1x16xf32> to vector<16xf32>
        %parallel_loop3A_476 = arith.addf %parallel_loop3A_470, %parallel_loop3A_475 : vector<16xf32>
        %parallel_loop3A_477 = arith.index_cast %parallel_loop3A_239 : i32 to index
        %parallel_loop3A_478 = arith.constant 64 : index
        %parallel_loop3A_479 = tpu.vector_load %arg14[%parallel_loop3A_477, %parallel_loop3A_478] {strides = array<i32>} : memref<80x128xf32, #tpu.memory_space<vmem>>, vector<1x16xf32>,
        %parallel_loop3A_480 = vector.shape_cast %parallel_loop3A_479 : vector<1x16xf32> to vector<16xf32>
        %parallel_loop3A_481 = vector.shape_cast %parallel_loop3A_476 : vector<16xf32> to vector<1x16xf32>
        tpu.vector_store %arg14[%parallel_loop3A_477, %parallel_loop3A_478], %parallel_loop3A_481 {strides = array<i32>} : memref<80x128xf32, #tpu.memory_space<vmem>>, vector<1x16xf32>,
        %parallel_loop3A_482 = arith.subf %parallel_loop3A_263, %parallel_loop3A_309 : vector<16xf32>
        %parallel_loop3A_483 = arith.mulf %parallel_loop3A_482, %parallel_loop3A_386 : vector<16xf32>
        %parallel_loop3A_484 = arith.constant 0 : i32
        %parallel_loop3A_485 = arith.index_cast %parallel_loop3A_484 : i32 to index
        %parallel_loop3A_486 = arith.constant 80 : index
        %parallel_loop3A_487 = tpu.vector_load %arg9[%parallel_loop3A_485, %parallel_loop3A_486] {strides = array<i32>} : memref<2x128xf32, #tpu.memory_space<vmem>>, vector<1x16xf32>,
        %parallel_loop3A_488 = vector.shape_cast %parallel_loop3A_487 : vector<1x16xf32> to vector<16xf32>
        %parallel_loop3A_489 = arith.mulf %parallel_loop3A_483, %parallel_loop3A_488 : vector<16xf32>
        %parallel_loop3A_490 = arith.constant 1 : i32
        %parallel_loop3A_491 = arith.index_cast %parallel_loop3A_490 : i32 to index
        %parallel_loop3A_492 = arith.constant 80 : index
        %parallel_loop3A_493 = tpu.vector_load %arg9[%parallel_loop3A_491, %parallel_loop3A_492] {strides = array<i32>} : memref<2x128xf32, #tpu.memory_space<vmem>>, vector<1x16xf32>,
        %parallel_loop3A_494 = vector.shape_cast %parallel_loop3A_493 : vector<1x16xf32> to vector<16xf32>
        %parallel_loop3A_495 = arith.addf %parallel_loop3A_489, %parallel_loop3A_494 : vector<16xf32>
        %parallel_loop3A_496 = arith.index_cast %parallel_loop3A_239 : i32 to index
        %parallel_loop3A_497 = arith.constant 80 : index
        %parallel_loop3A_498 = tpu.vector_load %arg14[%parallel_loop3A_496, %parallel_loop3A_497] {strides = array<i32>} : memref<80x128xf32, #tpu.memory_space<vmem>>, vector<1x16xf32>,
        %parallel_loop3A_499 = vector.shape_cast %parallel_loop3A_498 : vector<1x16xf32> to vector<16xf32>
        %parallel_loop3A_500 = vector.shape_cast %parallel_loop3A_495 : vector<16xf32> to vector<1x16xf32>
        tpu.vector_store %arg14[%parallel_loop3A_496, %parallel_loop3A_497], %parallel_loop3A_500 {strides = array<i32>} : memref<80x128xf32, #tpu.memory_space<vmem>>, vector<1x16xf32>,
        %parallel_loop3A_501 = arith.subf %parallel_loop3A_267, %parallel_loop3A_309 : vector<16xf32>
        %parallel_loop3A_502 = arith.mulf %parallel_loop3A_501, %parallel_loop3A_386 : vector<16xf32>
        %parallel_loop3A_503 = arith.constant 0 : i32
        %parallel_loop3A_504 = arith.index_cast %parallel_loop3A_503 : i32 to index
        %parallel_loop3A_505 = arith.constant 96 : index
        %parallel_loop3A_506 = tpu.vector_load %arg9[%parallel_loop3A_504, %parallel_loop3A_505] {strides = array<i32>} : memref<2x128xf32, #tpu.memory_space<vmem>>, vector<1x16xf32>,
        %parallel_loop3A_507 = vector.shape_cast %parallel_loop3A_506 : vector<1x16xf32> to vector<16xf32>
        %parallel_loop3A_508 = arith.mulf %parallel_loop3A_502, %parallel_loop3A_507 : vector<16xf32>
        %parallel_loop3A_509 = arith.constant 1 : i32
        %parallel_loop3A_510 = arith.index_cast %parallel_loop3A_509 : i32 to index
        %parallel_loop3A_511 = arith.constant 96 : index
        %parallel_loop3A_512 = tpu.vector_load %arg9[%parallel_loop3A_510, %parallel_loop3A_511] {strides = array<i32>} : memref<2x128xf32, #tpu.memory_space<vmem>>, vector<1x16xf32>,
        %parallel_loop3A_513 = vector.shape_cast %parallel_loop3A_512 : vector<1x16xf32> to vector<16xf32>
        %parallel_loop3A_514 = arith.addf %parallel_loop3A_508, %parallel_loop3A_513 : vector<16xf32>
        %parallel_loop3A_515 = arith.index_cast %parallel_loop3A_239 : i32 to index
        %parallel_loop3A_516 = arith.constant 96 : index
        %parallel_loop3A_517 = tpu.vector_load %arg14[%parallel_loop3A_515, %parallel_loop3A_516] {strides = array<i32>} : memref<80x128xf32, #tpu.memory_space<vmem>>, vector<1x16xf32>,
        %parallel_loop3A_518 = vector.shape_cast %parallel_loop3A_517 : vector<1x16xf32> to vector<16xf32>
        %parallel_loop3A_519 = vector.shape_cast %parallel_loop3A_514 : vector<16xf32> to vector<1x16xf32>
        tpu.vector_store %arg14[%parallel_loop3A_515, %parallel_loop3A_516], %parallel_loop3A_519 {strides = array<i32>} : memref<80x128xf32, #tpu.memory_space<vmem>>, vector<1x16xf32>,
        %parallel_loop3A_520 = arith.subf %parallel_loop3A_271, %parallel_loop3A_309 : vector<16xf32>
        %parallel_loop3A_521 = arith.mulf %parallel_loop3A_520, %parallel_loop3A_386 : vector<16xf32>
        %parallel_loop3A_522 = arith.constant 0 : i32
        %parallel_loop3A_523 = arith.index_cast %parallel_loop3A_522 : i32 to index
        %parallel_loop3A_524 = arith.constant 112 : index
        %parallel_loop3A_525 = tpu.vector_load %arg9[%parallel_loop3A_523, %parallel_loop3A_524] {strides = array<i32>} : memref<2x128xf32, #tpu.memory_space<vmem>>, vector<1x16xf32>,
        %parallel_loop3A_526 = vector.shape_cast %parallel_loop3A_525 : vector<1x16xf32> to vector<16xf32>
        %parallel_loop3A_527 = arith.mulf %parallel_loop3A_521, %parallel_loop3A_526 : vector<16xf32>
        %parallel_loop3A_528 = arith.constant 1 : i32
        %parallel_loop3A_529 = arith.index_cast %parallel_loop3A_528 : i32 to index
        %parallel_loop3A_530 = arith.constant 112 : index
        %parallel_loop3A_531 = tpu.vector_load %arg9[%parallel_loop3A_529, %parallel_loop3A_530] {strides = array<i32>} : memref<2x128xf32, #tpu.memory_space<vmem>>, vector<1x16xf32>,
        %parallel_loop3A_532 = vector.shape_cast %parallel_loop3A_531 : vector<1x16xf32> to vector<16xf32>
        %parallel_loop3A_533 = arith.addf %parallel_loop3A_527, %parallel_loop3A_532 : vector<16xf32>
        %parallel_loop3A_534 = arith.index_cast %parallel_loop3A_239 : i32 to index
        %parallel_loop3A_535 = arith.constant 112 : index
        %parallel_loop3A_536 = tpu.vector_load %arg14[%parallel_loop3A_534, %parallel_loop3A_535] {strides = array<i32>} : memref<80x128xf32, #tpu.memory_space<vmem>>, vector<1x16xf32>,
        %parallel_loop3A_537 = vector.shape_cast %parallel_loop3A_536 : vector<1x16xf32> to vector<16xf32>
        %parallel_loop3A_538 = vector.shape_cast %parallel_loop3A_533 : vector<16xf32> to vector<1x16xf32>
        tpu.vector_store %arg14[%parallel_loop3A_534, %parallel_loop3A_535], %parallel_loop3A_538 {strides = array<i32>} : memref<80x128xf32, #tpu.memory_space<vmem>>, vector<1x16xf32>,
      } {sc.loop_unroll_factor = 1 : i64, sc.parallel_access}
      %mul3A_223 = arith.constant 6400 : i32
      %mul3A_224 = arith.muli %add3A, %mul3A_223 : i32
      %mul3A_225 = arith.constant 80 : i32
      %mul3A_226 = arith.muli %add3A_206, %mul3A_225 : i32
      %add3A_227 = arith.addi %mul3A_224, %mul3A_226 : i32
      %dma_start3A_228 = arith.constant 0 : i32
      %dma_start3A_229 = tpu.memref_slice %arg7[%add3A_227, %dma_start3A_228] : memref<204800x128xf32, #tpu.memory_space<hbm>> -> memref<80x128xf32, #tpu.memory_space<hbm>>
      %dma_start3A_230 = arith.constant 0 : i32
      %dma_start3A_231 = tpu.memref_slice %arg7[%add3A_227, %dma_start3A_230] : memref<204800x128xf32, #tpu.memory_space<hbm>> -> memref<80x128xf32, #tpu.memory_space<hbm>>
      tpu.enqueue_dma source(%arg14 : memref<80x128xf32, #tpu.memory_space<vmem>>) target(%dma_start3A_231 : memref<80x128xf32, #tpu.memory_space<hbm>>) target_semaphore(%arg19 : memref<!tpu.dma_semaphore, #tpu.memory_space<semaphore_mem>>)
      %add3A_232 = arith.constant 2 : i32
      %add3A_233 = arith.addi %add3A_206, %add3A_232 : i32
      %lt3A_234 = arith.constant 80 : i32
      %lt3A_235 = arith.cmpi slt, %add3A_233, %lt3A_234 : i32
      %convert_element_type3A_236 = arith.extui %lt3A_235 : i1 to i32
      %cond3A_237 = arith.constant 0 : i32
      %cond3A_238 = arith.cmpi ne, %convert_element_type3A_236, %cond3A_237 : i32
      scf.if %cond3A_238 {
        %ge3A = arith.constant 3 : i32
        %ge3A_239 = arith.cmpi sge, %add3A_206, %ge3A : i32
        %convert_element_type3A_240 = arith.extui %ge3A_239 : i1 to i32
        %cond3A_241 = arith.constant 0 : i32
        %cond3A_242 = arith.cmpi ne, %convert_element_type3A_240, %cond3A_241 : i32
        scf.if %cond3A_242 {
          %dma_wait3A_253 = arith.constant 0 : i32
          %dma_wait3A_254 = arith.constant 0 : i32
          %dma_wait3A_255 = tpu.memref_slice %arg7[%dma_wait3A_253, %dma_wait3A_254] : memref<204800x128xf32, #tpu.memory_space<hbm>> -> memref<80x128xf32, #tpu.memory_space<hbm>>
          %dma_wait3A_256 = arith.constant 0 : i32
          %dma_wait3A_257 = arith.constant 0 : i32
          %dma_wait3A_258 = tpu.memref_slice %arg7[%dma_wait3A_256, %dma_wait3A_257] : memref<204800x128xf32, #tpu.memory_space<hbm>> -> memref<80x128xf32, #tpu.memory_space<hbm>>
          tpu.wait_dma2 semaphore(%arg16 : memref<!tpu.dma_semaphore, #tpu.memory_space<semaphore_mem>>) src(%arg11 : memref<80x128xf32, #tpu.memory_space<vmem>>) dst(%dma_wait3A_258 : memref<80x128xf32, #tpu.memory_space<hbm>>)
        } else {
        }
        %add3A_243 = arith.constant 2 : i32
        %add3A_244 = arith.addi %add3A_206, %add3A_243 : i32
        %mul3A_245 = arith.constant 80 : i32
        %mul3A_246 = arith.muli %add3A_244, %mul3A_245 : i32
        %rem3A_247 = arith.constant 200 : i32
        %rem3A_248 = arith.remsi %mul3A_246, %rem3A_247 : i32
        %dma_start3A_249 = arith.constant 0 : i32
        %dma_start3A_250 = tpu.memref_slice %arg4[%rem3A_248, %dma_start3A_249] : memref<240x128xf32, #tpu.memory_space<hbm>> -> memref<80x128xf32, #tpu.memory_space<hbm>>
        %dma_start3A_251 = arith.constant 0 : i32
        %dma_start3A_252 = tpu.memref_slice %arg4[%rem3A_248, %dma_start3A_251] : memref<240x128xf32, #tpu.memory_space<hbm>> -> memref<80x128xf32, #tpu.memory_space<hbm>>
        tpu.enqueue_dma source(%dma_start3A_252 : memref<80x128xf32, #tpu.memory_space<hbm>>) target(%arg11 : memref<80x128xf32, #tpu.memory_space<vmem>>) target_semaphore(%arg16 : memref<!tpu.dma_semaphore, #tpu.memory_space<semaphore_mem>>)
      } else {
      }
    }
    %scan3A_31 = arith.constant 16 : i32
    %dma_wait3A_32 = arith.constant 0 : i32
    %dma_wait3A_33 = arith.constant 0 : i32
    %dma_wait3A_34 = tpu.memref_slice %arg7[%dma_wait3A_32, %dma_wait3A_33] : memref<204800x128xf32, #tpu.memory_space<hbm>> -> memref<80x128xf32, #tpu.memory_space<hbm>>
    %dma_wait3A_35 = arith.constant 0 : i32
    %dma_wait3A_36 = arith.constant 0 : i32
    %dma_wait3A_37 = tpu.memref_slice %arg7[%dma_wait3A_35, %dma_wait3A_36] : memref<204800x128xf32, #tpu.memory_space<hbm>> -> memref<80x128xf32, #tpu.memory_space<hbm>>
    tpu.wait_dma2 semaphore(%arg15 : memref<!tpu.dma_semaphore, #tpu.memory_space<semaphore_mem>>) src(%arg10 : memref<80x128xf32, #tpu.memory_space<vmem>>) dst(%dma_wait3A_37 : memref<80x128xf32, #tpu.memory_space<hbm>>)
    %dma_wait3A_38 = arith.constant 0 : i32
    %dma_wait3A_39 = arith.constant 0 : i32
    %dma_wait3A_40 = tpu.memref_slice %arg7[%dma_wait3A_38, %dma_wait3A_39] : memref<204800x128xf32, #tpu.memory_space<hbm>> -> memref<80x128xf32, #tpu.memory_space<hbm>>
    %dma_wait3A_41 = arith.constant 0 : i32
    %dma_wait3A_42 = arith.constant 0 : i32
    %dma_wait3A_43 = tpu.memref_slice %arg7[%dma_wait3A_41, %dma_wait3A_42] : memref<204800x128xf32, #tpu.memory_space<hbm>> -> memref<80x128xf32, #tpu.memory_space<hbm>>
    tpu.wait_dma2 semaphore(%arg16 : memref<!tpu.dma_semaphore, #tpu.memory_space<semaphore_mem>>) src(%arg11 : memref<80x128xf32, #tpu.memory_space<vmem>>) dst(%dma_wait3A_43 : memref<80x128xf32, #tpu.memory_space<hbm>>)
    %dma_wait3A_44 = arith.constant 0 : i32
    %dma_wait3A_45 = arith.constant 0 : i32
    %dma_wait3A_46 = tpu.memref_slice %arg7[%dma_wait3A_44, %dma_wait3A_45] : memref<204800x128xf32, #tpu.memory_space<hbm>> -> memref<80x128xf32, #tpu.memory_space<hbm>>
    %dma_wait3A_47 = arith.constant 0 : i32
    %dma_wait3A_48 = arith.constant 0 : i32
    %dma_wait3A_49 = tpu.memref_slice %arg7[%dma_wait3A_47, %dma_wait3A_48] : memref<204800x128xf32, #tpu.memory_space<hbm>> -> memref<80x128xf32, #tpu.memory_space<hbm>>
    tpu.wait_dma2 semaphore(%arg17 : memref<!tpu.dma_semaphore, #tpu.memory_space<semaphore_mem>>) src(%arg12 : memref<80x128xf32, #tpu.memory_space<vmem>>) dst(%dma_wait3A_49 : memref<80x128xf32, #tpu.memory_space<hbm>>)
    %dma_wait3A_50 = arith.constant 0 : i32
    %dma_wait3A_51 = arith.constant 0 : i32
    %dma_wait3A_52 = tpu.memref_slice %arg7[%dma_wait3A_50, %dma_wait3A_51] : memref<204800x128xf32, #tpu.memory_space<hbm>> -> memref<80x128xf32, #tpu.memory_space<hbm>>
    %dma_wait3A_53 = arith.constant 0 : i32
    %dma_wait3A_54 = arith.constant 0 : i32
    %dma_wait3A_55 = tpu.memref_slice %arg7[%dma_wait3A_53, %dma_wait3A_54] : memref<204800x128xf32, #tpu.memory_space<hbm>> -> memref<80x128xf32, #tpu.memory_space<hbm>>
    tpu.wait_dma2 semaphore(%arg18 : memref<!tpu.dma_semaphore, #tpu.memory_space<semaphore_mem>>) src(%arg13 : memref<80x128xf32, #tpu.memory_space<vmem>>) dst(%dma_wait3A_55 : memref<80x128xf32, #tpu.memory_space<hbm>>)
    %dma_wait3A_56 = arith.constant 0 : i32
    %dma_wait3A_57 = arith.constant 0 : i32
    %dma_wait3A_58 = tpu.memref_slice %arg7[%dma_wait3A_56, %dma_wait3A_57] : memref<204800x128xf32, #tpu.memory_space<hbm>> -> memref<80x128xf32, #tpu.memory_space<hbm>>
    %dma_wait3A_59 = arith.constant 0 : i32
    %dma_wait3A_60 = arith.constant 0 : i32
    %dma_wait3A_61 = tpu.memref_slice %arg7[%dma_wait3A_59, %dma_wait3A_60] : memref<204800x128xf32, #tpu.memory_space<hbm>> -> memref<80x128xf32, #tpu.memory_space<hbm>>
    tpu.wait_dma2 semaphore(%arg19 : memref<!tpu.dma_semaphore, #tpu.memory_space<semaphore_mem>>) src(%arg14 : memref<80x128xf32, #tpu.memory_space<vmem>>) dst(%dma_wait3A_61 : memref<80x128xf32, #tpu.memory_space<hbm>>)
    return
  }
}

</mosaic_0001>

<sc_bundles>
// kernel: _run.3.cloned.1.call-start
scs
__scs_entry_jumppad:
0x0: {  	(pc) =	sbr.rel $0x88, $3  }
0x1: {  	(tag) =	ssettag $0x0;
	lr =	simm.s32 $0x1  }
0x2: {  	[smem:$0x3F9C] =	sst lr;
	_ =	strace $0xD0000000  }
0x3: {  	_ = 	snop  }
0x4: {  	_ = 	snop  }
0x5: {  	_ = 	snop  }
0x6: {  	_ = 	snop  }
0x7: {  	_ = 	snop  }
__scs_overlays_trampoline_lowered:
0x8: {  	[smem:$0x3FAB] =	sst s0  }
0x9: {  	[smem:$0x3FAC] =	sst s1  }
0xa: {  	[smem:$0x3FAD] =	sst s2  }
0xb: {  	[smem:$0x3FAE] =	sst s3  }
0xc: {  	[smem:$0x3FAF] =	sst s4  }
0xd: {  	[smem:$0x3FB0] =	sst s5  }
0xe: {  	[smem:$0x3FB1] =	sst s6  }
0xf: {  	[smem:$0x3FB2] =	sst s7  }
0x10: {  	[smem:$0x3FB3] =	sst s8  }
0x11: {  	[smem:$0x3FB4] =	sst s9;
	s0 =	simm.s32 @!p0 $0x0  }
0x12: {  	s1 =	sld [smem:$0x3F9A];
	s0 =	simm.s32 @p0 $0x1  }
0x13: {  	[smem:$0x3FB5] =	sst s0;
	s0 =	simm.s32 @!p1 $0x0  }
0x14: {  	s2 =	sld [smem:$0x3F99];
	s0 =	simm.s32 @p1 $0x1  }
0x15: {  	[smem:$0x3FB6] =	sst s0;
	s0 =	simm.s32 @!p2 $0x0  }
0x16: {  	s3 =	sld [smem:$0x3FDB];
	s0 =	simm.s32 @p2 $0x1  }
0x17: {  	s4 =	simm.s32 $0x1BF5;
	[smem:$0x3FB8] =	sst s0  }
0x18: {  	s0 =	sld [smem:$0x3F9B];
	_ =	swait.ge [sflag:s4], $0x0  }
0x19: {  	s7 =	sld [smem:$0x3F9C]  }
0x1a: {  	s8 =	sadd.s32 $0xFFFFE003, lr  }
0x1b: {  	s9 =	sadd.s32 $0xFFFFFEF7, lr;
	s5 =	simm.s32 $0xFFFFFFFF;
	p2 =	slt.u32 s8, $0xFFFFF086  }
0x1c: {  	p1 =	slt.u32 s9, $0xF7A;
	s5 =	simm.s32 @!p2 $0x0  }
0x1d: {  	s5 =	simm.s32 @p1 $0x1;
	p0 =	seq.s32 s7, s2  }
0x1e: {  	s7 =	smul.u32 @!p0 $0xF7A, s2;
	p2 =	seq.s32 @!p0 s5, $0x0  }
0x1f: {  	s9 =	smul.u32 $0xF7A, s1;
	s8 =	simm.s32 @!p0 $0x1BF5;
	p2 =	por !p2, p0  }
0x20: {  	[sflag:s8] =	ssyncset.s32 @!p0 $0xFFFFF086;
	s6 =	sadd.s32 @!p0 s3, s7;
	s7 =	simm.s32 @!p0 $0x108  }
0x21: {  	s3 =	sadd.s32 s3, s9;
	s6 =	sadd.s32 @!p0 $0x88, s6;
	s7 =	simm.s32 @p2 $0x1082  }
0x22: {  	[simem:s7], [sflag:s8] =	dma.local @!p0 [hbm:s6], $0xF7A  }
0x23: {  	s9 =	sor.u32 $0xD0000000, s2;
	s6 =	simm.s32 $0x108;
	_ =	swait.ge @!p0 [sflag:s8], $0x0  }
0x24: {  	s3 =	sadd.s32 $0x88, s3;
	s6 =	simm.s32 @!p1 $0x1082;
	[sflag:s4] =	ssyncset.s32 $0xFFFFF086  }
0x25: {  	[simem:s6], [sflag:s4] =	dma.local [hbm:s3], $0xF7A  }
0x26: {  	[smem:$0x3F9C] =	sst s1;
	(tag) =	ssettag s2;
	_ =	strace s9  }
0x27: {  	s1 =	sld [smem:$0x3FAC]  }
0x28: {  	s2 =	sld [smem:$0x3FAD]  }
0x29: {  	s4 =	sld [smem:$0x3FAF]  }
0x2a: {  	p0 =	seq.s32 s5, $0x0;
	s5 =	sld [smem:$0x3FB0]  }
0x2b: {  	s6 =	sld [smem:$0x3FB1]  }
0x2c: {  	s7 =	sld [smem:$0x3FB2]  }
0x2d: {  	s3 =	simm.s32 $0x108;
	s8 =	sld [smem:$0x3FB3]  }
0x2e: {  	s3 =	simm.s32 @!p0 $0x1082;
	s9 =	sld [smem:$0x3FB4]  }
0x2f: {  	lr =	sadd.s32 s0, s3;
	s0 =	sld [smem:$0x3FAB]  }
0x30: {  	s3 =	sld [smem:$0x3FAE]  }
0x31: {  	[smem:$0x3FB7] =	sst s10  }
0x32: {  	s10 =	sld [smem:$0x3FB5];
	_ =	sdelay $0x3  }
0x33: {  	p0 =	seq.s32 s10, $0x1;
	s10 =	sld [smem:$0x3FB7];
	_ =	sdelay $0x3  }
0x34: {  	[smem:$0x3FB7] =	sst s10  }
0x35: {  	s10 =	sld [smem:$0x3FB6];
	_ =	sdelay $0x3  }
0x36: {  	p1 =	seq.s32 s10, $0x1;
	s10 =	sld [smem:$0x3FB7];
	_ =	sdelay $0x3  }
0x37: {  	[smem:$0x3FB7] =	sst s10  }
0x38: {  	s10 =	sld [smem:$0x3FB8]  }
0x39: {  	_ = 	snop;
	(pc) =	sbr.ind lr, $3  }
0x3a: {  	_ = 	snop  }
0x3b: {  	_ = 	snop  }
0x3c: {  	p2 =	seq.s32 s10, $0x1;
	s10 =	sld [smem:$0x3FB7]  }
0x3d: {  	_ =	shalt  }
0x3e: {  	_ =	shalt  }
0x3f: {  	_ =	shalt  }
0x40: {  	_ =	shalt  }
0x41: {  	_ =	shalt  }
0x42: {  	_ =	shalt  }
0x43: {  	_ =	shalt  }
0x44: {  	_ =	shalt  }
0x45: {  	_ =	shalt  }
0x46: {  	_ =	shalt  }
0x47: {  	_ =	shalt  }
0x48: {  	_ =	shalt  }
0x49: {  	_ =	shalt  }
0x4a: {  	_ =	shalt  }
0x4b: {  	_ =	shalt  }
0x4c: {  	_ =	shalt  }
0x4d: {  	_ =	shalt  }
0x4e: {  	_ =	shalt  }
0x4f: {  	_ =	shalt  }
0x50: {  	_ =	shalt  }
0x51: {  	_ =	shalt  }
0x52: {  	_ =	shalt  }
0x53: {  	_ =	shalt  }
0x54: {  	_ =	shalt  }
0x55: {  	_ =	shalt  }
0x56: {  	_ =	shalt  }
0x57: {  	_ =	shalt  }
0x58: {  	_ =	shalt  }
0x59: {  	_ =	shalt  }
0x5a: {  	_ =	shalt  }
0x5b: {  	_ =	shalt  }
0x5c: {  	_ =	shalt  }
0x5d: {  	_ =	shalt  }
0x5e: {  	_ =	shalt  }
0x5f: {  	_ =	shalt  }
0x60: {  	_ =	shalt  }
0x61: {  	_ =	shalt  }
0x62: {  	_ =	shalt  }
0x63: {  	_ =	shalt  }
0x64: {  	_ =	shalt  }
0x65: {  	_ =	shalt  }
0x66: {  	_ =	shalt  }
0x67: {  	_ =	shalt  }
0x68: {  	_ =	shalt  }
0x69: {  	_ =	shalt  }
0x6a: {  	_ =	shalt  }
0x6b: {  	_ =	shalt  }
0x6c: {  	_ =	shalt  }
0x6d: {  	_ =	shalt  }
0x6e: {  	_ =	shalt  }
0x6f: {  	_ =	shalt  }
0x70: {  	_ =	shalt  }
0x71: {  	_ =	shalt  }
0x72: {  	_ =	shalt  }
0x73: {  	_ =	shalt  }
0x74: {  	_ =	shalt  }
0x75: {  	_ =	shalt  }
0x76: {  	_ =	shalt  }
0x77: {  	_ =	shalt  }
0x78: {  	_ =	shalt  }
0x79: {  	_ =	shalt  }
0x7a: {  	_ =	shalt  }
0x7b: {  	_ =	shalt  }
0x7c: {  	_ =	shalt  }
0x7d: {  	_ =	shalt  }
0x7e: {  	_ =	shalt  }
0x7f: {  	_ =	shalt  }
0x80: {  	_ =	shalt  }
0x81: {  	_ =	shalt  }
0x82: {  	_ =	shalt  }
0x83: {  	_ =	shalt  }
0x84: {  	_ =	shalt  }
0x85: {  	_ =	shalt  }
0x86: {  	_ =	shalt  }
0x87: {  	_ =	shalt  }
.Lfunc_end0:
.L_simem_size_0:
called_computation_lowered:
.L_overlay_start_0:
0x88: {  	s2 =	sld [smem:$0x3FD9]  }
0x89: {  	s3 =	sld [smem:$0x3FFE];
	_ =	sdelay $0x1  }
0x8a: {  	s1 =	srdreg.scid  }
0x8b: {  	s0 =	sand.u32 $0x1, s1  }
0x8c: {  	s18 =	sshll.u32 s0, $0xA;
	s2 =	sadd.s32 s3, s2  }
0x8d: {  	s2 =	sadd.s32 s2, s18  }
0x8e: {  	[smem:$0x3FC3] =	sst s2  }
0x8f: {  	_ = 	snop  }
0x90: {  	s2 =	sld [smem:$0x3FC9]  }
0x91: {  	s19 =	sld [smem:$0x3FC8]  }
0x92: {  	s4 =	sld [smem:$0x3FC7]  }
0x93: {  	s5 =	sld [smem:$0x3FC6]  }
0x94: {  	s6 =	sld [smem:$0x3FC5]  }
0x95: {  	s7 =	sld [smem:$0x3FD0];
	(tm) =	ssettm $0x1  }
0x96: {  	s8 =	sld [smem:$0x3FFB];
	_ =	sdelay $0x3  }
0x97: {  	_ =	strace s8  }
0x98: {  	s8 =	sld [smem:$0x3FFC];
	_ =	sdelay $0x3  }
0x99: {  	_ =	strace s8  }
0x9a: {  	s8 =	sld [smem:$0x3FFD];
	_ =	sdelay $0x3  }
0x9b: {  	_ =	strace s8  }
0x9c: {  	_ =	strace $0x8FFFFFFF  }
0x9d: {  	s20 =	sld [smem:$0x3FDB];
	_ =	sdelay $0x1  }
0x9e: {  	s9 =	simm.s32 $_scs_section_size  }
0x9f: {  	s10 =	simm.s32 $_size__tile_overlayer_lowered;
	s11 =	simm.s32 $_tile_overlayer_lowered  }
0xa0: {  	s23 =	simm.s32 $0x1BFF;
	s22 =	sshll.u32 s11, $0x1;
	s8 =	sadd.s32 s9, s20  }
0xa1: {  	s12 =	simm.s32 $0x0;
	s21 =	sshll.u32 s10, $0x1;
	s10 =	sadd.s32 s22, s8  }
0xa2: {  	[timem:s12], [sflag:s23] =	dma.local [hbm:s10], s21  }
0xa3: {  	_ =	swait.ge [sflag:s23], s21  }
0xa4: {  	s9 =	ssub.s32 $0x0, s21;
	[sflag:s23] =	ssyncset.done $0x0  }
0xa5: {  	[sflag:s23] =	ssyncadd.s32 s9;
	_ =	sdelay $0x1  }
0xa6: {  	s24 =	simm.s32 $0x1B8B  }
0xa7: {  	_ =	swait.ge [sflag:s24], $0x1  }
0xa8: {  	[sflag:s24] =	ssyncset.done $0x0  }
0xa9: {  	s25 =	simm.s32 $0x1B8E;
	[sflag:s24] =	ssyncadd.s32 $0xFFFFFFFF  }
0xaa: {  	s26 =	simm.s32 $execute0_lowered;
	[smem:$0x3FD2] =	sst s25  }
0xab: {  	s9 =	sshll.u32 s26, $0x1;
	_ =	strace $0x80000046;
	[dreg:$0x1] =	wrdreg $0xFFFFFFFF  }
0xac: {  	s28 =	simm.s32 $_size_execute0_lowered;
	s8 =	sadd.s32 s8, s9;
	[dreg:$0x0] =	wrdreg $0x0  }
0xad: {  	s9 =	sshll.u32 s28, $0x1;
	[dreg:$0x2] =	wrdreg s8  }
0xae: {  	[dreg:$0x3] =	wrdreg s9  }
0xaf: {  	[dreg:$0x4] =	wrdreg $0xC0  }
0xb0: {  	_ =	task [dreg:s12], $0x5FFFF  }
0xb1: {  	[dreg:$0x1] =	wrdreg $0xFFFFFFFF  }
0xb2: {  	[dreg:$0x0] =	wrdreg $0x60  }
0xb3: {  	[dreg:$0x2] =	wrdreg s2  }
0xb4: {  	[dreg:$0x3] =	wrdreg s19  }
0xb5: {  	[dreg:$0x4] =	wrdreg s4  }
0xb6: {  	[dreg:$0x5] =	wrdreg s5  }
0xb7: {  	[dreg:$0x6] =	wrdreg s6  }
0xb8: {  	[dreg:$0x7] =	wrdreg s7  }
0xb9: {  	[dreg:$0x8] =	wrdreg $0x9  }
0xba: {  	_ =	task.clear_ibuf [dreg:s12], $0x9FFFF;
	_ =	strace $0x90000046  }
0xbb: {  	s29 =	simm.s32 $0x9;
	_ =	strace $0x80000048  }
0xbc: {  	_ =	swait.ge [sflag:s29], $0x1  }
0xbd: {  	[sflag:s29] =	ssyncadd.s32 $0xFFFFFFFF  }
0xbe: {  	_ =	strace $0x90000048  }
0xbf: {  	_ =	sfence  }
0xc0: {  	s30 =	sld [smem:$0x0];
	_ =	sdelay $0x2  }
0xc1: {  	s31 =	sshll.u32 s1, $0xD;
	s1 =	sshrl.u32 s1, $0x2  }
0xc2: {  	s3 =	sand.u32 $0x4000, s31;
	s1 =	sadd.s32 s1, s30  }
0xc3: {  	s0 =	sor.u32 s3, s0;
	s1 =	sshll.u32 s1, $0x11  }
0xc4: {  	s0 =	sor.u32 s1, s0  }
0xc5: {  	s0 =	sadd.s32 $0x8F2B, s0  }
0xc6: {  	[sflag:s0] =	ssyncadd.remote.s32 $0x1  }
0xc7: {  	_ =	sfence.sel $0xFFFF  }
0xc8: {  	[dreg:$0x0] =	wrdreg $0xFFFFFFFF;
	(pc) =	sbr.abs _section_cstart, $3  }
0xc9: {  	[dreg:$0x1] =	wrdreg $0xFFFFFFFF  }
0xca: {  	_ =	task.clear_ibuf [dreg:s12], $0x2FFFF;
	_ =	strace $0x9FFFFFFF  }
0xcb: {  	(tm) =	ssettm $0x7FFFFFFF  }
tec
execute0_lowered:
.L_overlay_start_1:
0x0: {  	(tag) =	ssettag $0x1  }
0x1: {  	s0 =	rddreg [dreg:$0x0]  }
0x2: {  	s1 =	rddreg [dreg:$0x1]  }
0x3: {  	s2 =	rddreg [dreg:$0x2];
	v0 =	vimm.s32 $0xFEDCBA98  }
0x4: {  	s3 =	srdreg.scid;
	s4 =	stileid.u32;
	v1 =	vimm.s32 $0x76543210;
	v2 =	vimm.s32 $0xBA98FEDC;
	v3 =	vimm.s32 $0x32107654  }
0x5: {  	s5 =	rddreg [dreg:$0x5];
	s6 =	simm.s32 $0x0;
	v4 =	vimm.s32 $0xDCFE98BA;
	v5 =	vimm.s32 $0x54761032;
	s18 =	simm.s32 $0x1A00  }
0x6: {  	v6 =	vimm.s32 $0xEFCDAB89;
	v7 =	vimm.s32 $0x67452301;
	s19 =	simm.s32 $0x1;
	s20 =	simm.s32 $0x50;
	s21 =	simm.s32 $0x4200  }
0x7: {  	s22 =	simm.s32 $0x2;
	s23 =	simm.s32 $0x6A00;
	s24 =	simm.s32 $0x3;
	v0 =	vunpack.c.l.s4.s8 v0;
	v1 =	vunpack.c.l.s4.s8 v1;
	v2 =	vunpack.c.l.s4.s8 v2  }
0x8: {  	s25 =	simm.s32 $0x9200;
	s3 =	sand.u32 $0x1, s3;
	s4 =	sshll.u32 s4, $0x1;
	v3 =	vunpack.c.l.s4.s8 v3;
	v4 =	vunpack.c.l.s4.s8 v4;
	v5 =	vunpack.c.l.s4.s8 v5  }
0x9: {  	s28 =	simm.s32 $0xBA00;
	s29 =	simm.s32 $0x5;
	v6 =	vunpack.c.l.s4.s8 v6;
	v7 =	vunpack.c.l.s4.s8 v7;
	s4 =	sor.u32 s3, s4;
	v0 =	vunpack.c.0.s8.s32 v0  }
0xa: {  	[smem:$0x7FF] =	sst s6;
	s3 =	ssub.s32 $0x2, s3;
	s8 =	smul.u32 $0x1900, s4;
	v2 =	vunpack.c.0.s8.s32 v2;
	v3 =	vunpack.c.0.s8.s32 v3;
	v4 =	vunpack.c.0.s8.s32 v4  }
.Ltmp0:
0xb: {  	s10 =	sadd.s32 $0x500, s2;
	s26 =	sshrl.u32 s3, $0x1;
	v5 =	vunpack.c.0.s8.s32 v5;
	v6 =	vunpack.c.0.s8.s32 v6;
	v7 =	vunpack.c.0.s8.s32 v7;
	(pc) =	sbr.rel .LBB2_1-.Ltmp0, $4  }
0xc: {  	s12 =	sadd.s32 $0xA00, s2;
	s13 =	sadd.s32 $0x280, s2;
	v1 =	vunpack.c.0.s8.s32 v1;
	s3 =	ssub.s32 s3, s26;
	v2 =	vcombine.low v3, v2  }
0xd: {  	s14 =	sadd.s32 $0x780, s2;
	s30 =	sshrl.u32 s8, $0x3;
	s31 =	smax.u32 s3, $0x1;
	v3 =	vcombine.low v5, v4;
	v4 =	vcombine.low v7, v6;
	v0 =	vand.u32 $0xF, v0  }
0xe: {  	_ =	strace $0x80000047;
	s0 =	sadd.s32 s0, s30;
	[dreg:$0x8] =	wrdreg s31;
	v0 =	vcombine.low v0, v1  }
0xf: {  	s26 =	simm.s32 $0x4;
	s3 =	simm.s32 $0x0;
	[dreg:$0x7] =	wrdreg s0;
	v1 =	vand.u32 $0xF, v2;
	v2 =	vand.u32 $0xF, v3;
	v3 =	vand.u32 $0xF, v4  }
.LBB2_14:
0x10: {  	_ =	swait.ge [sflag:s19], $0x2800  }
0x11: {  	[sflag:s19] =	ssyncset.done $0x0  }
0x12: {  	[sflag:s19] =	ssyncadd.s32 $0xFFFFD800  }
0x13: {  	_ =	swait.ge [sflag:s22], $0x2800  }
0x14: {  	[sflag:s22] =	ssyncset.done $0x0  }
0x15: {  	[sflag:s22] =	ssyncadd.s32 $0xFFFFD800  }
0x16: {  	_ =	swait.ge [sflag:s24], $0x2800  }
0x17: {  	[sflag:s24] =	ssyncset.done $0x0  }
0x18: {  	[sflag:s24] =	ssyncadd.s32 $0xFFFFD800  }
0x19: {  	_ =	swait.ge [sflag:s26], $0x2800  }
0x1a: {  	[sflag:s26] =	ssyncset.done $0x0  }
0x1b: {  	[sflag:s26] =	ssyncadd.s32 $0xFFFFD800  }
0x1c: {  	_ =	swait.ge [sflag:s29], $0x2800  }
0x1d: {  	s3 =	rddreg [dreg:$0x9]  }
0x1e: {  	s0 =	rddreg [dreg:$0x8];
	s3 =	sadd.s32 $0x1, s3  }
0x1f: {  	p0 =	sne.s32 s3, s0  }
.Ltmp1:
0x20: {  	_ = 	snop;
	(pc) =	sbr.rel @!p0 .LBB2_15-.Ltmp1, $3  }
0x21: {  	_ =	sdelay $0x1  }
0x22: {  	[sflag:s29] =	ssyncset.done $0x0  }
0x23: {  	[sflag:s29] =	ssyncadd.s32 $0xFFFFD800  }
.LBB2_1:
0x24: {  	[dreg:$0x9] =	wrdreg s3  }
0x25: {  	s0 =	rddreg [dreg:$0x7];
	s15 =	simm.s32 $0x6  }
0x26: {  	[tilespmem:s6], [sflag:$0x6] =	stream.linear.gather [hbm4b:s0+s6], $0x1900, $0x38;
	[tilespmem:$0xE200] =	vst v63  }
0x27: {  	_ =	swait.ge [sflag:s15], $0x1900  }
0x28: {  	[sflag:s15] =	ssyncset.done $0x0  }
0x29: {  	[sflag:s15] =	ssyncadd.s32 $0xFFFFE700  }
0x2a: {  	s4 =	simm.s32 $0x1900;
	s16 =	rddreg [dreg:$0x3]  }
0x2b: {  	[tilespmem:s4], [sflag:$0x6] =	stream.linear.gather [hbm4b:s16+s6], $0x80, $0x38;
	[tilespmem:$0xE200] =	vst v63  }
0x2c: {  	_ =	swait.ge [sflag:s15], $0x80  }
0x2d: {  	[sflag:s15] =	ssyncset.done $0x0  }
0x2e: {  	[sflag:s15] =	ssyncadd.s32 $0xFFFFFF80  }
0x2f: {  	s30 =	simm.s32 $0x1980;
	s17 =	rddreg [dreg:$0x4]  }
0x30: {  	[tilespmem:s30], [sflag:$0x6] =	stream.linear.gather [hbm4b:s17+s6], $0x80, $0x38;
	[tilespmem:$0xE200] =	vst v63  }
0x31: {  	_ =	swait.ge [sflag:s15], $0x80  }
0x32: {  	[sflag:s15] =	ssyncset.done $0x0  }
0x33: {  	[sflag:s15] =	ssyncadd.s32 $0xFFFFFF80  }
0x34: {  	[tilespmem:s18], [sflag:$0x1] =	stream.linear.gather [hbm4b:s2+s6], $0x2800, $0x38;
	[tilespmem:$0xE200] =	vst v63  }
0x35: {  	_ =	swait.ge [sflag:s19], $0x2800  }
0x36: {  	[sflag:s19] =	ssyncset.done $0x0  }
0x37: {  	[sflag:s19] =	ssyncadd.s32 $0xFFFFD800  }
0x38: {  	[tilespmem:s18], [sflag:$0x1] =	stream.indirect.gather.add.f32 [hbm:s1], $0x80, s6, s20, $0xb8;
	[tilespmem:$0xE200] =	vst v63  }
0x39: {  	s31 =	simm.s32 $0x0  }
0x3a: {  	[tilespmem:s21], [sflag:$0x2] =	stream.linear.gather [hbm4b:s10+s6], $0x2800, $0x38;
	[tilespmem:$0xE200] =	vst v63  }
.LBB2_2:
0x3b: {  	s0 =	smul.u32 $0x5, s31;
	_ =	sdelay $0x1  }
0x3c: {  	s0 =	sadd.s32 $0x1, s0  }
0x3d: {  	_ =	swait.ge [sflag:s22], $0x2800;
	s3 =	smul.u32 $0x140, s0  }
0x3e: {  	[sflag:s22] =	ssyncset.done $0x0  }
0x3f: {  	[sflag:s22] =	ssyncadd.s32 $0xFFFFD800;
	s3 =	sshra.s32 s3, $0x2  }
0x40: {  	[tilespmem:s21], [sflag:$0x2] =	stream.indirect.gather.add.f32 [hbm:s1], $0x80, s3, s20, $0xb8;
	[tilespmem:$0xE200] =	vst v63  }
0x41: {  	_ =	swait.ge [sflag:s19], $0x2800  }
0x42: {  	[sflag:s19] =	ssyncset.done $0x0  }
0x43: {  	s3 =	simm.s32 $0x0;
	[sflag:s19] =	ssyncadd.s32 $0xFFFFD800  }
0x44: {  	v7 =	vld [tilespmem:s3+$0x1A00]  }
0x45: {  	v12 =	vld [tilespmem:s3+$0x1A10]  }
0x46: {  	v11 =	vld [tilespmem:s3+$0x1A20]  }
0x47: {  	v15 =	vld [tilespmem:s3+$0x1A30]  }
0x48: {  	v25 =	vld [tilespmem:s3+$0x1A40]  }
0x49: {  	v23 =	vld [tilespmem:s3+$0x1A50]  }
0x4a: {  	v34 =	vld [tilespmem:s3+$0x1A60]  }
0x4b: {  	v31 =	vld [tilespmem:s3+$0x1A70];
	_ =	sdelay $0x2  }
0x4c: {  	v4 =	vadd.f32 v12, v7;
	v5 =	vmul.f32 v7, v7  }
0x4d: {  	v6 =	vadd.f32 v15, v11;
	v8 =	vmul.f32 v12, v12;
	v9 =	vmul.f32 v11, v11  }
0x4e: {  	v10 =	vmul.f32 v15, v15;
	v13 =	vadd.f32 v23, v25;
	v14 =	vadd.f32 v31, v34  }
0x4f: {  	v16 =	vmul.f32 v23, v23;
	v17 =	vmul.f32 v31, v31;
	v4 =	vadd.f32 v6, v4  }
0x50: {  	v6 =	vmul.f32 v25, v25;
	v13 =	vadd.f32 v14, v13;
	v14 =	vmul.f32 v34, v34  }
0x51: {  	v5 =	vadd.f32 v8, v5;
	v8 =	vadd.f32 v10, v9  }
0x52: {  	v6 =	vadd.f32 v16, v6;
	v9 =	vadd.f32 v17, v14  }
0x53: {  	v4 =	vadd.f32 v13, v4  }
0x54: {  	v5 =	vadd.f32 v8, v5;
	v6 =	vadd.f32 v9, v6;
	_ =	sdelay $0x1  }
0x55: {  	v8 =	vperm.xlane v4, v0;
	v5 =	vadd.f32 v6, v5;
	_ =	sdelay $0x1  }
0x56: {  	v4 =	vadd.f32 v4, v8;
	v6 =	vperm.xlane v5, v0;
	_ =	sdelay $0x1  }
0x57: {  	v8 =	vperm.xlane v4, v1;
	v5 =	vadd.f32 v6, v5;
	_ =	sdelay $0x1  }
0x58: {  	v4 =	vadd.f32 v4, v8;
	v6 =	vperm.xlane v5, v1;
	_ =	sdelay $0x1  }
0x59: {  	s4 =	simm.s32 $0x80;
	v8 =	vperm.xlane v4, v2;
	v5 =	vadd.f32 v6, v5  }
0x5a: {  	v28 =	vld [tilespmem:s4+$0x1A00]  }
0x5b: {  	v27 =	vld [tilespmem:s4+$0x1A10];
	v4 =	vadd.f32 v4, v8;
	v6 =	vperm.xlane v5, v2  }
0x5c: {  	v26 =	vld [tilespmem:s4+$0x1A20]  }
0x5d: {  	v37 =	vld [tilespmem:s4+$0x1A30];
	v8 =	vperm.xlane v4, v3;
	v9 =	vadd.f32 v6, v5  }
0x5e: {  	v35 =	vld [tilespmem:s4+$0x1A40]  }
0x5f: {  	v6 =	vld [tilespmem:s4+$0x1A50];
	v8 =	vadd.f32 v4, v8;
	v10 =	vperm.xlane v9, v3  }
0x60: {  	v5 =	vld [tilespmem:s4+$0x1A60]  }
0x61: {  	v4 =	vld [tilespmem:s4+$0x1A70];
	v36 =	vmul.f32 $7.812500000e-03, v8;
	v8 =	vadd.f32 v10, v9;
	_ =	sdelay $0x1  }
0x62: {  	v9 =	vmul.f32 v36, v36;
	v8 =	vmul.f32 $7.812500000e-03, v8  }
0x63: {  	v13 =	vadd.f32 v37, v26;
	v14 =	vmul.f32 v28, v28;
	v16 =	vmul.f32 v27, v27  }
0x64: {  	v17 =	vmul.f32 v26, v26;
	v10 =	vadd.f32 v27, v28;
	v8 =	vsub.f32 v8, v9  }
0x65: {  	v18 =	vadd.f32 v6, v35;
	v19 =	vadd.f32 v4, v5;
	v20 =	vmul.f32 v5, v5  }
0x66: {  	v21 =	vmul.f32 v4, v4;
	v10 =	vadd.f32 v13, v10;
	v8 =	vadd.f32 $9.999999960e-13, v8  }
0x67: {  	v13 =	vmul.f32 v35, v35;
	v18 =	vadd.f32 v19, v18;
	v19 =	vmul.f32 v6, v6  }
0x68: {  	v9 =	vmul.f32 v37, v37;
	v22 =	vmul.f32 $5.000000000e-01, v8;
	v8 =	vshra.s32 v8, $0x1  }
0x69: {  	v14 =	vadd.f32 v16, v14;
	v16 =	vadd.f32 v21, v20;
	v8 =	vsub.s32 $0x5F3759DF, v8  }
0x6a: {  	v13 =	vadd.f32 v19, v13;
	v9 =	vadd.f32 v9, v17;
	v17 =	vmul.f32 v8, v22  }
0x6b: {  	v10 =	vadd.f32 v18, v10  }
0x6c: {  	v13 =	vadd.f32 v16, v13;
	v9 =	vadd.f32 v9, v14;
	v14 =	vmul.f32 v8, v17;
	_ =	sdelay $0x1  }
0x6d: {  	v16 =	vperm.xlane v10, v0;
	v9 =	vadd.f32 v13, v9;
	v13 =	vsub.f32 $1.500000000e+00, v14;
	_ =	sdelay $0x1  }
0x6e: {  	v10 =	vadd.f32 v10, v16;
	v14 =	vperm.xlane v9, v0;
	v8 =	vmul.f32 v8, v13;
	_ =	sdelay $0x1  }
0x6f: {  	v13 =	vperm.xlane v10, v1;
	v9 =	vadd.f32 v14, v9;
	v14 =	vmul.f32 v8, v22;
	_ =	sdelay $0x1  }
0x70: {  	s16 =	simm.s32 $0x100;
	v10 =	vadd.f32 v10, v13;
	v13 =	vperm.xlane v9, v1;
	v16 =	vmul.f32 v14, v8  }
0x71: {  	v40 =	vld [tilespmem:s16+$0x1A00]  }
0x72: {  	v38 =	vld [tilespmem:s16+$0x1A10];
	v9 =	vadd.f32 v13, v9;
	v13 =	vsub.f32 $1.500000000e+00, v16  }
0x73: {  	v18 =	vperm.xlane v10, v2;
	v16 =	vld [tilespmem:$0x1900]  }
0x74: {  	v7 =	vsub.f32 v7, v36;
	v19 =	vld [tilespmem:$0x1980];
	v39 =	vmul.f32 v13, v8  }
0x75: {  	v14 =	vld [tilespmem:s16+$0x1A30];
	v18 =	vadd.f32 v10, v18;
	v20 =	vperm.xlane v9, v2  }
0x76: {  	v17 =	vld [tilespmem:s16+$0x1A20];
	v21 =	vmul.f32 v39, v7  }
0x77: {  	v10 =	vld [tilespmem:s16+$0x1A50];
	v8 =	vperm.xlane v18, v3;
	v20 =	vadd.f32 v20, v9  }
0x78: {  	v12 =	vsub.f32 v12, v36;
	v13 =	vld [tilespmem:s16+$0x1A40];
	v16 =	vmul.f32 v21, v16  }
0x79: {  	v22 =	vmul.f32 v38, v38;
	v9 =	vld [tilespmem:s16+$0x1A60];
	v8 =	vadd.f32 v18, v8;
	v18 =	vperm.xlane v20, v3  }
0x7a: {  	v32 =	vmul.f32 v14, v14;
	v7 =	vld [tilespmem:s16+$0x1A70];
	v21 =	vadd.f32 v38, v40;
	v16 =	vadd.f32 v16, v19  }
0x7b: {  	v8 =	vmul.f32 $7.812500000e-03, v8;
	v18 =	vadd.f32 v18, v20;
	v19 =	vadd.f32 v14, v17  }
0x7c: {  	v12 =	vmul.f32 v39, v12;
	v20 =	vmul.f32 v40, v40;
	[tilespmem:s3+$0x1A00] =	vst v16  }
0x7d: {  	v18 =	vmul.f32 $7.812500000e-03, v18;
	v29 =	vmul.f32 v8, v8;
	v19 =	vadd.f32 v19, v21;
	v21 =	vld [tilespmem:$0x1910]  }
0x7e: {  	v24 =	vadd.f32 v10, v13;
	v20 =	vadd.f32 v22, v20;
	v22 =	vmul.f32 v9, v9  }
0x7f: {  	v30 =	vadd.f32 v7, v9;
	v56 =	vmul.f32 v7, v7;
	v18 =	vsub.f32 v18, v29;
	v33 =	vld [tilespmem:$0x1990]  }
0x80: {  	v16 =	vmul.f32 v17, v17;
	v29 =	vmul.f32 v13, v13  }
0x81: {  	v24 =	vadd.f32 v30, v24;
	v30 =	vmul.f32 v10, v10;
	v18 =	vadd.f32 $9.999999960e-13, v18  }
0x82: {  	v22 =	vadd.f32 v56, v22;
	v16 =	vadd.f32 v32, v16;
	v12 =	vmul.f32 v12, v21  }
0x83: {  	v41 =	vmul.f32 $5.000000000e-01, v18;
	v18 =	vshra.s32 v18, $0x1;
	v21 =	vadd.f32 v30, v29  }
0x84: {  	v19 =	vadd.f32 v24, v19;
	v18 =	vsub.s32 $0x5F3759DF, v18;
	v12 =	vadd.f32 v12, v33  }
0x85: {  	v16 =	vadd.f32 v16, v20;
	v29 =	vmul.f32 v18, v41;
	v20 =	vadd.f32 v22, v21  }
0x86: {  	[tilespmem:s3+$0x1A10] =	vst v12  }
0x87: {  	v21 =	vmul.f32 v18, v29;
	v12 =	vperm.xlane v19, v0;
	v16 =	vadd.f32 v20, v16;
	v29 =	vld [tilespmem:$0x1920]  }
0x88: {  	v11 =	vsub.f32 v11, v36  }
0x89: {  	v20 =	vsub.f32 $1.500000000e+00, v21;
	v30 =	vld [tilespmem:$0x19A0];
	v12 =	vadd.f32 v19, v12;
	v19 =	vperm.xlane v16, v0  }
0x8a: {  	v11 =	vmul.f32 v39, v11  }
0x8b: {  	s17 =	simm.s32 $0x180;
	v42 =	vld [tilespmem:$0x1900];
	v57 =	vmul.f32 v18, v20;
	v18 =	vperm.xlane v12, v1;
	v16 =	vadd.f32 v19, v16  }
0x8c: {  	v24 =	vld [tilespmem:s17+$0x1A00];
	v11 =	vmul.f32 v11, v29  }
0x8d: {  	v22 =	vld [tilespmem:s17+$0x1A10];
	v58 =	vmul.f32 v57, v41;
	v12 =	vadd.f32 v12, v18;
	v29 =	vperm.xlane v16, v1  }
0x8e: {  	v21 =	vld [tilespmem:s17+$0x1A20];
	v11 =	vadd.f32 v11, v30  }
0x8f: {  	v20 =	vld [tilespmem:s17+$0x1A30];
	v33 =	vmul.f32 v58, v57;
	v30 =	vperm.xlane v12, v2;
	v29 =	vadd.f32 v29, v16  }
0x90: {  	v15 =	vsub.f32 v15, v36;
	v25 =	vsub.f32 v25, v36;
	v19 =	vld [tilespmem:s17+$0x1A40];
	[tilespmem:s3+$0x1A20] =	vst v11  }
0x91: {  	v33 =	vsub.f32 $1.500000000e+00, v33;
	v30 =	vadd.f32 v12, v30;
	v45 =	vperm.xlane v29, v2;
	v46 =	vld [tilespmem:$0x1930]  }
0x92: {  	v15 =	vmul.f32 v39, v15;
	v28 =	vsub.f32 v28, v8;
	v27 =	vsub.f32 v27, v8;
	v18 =	vld [tilespmem:s17+$0x1A50]  }
0x93: {  	v12 =	vmul.f32 v33, v57;
	v62 =	vld [tilespmem:$0x19B0];
	v61 =	vperm.xlane v30, v3;
	v29 =	vadd.f32 v45, v29  }
0x94: {  	v59 =	vld [tilespmem:$0x1980];
	v44 =	vmul.f32 v24, v24;
	v43 =	vadd.f32 v22, v24;
	v60 =	vmul.f32 v22, v22  }
0x95: {  	v16 =	vld [tilespmem:s17+$0x1A60];
	v28 =	vmul.f32 v12, v28;
	v30 =	vadd.f32 v30, v61;
	v63 =	vperm.xlane v29, v3  }
0x96: {  	v48 =	vmul.f32 v21, v21;
	v47 =	vadd.f32 v20, v21;
	v50 =	vmul.f32 v15, v46  }
0x97: {  	v11 =	vld [tilespmem:s17+$0x1A70];
	v28 =	vmul.f32 v28, v42;
	v15 =	vmul.f32 $7.812500000e-03, v30;
	v29 =	vadd.f32 v63, v29  }
0x98: {  	v55 =	vmul.f32 v19, v19;
	v57 =	vmul.f32 v18, v18;
	v52 =	vadd.f32 v50, v62  }
0x99: {  	v28 =	vadd.f32 v28, v59;
	v29 =	vmul.f32 $7.812500000e-03, v29;
	v54 =	vmul.f32 v15, v15  }
0x9a: {  	v53 =	vadd.f32 v47, v43;
	v49 =	vadd.f32 v18, v19;
	v58 =	vmul.f32 v16, v16;
	[tilespmem:s3+$0x1A30] =	vst v52  }
0x9b: {  	v43 =	vadd.f32 v57, v55;
	v30 =	vmul.f32 v20, v20;
	[tilespmem:s4+$0x1A00] =	vst v28;
	v29 =	vsub.f32 v29, v54;
	v33 =	vld [tilespmem:$0x1940]  }
0x9c: {  	v51 =	vadd.f32 v11, v16;
	v28 =	vadd.f32 v60, v44;
	v60 =	vmul.f32 v11, v11;
	v59 =	vld [tilespmem:$0x1910]  }
0x9d: {  	v25 =	vmul.f32 v39, v25;
	v30 =	vadd.f32 v30, v48;
	v61 =	vld [tilespmem:$0x19C0];
	v29 =	vadd.f32 $9.999999960e-13, v29  }
0x9e: {  	v27 =	vmul.f32 v12, v27;
	v56 =	vadd.f32 v51, v49;
	v62 =	vld [tilespmem:$0x1990];
	v44 =	vadd.f32 v60, v58  }
0x9f: {  	v28 =	vadd.f32 v30, v28;
	v63 =	vmul.f32 $5.000000000e-01, v29;
	v29 =	vshra.s32 v29, $0x1  }
0xa0: {  	s9 =	simm.s32 $0x200;
	v52 =	vadd.f32 v44, v43;
	v29 =	vsub.s32 $0x5F3759DF, v29;
	v25 =	vmul.f32 v25, v33  }
0xa1: {  	v32 =	vld [tilespmem:s9+$0x1A00];
	v41 =	vadd.f32 v56, v53;
	v27 =	vmul.f32 v27, v59;
	v51 =	vmul.f32 v29, v63  }
0xa2: {  	v48 =	vld [tilespmem:$0x1980];
	v28 =	vadd.f32 v52, v28;
	v25 =	vadd.f32 v25, v61  }
0xa3: {  	v50 =	vld [tilespmem:$0x1900];
	v54 =	vadd.f32 v27, v62;
	v53 =	vmul.f32 v29, v51  }
0xa4: {  	v30 =	vld [tilespmem:s9+$0x1A20];
	v55 =	vperm.xlane v41, v0;
	v57 =	vperm.xlane v28, v0;
	[tilespmem:s3+$0x1A40] =	vst v25  }
0xa5: {  	v23 =	vsub.f32 v23, v36;
	[tilespmem:s4+$0x1A10] =	vst v54;
	v25 =	vsub.f32 $1.500000000e+00, v53;
	v56 =	vld [tilespmem:$0x1950]  }
0xa6: {  	v41 =	vadd.f32 v41, v55;
	v28 =	vadd.f32 v57, v28;
	v44 =	vld [tilespmem:$0x1920]  }
0xa7: {  	v23 =	vmul.f32 v39, v23;
	v58 =	vld [tilespmem:$0x19D0];
	v29 =	vmul.f32 v29, v25;
	v25 =	vsub.f32 v26, v8  }
0xa8: {  	v59 =	vld [tilespmem:$0x19A0];
	v61 =	vperm.xlane v28, v1;
	v26 =	vperm.xlane v41, v1  }
0xa9: {  	v34 =	vsub.f32 v34, v36;
	v33 =	vld [tilespmem:s9+$0x1A10];
	v60 =	vmul.f32 v29, v63;
	v25 =	vmul.f32 v12, v25  }
0xaa: {  	v36 =	vsub.f32 v31, v36;
	v27 =	vld [tilespmem:s9+$0x1A30];
	v41 =	vadd.f32 v41, v26;
	v23 =	vmul.f32 v23, v56  }
0xab: {  	v49 =	vadd.f32 v61, v28;
	v28 =	vld [tilespmem:s9+$0x1A70];
	v47 =	vmul.f32 v60, v29;
	v44 =	vmul.f32 v25, v44  }
0xac: {  	v37 =	vsub.f32 v37, v8;
	v26 =	vld [tilespmem:s9+$0x1A40];
	v51 =	vperm.xlane v41, v2;
	v45 =	vadd.f32 v23, v58  }
0xad: {  	v25 =	vld [tilespmem:s9+$0x1A50];
	v47 =	vsub.f32 $1.500000000e+00, v47;
	v43 =	vadd.f32 v44, v59  }
0xae: {  	v37 =	vmul.f32 v12, v37;
	v52 =	vmul.f32 v32, v32;
	v23 =	vld [tilespmem:s9+$0x1A60];
	v41 =	vadd.f32 v41, v51;
	[tilespmem:s3+$0x1A50] =	vst v45  }
0xaf: {  	v40 =	vsub.f32 v40, v15;
	v62 =	vperm.xlane v49, v2;
	v29 =	vmul.f32 v47, v29;
	[tilespmem:s4+$0x1A20] =	vst v43;
	v63 =	vld [tilespmem:$0x1960]  }
0xb0: {  	v53 =	vmul.f32 v30, v30;
	v46 =	vadd.f32 v33, v32;
	v59 =	vperm.xlane v41, v3;
	v60 =	vld [tilespmem:$0x1930]  }
0xb1: {  	v42 =	vadd.f32 v27, v30;
	v47 =	vadd.f32 v62, v49;
	v54 =	vld [tilespmem:$0x19E0];
	v40 =	vmul.f32 v29, v40  }
0xb2: {  	v56 =	vmul.f32 v39, v34;
	v44 =	vmul.f32 v33, v33;
	v55 =	vld [tilespmem:$0x19B0];
	v41 =	vadd.f32 v41, v59  }
0xb3: {  	v45 =	vadd.f32 v42, v46;
	v61 =	vperm.xlane v47, v3;
	v40 =	vmul.f32 v40, v50  }
0xb4: {  	v57 =	vadd.f32 v25, v26;
	v34 =	vmul.f32 $7.812500000e-03, v41;
	v63 =	vmul.f32 v63, v56  }
0xb5: {  	v56 =	vadd.f32 v61, v47;
	v40 =	vadd.f32 v40, v48;
	v37 =	vmul.f32 v37, v60  }
0xb6: {  	v51 =	vmul.f32 v27, v27;
	v62 =	vadd.f32 v28, v23;
	v41 =	vadd.f32 v54, v63  }
0xb7: {  	v59 =	vmul.f32 v34, v34;
	v47 =	vmul.f32 $7.812500000e-03, v56;
	[tilespmem:s16+$0x1A00] =	vst v40;
	v37 =	vadd.f32 v37, v55  }
0xb8: {  	v58 =	vmul.f32 v26, v26;
	v46 =	vadd.f32 v44, v52;
	v42 =	vsub.f32 v35, v8;
	v43 =	vld [tilespmem:$0x1910];
	[tilespmem:s3+$0x1A60] =	vst v41  }
0xb9: {  	v50 =	vadd.f32 v62, v57;
	v60 =	vmul.f32 v25, v25;
	v62 =	vsub.f32 v47, v59;
	[tilespmem:s4+$0x1A30] =	vst v37;
	v37 =	vld [tilespmem:$0x1970]  }
0xba: {  	v44 =	vsub.f32 v38, v15;
	v61 =	vmul.f32 v23, v23;
	v63 =	vmul.f32 v28, v28;
	v40 =	vld [tilespmem:$0x1940]  }
0xbb: {  	v48 =	vadd.f32 v51, v53;
	v31 =	vld [tilespmem:$0x19F0];
	v49 =	vadd.f32 $9.999999960e-13, v62  }
0xbc: {  	s7 =	simm.s32 $0xA00;
	v35 =	vmul.f32 v39, v36;
	v47 =	vadd.f32 v60, v58;
	v51 =	vadd.f32 v63, v61;
	v41 =	vld [tilespmem:$0x19C0]  }
.LBB2_3:
0xbd: {  	p0 =	sne.s32 s7, $0x9E00;
	v39 =	vadd.f32 v50, v45;
	v45 =	vmul.f32 $5.000000000e-01, v49;
	v50 =	vld [tilespmem:$0x1990];
	v42 =	vmul.f32 v12, v42;
	v36 =	vmovc v33;
	v38 =	vmovc v7  }
0xbe: {  	v33 =	vshra.s32 v49, $0x1;
	v7 =	vmovc v11;
	v11 =	vmovc v28;
	v44 =	vmul.f32 v29, v44;
	v37 =	vmul.f32 v37, v35  }
0xbf: {  	s11 =	sshra.s32 s7, $0x2;
	v28 =	vadd.f32 v48, v46;
	v46 =	vsub.s32 $0x5F3759DF, v33;
	v35 =	vmovc v12;
	v12 =	vmovc v29;
	v40 =	vmul.f32 v42, v40  }
0xc0: {  	v29 =	vmul.f32 v46, v45;
	v42 =	vld [tilespmem:s11+$0x1A00];
	v43 =	vmul.f32 v44, v43;
	v37 =	vadd.f32 v31, v37;
	v31 =	vmovc v8  }
0xc1: {  	v44 =	vadd.f32 v51, v47;
	v8 =	vmovc v15;
	v15 =	vmov v34;
	v33 =	vld [tilespmem:s11+$0x1A10];
	v40 =	vadd.f32 v40, v41  }
0xc2: {  	v29 =	vmul.f32 v46, v29;
	v34 =	vld [tilespmem:s11+$0x1A20];
	v41 =	vadd.f32 v43, v50;
	[tilespmem:s3+$0x1A70] =	vst v37;
	s3 =	smov.u32 s4;
	s4 =	smov.u32 s16;
	s16 =	smov.u32 s17  }
0xc3: {  	v43 =	vperm.xlane v39, v0;
	v28 =	vadd.f32 v44, v28;
	s17 =	smov.u32 s9;
	s9 =	smov.u32 s11;
	v37 =	vld [tilespmem:s11+$0x1A30];
	[tilespmem:s3+$0x1A40] =	vst v40  }
0xc4: {  	v29 =	vsub.f32 $1.500000000e+00, v29;
	[tilespmem:s4+$0x1A10] =	vst v41;
	v40 =	vld [tilespmem:$0x1950]  }
0xc5: {  	v44 =	vsub.f32 v6, v31;
	v6 =	vmovc v10;
	v39 =	vadd.f32 v39, v43;
	v41 =	vperm.xlane v28, v0;
	v43 =	vld [tilespmem:$0x1920]  }
0xc6: {  	v10 =	vmovc v18;
	v29 =	vmul.f32 v46, v29;
	v46 =	vsub.f32 v17, v8;
	v17 =	vmovc v21;
	v21 =	vmov v30;
	v47 =	vld [tilespmem:$0x19D0]  }
0xc7: {  	v44 =	vmul.f32 v35, v44;
	v48 =	vperm.xlane v39, v1;
	v28 =	vadd.f32 v41, v28;
	v41 =	vld [tilespmem:$0x19A0];
	v30 =	vmovc v34  }
0xc8: {  	v18 =	vmovc v25;
	v49 =	vadd.f32 v33, v42;
	v45 =	vmul.f32 v29, v45;
	v46 =	vmul.f32 v12, v46;
	v50 =	vld [tilespmem:$0x1980]  }
0xc9: {  	v39 =	vadd.f32 v39, v48;
	v48 =	vperm.xlane v28, v1;
	v51 =	vld [tilespmem:$0x1900];
	v40 =	vmul.f32 v44, v40  }
0xca: {  	v52 =	vadd.f32 v37, v30;
	v45 =	vmul.f32 v45, v29;
	v44 =	vld [tilespmem:s9+$0x1A40];
	v43 =	vmul.f32 v46, v43  }
0xcb: {  	v46 =	vperm.xlane v39, v2;
	v48 =	vadd.f32 v48, v28;
	v25 =	vld [tilespmem:s9+$0x1A50];
	v40 =	vadd.f32 v40, v47  }
0xcc: {  	v53 =	vmul.f32 v42, v42;
	v45 =	vsub.f32 $1.500000000e+00, v45;
	v47 =	vld [tilespmem:s9+$0x1A60];
	v41 =	vadd.f32 v43, v41  }
0xcd: {  	v43 =	vmul.f32 v33, v33;
	v39 =	vadd.f32 v39, v46;
	v46 =	vperm.xlane v48, v2;
	v28 =	vld [tilespmem:s9+$0x1A70];
	[tilespmem:s3+$0x1A50] =	vst v40  }
0xce: {  	v40 =	vmul.f32 v34, v30;
	v29 =	vmul.f32 v45, v29;
	v34 =	vsub.f32 v24, v15;
	[tilespmem:s4+$0x1A20] =	vst v41;
	v41 =	vld [tilespmem:$0x1960]  }
0xcf: {  	v5 =	vsub.f32 v5, v31;
	v24 =	vmovc v32;
	v45 =	vperm.xlane v39, v3;
	v46 =	vadd.f32 v46, v48;
	v48 =	vld [tilespmem:$0x1930]  }
0xd0: {  	v55 =	vsub.f32 v14, v8;
	v54 =	vmul.f32 v37, v37;
	v32 =	vmovc v42;
	v34 =	vmul.f32 v29, v34;
	v56 =	vld [tilespmem:$0x19E0]  }
0xd1: {  	v14 =	vmovc v20;
	v59 =	vmul.f32 v35, v5;
	v39 =	vadd.f32 v39, v45;
	v42 =	vperm.xlane v46, v3;
	v57 =	vld [tilespmem:$0x19B0]  }
0xd2: {  	v20 =	vmovc v27;
	v58 =	vadd.f32 v25, v44;
	v45 =	vmul.f32 v34, v51;
	v51 =	vmul.f32 v12, v55  }
0xd3: {  	v5 =	vmovc v9;
	v27 =	vmovc v37;
	v55 =	vadd.f32 v28, v47;
	v34 =	vmul.f32 $7.812500000e-03, v39;
	v39 =	vmul.f32 v41, v59  }
0xd4: {  	v9 =	vmovc v16;
	v37 =	vadd.f32 v42, v46;
	v41 =	vadd.f32 v45, v50;
	v42 =	vmul.f32 v51, v48  }
0xd5: {  	v16 =	vmovc v23;
	v45 =	vadd.f32 v52, v49;
	v49 =	vmul.f32 v44, v44;
	v39 =	vadd.f32 v56, v39  }
0xd6: {  	v23 =	vmovc v47;
	v37 =	vmul.f32 $7.812500000e-03, v37;
	v51 =	vmul.f32 v34, v34;
	[tilespmem:s16+$0x1A00] =	vst v41;
	v41 =	vadd.f32 v42, v57  }
.Ltmp2:
0xd7: {  	v46 =	vadd.f32 v43, v53;
	v50 =	vadd.f32 v55, v58;
	v42 =	vmul.f32 v25, v25;
	v43 =	vld [tilespmem:$0x1910];
	[tilespmem:s3+$0x1A60] =	vst v39;
	(pc) =	sbr.rel @p0 .LBB2_3-.Ltmp2, $4  }
0xd8: {  	v48 =	vadd.f32 v54, v40;
	v51 =	vsub.f32 v37, v51;
	v39 =	vmul.f32 v47, v23;
	[tilespmem:s4+$0x1A30] =	vst v41;
	v37 =	vld [tilespmem:$0x1970]  }
0xd9: {  	v52 =	vsub.f32 v4, v31;
	v4 =	vmovc v38;
	v41 =	vmul.f32 v28, v28;
	v47 =	vadd.f32 v42, v49;
	v40 =	vld [tilespmem:$0x1940]  }
0xda: {  	v49 =	vadd.f32 $9.999999960e-13, v51;
	v42 =	vsub.f32 v13, v8;
	v13 =	vmovc v19;
	v19 =	vmovc v26;
	v26 =	vmov v44;
	v31 =	vld [tilespmem:$0x19F0]  }
0xdb: {  	s7 =	sadd.s32 $0x200, s7;
	v35 =	vmul.f32 v35, v52;
	v44 =	vsub.f32 v22, v15;
	v22 =	vmovc v36;
	v51 =	vadd.f32 v41, v39;
	v41 =	vld [tilespmem:$0x19C0]  }
0xdc: {  	v36 =	vadd.f32 v50, v45  }
0xdd: {  	v38 =	vadd.f32 v48, v46;
	v39 =	vadd.f32 v51, v47;
	_ =	sdelay $0x1  }
0xde: {  	v45 =	vperm.xlane v36, v0;
	v38 =	vadd.f32 v39, v38;
	_ =	sdelay $0x1  }
0xdf: {  	v36 =	vadd.f32 v36, v45;
	v39 =	vperm.xlane v38, v0;
	_ =	sdelay $0x1  }
0xe0: {  	v45 =	vperm.xlane v36, v1;
	v38 =	vadd.f32 v39, v38;
	_ =	sdelay $0x1  }
0xe1: {  	v36 =	vadd.f32 v36, v45;
	v39 =	vperm.xlane v38, v1;
	_ =	sdelay $0x1  }
0xe2: {  	v45 =	vperm.xlane v36, v2;
	v38 =	vadd.f32 v39, v38;
	_ =	sdelay $0x1  }
0xe3: {  	v36 =	vadd.f32 v36, v45;
	v39 =	vperm.xlane v38, v2;
	_ =	sdelay $0x1  }
0xe4: {  	v45 =	vperm.xlane v36, v3;
	v38 =	vadd.f32 v39, v38;
	_ =	sdelay $0x1  }
0xe5: {  	v36 =	vadd.f32 v36, v45;
	v39 =	vperm.xlane v38, v3;
	_ =	sdelay $0x1  }
0xe6: {  	v36 =	vmul.f32 $7.812500000e-03, v36;
	v38 =	vadd.f32 v39, v38;
	_ =	sdelay $0x1  }
0xe7: {  	v54 =	vmul.f32 v36, v36;
	v38 =	vmul.f32 $7.812500000e-03, v38;
	_ =	sdelay $0x1  }
0xe8: {  	v38 =	vsub.f32 v38, v54;
	_ =	sdelay $0x1  }
0xe9: {  	v55 =	vmul.f32 $5.000000000e-01, v49;
	v56 =	vshra.s32 v49, $0x1;
	v38 =	vadd.f32 $9.999999960e-13, v38  }
0xea: {  	v45 =	vsub.s32 $0x5F3759DF, v56  }
0xeb: {  	v58 =	vmul.f32 v45, v55;
	v57 =	vmul.f32 $5.000000000e-01, v38;
	v38 =	vshra.s32 v38, $0x1  }
0xec: {  	v38 =	vsub.s32 $0x5F3759DF, v38  }
0xed: {  	v47 =	vmul.f32 v45, v58;
	v59 =	vmul.f32 v38, v57;
	_ =	sdelay $0x1  }
0xee: {  	v47 =	vsub.f32 $1.500000000e+00, v47;
	v48 =	vmul.f32 v38, v59;
	_ =	sdelay $0x1  }
0xef: {  	v45 =	vmul.f32 v45, v47;
	v48 =	vsub.f32 $1.500000000e+00, v48;
	_ =	sdelay $0x1  }
0xf0: {  	v61 =	vmul.f32 v45, v55;
	v60 =	vmul.f32 v38, v48;
	_ =	sdelay $0x1  }
0xf1: {  	v38 =	vmul.f32 v61, v45;
	v62 =	vmul.f32 v60, v57;
	_ =	sdelay $0x1  }
0xf2: {  	v38 =	vsub.f32 $1.500000000e+00, v38;
	v39 =	vmul.f32 v62, v60  }
0xf3: {  	v63 =	vld [tilespmem:$0x1900]  }
0xf4: {  	v52 =	vsub.f32 v24, v34;
	v53 =	vld [tilespmem:$0x1900];
	v38 =	vmul.f32 v38, v45;
	v39 =	vsub.f32 $1.500000000e+00, v39  }
0xf5: {  	v54 =	vld [tilespmem:$0x1980]  }
0xf6: {  	v32 =	vsub.f32 v32, v36;
	v55 =	vmul.f32 v38, v52;
	v24 =	vmul.f32 v39, v60  }
0xf7: {  	v56 =	vld [tilespmem:$0x1980]  }
0xf8: {  	v39 =	vmul.f32 v55, v63;
	v32 =	vmul.f32 v24, v32;
	_ =	sdelay $0x1  }
0xf9: {  	v39 =	vadd.f32 v39, v54;
	v32 =	vmul.f32 v32, v53;
	_ =	sdelay $0x1  }
0xfa: {  	v57 =	vld [tilespmem:$0x1990];
	[tilespmem:s17+$0x1A00] =	vst v39;
	v32 =	vadd.f32 v32, v56  }
0xfb: {  	v39 =	vld [tilespmem:$0x1910]  }
0xfc: {  	v22 =	vsub.f32 v22, v34;
	v58 =	vmul.f32 v29, v44;
	v60 =	vld [tilespmem:$0x1990];
	[tilespmem:s9+$0x1A00] =	vst v32  }
0xfd: {  	v59 =	vld [tilespmem:$0x1910]  }
0xfe: {  	v33 =	vsub.f32 v33, v36;
	v22 =	vmul.f32 v38, v22;
	v32 =	vmul.f32 v58, v43  }
0xff: {  	v61 =	vld [tilespmem:$0x1990]  }
0x100: {  	v33 =	vmul.f32 v24, v33;
	v32 =	vadd.f32 v32, v57;
	v22 =	vmul.f32 v22, v39;
	_ =	sdelay $0x1  }
0x101: {  	[tilespmem:s16+$0x1A10] =	vst v32;
	v22 =	vadd.f32 v22, v60;
	v33 =	vmul.f32 v33, v59  }
0x102: {  	v32 =	vld [tilespmem:$0x1920]  }
0x103: {  	v17 =	vsub.f32 v17, v15;
	v62 =	vld [tilespmem:$0x19A0];
	[tilespmem:s17+$0x1A10] =	vst v22;
	v33 =	vadd.f32 v33, v61  }
0x104: {  	v22 =	vld [tilespmem:$0x1920]  }
0x105: {  	v21 =	vsub.f32 v21, v34;
	v17 =	vmul.f32 v29, v17;
	v63 =	vld [tilespmem:$0x19A0];
	[tilespmem:s9+$0x1A10] =	vst v33  }
0x106: {  	v33 =	vld [tilespmem:$0x1920]  }
0x107: {  	v30 =	vsub.f32 v30, v36;
	v21 =	vmul.f32 v38, v21;
	v17 =	vmul.f32 v17, v32  }
0x108: {  	v45 =	vld [tilespmem:$0x19A0]  }
0x109: {  	v30 =	vmul.f32 v24, v30;
	v17 =	vadd.f32 v17, v62;
	v21 =	vmul.f32 v21, v22;
	_ =	sdelay $0x1  }
0x10a: {  	[tilespmem:s16+$0x1A20] =	vst v17;
	v17 =	vadd.f32 v21, v63;
	v22 =	vmul.f32 v30, v33  }
0x10b: {  	v21 =	vld [tilespmem:$0x1930]  }
0x10c: {  	v14 =	vsub.f32 v14, v15;
	v30 =	vld [tilespmem:$0x19B0];
	[tilespmem:s17+$0x1A20] =	vst v17;
	v22 =	vadd.f32 v22, v45  }
0x10d: {  	v17 =	vld [tilespmem:$0x1930]  }
0x10e: {  	v20 =	vsub.f32 v20, v34;
	v14 =	vmul.f32 v29, v14;
	v46 =	vld [tilespmem:$0x19B0];
	[tilespmem:s9+$0x1A20] =	vst v22  }
0x10f: {  	v22 =	vld [tilespmem:$0x1930]  }
0x110: {  	v27 =	vsub.f32 v27, v36;
	v20 =	vmul.f32 v38, v20;
	v14 =	vmul.f32 v14, v21  }
0x111: {  	v21 =	vld [tilespmem:$0x19B0]  }
0x112: {  	v27 =	vmul.f32 v24, v27;
	v14 =	vadd.f32 v14, v30;
	v17 =	vmul.f32 v20, v17;
	_ =	sdelay $0x1  }
0x113: {  	[tilespmem:s16+$0x1A30] =	vst v14;
	v14 =	vadd.f32 v17, v46;
	v20 =	vmul.f32 v27, v22  }
0x114: {  	v17 =	vld [tilespmem:$0x1940]  }
0x115: {  	v13 =	vsub.f32 v13, v15;
	v22 =	vld [tilespmem:$0x19C0];
	[tilespmem:s17+$0x1A30] =	vst v14;
	v20 =	vadd.f32 v20, v21  }
0x116: {  	v14 =	vld [tilespmem:$0x1940];
	v21 =	vmul.f32 v12, v42  }
0x117: {  	v19 =	vsub.f32 v19, v34;
	v13 =	vmul.f32 v29, v13;
	v27 =	vld [tilespmem:$0x19C0];
	[tilespmem:s9+$0x1A30] =	vst v20  }
0x118: {  	v20 =	vmul.f32 v21, v40;
	v21 =	vld [tilespmem:$0x1940]  }
0x119: {  	v26 =	vsub.f32 v26, v36;
	v13 =	vmul.f32 v13, v17;
	v17 =	vmul.f32 v38, v19  }
0x11a: {  	v19 =	vld [tilespmem:$0x19C0];
	v20 =	vadd.f32 v20, v41  }
0x11b: {  	v26 =	vmul.f32 v24, v26;
	v13 =	vadd.f32 v13, v22;
	v14 =	vmul.f32 v17, v14  }
0x11c: {  	[tilespmem:s4+$0x1A40] =	vst v20  }
0x11d: {  	[tilespmem:s16+$0x1A40] =	vst v13;
	v13 =	vadd.f32 v14, v27;
	v17 =	vld [tilespmem:$0x1950];
	v20 =	vmul.f32 v26, v21  }
0x11e: {  	v6 =	vsub.f32 v6, v8;
	v14 =	vld [tilespmem:$0x1950]  }
0x11f: {  	v21 =	vld [tilespmem:$0x19D0];
	[tilespmem:s17+$0x1A40] =	vst v13;
	v19 =	vadd.f32 v20, v19  }
0x120: {  	v10 =	vsub.f32 v10, v15;
	v6 =	vmul.f32 v12, v6;
	v13 =	vld [tilespmem:$0x1950]  }
0x121: {  	v20 =	vld [tilespmem:$0x19D0];
	[tilespmem:s9+$0x1A40] =	vst v19  }
0x122: {  	v10 =	vmul.f32 v29, v10;
	v6 =	vmul.f32 v6, v17;
	v17 =	vsub.f32 v18, v34;
	v18 =	vld [tilespmem:$0x1950]  }
0x123: {  	v22 =	vsub.f32 v25, v36;
	v19 =	vld [tilespmem:$0x19D0]  }
0x124: {  	v10 =	vmul.f32 v10, v14;
	v6 =	vadd.f32 v6, v21;
	v14 =	vmul.f32 v38, v17;
	v17 =	vld [tilespmem:$0x19D0]  }
0x125: {  	v21 =	vmul.f32 v24, v22  }
0x126: {  	[tilespmem:s4+$0x1A50] =	vst v6;
	v6 =	vadd.f32 v10, v20;
	v10 =	vmul.f32 v14, v13  }
0x127: {  	v13 =	vld [tilespmem:$0x1960];
	v14 =	vmul.f32 v21, v18  }
0x128: {  	v5 =	vsub.f32 v5, v8;
	v18 =	vld [tilespmem:$0x19E0];
	[tilespmem:s16+$0x1A50] =	vst v6;
	v6 =	vadd.f32 v10, v19  }
0x129: {  	v10 =	vld [tilespmem:$0x1960];
	v14 =	vadd.f32 v14, v17  }
0x12a: {  	v9 =	vsub.f32 v9, v15;
	v5 =	vmul.f32 v12, v5;
	v17 =	vld [tilespmem:$0x19E0];
	[tilespmem:s17+$0x1A50] =	vst v6  }
0x12b: {  	v6 =	vld [tilespmem:$0x1960];
	[tilespmem:s9+$0x1A50] =	vst v14  }
0x12c: {  	v9 =	vmul.f32 v29, v9;
	v5 =	vmul.f32 v13, v5;
	v13 =	vsub.f32 v16, v34;
	v14 =	vld [tilespmem:$0x1960]  }
0x12d: {  	v19 =	vsub.f32 v23, v36;
	v16 =	vld [tilespmem:$0x19E0]  }
0x12e: {  	v5 =	vadd.f32 v18, v5;
	v9 =	vmul.f32 v10, v9;
	v10 =	vmul.f32 v38, v13;
	v13 =	vld [tilespmem:$0x19E0]  }
0x12f: {  	v18 =	vmul.f32 v24, v19  }
0x130: {  	[tilespmem:s4+$0x1A60] =	vst v5;
	v5 =	vadd.f32 v17, v9;
	v6 =	vmul.f32 v6, v10  }
0x131: {  	v9 =	vld [tilespmem:$0x1970];
	v10 =	vmul.f32 v14, v18  }
0x132: {  	v14 =	vld [tilespmem:$0x19F0];
	[tilespmem:s16+$0x1A60] =	vst v5;
	v5 =	vadd.f32 v16, v6  }
0x133: {  	v6 =	vld [tilespmem:$0x1970];
	v10 =	vadd.f32 v13, v10  }
0x134: {  	v4 =	vsub.f32 v4, v8;
	v8 =	vld [tilespmem:$0x19F0];
	[tilespmem:s17+$0x1A60] =	vst v5  }
0x135: {  	v5 =	vsub.f32 v7, v15;
	v7 =	vld [tilespmem:$0x1970];
	[tilespmem:s9+$0x1A60] =	vst v10  }
0x136: {  	v4 =	vmul.f32 v12, v4;
	v10 =	vsub.f32 v11, v34;
	v11 =	vld [tilespmem:$0x1970]  }
0x137: {  	v12 =	vmul.f32 v37, v35;
	v15 =	vsub.f32 v28, v36;
	v13 =	vld [tilespmem:$0x19F0];
	v5 =	vmul.f32 v29, v5  }
0x138: {  	v4 =	vmul.f32 v9, v4;
	v9 =	vmul.f32 v38, v10;
	v10 =	vld [tilespmem:$0x19F0]  }
0x139: {  	v12 =	vadd.f32 v31, v12;
	v5 =	vmul.f32 v6, v5;
	v6 =	vmul.f32 v24, v15  }
0x13a: {  	v4 =	vadd.f32 v14, v4;
	v7 =	vmul.f32 v7, v9  }
0x13b: {  	s7 =	smul.u32 $0x190, s31;
	[tilespmem:s3+$0x1A70] =	vst v12;
	v5 =	vadd.f32 v8, v5;
	v6 =	vmul.f32 v11, v6  }
0x13c: {  	[tilespmem:s4+$0x1A70] =	vst v4;
	v4 =	vadd.f32 v13, v7  }
0x13d: {  	[tilespmem:s16+$0x1A70] =	vst v5;
	s16 =	sadd.s32 s8, s7;
	v5 =	vadd.f32 v10, v6  }
0x13e: {  	s3 =	sshll.u32 s16, $0x4;
	[tilespmem:s17+$0x1A70] =	vst v4  }
0x13f: {  	p0 =	seq.s32 s31, $0x0;
	s3 =	sadd.s32 s5, s3;
	[tilespmem:s9+$0x1A70] =	vst v5  }
0x140: {  	[hbm4b:s3+s6] =	stream.linear.scatter [tilespmem:s18], [sflag:$0x1], $0x2800, $0x38;
	[tilespmem:$0xE200] =	vst v63  }
0x141: {  	s3 =	simm.s32 @!p0 $0x3  }
0x142: {  	_ =	swait.ge @!p0 [sflag:s3], $0x2800  }
0x143: {  	[sflag:s3] =	ssyncset.done @!p0 $0x0  }
0x144: {  	s30 =	simm.s32 $0x0;
	[sflag:s3] =	ssyncadd.s32 @!p0 $0xFFFFD800  }
0x145: {  	[tilespmem:s23], [sflag:$0x3] =	stream.linear.gather [hbm4b:s12+s30], $0x2800, $0x38;
	[tilespmem:$0xE200] =	vst v63  }
0x146: {  	_ =	swait.ge [sflag:s24], $0x2800  }
0x147: {  	[sflag:s24] =	ssyncset.done $0x0  }
0x148: {  	s3 =	sadd.s32 $0xA0, s7;
	[sflag:s24] =	ssyncadd.s32 $0xFFFFD800  }
0x149: {  	[tilespmem:s23], [sflag:$0x3] =	stream.indirect.gather.add.f32 [hbm:s1], $0x80, s3, s20, $0xb8;
	[tilespmem:$0xE200] =	vst v63  }
0x14a: {  	_ =	swait.ge [sflag:s22], $0x2800  }
0x14b: {  	[sflag:s22] =	ssyncset.done $0x0  }
0x14c: {  	s4 =	simm.s32 $0x0;
	[sflag:s22] =	ssyncadd.s32 $0xFFFFD800  }
0x14d: {  	v7 =	vld [tilespmem:s4+$0x4200]  }
0x14e: {  	v12 =	vld [tilespmem:s4+$0x4210]  }
0x14f: {  	v11 =	vld [tilespmem:s4+$0x4220]  }
0x150: {  	v15 =	vld [tilespmem:s4+$0x4230]  }
0x151: {  	v25 =	vld [tilespmem:s4+$0x4240]  }
0x152: {  	v23 =	vld [tilespmem:s4+$0x4250]  }
0x153: {  	v34 =	vld [tilespmem:s4+$0x4260]  }
0x154: {  	v31 =	vld [tilespmem:s4+$0x4270];
	_ =	sdelay $0x2  }
0x155: {  	v4 =	vadd.f32 v12, v7;
	v5 =	vmul.f32 v7, v7  }
0x156: {  	v6 =	vadd.f32 v15, v11;
	v8 =	vmul.f32 v12, v12;
	v9 =	vmul.f32 v11, v11  }
0x157: {  	v10 =	vmul.f32 v15, v15;
	v13 =	vadd.f32 v23, v25;
	v14 =	vadd.f32 v31, v34  }
0x158: {  	v16 =	vmul.f32 v23, v23;
	v17 =	vmul.f32 v31, v31;
	v4 =	vadd.f32 v6, v4  }
0x159: {  	v6 =	vmul.f32 v25, v25;
	v13 =	vadd.f32 v14, v13;
	v14 =	vmul.f32 v34, v34  }
0x15a: {  	v5 =	vadd.f32 v8, v5;
	v8 =	vadd.f32 v10, v9  }
0x15b: {  	v6 =	vadd.f32 v16, v6;
	v9 =	vadd.f32 v17, v14  }
0x15c: {  	v4 =	vadd.f32 v13, v4  }
0x15d: {  	v5 =	vadd.f32 v8, v5;
	v6 =	vadd.f32 v9, v6;
	_ =	sdelay $0x1  }
0x15e: {  	v8 =	vperm.xlane v4, v0;
	v5 =	vadd.f32 v6, v5;
	_ =	sdelay $0x1  }
0x15f: {  	v4 =	vadd.f32 v4, v8;
	v6 =	vperm.xlane v5, v0;
	_ =	sdelay $0x1  }
0x160: {  	v8 =	vperm.xlane v4, v1;
	v5 =	vadd.f32 v6, v5;
	_ =	sdelay $0x1  }
0x161: {  	v4 =	vadd.f32 v4, v8;
	v6 =	vperm.xlane v5, v1;
	_ =	sdelay $0x1  }
0x162: {  	s16 =	simm.s32 $0x80;
	v8 =	vperm.xlane v4, v2;
	v5 =	vadd.f32 v6, v5  }
0x163: {  	v28 =	vld [tilespmem:s16+$0x4200]  }
0x164: {  	v27 =	vld [tilespmem:s16+$0x4210];
	v4 =	vadd.f32 v4, v8;
	v6 =	vperm.xlane v5, v2  }
0x165: {  	v26 =	vld [tilespmem:s16+$0x4220]  }
0x166: {  	v37 =	vld [tilespmem:s16+$0x4230];
	v8 =	vperm.xlane v4, v3;
	v9 =	vadd.f32 v6, v5  }
0x167: {  	v35 =	vld [tilespmem:s16+$0x4240]  }
0x168: {  	v6 =	vld [tilespmem:s16+$0x4250];
	v8 =	vadd.f32 v4, v8;
	v10 =	vperm.xlane v9, v3  }
0x169: {  	v5 =	vld [tilespmem:s16+$0x4260]  }
0x16a: {  	v4 =	vld [tilespmem:s16+$0x4270];
	v36 =	vmul.f32 $7.812500000e-03, v8;
	v8 =	vadd.f32 v10, v9;
	_ =	sdelay $0x1  }
0x16b: {  	v9 =	vmul.f32 v36, v36;
	v8 =	vmul.f32 $7.812500000e-03, v8  }
0x16c: {  	v13 =	vadd.f32 v37, v26;
	v14 =	vmul.f32 v28, v28;
	v16 =	vmul.f32 v27, v27  }
0x16d: {  	v17 =	vmul.f32 v26, v26;
	v10 =	vadd.f32 v27, v28;
	v8 =	vsub.f32 v8, v9  }
0x16e: {  	v18 =	vadd.f32 v6, v35;
	v19 =	vadd.f32 v4, v5;
	v20 =	vmul.f32 v5, v5  }
0x16f: {  	v21 =	vmul.f32 v4, v4;
	v10 =	vadd.f32 v13, v10;
	v8 =	vadd.f32 $9.999999960e-13, v8  }
0x170: {  	v13 =	vmul.f32 v35, v35;
	v18 =	vadd.f32 v19, v18;
	v19 =	vmul.f32 v6, v6  }
0x171: {  	v9 =	vmul.f32 v37, v37;
	v22 =	vmul.f32 $5.000000000e-01, v8;
	v8 =	vshra.s32 v8, $0x1  }
0x172: {  	v14 =	vadd.f32 v16, v14;
	v16 =	vadd.f32 v21, v20;
	v8 =	vsub.s32 $0x5F3759DF, v8  }
0x173: {  	v13 =	vadd.f32 v19, v13;
	v9 =	vadd.f32 v9, v17;
	v17 =	vmul.f32 v8, v22  }
0x174: {  	v10 =	vadd.f32 v18, v10  }
0x175: {  	v13 =	vadd.f32 v16, v13;
	v9 =	vadd.f32 v9, v14;
	v14 =	vmul.f32 v8, v17;
	_ =	sdelay $0x1  }
0x176: {  	v16 =	vperm.xlane v10, v0;
	v9 =	vadd.f32 v13, v9;
	v13 =	vsub.f32 $1.500000000e+00, v14;
	_ =	sdelay $0x1  }
0x177: {  	v10 =	vadd.f32 v10, v16;
	v14 =	vperm.xlane v9, v0;
	v8 =	vmul.f32 v8, v13;
	_ =	sdelay $0x1  }
0x178: {  	v13 =	vperm.xlane v10, v1;
	v9 =	vadd.f32 v14, v9;
	v14 =	vmul.f32 v8, v22;
	_ =	sdelay $0x1  }
0x179: {  	s17 =	simm.s32 $0x100;
	v10 =	vadd.f32 v10, v13;
	v13 =	vperm.xlane v9, v1;
	v16 =	vmul.f32 v14, v8  }
0x17a: {  	v40 =	vld [tilespmem:s17+$0x4200]  }
0x17b: {  	v38 =	vld [tilespmem:s17+$0x4210];
	v9 =	vadd.f32 v13, v9;
	v13 =	vsub.f32 $1.500000000e+00, v16  }
0x17c: {  	v18 =	vperm.xlane v10, v2;
	v16 =	vld [tilespmem:$0x1900]  }
0x17d: {  	v7 =	vsub.f32 v7, v36;
	v19 =	vld [tilespmem:$0x1980];
	v39 =	vmul.f32 v13, v8  }
0x17e: {  	v14 =	vld [tilespmem:s17+$0x4230];
	v18 =	vadd.f32 v10, v18;
	v20 =	vperm.xlane v9, v2  }
0x17f: {  	v17 =	vld [tilespmem:s17+$0x4220];
	v21 =	vmul.f32 v39, v7  }
0x180: {  	v10 =	vld [tilespmem:s17+$0x4250];
	v8 =	vperm.xlane v18, v3;
	v20 =	vadd.f32 v20, v9  }
0x181: {  	v12 =	vsub.f32 v12, v36;
	v13 =	vld [tilespmem:s17+$0x4240];
	v16 =	vmul.f32 v21, v16  }
0x182: {  	v22 =	vmul.f32 v38, v38;
	v9 =	vld [tilespmem:s17+$0x4260];
	v8 =	vadd.f32 v18, v8;
	v18 =	vperm.xlane v20, v3  }
0x183: {  	v47 =	vmul.f32 v14, v14;
	v7 =	vld [tilespmem:s17+$0x4270];
	v21 =	vadd.f32 v38, v40;
	v16 =	vadd.f32 v16, v19  }
0x184: {  	v8 =	vmul.f32 $7.812500000e-03, v8;
	v18 =	vadd.f32 v18, v20;
	v19 =	vadd.f32 v14, v17  }
0x185: {  	v12 =	vmul.f32 v39, v12;
	v20 =	vmul.f32 v40, v40;
	[tilespmem:s4+$0x4200] =	vst v16  }
0x186: {  	v18 =	vmul.f32 $7.812500000e-03, v18;
	v29 =	vmul.f32 v8, v8;
	v19 =	vadd.f32 v19, v21;
	v21 =	vld [tilespmem:$0x1910]  }
0x187: {  	v24 =	vadd.f32 v10, v13;
	v20 =	vadd.f32 v22, v20;
	v22 =	vmul.f32 v9, v9  }
0x188: {  	v30 =	vadd.f32 v7, v9;
	v49 =	vmul.f32 v7, v7;
	v18 =	vsub.f32 v18, v29;
	v48 =	vld [tilespmem:$0x1990]  }
0x189: {  	v16 =	vmul.f32 v17, v17;
	v29 =	vmul.f32 v13, v13  }
0x18a: {  	v24 =	vadd.f32 v30, v24;
	v30 =	vmul.f32 v10, v10;
	v18 =	vadd.f32 $9.999999960e-13, v18  }
0x18b: {  	v22 =	vadd.f32 v49, v22;
	v16 =	vadd.f32 v47, v16;
	v12 =	vmul.f32 v12, v21  }
0x18c: {  	v50 =	vmul.f32 $5.000000000e-01, v18;
	v18 =	vshra.s32 v18, $0x1;
	v21 =	vadd.f32 v30, v29  }
0x18d: {  	v19 =	vadd.f32 v24, v19;
	v18 =	vsub.s32 $0x5F3759DF, v18;
	v12 =	vadd.f32 v12, v48  }
0x18e: {  	v16 =	vadd.f32 v16, v20;
	v29 =	vmul.f32 v18, v50;
	v20 =	vadd.f32 v22, v21  }
0x18f: {  	[tilespmem:s4+$0x4210] =	vst v12  }
0x190: {  	v21 =	vmul.f32 v18, v29;
	v12 =	vperm.xlane v19, v0;
	v16 =	vadd.f32 v20, v16;
	v29 =	vld [tilespmem:$0x1920]  }
0x191: {  	v11 =	vsub.f32 v11, v36  }
0x192: {  	v20 =	vsub.f32 $1.500000000e+00, v21;
	v30 =	vld [tilespmem:$0x19A0];
	v12 =	vadd.f32 v19, v12;
	v19 =	vperm.xlane v16, v0  }
0x193: {  	s9 =	simm.s32 $0x180;
	v54 =	vld [tilespmem:$0x1900];
	v11 =	vmul.f32 v39, v11  }
0x194: {  	v24 =	vld [tilespmem:s9+$0x4200];
	v51 =	vmul.f32 v18, v20;
	v18 =	vperm.xlane v12, v1;
	v16 =	vadd.f32 v19, v16  }
0x195: {  	v22 =	vld [tilespmem:s9+$0x4210];
	v11 =	vmul.f32 v11, v29  }
0x196: {  	v21 =	vld [tilespmem:s9+$0x4220];
	v52 =	vmul.f32 v51, v50;
	v12 =	vadd.f32 v12, v18;
	v29 =	vperm.xlane v16, v1  }
0x197: {  	v20 =	vld [tilespmem:s9+$0x4230];
	v11 =	vadd.f32 v11, v30  }
0x198: {  	v19 =	vld [tilespmem:s9+$0x4240];
	v33 =	vmul.f32 v52, v51;
	v30 =	vperm.xlane v12, v2;
	v29 =	vadd.f32 v29, v16  }
0x199: {  	v15 =	vsub.f32 v15, v36;
	v25 =	vsub.f32 v25, v36;
	v18 =	vld [tilespmem:s9+$0x4250];
	[tilespmem:s4+$0x4220] =	vst v11  }
0x19a: {  	v33 =	vsub.f32 $1.500000000e+00, v33;
	v30 =	vadd.f32 v12, v30;
	v56 =	vperm.xlane v29, v2;
	v57 =	vld [tilespmem:$0x1930]  }
0x19b: {  	v15 =	vmul.f32 v39, v15;
	v28 =	vsub.f32 v28, v8;
	v27 =	vsub.f32 v27, v8;
	v16 =	vld [tilespmem:s9+$0x4260]  }
0x19c: {  	v12 =	vmul.f32 v33, v51;
	v59 =	vld [tilespmem:$0x19B0];
	v58 =	vperm.xlane v30, v3;
	v29 =	vadd.f32 v56, v29  }
0x19d: {  	v53 =	vld [tilespmem:$0x1980];
	v44 =	vmul.f32 v24, v24;
	v55 =	vadd.f32 v22, v24;
	v32 =	vmul.f32 v22, v22  }
0x19e: {  	v11 =	vld [tilespmem:s9+$0x4270];
	v28 =	vmul.f32 v12, v28;
	v30 =	vadd.f32 v30, v58;
	v62 =	vperm.xlane v29, v3  }
0x19f: {  	v61 =	vmul.f32 v21, v21;
	v60 =	vadd.f32 v20, v21;
	v50 =	vmul.f32 v15, v57  }
0x1a0: {  	v28 =	vmul.f32 v28, v54;
	v15 =	vmul.f32 $7.812500000e-03, v30;
	v29 =	vadd.f32 v62, v29  }
0x1a1: {  	v63 =	vadd.f32 v18, v19;
	v58 =	vmul.f32 v16, v16;
	v52 =	vadd.f32 v50, v59  }
0x1a2: {  	v28 =	vadd.f32 v28, v53;
	v29 =	vmul.f32 $7.812500000e-03, v29;
	v54 =	vmul.f32 v15, v15  }
0x1a3: {  	v51 =	vadd.f32 v11, v16;
	v30 =	vmul.f32 v20, v20;
	v53 =	vadd.f32 v60, v55;
	[tilespmem:s4+$0x4230] =	vst v52  }
0x1a4: {  	v55 =	vmul.f32 v19, v19;
	v57 =	vmul.f32 v18, v18;
	[tilespmem:s16+$0x4200] =	vst v28;
	v29 =	vsub.f32 v29, v54;
	v33 =	vld [tilespmem:$0x1940]  }
0x1a5: {  	v60 =	vmul.f32 v11, v11;
	v56 =	vadd.f32 v51, v63;
	v28 =	vadd.f32 v32, v44;
	v59 =	vld [tilespmem:$0x1910]  }
0x1a6: {  	v25 =	vmul.f32 v39, v25;
	v30 =	vadd.f32 v30, v61;
	v61 =	vld [tilespmem:$0x19C0];
	v29 =	vadd.f32 $9.999999960e-13, v29  }
0x1a7: {  	v27 =	vmul.f32 v12, v27;
	v43 =	vadd.f32 v57, v55;
	v44 =	vadd.f32 v60, v58;
	v62 =	vld [tilespmem:$0x1990]  }
0x1a8: {  	v28 =	vadd.f32 v30, v28;
	v63 =	vmul.f32 $5.000000000e-01, v29;
	v29 =	vshra.s32 v29, $0x1  }
0x1a9: {  	v51 =	vadd.f32 v44, v43;
	v29 =	vsub.s32 $0x5F3759DF, v29;
	v25 =	vmul.f32 v25, v33  }
0x1aa: {  	s11 =	simm.s32 $0x200;
	v48 =	vld [tilespmem:$0x1980];
	v41 =	vadd.f32 v56, v53;
	v27 =	vmul.f32 v27, v59;
	v50 =	vmul.f32 v29, v63  }
0x1ab: {  	v32 =	vld [tilespmem:s11+$0x4200];
	v28 =	vadd.f32 v51, v28;
	v25 =	vadd.f32 v25, v61  }
0x1ac: {  	v30 =	vld [tilespmem:s11+$0x4220];
	v53 =	vadd.f32 v27, v62;
	v52 =	vmul.f32 v29, v50  }
0x1ad: {  	v54 =	vperm.xlane v41, v0;
	v56 =	vperm.xlane v28, v0;
	v33 =	vld [tilespmem:s11+$0x4210];
	[tilespmem:s4+$0x4240] =	vst v25  }
0x1ae: {  	v23 =	vsub.f32 v23, v36;
	[tilespmem:s16+$0x4210] =	vst v53;
	v25 =	vsub.f32 $1.500000000e+00, v52;
	v55 =	vld [tilespmem:$0x1950]  }
0x1af: {  	v41 =	vadd.f32 v41, v54;
	v28 =	vadd.f32 v56, v28;
	v44 =	vld [tilespmem:$0x1920]  }
0x1b0: {  	v23 =	vmul.f32 v39, v23;
	v57 =	vld [tilespmem:$0x19D0];
	v29 =	vmul.f32 v29, v25;
	v25 =	vsub.f32 v26, v8  }
0x1b1: {  	v60 =	vperm.xlane v28, v1;
	v58 =	vld [tilespmem:$0x19A0];
	v26 =	vperm.xlane v41, v1  }
0x1b2: {  	v34 =	vsub.f32 v34, v36;
	v27 =	vld [tilespmem:s11+$0x4230];
	v59 =	vmul.f32 v29, v63;
	v25 =	vmul.f32 v12, v25  }
0x1b3: {  	v36 =	vsub.f32 v31, v36;
	v50 =	vld [tilespmem:$0x1900];
	v41 =	vadd.f32 v41, v26;
	v23 =	vmul.f32 v23, v55  }
0x1b4: {  	v49 =	vadd.f32 v60, v28;
	v28 =	vld [tilespmem:s11+$0x4270];
	v47 =	vmul.f32 v59, v29;
	v44 =	vmul.f32 v25, v44  }
0x1b5: {  	v37 =	vsub.f32 v37, v8;
	v26 =	vld [tilespmem:s11+$0x4240];
	v61 =	vperm.xlane v41, v2;
	v45 =	vadd.f32 v23, v57  }
0x1b6: {  	v25 =	vld [tilespmem:s11+$0x4250];
	v47 =	vsub.f32 $1.500000000e+00, v47;
	v43 =	vadd.f32 v44, v58  }
0x1b7: {  	v37 =	vmul.f32 v12, v37;
	v56 =	vmul.f32 v39, v34;
	v23 =	vld [tilespmem:s11+$0x4260];
	v41 =	vadd.f32 v41, v61;
	[tilespmem:s4+$0x4250] =	vst v45  }
0x1b8: {  	v40 =	vsub.f32 v40, v15;
	v62 =	vperm.xlane v49, v2;
	v29 =	vmul.f32 v47, v29;
	[tilespmem:s16+$0x4220] =	vst v43;
	v63 =	vld [tilespmem:$0x1960]  }
0x1b9: {  	v53 =	vmul.f32 v30, v30;
	v46 =	vadd.f32 v33, v32;
	v59 =	vperm.xlane v41, v3;
	v60 =	vld [tilespmem:$0x1930]  }
0x1ba: {  	v42 =	vadd.f32 v27, v30;
	v47 =	vadd.f32 v62, v49;
	v54 =	vld [tilespmem:$0x19E0];
	v40 =	vmul.f32 v29, v40  }
0x1bb: {  	v52 =	vmul.f32 v32, v32;
	v51 =	vmul.f32 v27, v27;
	v55 =	vld [tilespmem:$0x19B0];
	v41 =	vadd.f32 v41, v59  }
0x1bc: {  	v45 =	vadd.f32 v42, v46;
	v61 =	vperm.xlane v47, v3;
	v40 =	vmul.f32 v40, v50  }
0x1bd: {  	v57 =	vadd.f32 v25, v26;
	v34 =	vmul.f32 $7.812500000e-03, v41;
	v63 =	vmul.f32 v63, v56  }
0x1be: {  	v56 =	vadd.f32 v61, v47;
	v40 =	vadd.f32 v40, v48;
	v37 =	vmul.f32 v37, v60  }
0x1bf: {  	v44 =	vmul.f32 v33, v33;
	v62 =	vadd.f32 v28, v23;
	v41 =	vadd.f32 v54, v63  }
0x1c0: {  	v59 =	vmul.f32 v34, v34;
	v47 =	vmul.f32 $7.812500000e-03, v56;
	[tilespmem:s17+$0x4200] =	vst v40;
	v37 =	vadd.f32 v37, v55  }
0x1c1: {  	v58 =	vmul.f32 v26, v26;
	v46 =	vadd.f32 v44, v52;
	v42 =	vsub.f32 v35, v8;
	v43 =	vld [tilespmem:$0x1910];
	[tilespmem:s4+$0x4260] =	vst v41  }
0x1c2: {  	v50 =	vadd.f32 v62, v57;
	v60 =	vmul.f32 v25, v25;
	v62 =	vsub.f32 v47, v59;
	[tilespmem:s16+$0x4230] =	vst v37;
	v37 =	vld [tilespmem:$0x1970]  }
0x1c3: {  	v44 =	vsub.f32 v38, v15;
	v61 =	vmul.f32 v23, v23;
	v63 =	vmul.f32 v28, v28;
	v40 =	vld [tilespmem:$0x1940]  }
0x1c4: {  	v48 =	vadd.f32 v51, v53;
	v31 =	vld [tilespmem:$0x19F0];
	v49 =	vadd.f32 $9.999999960e-13, v62  }
0x1c5: {  	s15 =	simm.s32 $0xA00;
	v35 =	vmul.f32 v39, v36;
	v47 =	vadd.f32 v60, v58;
	v51 =	vadd.f32 v63, v61;
	v41 =	vld [tilespmem:$0x19C0]  }
.LBB2_5:
0x1c6: {  	p1 =	sne.s32 s15, $0x9E00;
	v39 =	vadd.f32 v50, v45;
	v45 =	vmul.f32 $5.000000000e-01, v49;
	v50 =	vld [tilespmem:$0x1990];
	v42 =	vmul.f32 v12, v42;
	v36 =	vmovc v33;
	v38 =	vmovc v7  }
0x1c7: {  	v33 =	vshra.s32 v49, $0x1;
	v7 =	vmovc v11;
	v11 =	vmovc v28;
	v44 =	vmul.f32 v29, v44;
	v37 =	vmul.f32 v37, v35  }
0x1c8: {  	s30 =	sshra.s32 s15, $0x2;
	v28 =	vadd.f32 v48, v46;
	v46 =	vsub.s32 $0x5F3759DF, v33;
	v35 =	vmovc v12;
	v12 =	vmovc v29;
	v40 =	vmul.f32 v42, v40  }
0x1c9: {  	v29 =	vmul.f32 v46, v45;
	v42 =	vld [tilespmem:s30+$0x4200];
	v43 =	vmul.f32 v44, v43;
	v37 =	vadd.f32 v31, v37;
	v31 =	vmovc v8  }
0x1ca: {  	v44 =	vadd.f32 v51, v47;
	v8 =	vmovc v15;
	v15 =	vmov v34;
	v33 =	vld [tilespmem:s30+$0x4210];
	v40 =	vadd.f32 v40, v41  }
0x1cb: {  	v29 =	vmul.f32 v46, v29;
	v34 =	vld [tilespmem:s30+$0x4220];
	v41 =	vadd.f32 v43, v50;
	[tilespmem:s4+$0x4270] =	vst v37;
	s4 =	smov.u32 s16;
	s16 =	smov.u32 s17;
	s17 =	smov.u32 s9  }
0x1cc: {  	v43 =	vperm.xlane v39, v0;
	v28 =	vadd.f32 v44, v28;
	s9 =	smov.u32 s11;
	s11 =	smov.u32 s30;
	v37 =	vld [tilespmem:s30+$0x4230];
	[tilespmem:s4+$0x4240] =	vst v40  }
0x1cd: {  	v29 =	vsub.f32 $1.500000000e+00, v29;
	[tilespmem:s16+$0x4210] =	vst v41;
	v40 =	vld [tilespmem:$0x1950]  }
0x1ce: {  	v44 =	vsub.f32 v6, v31;
	v6 =	vmovc v10;
	v39 =	vadd.f32 v39, v43;
	v41 =	vperm.xlane v28, v0;
	v43 =	vld [tilespmem:$0x1920]  }
0x1cf: {  	v10 =	vmovc v18;
	v29 =	vmul.f32 v46, v29;
	v46 =	vsub.f32 v17, v8;
	v17 =	vmovc v21;
	v21 =	vmov v30;
	v47 =	vld [tilespmem:$0x19D0]  }
0x1d0: {  	v44 =	vmul.f32 v35, v44;
	v48 =	vperm.xlane v39, v1;
	v28 =	vadd.f32 v41, v28;
	v41 =	vld [tilespmem:$0x19A0];
	v30 =	vmovc v34  }
0x1d1: {  	v18 =	vmovc v25;
	v49 =	vadd.f32 v33, v42;
	v45 =	vmul.f32 v29, v45;
	v46 =	vmul.f32 v12, v46;
	v50 =	vld [tilespmem:$0x1980]  }
0x1d2: {  	v39 =	vadd.f32 v39, v48;
	v48 =	vperm.xlane v28, v1;
	v51 =	vld [tilespmem:$0x1900];
	v40 =	vmul.f32 v44, v40  }
0x1d3: {  	v52 =	vadd.f32 v37, v30;
	v45 =	vmul.f32 v45, v29;
	v44 =	vld [tilespmem:s11+$0x4240];
	v43 =	vmul.f32 v46, v43  }
0x1d4: {  	v46 =	vperm.xlane v39, v2;
	v48 =	vadd.f32 v48, v28;
	v25 =	vld [tilespmem:s11+$0x4250];
	v40 =	vadd.f32 v40, v47  }
0x1d5: {  	v53 =	vmul.f32 v42, v42;
	v45 =	vsub.f32 $1.500000000e+00, v45;
	v47 =	vld [tilespmem:s11+$0x4260];
	v41 =	vadd.f32 v43, v41  }
0x1d6: {  	v43 =	vmul.f32 v33, v33;
	v39 =	vadd.f32 v39, v46;
	v46 =	vperm.xlane v48, v2;
	v28 =	vld [tilespmem:s11+$0x4270];
	[tilespmem:s4+$0x4250] =	vst v40  }
0x1d7: {  	v40 =	vmul.f32 v34, v30;
	v29 =	vmul.f32 v45, v29;
	v34 =	vsub.f32 v24, v15;
	[tilespmem:s16+$0x4220] =	vst v41;
	v41 =	vld [tilespmem:$0x1960]  }
0x1d8: {  	v5 =	vsub.f32 v5, v31;
	v24 =	vmovc v32;
	v45 =	vperm.xlane v39, v3;
	v46 =	vadd.f32 v46, v48;
	v48 =	vld [tilespmem:$0x1930]  }
0x1d9: {  	v55 =	vsub.f32 v14, v8;
	v54 =	vmul.f32 v37, v37;
	v32 =	vmovc v42;
	v34 =	vmul.f32 v29, v34;
	v56 =	vld [tilespmem:$0x19E0]  }
0x1da: {  	v14 =	vmovc v20;
	v59 =	vmul.f32 v35, v5;
	v39 =	vadd.f32 v39, v45;
	v42 =	vperm.xlane v46, v3;
	v57 =	vld [tilespmem:$0x19B0]  }
0x1db: {  	v20 =	vmovc v27;
	v58 =	vadd.f32 v25, v44;
	v45 =	vmul.f32 v34, v51;
	v51 =	vmul.f32 v12, v55  }
0x1dc: {  	v5 =	vmovc v9;
	v27 =	vmovc v37;
	v55 =	vadd.f32 v28, v47;
	v34 =	vmul.f32 $7.812500000e-03, v39;
	v39 =	vmul.f32 v41, v59  }
0x1dd: {  	v9 =	vmovc v16;
	v37 =	vadd.f32 v42, v46;
	v41 =	vadd.f32 v45, v50;
	v42 =	vmul.f32 v51, v48  }
0x1de: {  	v16 =	vmovc v23;
	v45 =	vadd.f32 v52, v49;
	v49 =	vmul.f32 v44, v44;
	v39 =	vadd.f32 v56, v39  }
0x1df: {  	v23 =	vmovc v47;
	v37 =	vmul.f32 $7.812500000e-03, v37;
	v51 =	vmul.f32 v34, v34;
	[tilespmem:s17+$0x4200] =	vst v41;
	v41 =	vadd.f32 v42, v57  }
.Ltmp3:
0x1e0: {  	v46 =	vadd.f32 v43, v53;
	v50 =	vadd.f32 v55, v58;
	v42 =	vmul.f32 v25, v25;
	v43 =	vld [tilespmem:$0x1910];
	[tilespmem:s4+$0x4260] =	vst v39;
	(pc) =	sbr.rel @p1 .LBB2_5-.Ltmp3, $4  }
0x1e1: {  	v48 =	vadd.f32 v54, v40;
	v51 =	vsub.f32 v37, v51;
	v39 =	vmul.f32 v47, v23;
	[tilespmem:s16+$0x4230] =	vst v41;
	v37 =	vld [tilespmem:$0x1970]  }
0x1e2: {  	v52 =	vsub.f32 v4, v31;
	v4 =	vmovc v38;
	v41 =	vmul.f32 v28, v28;
	v47 =	vadd.f32 v42, v49;
	v40 =	vld [tilespmem:$0x1940]  }
0x1e3: {  	v49 =	vadd.f32 $9.999999960e-13, v51;
	v42 =	vsub.f32 v13, v8;
	v13 =	vmovc v19;
	v19 =	vmovc v26;
	v26 =	vmov v44;
	v31 =	vld [tilespmem:$0x19F0]  }
0x1e4: {  	s15 =	sadd.s32 $0x200, s15;
	v35 =	vmul.f32 v35, v52;
	v44 =	vsub.f32 v22, v15;
	v22 =	vmovc v36;
	v51 =	vadd.f32 v41, v39;
	v41 =	vld [tilespmem:$0x19C0]  }
0x1e5: {  	v36 =	vadd.f32 v50, v45  }
0x1e6: {  	v38 =	vadd.f32 v48, v46;
	v39 =	vadd.f32 v51, v47;
	_ =	sdelay $0x1  }
0x1e7: {  	v45 =	vperm.xlane v36, v0;
	v38 =	vadd.f32 v39, v38;
	_ =	sdelay $0x1  }
0x1e8: {  	v36 =	vadd.f32 v36, v45;
	v39 =	vperm.xlane v38, v0;
	_ =	sdelay $0x1  }
0x1e9: {  	v45 =	vperm.xlane v36, v1;
	v38 =	vadd.f32 v39, v38;
	_ =	sdelay $0x1  }
0x1ea: {  	v36 =	vadd.f32 v36, v45;
	v39 =	vperm.xlane v38, v1;
	_ =	sdelay $0x1  }
0x1eb: {  	v45 =	vperm.xlane v36, v2;
	v38 =	vadd.f32 v39, v38;
	_ =	sdelay $0x1  }
0x1ec: {  	v36 =	vadd.f32 v36, v45;
	v39 =	vperm.xlane v38, v2;
	_ =	sdelay $0x1  }
0x1ed: {  	v45 =	vperm.xlane v36, v3;
	v38 =	vadd.f32 v39, v38;
	_ =	sdelay $0x1  }
0x1ee: {  	v36 =	vadd.f32 v36, v45;
	v39 =	vperm.xlane v38, v3;
	_ =	sdelay $0x1  }
0x1ef: {  	v36 =	vmul.f32 $7.812500000e-03, v36;
	v38 =	vadd.f32 v39, v38;
	_ =	sdelay $0x1  }
0x1f0: {  	v54 =	vmul.f32 v36, v36;
	v38 =	vmul.f32 $7.812500000e-03, v38;
	_ =	sdelay $0x1  }
0x1f1: {  	v38 =	vsub.f32 v38, v54;
	_ =	sdelay $0x1  }
0x1f2: {  	v55 =	vmul.f32 $5.000000000e-01, v49;
	v56 =	vshra.s32 v49, $0x1;
	v38 =	vadd.f32 $9.999999960e-13, v38  }
0x1f3: {  	v45 =	vsub.s32 $0x5F3759DF, v56  }
0x1f4: {  	v58 =	vmul.f32 v45, v55;
	v57 =	vmul.f32 $5.000000000e-01, v38;
	v38 =	vshra.s32 v38, $0x1  }
0x1f5: {  	v38 =	vsub.s32 $0x5F3759DF, v38  }
0x1f6: {  	v47 =	vmul.f32 v45, v58;
	v59 =	vmul.f32 v38, v57;
	_ =	sdelay $0x1  }
0x1f7: {  	v47 =	vsub.f32 $1.500000000e+00, v47;
	v48 =	vmul.f32 v38, v59;
	_ =	sdelay $0x1  }
0x1f8: {  	v45 =	vmul.f32 v45, v47;
	v48 =	vsub.f32 $1.500000000e+00, v48;
	_ =	sdelay $0x1  }
0x1f9: {  	v61 =	vmul.f32 v45, v55;
	v60 =	vmul.f32 v38, v48;
	_ =	sdelay $0x1  }
0x1fa: {  	v38 =	vmul.f32 v61, v45;
	v62 =	vmul.f32 v60, v57;
	_ =	sdelay $0x1  }
0x1fb: {  	v38 =	vsub.f32 $1.500000000e+00, v38;
	v39 =	vmul.f32 v62, v60  }
0x1fc: {  	v63 =	vld [tilespmem:$0x1900]  }
0x1fd: {  	v52 =	vsub.f32 v24, v34;
	v53 =	vld [tilespmem:$0x1900];
	v38 =	vmul.f32 v38, v45;
	v39 =	vsub.f32 $1.500000000e+00, v39  }
0x1fe: {  	v54 =	vld [tilespmem:$0x1980]  }
0x1ff: {  	v32 =	vsub.f32 v32, v36;
	v55 =	vmul.f32 v38, v52;
	v24 =	vmul.f32 v39, v60  }
0x200: {  	v56 =	vld [tilespmem:$0x1980]  }
0x201: {  	v39 =	vmul.f32 v55, v63;
	v32 =	vmul.f32 v24, v32;
	_ =	sdelay $0x1  }
0x202: {  	v39 =	vadd.f32 v39, v54;
	v32 =	vmul.f32 v32, v53;
	_ =	sdelay $0x1  }
0x203: {  	v57 =	vld [tilespmem:$0x1990];
	[tilespmem:s9+$0x4200] =	vst v39;
	v32 =	vadd.f32 v32, v56  }
0x204: {  	v39 =	vld [tilespmem:$0x1910]  }
0x205: {  	v22 =	vsub.f32 v22, v34;
	v58 =	vmul.f32 v29, v44;
	v60 =	vld [tilespmem:$0x1990];
	[tilespmem:s11+$0x4200] =	vst v32  }
0x206: {  	v59 =	vld [tilespmem:$0x1910]  }
0x207: {  	v33 =	vsub.f32 v33, v36;
	v22 =	vmul.f32 v38, v22;
	v32 =	vmul.f32 v58, v43  }
0x208: {  	v61 =	vld [tilespmem:$0x1990]  }
0x209: {  	v33 =	vmul.f32 v24, v33;
	v32 =	vadd.f32 v32, v57;
	v22 =	vmul.f32 v22, v39;
	_ =	sdelay $0x1  }
0x20a: {  	[tilespmem:s17+$0x4210] =	vst v32;
	v22 =	vadd.f32 v22, v60;
	v33 =	vmul.f32 v33, v59  }
0x20b: {  	v32 =	vld [tilespmem:$0x1920]  }
0x20c: {  	v17 =	vsub.f32 v17, v15;
	v62 =	vld [tilespmem:$0x19A0];
	[tilespmem:s9+$0x4210] =	vst v22;
	v33 =	vadd.f32 v33, v61  }
0x20d: {  	v22 =	vld [tilespmem:$0x1920]  }
0x20e: {  	v21 =	vsub.f32 v21, v34;
	v17 =	vmul.f32 v29, v17;
	v63 =	vld [tilespmem:$0x19A0];
	[tilespmem:s11+$0x4210] =	vst v33  }
0x20f: {  	v33 =	vld [tilespmem:$0x1920]  }
0x210: {  	v30 =	vsub.f32 v30, v36;
	v21 =	vmul.f32 v38, v21;
	v17 =	vmul.f32 v17, v32  }
0x211: {  	v45 =	vld [tilespmem:$0x19A0]  }
0x212: {  	v30 =	vmul.f32 v24, v30;
	v17 =	vadd.f32 v17, v62;
	v21 =	vmul.f32 v21, v22;
	_ =	sdelay $0x1  }
0x213: {  	[tilespmem:s17+$0x4220] =	vst v17;
	v17 =	vadd.f32 v21, v63;
	v22 =	vmul.f32 v30, v33  }
0x214: {  	v21 =	vld [tilespmem:$0x1930]  }
0x215: {  	v14 =	vsub.f32 v14, v15;
	v30 =	vld [tilespmem:$0x19B0];
	[tilespmem:s9+$0x4220] =	vst v17;
	v22 =	vadd.f32 v22, v45  }
0x216: {  	v17 =	vld [tilespmem:$0x1930]  }
0x217: {  	v20 =	vsub.f32 v20, v34;
	v14 =	vmul.f32 v29, v14;
	v46 =	vld [tilespmem:$0x19B0];
	[tilespmem:s11+$0x4220] =	vst v22  }
0x218: {  	v22 =	vld [tilespmem:$0x1930]  }
0x219: {  	v27 =	vsub.f32 v27, v36;
	v20 =	vmul.f32 v38, v20;
	v14 =	vmul.f32 v14, v21  }
0x21a: {  	v21 =	vld [tilespmem:$0x19B0]  }
0x21b: {  	v27 =	vmul.f32 v24, v27;
	v14 =	vadd.f32 v14, v30;
	v17 =	vmul.f32 v20, v17;
	_ =	sdelay $0x1  }
0x21c: {  	[tilespmem:s17+$0x4230] =	vst v14;
	v14 =	vadd.f32 v17, v46;
	v20 =	vmul.f32 v27, v22  }
0x21d: {  	v17 =	vld [tilespmem:$0x1940]  }
0x21e: {  	v13 =	vsub.f32 v13, v15;
	v22 =	vld [tilespmem:$0x19C0];
	[tilespmem:s9+$0x4230] =	vst v14;
	v20 =	vadd.f32 v20, v21  }
0x21f: {  	v14 =	vld [tilespmem:$0x1940];
	v21 =	vmul.f32 v12, v42  }
0x220: {  	v19 =	vsub.f32 v19, v34;
	v13 =	vmul.f32 v29, v13;
	v27 =	vld [tilespmem:$0x19C0];
	[tilespmem:s11+$0x4230] =	vst v20  }
0x221: {  	v20 =	vmul.f32 v21, v40;
	v21 =	vld [tilespmem:$0x1940]  }
0x222: {  	v26 =	vsub.f32 v26, v36;
	v13 =	vmul.f32 v13, v17;
	v17 =	vmul.f32 v38, v19  }
0x223: {  	v19 =	vld [tilespmem:$0x19C0];
	v20 =	vadd.f32 v20, v41  }
0x224: {  	v26 =	vmul.f32 v24, v26;
	v13 =	vadd.f32 v13, v22;
	v14 =	vmul.f32 v17, v14  }
0x225: {  	[tilespmem:s16+$0x4240] =	vst v20  }
0x226: {  	[tilespmem:s17+$0x4240] =	vst v13;
	v13 =	vadd.f32 v14, v27;
	v17 =	vld [tilespmem:$0x1950];
	v20 =	vmul.f32 v26, v21  }
0x227: {  	v6 =	vsub.f32 v6, v8;
	v14 =	vld [tilespmem:$0x1950]  }
0x228: {  	v21 =	vld [tilespmem:$0x19D0];
	[tilespmem:s9+$0x4240] =	vst v13;
	v19 =	vadd.f32 v20, v19  }
0x229: {  	v10 =	vsub.f32 v10, v15;
	v6 =	vmul.f32 v12, v6;
	v13 =	vld [tilespmem:$0x1950]  }
0x22a: {  	v20 =	vld [tilespmem:$0x19D0];
	[tilespmem:s11+$0x4240] =	vst v19  }
0x22b: {  	v10 =	vmul.f32 v29, v10;
	v6 =	vmul.f32 v6, v17;
	v17 =	vsub.f32 v18, v34;
	v18 =	vld [tilespmem:$0x1950]  }
0x22c: {  	v22 =	vsub.f32 v25, v36;
	v19 =	vld [tilespmem:$0x19D0]  }
0x22d: {  	v10 =	vmul.f32 v10, v14;
	v6 =	vadd.f32 v6, v21;
	v14 =	vmul.f32 v38, v17;
	v17 =	vld [tilespmem:$0x19D0]  }
0x22e: {  	v21 =	vmul.f32 v24, v22  }
0x22f: {  	[tilespmem:s16+$0x4250] =	vst v6;
	v6 =	vadd.f32 v10, v20;
	v10 =	vmul.f32 v14, v13  }
0x230: {  	v13 =	vld [tilespmem:$0x1960];
	v14 =	vmul.f32 v21, v18  }
0x231: {  	v5 =	vsub.f32 v5, v8;
	v18 =	vld [tilespmem:$0x19E0];
	[tilespmem:s17+$0x4250] =	vst v6;
	v6 =	vadd.f32 v10, v19  }
0x232: {  	v10 =	vld [tilespmem:$0x1960];
	v14 =	vadd.f32 v14, v17  }
0x233: {  	v9 =	vsub.f32 v9, v15;
	v5 =	vmul.f32 v12, v5;
	v17 =	vld [tilespmem:$0x19E0];
	[tilespmem:s9+$0x4250] =	vst v6  }
0x234: {  	v6 =	vld [tilespmem:$0x1960];
	[tilespmem:s11+$0x4250] =	vst v14  }
0x235: {  	v9 =	vmul.f32 v29, v9;
	v5 =	vmul.f32 v13, v5;
	v13 =	vsub.f32 v16, v34;
	v14 =	vld [tilespmem:$0x1960]  }
0x236: {  	v19 =	vsub.f32 v23, v36;
	v16 =	vld [tilespmem:$0x19E0]  }
0x237: {  	v5 =	vadd.f32 v18, v5;
	v9 =	vmul.f32 v10, v9;
	v10 =	vmul.f32 v38, v13;
	v13 =	vld [tilespmem:$0x19E0]  }
0x238: {  	v18 =	vmul.f32 v24, v19  }
0x239: {  	[tilespmem:s16+$0x4260] =	vst v5;
	v5 =	vadd.f32 v17, v9;
	v6 =	vmul.f32 v6, v10  }
0x23a: {  	v9 =	vld [tilespmem:$0x1970];
	v10 =	vmul.f32 v14, v18  }
0x23b: {  	v14 =	vld [tilespmem:$0x19F0];
	[tilespmem:s17+$0x4260] =	vst v5;
	v5 =	vadd.f32 v16, v6  }
0x23c: {  	v6 =	vld [tilespmem:$0x1970];
	v10 =	vadd.f32 v13, v10  }
0x23d: {  	v4 =	vsub.f32 v4, v8;
	v8 =	vld [tilespmem:$0x19F0];
	[tilespmem:s9+$0x4260] =	vst v5  }
0x23e: {  	v5 =	vsub.f32 v7, v15;
	v7 =	vld [tilespmem:$0x1970];
	[tilespmem:s11+$0x4260] =	vst v10  }
0x23f: {  	v4 =	vmul.f32 v12, v4;
	v10 =	vsub.f32 v11, v34;
	v11 =	vld [tilespmem:$0x1970]  }
0x240: {  	v12 =	vmul.f32 v37, v35;
	v15 =	vsub.f32 v28, v36;
	v13 =	vld [tilespmem:$0x19F0];
	v5 =	vmul.f32 v29, v5  }
0x241: {  	v4 =	vmul.f32 v9, v4;
	v9 =	vmul.f32 v38, v10;
	v10 =	vld [tilespmem:$0x19F0]  }
0x242: {  	v12 =	vadd.f32 v31, v12;
	v5 =	vmul.f32 v6, v5;
	v6 =	vmul.f32 v24, v15  }
0x243: {  	v4 =	vadd.f32 v14, v4;
	v7 =	vmul.f32 v7, v9  }
0x244: {  	s0 =	smul.u32 $0x50, s0;
	[tilespmem:s4+$0x4270] =	vst v12;
	v5 =	vadd.f32 v8, v5;
	v6 =	vmul.f32 v11, v6  }
0x245: {  	[tilespmem:s16+$0x4270] =	vst v4;
	v4 =	vadd.f32 v13, v7  }
0x246: {  	s0 =	sadd.s32 s8, s0;
	[tilespmem:s17+$0x4270] =	vst v5;
	v5 =	vadd.f32 v10, v6  }
0x247: {  	s0 =	sshll.u32 s0, $0x4;
	[tilespmem:s9+$0x4270] =	vst v4  }
0x248: {  	s0 =	sadd.s32 s5, s0;
	[tilespmem:s11+$0x4270] =	vst v5  }
0x249: {  	[hbm4b:s0+s6] =	stream.linear.scatter [tilespmem:s21], [sflag:$0x2], $0x2800, $0x38;
	[tilespmem:$0xE200] =	vst v63  }
0x24a: {  	s0 =	simm.s32 @!p0 $0x4  }
0x24b: {  	_ =	swait.ge @!p0 [sflag:s0], $0x2800  }
0x24c: {  	[sflag:s0] =	ssyncset.done @!p0 $0x0  }
0x24d: {  	s30 =	simm.s32 $0x0;
	[sflag:s0] =	ssyncadd.s32 @!p0 $0xFFFFD800  }
0x24e: {  	[tilespmem:s25], [sflag:$0x4] =	stream.linear.gather [hbm4b:s13+s30], $0x2800, $0x38;
	[tilespmem:$0xE200] =	vst v63  }
0x24f: {  	_ =	swait.ge [sflag:s26], $0x2800  }
0x250: {  	[sflag:s26] =	ssyncset.done $0x0  }
0x251: {  	s4 =	sadd.s32 $0xF0, s7;
	[sflag:s26] =	ssyncadd.s32 $0xFFFFD800  }
0x252: {  	[tilespmem:s25], [sflag:$0x4] =	stream.indirect.gather.add.f32 [hbm:s1], $0x80, s4, s20, $0xb8;
	[tilespmem:$0xE200] =	vst v63  }
0x253: {  	_ =	swait.ge [sflag:s24], $0x2800  }
0x254: {  	[sflag:s24] =	ssyncset.done $0x0  }
0x255: {  	s0 =	simm.s32 $0x0;
	[sflag:s24] =	ssyncadd.s32 $0xFFFFD800  }
0x256: {  	v7 =	vld [tilespmem:s0+$0x6A00]  }
0x257: {  	v12 =	vld [tilespmem:s0+$0x6A10]  }
0x258: {  	v11 =	vld [tilespmem:s0+$0x6A20]  }
0x259: {  	v15 =	vld [tilespmem:s0+$0x6A30]  }
0x25a: {  	v25 =	vld [tilespmem:s0+$0x6A40]  }
0x25b: {  	v23 =	vld [tilespmem:s0+$0x6A50]  }
0x25c: {  	v34 =	vld [tilespmem:s0+$0x6A60]  }
0x25d: {  	v31 =	vld [tilespmem:s0+$0x6A70];
	_ =	sdelay $0x2  }
0x25e: {  	v4 =	vadd.f32 v12, v7;
	v5 =	vmul.f32 v7, v7  }
0x25f: {  	v6 =	vadd.f32 v15, v11;
	v8 =	vmul.f32 v12, v12;
	v9 =	vmul.f32 v11, v11  }
0x260: {  	v10 =	vmul.f32 v15, v15;
	v13 =	vadd.f32 v23, v25;
	v14 =	vadd.f32 v31, v34  }
0x261: {  	v16 =	vmul.f32 v23, v23;
	v17 =	vmul.f32 v31, v31;
	v4 =	vadd.f32 v6, v4  }
0x262: {  	v6 =	vmul.f32 v25, v25;
	v13 =	vadd.f32 v14, v13;
	v14 =	vmul.f32 v34, v34  }
0x263: {  	v5 =	vadd.f32 v8, v5;
	v8 =	vadd.f32 v10, v9  }
0x264: {  	v6 =	vadd.f32 v16, v6;
	v9 =	vadd.f32 v17, v14  }
0x265: {  	v4 =	vadd.f32 v13, v4  }
0x266: {  	v5 =	vadd.f32 v8, v5;
	v6 =	vadd.f32 v9, v6;
	_ =	sdelay $0x1  }
0x267: {  	v8 =	vperm.xlane v4, v0;
	v5 =	vadd.f32 v6, v5;
	_ =	sdelay $0x1  }
0x268: {  	v4 =	vadd.f32 v4, v8;
	v6 =	vperm.xlane v5, v0;
	_ =	sdelay $0x1  }
0x269: {  	v8 =	vperm.xlane v4, v1;
	v5 =	vadd.f32 v6, v5;
	_ =	sdelay $0x1  }
0x26a: {  	v4 =	vadd.f32 v4, v8;
	v6 =	vperm.xlane v5, v1;
	_ =	sdelay $0x1  }
0x26b: {  	s16 =	simm.s32 $0x80;
	v8 =	vperm.xlane v4, v2;
	v5 =	vadd.f32 v6, v5  }
0x26c: {  	v28 =	vld [tilespmem:s16+$0x6A00]  }
0x26d: {  	v27 =	vld [tilespmem:s16+$0x6A10];
	v4 =	vadd.f32 v4, v8;
	v6 =	vperm.xlane v5, v2  }
0x26e: {  	v26 =	vld [tilespmem:s16+$0x6A20]  }
0x26f: {  	v37 =	vld [tilespmem:s16+$0x6A30];
	v8 =	vperm.xlane v4, v3;
	v9 =	vadd.f32 v6, v5  }
0x270: {  	v35 =	vld [tilespmem:s16+$0x6A40]  }
0x271: {  	v6 =	vld [tilespmem:s16+$0x6A50];
	v8 =	vadd.f32 v4, v8;
	v10 =	vperm.xlane v9, v3  }
0x272: {  	v5 =	vld [tilespmem:s16+$0x6A60]  }
0x273: {  	v4 =	vld [tilespmem:s16+$0x6A70];
	v36 =	vmul.f32 $7.812500000e-03, v8;
	v8 =	vadd.f32 v10, v9;
	_ =	sdelay $0x1  }
0x274: {  	v9 =	vmul.f32 v36, v36;
	v8 =	vmul.f32 $7.812500000e-03, v8  }
0x275: {  	v13 =	vadd.f32 v37, v26;
	v14 =	vmul.f32 v28, v28;
	v16 =	vmul.f32 v27, v27  }
0x276: {  	v17 =	vmul.f32 v26, v26;
	v10 =	vadd.f32 v27, v28;
	v8 =	vsub.f32 v8, v9  }
0x277: {  	v18 =	vadd.f32 v6, v35;
	v19 =	vadd.f32 v4, v5;
	v20 =	vmul.f32 v5, v5  }
0x278: {  	v21 =	vmul.f32 v4, v4;
	v10 =	vadd.f32 v13, v10;
	v8 =	vadd.f32 $9.999999960e-13, v8  }
0x279: {  	v13 =	vmul.f32 v35, v35;
	v18 =	vadd.f32 v19, v18;
	v19 =	vmul.f32 v6, v6  }
0x27a: {  	v9 =	vmul.f32 v37, v37;
	v22 =	vmul.f32 $5.000000000e-01, v8;
	v8 =	vshra.s32 v8, $0x1  }
0x27b: {  	v14 =	vadd.f32 v16, v14;
	v16 =	vadd.f32 v21, v20;
	v8 =	vsub.s32 $0x5F3759DF, v8  }
0x27c: {  	v13 =	vadd.f32 v19, v13;
	v9 =	vadd.f32 v9, v17;
	v17 =	vmul.f32 v8, v22  }
0x27d: {  	v10 =	vadd.f32 v18, v10  }
0x27e: {  	v13 =	vadd.f32 v16, v13;
	v9 =	vadd.f32 v9, v14;
	v14 =	vmul.f32 v8, v17;
	_ =	sdelay $0x1  }
0x27f: {  	v16 =	vperm.xlane v10, v0;
	v9 =	vadd.f32 v13, v9;
	v13 =	vsub.f32 $1.500000000e+00, v14;
	_ =	sdelay $0x1  }
0x280: {  	v10 =	vadd.f32 v10, v16;
	v14 =	vperm.xlane v9, v0;
	v8 =	vmul.f32 v8, v13;
	_ =	sdelay $0x1  }
0x281: {  	v13 =	vperm.xlane v10, v1;
	v9 =	vadd.f32 v14, v9;
	v14 =	vmul.f32 v8, v22;
	_ =	sdelay $0x1  }
0x282: {  	s17 =	simm.s32 $0x100;
	v10 =	vadd.f32 v10, v13;
	v13 =	vperm.xlane v9, v1;
	v16 =	vmul.f32 v14, v8  }
0x283: {  	v40 =	vld [tilespmem:s17+$0x6A00]  }
0x284: {  	v38 =	vld [tilespmem:s17+$0x6A10];
	v9 =	vadd.f32 v13, v9;
	v13 =	vsub.f32 $1.500000000e+00, v16  }
0x285: {  	v18 =	vperm.xlane v10, v2;
	v16 =	vld [tilespmem:$0x1900]  }
0x286: {  	v7 =	vsub.f32 v7, v36;
	v19 =	vld [tilespmem:$0x1980];
	v39 =	vmul.f32 v13, v8  }
0x287: {  	v14 =	vld [tilespmem:s17+$0x6A30];
	v18 =	vadd.f32 v10, v18;
	v20 =	vperm.xlane v9, v2  }
0x288: {  	v17 =	vld [tilespmem:s17+$0x6A20];
	v21 =	vmul.f32 v39, v7  }
0x289: {  	v10 =	vld [tilespmem:s17+$0x6A50];
	v8 =	vperm.xlane v18, v3;
	v20 =	vadd.f32 v20, v9  }
0x28a: {  	v12 =	vsub.f32 v12, v36;
	v13 =	vld [tilespmem:s17+$0x6A40];
	v16 =	vmul.f32 v21, v16  }
0x28b: {  	v22 =	vmul.f32 v38, v38;
	v9 =	vld [tilespmem:s17+$0x6A60];
	v8 =	vadd.f32 v18, v8;
	v18 =	vperm.xlane v20, v3  }
0x28c: {  	v47 =	vmul.f32 v14, v14;
	v7 =	vld [tilespmem:s17+$0x6A70];
	v21 =	vadd.f32 v38, v40;
	v16 =	vadd.f32 v16, v19  }
0x28d: {  	v8 =	vmul.f32 $7.812500000e-03, v8;
	v18 =	vadd.f32 v18, v20;
	v19 =	vadd.f32 v14, v17  }
0x28e: {  	v12 =	vmul.f32 v39, v12;
	v20 =	vmul.f32 v40, v40;
	[tilespmem:s0+$0x6A00] =	vst v16  }
0x28f: {  	v18 =	vmul.f32 $7.812500000e-03, v18;
	v29 =	vmul.f32 v8, v8;
	v19 =	vadd.f32 v19, v21;
	v21 =	vld [tilespmem:$0x1910]  }
0x290: {  	v24 =	vadd.f32 v10, v13;
	v20 =	vadd.f32 v22, v20;
	v22 =	vmul.f32 v9, v9  }
0x291: {  	v30 =	vadd.f32 v7, v9;
	v49 =	vmul.f32 v7, v7;
	v18 =	vsub.f32 v18, v29;
	v48 =	vld [tilespmem:$0x1990]  }
0x292: {  	v16 =	vmul.f32 v17, v17;
	v29 =	vmul.f32 v13, v13  }
0x293: {  	v24 =	vadd.f32 v30, v24;
	v30 =	vmul.f32 v10, v10;
	v18 =	vadd.f32 $9.999999960e-13, v18  }
0x294: {  	v22 =	vadd.f32 v49, v22;
	v16 =	vadd.f32 v47, v16;
	v12 =	vmul.f32 v12, v21  }
0x295: {  	v50 =	vmul.f32 $5.000000000e-01, v18;
	v18 =	vshra.s32 v18, $0x1;
	v21 =	vadd.f32 v30, v29  }
0x296: {  	v19 =	vadd.f32 v24, v19;
	v18 =	vsub.s32 $0x5F3759DF, v18;
	v12 =	vadd.f32 v12, v48  }
0x297: {  	v16 =	vadd.f32 v16, v20;
	v29 =	vmul.f32 v18, v50;
	v20 =	vadd.f32 v22, v21  }
0x298: {  	[tilespmem:s0+$0x6A10] =	vst v12  }
0x299: {  	v21 =	vmul.f32 v18, v29;
	v12 =	vperm.xlane v19, v0;
	v16 =	vadd.f32 v20, v16;
	v29 =	vld [tilespmem:$0x1920]  }
0x29a: {  	v11 =	vsub.f32 v11, v36  }
0x29b: {  	v20 =	vsub.f32 $1.500000000e+00, v21;
	v30 =	vld [tilespmem:$0x19A0];
	v12 =	vadd.f32 v19, v12;
	v19 =	vperm.xlane v16, v0  }
0x29c: {  	s9 =	simm.s32 $0x180;
	v54 =	vld [tilespmem:$0x1900];
	v11 =	vmul.f32 v39, v11  }
0x29d: {  	v24 =	vld [tilespmem:s9+$0x6A00];
	v51 =	vmul.f32 v18, v20;
	v18 =	vperm.xlane v12, v1;
	v16 =	vadd.f32 v19, v16  }
0x29e: {  	v22 =	vld [tilespmem:s9+$0x6A10];
	v11 =	vmul.f32 v11, v29  }
0x29f: {  	v21 =	vld [tilespmem:s9+$0x6A20];
	v52 =	vmul.f32 v51, v50;
	v12 =	vadd.f32 v12, v18;
	v29 =	vperm.xlane v16, v1  }
0x2a0: {  	v20 =	vld [tilespmem:s9+$0x6A30];
	v11 =	vadd.f32 v11, v30  }
0x2a1: {  	v19 =	vld [tilespmem:s9+$0x6A40];
	v33 =	vmul.f32 v52, v51;
	v30 =	vperm.xlane v12, v2;
	v29 =	vadd.f32 v29, v16  }
0x2a2: {  	v15 =	vsub.f32 v15, v36;
	v25 =	vsub.f32 v25, v36;
	v18 =	vld [tilespmem:s9+$0x6A50];
	[tilespmem:s0+$0x6A20] =	vst v11  }
0x2a3: {  	v33 =	vsub.f32 $1.500000000e+00, v33;
	v30 =	vadd.f32 v12, v30;
	v56 =	vperm.xlane v29, v2;
	v57 =	vld [tilespmem:$0x1930]  }
0x2a4: {  	v15 =	vmul.f32 v39, v15;
	v28 =	vsub.f32 v28, v8;
	v27 =	vsub.f32 v27, v8;
	v16 =	vld [tilespmem:s9+$0x6A60]  }
0x2a5: {  	v12 =	vmul.f32 v33, v51;
	v59 =	vld [tilespmem:$0x19B0];
	v58 =	vperm.xlane v30, v3;
	v29 =	vadd.f32 v56, v29  }
0x2a6: {  	v53 =	vld [tilespmem:$0x1980];
	v44 =	vmul.f32 v24, v24;
	v55 =	vadd.f32 v22, v24;
	v32 =	vmul.f32 v22, v22  }
0x2a7: {  	v11 =	vld [tilespmem:s9+$0x6A70];
	v28 =	vmul.f32 v12, v28;
	v30 =	vadd.f32 v30, v58;
	v62 =	vperm.xlane v29, v3  }
0x2a8: {  	v61 =	vmul.f32 v21, v21;
	v60 =	vadd.f32 v20, v21;
	v50 =	vmul.f32 v15, v57  }
0x2a9: {  	v28 =	vmul.f32 v28, v54;
	v15 =	vmul.f32 $7.812500000e-03, v30;
	v29 =	vadd.f32 v62, v29  }
0x2aa: {  	v63 =	vadd.f32 v18, v19;
	v58 =	vmul.f32 v16, v16;
	v52 =	vadd.f32 v50, v59  }
0x2ab: {  	v28 =	vadd.f32 v28, v53;
	v29 =	vmul.f32 $7.812500000e-03, v29;
	v54 =	vmul.f32 v15, v15  }
0x2ac: {  	v51 =	vadd.f32 v11, v16;
	v30 =	vmul.f32 v20, v20;
	v53 =	vadd.f32 v60, v55;
	[tilespmem:s0+$0x6A30] =	vst v52  }
0x2ad: {  	v55 =	vmul.f32 v19, v19;
	v57 =	vmul.f32 v18, v18;
	[tilespmem:s16+$0x6A00] =	vst v28;
	v29 =	vsub.f32 v29, v54;
	v33 =	vld [tilespmem:$0x1940]  }
0x2ae: {  	v60 =	vmul.f32 v11, v11;
	v56 =	vadd.f32 v51, v63;
	v28 =	vadd.f32 v32, v44;
	v59 =	vld [tilespmem:$0x1910]  }
0x2af: {  	v25 =	vmul.f32 v39, v25;
	v30 =	vadd.f32 v30, v61;
	v61 =	vld [tilespmem:$0x19C0];
	v29 =	vadd.f32 $9.999999960e-13, v29  }
0x2b0: {  	v27 =	vmul.f32 v12, v27;
	v43 =	vadd.f32 v57, v55;
	v44 =	vadd.f32 v60, v58;
	v62 =	vld [tilespmem:$0x1990]  }
0x2b1: {  	v28 =	vadd.f32 v30, v28;
	v63 =	vmul.f32 $5.000000000e-01, v29;
	v29 =	vshra.s32 v29, $0x1  }
0x2b2: {  	v51 =	vadd.f32 v44, v43;
	v29 =	vsub.s32 $0x5F3759DF, v29;
	v25 =	vmul.f32 v25, v33  }
0x2b3: {  	s11 =	simm.s32 $0x200;
	v48 =	vld [tilespmem:$0x1980];
	v41 =	vadd.f32 v56, v53;
	v27 =	vmul.f32 v27, v59;
	v50 =	vmul.f32 v29, v63  }
0x2b4: {  	v32 =	vld [tilespmem:s11+$0x6A00];
	v28 =	vadd.f32 v51, v28;
	v25 =	vadd.f32 v25, v61  }
0x2b5: {  	v30 =	vld [tilespmem:s11+$0x6A20];
	v53 =	vadd.f32 v27, v62;
	v52 =	vmul.f32 v29, v50  }
0x2b6: {  	v54 =	vperm.xlane v41, v0;
	v56 =	vperm.xlane v28, v0;
	v33 =	vld [tilespmem:s11+$0x6A10];
	[tilespmem:s0+$0x6A40] =	vst v25  }
0x2b7: {  	v23 =	vsub.f32 v23, v36;
	[tilespmem:s16+$0x6A10] =	vst v53;
	v25 =	vsub.f32 $1.500000000e+00, v52;
	v55 =	vld [tilespmem:$0x1950]  }
0x2b8: {  	v41 =	vadd.f32 v41, v54;
	v28 =	vadd.f32 v56, v28;
	v44 =	vld [tilespmem:$0x1920]  }
0x2b9: {  	v23 =	vmul.f32 v39, v23;
	v57 =	vld [tilespmem:$0x19D0];
	v29 =	vmul.f32 v29, v25;
	v25 =	vsub.f32 v26, v8  }
0x2ba: {  	v60 =	vperm.xlane v28, v1;
	v58 =	vld [tilespmem:$0x19A0];
	v26 =	vperm.xlane v41, v1  }
0x2bb: {  	v34 =	vsub.f32 v34, v36;
	v27 =	vld [tilespmem:s11+$0x6A30];
	v59 =	vmul.f32 v29, v63;
	v25 =	vmul.f32 v12, v25  }
0x2bc: {  	v36 =	vsub.f32 v31, v36;
	v50 =	vld [tilespmem:$0x1900];
	v41 =	vadd.f32 v41, v26;
	v23 =	vmul.f32 v23, v55  }
0x2bd: {  	v49 =	vadd.f32 v60, v28;
	v28 =	vld [tilespmem:s11+$0x6A70];
	v47 =	vmul.f32 v59, v29;
	v44 =	vmul.f32 v25, v44  }
0x2be: {  	v37 =	vsub.f32 v37, v8;
	v26 =	vld [tilespmem:s11+$0x6A40];
	v61 =	vperm.xlane v41, v2;
	v45 =	vadd.f32 v23, v57  }
0x2bf: {  	v25 =	vld [tilespmem:s11+$0x6A50];
	v47 =	vsub.f32 $1.500000000e+00, v47;
	v43 =	vadd.f32 v44, v58  }
0x2c0: {  	v37 =	vmul.f32 v12, v37;
	v56 =	vmul.f32 v39, v34;
	v23 =	vld [tilespmem:s11+$0x6A60];
	v41 =	vadd.f32 v41, v61;
	[tilespmem:s0+$0x6A50] =	vst v45  }
0x2c1: {  	v40 =	vsub.f32 v40, v15;
	v62 =	vperm.xlane v49, v2;
	v29 =	vmul.f32 v47, v29;
	[tilespmem:s16+$0x6A20] =	vst v43;
	v63 =	vld [tilespmem:$0x1960]  }
0x2c2: {  	v53 =	vmul.f32 v30, v30;
	v46 =	vadd.f32 v33, v32;
	v59 =	vperm.xlane v41, v3;
	v60 =	vld [tilespmem:$0x1930]  }
0x2c3: {  	v42 =	vadd.f32 v27, v30;
	v47 =	vadd.f32 v62, v49;
	v54 =	vld [tilespmem:$0x19E0];
	v40 =	vmul.f32 v29, v40  }
0x2c4: {  	v52 =	vmul.f32 v32, v32;
	v51 =	vmul.f32 v27, v27;
	v55 =	vld [tilespmem:$0x19B0];
	v41 =	vadd.f32 v41, v59  }
0x2c5: {  	v45 =	vadd.f32 v42, v46;
	v61 =	vperm.xlane v47, v3;
	v40 =	vmul.f32 v40, v50  }
0x2c6: {  	v57 =	vadd.f32 v25, v26;
	v34 =	vmul.f32 $7.812500000e-03, v41;
	v63 =	vmul.f32 v63, v56  }
0x2c7: {  	v56 =	vadd.f32 v61, v47;
	v40 =	vadd.f32 v40, v48;
	v37 =	vmul.f32 v37, v60  }
0x2c8: {  	v44 =	vmul.f32 v33, v33;
	v62 =	vadd.f32 v28, v23;
	v41 =	vadd.f32 v54, v63  }
0x2c9: {  	v59 =	vmul.f32 v34, v34;
	v47 =	vmul.f32 $7.812500000e-03, v56;
	[tilespmem:s17+$0x6A00] =	vst v40;
	v37 =	vadd.f32 v37, v55  }
0x2ca: {  	v58 =	vmul.f32 v26, v26;
	v46 =	vadd.f32 v44, v52;
	v42 =	vsub.f32 v35, v8;
	v43 =	vld [tilespmem:$0x1910];
	[tilespmem:s0+$0x6A60] =	vst v41  }
0x2cb: {  	v50 =	vadd.f32 v62, v57;
	v60 =	vmul.f32 v25, v25;
	v62 =	vsub.f32 v47, v59;
	[tilespmem:s16+$0x6A30] =	vst v37;
	v37 =	vld [tilespmem:$0x1970]  }
0x2cc: {  	v44 =	vsub.f32 v38, v15;
	v61 =	vmul.f32 v23, v23;
	v63 =	vmul.f32 v28, v28;
	v40 =	vld [tilespmem:$0x1940]  }
0x2cd: {  	v48 =	vadd.f32 v51, v53;
	v31 =	vld [tilespmem:$0x19F0];
	v49 =	vadd.f32 $9.999999960e-13, v62  }
0x2ce: {  	s15 =	simm.s32 $0xA00;
	v35 =	vmul.f32 v39, v36;
	v47 =	vadd.f32 v60, v58;
	v51 =	vadd.f32 v63, v61;
	v41 =	vld [tilespmem:$0x19C0]  }
.LBB2_7:
0x2cf: {  	p1 =	sne.s32 s15, $0x9E00;
	v39 =	vadd.f32 v50, v45;
	v45 =	vmul.f32 $5.000000000e-01, v49;
	v50 =	vld [tilespmem:$0x1990];
	v42 =	vmul.f32 v12, v42;
	v36 =	vmovc v33;
	v38 =	vmovc v7  }
0x2d0: {  	v33 =	vshra.s32 v49, $0x1;
	v7 =	vmovc v11;
	v11 =	vmovc v28;
	v44 =	vmul.f32 v29, v44;
	v37 =	vmul.f32 v37, v35  }
0x2d1: {  	s30 =	sshra.s32 s15, $0x2;
	v28 =	vadd.f32 v48, v46;
	v46 =	vsub.s32 $0x5F3759DF, v33;
	v35 =	vmovc v12;
	v12 =	vmovc v29;
	v40 =	vmul.f32 v42, v40  }
0x2d2: {  	v29 =	vmul.f32 v46, v45;
	v42 =	vld [tilespmem:s30+$0x6A00];
	v43 =	vmul.f32 v44, v43;
	v37 =	vadd.f32 v31, v37;
	v31 =	vmovc v8  }
0x2d3: {  	v44 =	vadd.f32 v51, v47;
	v8 =	vmovc v15;
	v15 =	vmov v34;
	v33 =	vld [tilespmem:s30+$0x6A10];
	v40 =	vadd.f32 v40, v41  }
0x2d4: {  	v29 =	vmul.f32 v46, v29;
	v34 =	vld [tilespmem:s30+$0x6A20];
	v41 =	vadd.f32 v43, v50;
	[tilespmem:s0+$0x6A70] =	vst v37;
	s0 =	smov.u32 s16;
	s16 =	smov.u32 s17;
	s17 =	smov.u32 s9  }
0x2d5: {  	v43 =	vperm.xlane v39, v0;
	v28 =	vadd.f32 v44, v28;
	s9 =	smov.u32 s11;
	s11 =	smov.u32 s30;
	v37 =	vld [tilespmem:s30+$0x6A30];
	[tilespmem:s0+$0x6A40] =	vst v40  }
0x2d6: {  	v29 =	vsub.f32 $1.500000000e+00, v29;
	[tilespmem:s16+$0x6A10] =	vst v41;
	v40 =	vld [tilespmem:$0x1950]  }
0x2d7: {  	v44 =	vsub.f32 v6, v31;
	v6 =	vmovc v10;
	v39 =	vadd.f32 v39, v43;
	v41 =	vperm.xlane v28, v0;
	v43 =	vld [tilespmem:$0x1920]  }
0x2d8: {  	v10 =	vmovc v18;
	v29 =	vmul.f32 v46, v29;
	v46 =	vsub.f32 v17, v8;
	v17 =	vmovc v21;
	v21 =	vmov v30;
	v47 =	vld [tilespmem:$0x19D0]  }
0x2d9: {  	v44 =	vmul.f32 v35, v44;
	v48 =	vperm.xlane v39, v1;
	v28 =	vadd.f32 v41, v28;
	v41 =	vld [tilespmem:$0x19A0];
	v30 =	vmovc v34  }
0x2da: {  	v18 =	vmovc v25;
	v49 =	vadd.f32 v33, v42;
	v45 =	vmul.f32 v29, v45;
	v46 =	vmul.f32 v12, v46;
	v50 =	vld [tilespmem:$0x1980]  }
0x2db: {  	v39 =	vadd.f32 v39, v48;
	v48 =	vperm.xlane v28, v1;
	v51 =	vld [tilespmem:$0x1900];
	v40 =	vmul.f32 v44, v40  }
0x2dc: {  	v52 =	vadd.f32 v37, v30;
	v45 =	vmul.f32 v45, v29;
	v44 =	vld [tilespmem:s11+$0x6A40];
	v43 =	vmul.f32 v46, v43  }
0x2dd: {  	v46 =	vperm.xlane v39, v2;
	v48 =	vadd.f32 v48, v28;
	v25 =	vld [tilespmem:s11+$0x6A50];
	v40 =	vadd.f32 v40, v47  }
0x2de: {  	v53 =	vmul.f32 v42, v42;
	v45 =	vsub.f32 $1.500000000e+00, v45;
	v47 =	vld [tilespmem:s11+$0x6A60];
	v41 =	vadd.f32 v43, v41  }
0x2df: {  	v43 =	vmul.f32 v33, v33;
	v39 =	vadd.f32 v39, v46;
	v46 =	vperm.xlane v48, v2;
	v28 =	vld [tilespmem:s11+$0x6A70];
	[tilespmem:s0+$0x6A50] =	vst v40  }
0x2e0: {  	v40 =	vmul.f32 v34, v30;
	v29 =	vmul.f32 v45, v29;
	v34 =	vsub.f32 v24, v15;
	[tilespmem:s16+$0x6A20] =	vst v41;
	v41 =	vld [tilespmem:$0x1960]  }
0x2e1: {  	v5 =	vsub.f32 v5, v31;
	v24 =	vmovc v32;
	v45 =	vperm.xlane v39, v3;
	v46 =	vadd.f32 v46, v48;
	v48 =	vld [tilespmem:$0x1930]  }
0x2e2: {  	v55 =	vsub.f32 v14, v8;
	v54 =	vmul.f32 v37, v37;
	v32 =	vmovc v42;
	v34 =	vmul.f32 v29, v34;
	v56 =	vld [tilespmem:$0x19E0]  }
0x2e3: {  	v14 =	vmovc v20;
	v59 =	vmul.f32 v35, v5;
	v39 =	vadd.f32 v39, v45;
	v42 =	vperm.xlane v46, v3;
	v57 =	vld [tilespmem:$0x19B0]  }
0x2e4: {  	v20 =	vmovc v27;
	v58 =	vadd.f32 v25, v44;
	v45 =	vmul.f32 v34, v51;
	v51 =	vmul.f32 v12, v55  }
0x2e5: {  	v5 =	vmovc v9;
	v27 =	vmovc v37;
	v55 =	vadd.f32 v28, v47;
	v34 =	vmul.f32 $7.812500000e-03, v39;
	v39 =	vmul.f32 v41, v59  }
0x2e6: {  	v9 =	vmovc v16;
	v37 =	vadd.f32 v42, v46;
	v41 =	vadd.f32 v45, v50;
	v42 =	vmul.f32 v51, v48  }
0x2e7: {  	v16 =	vmovc v23;
	v45 =	vadd.f32 v52, v49;
	v49 =	vmul.f32 v44, v44;
	v39 =	vadd.f32 v56, v39  }
0x2e8: {  	v23 =	vmovc v47;
	v37 =	vmul.f32 $7.812500000e-03, v37;
	v51 =	vmul.f32 v34, v34;
	[tilespmem:s17+$0x6A00] =	vst v41;
	v41 =	vadd.f32 v42, v57  }
.Ltmp4:
0x2e9: {  	v46 =	vadd.f32 v43, v53;
	v50 =	vadd.f32 v55, v58;
	v42 =	vmul.f32 v25, v25;
	v43 =	vld [tilespmem:$0x1910];
	[tilespmem:s0+$0x6A60] =	vst v39;
	(pc) =	sbr.rel @p1 .LBB2_7-.Ltmp4, $4  }
0x2ea: {  	v48 =	vadd.f32 v54, v40;
	v51 =	vsub.f32 v37, v51;
	v39 =	vmul.f32 v47, v23;
	[tilespmem:s16+$0x6A30] =	vst v41;
	v37 =	vld [tilespmem:$0x1970]  }
0x2eb: {  	v52 =	vsub.f32 v4, v31;
	v4 =	vmovc v38;
	v41 =	vmul.f32 v28, v28;
	v47 =	vadd.f32 v42, v49;
	v40 =	vld [tilespmem:$0x1940]  }
0x2ec: {  	v49 =	vadd.f32 $9.999999960e-13, v51;
	v42 =	vsub.f32 v13, v8;
	v13 =	vmovc v19;
	v19 =	vmovc v26;
	v26 =	vmov v44;
	v31 =	vld [tilespmem:$0x19F0]  }
0x2ed: {  	s15 =	sadd.s32 $0x200, s15;
	v35 =	vmul.f32 v35, v52;
	v44 =	vsub.f32 v22, v15;
	v22 =	vmovc v36;
	v51 =	vadd.f32 v41, v39;
	v41 =	vld [tilespmem:$0x19C0]  }
0x2ee: {  	v36 =	vadd.f32 v50, v45  }
0x2ef: {  	v38 =	vadd.f32 v48, v46;
	v39 =	vadd.f32 v51, v47;
	_ =	sdelay $0x1  }
0x2f0: {  	v45 =	vperm.xlane v36, v0;
	v38 =	vadd.f32 v39, v38;
	_ =	sdelay $0x1  }
0x2f1: {  	v36 =	vadd.f32 v36, v45;
	v39 =	vperm.xlane v38, v0;
	_ =	sdelay $0x1  }
0x2f2: {  	v45 =	vperm.xlane v36, v1;
	v38 =	vadd.f32 v39, v38;
	_ =	sdelay $0x1  }
0x2f3: {  	v36 =	vadd.f32 v36, v45;
	v39 =	vperm.xlane v38, v1;
	_ =	sdelay $0x1  }
0x2f4: {  	v45 =	vperm.xlane v36, v2;
	v38 =	vadd.f32 v39, v38;
	_ =	sdelay $0x1  }
0x2f5: {  	v36 =	vadd.f32 v36, v45;
	v39 =	vperm.xlane v38, v2;
	_ =	sdelay $0x1  }
0x2f6: {  	v45 =	vperm.xlane v36, v3;
	v38 =	vadd.f32 v39, v38;
	_ =	sdelay $0x1  }
0x2f7: {  	v36 =	vadd.f32 v36, v45;
	v39 =	vperm.xlane v38, v3;
	_ =	sdelay $0x1  }
0x2f8: {  	v36 =	vmul.f32 $7.812500000e-03, v36;
	v38 =	vadd.f32 v39, v38;
	_ =	sdelay $0x1  }
0x2f9: {  	v54 =	vmul.f32 v36, v36;
	v38 =	vmul.f32 $7.812500000e-03, v38;
	_ =	sdelay $0x1  }
0x2fa: {  	v38 =	vsub.f32 v38, v54;
	_ =	sdelay $0x1  }
0x2fb: {  	v55 =	vmul.f32 $5.000000000e-01, v49;
	v56 =	vshra.s32 v49, $0x1;
	v38 =	vadd.f32 $9.999999960e-13, v38  }
0x2fc: {  	v45 =	vsub.s32 $0x5F3759DF, v56  }
0x2fd: {  	v58 =	vmul.f32 v45, v55;
	v57 =	vmul.f32 $5.000000000e-01, v38;
	v38 =	vshra.s32 v38, $0x1  }
0x2fe: {  	v38 =	vsub.s32 $0x5F3759DF, v38  }
0x2ff: {  	v47 =	vmul.f32 v45, v58;
	v59 =	vmul.f32 v38, v57;
	_ =	sdelay $0x1  }
0x300: {  	v47 =	vsub.f32 $1.500000000e+00, v47;
	v48 =	vmul.f32 v38, v59;
	_ =	sdelay $0x1  }
0x301: {  	v45 =	vmul.f32 v45, v47;
	v48 =	vsub.f32 $1.500000000e+00, v48;
	_ =	sdelay $0x1  }
0x302: {  	v61 =	vmul.f32 v45, v55;
	v60 =	vmul.f32 v38, v48;
	_ =	sdelay $0x1  }
0x303: {  	v38 =	vmul.f32 v61, v45;
	v62 =	vmul.f32 v60, v57;
	_ =	sdelay $0x1  }
0x304: {  	v38 =	vsub.f32 $1.500000000e+00, v38;
	v39 =	vmul.f32 v62, v60  }
0x305: {  	v63 =	vld [tilespmem:$0x1900]  }
0x306: {  	v52 =	vsub.f32 v24, v34;
	v53 =	vld [tilespmem:$0x1900];
	v38 =	vmul.f32 v38, v45;
	v39 =	vsub.f32 $1.500000000e+00, v39  }
0x307: {  	v54 =	vld [tilespmem:$0x1980]  }
0x308: {  	v32 =	vsub.f32 v32, v36;
	v55 =	vmul.f32 v38, v52;
	v24 =	vmul.f32 v39, v60  }
0x309: {  	v56 =	vld [tilespmem:$0x1980]  }
0x30a: {  	v39 =	vmul.f32 v55, v63;
	v32 =	vmul.f32 v24, v32;
	_ =	sdelay $0x1  }
0x30b: {  	v39 =	vadd.f32 v39, v54;
	v32 =	vmul.f32 v32, v53;
	_ =	sdelay $0x1  }
0x30c: {  	v57 =	vld [tilespmem:$0x1990];
	[tilespmem:s9+$0x6A00] =	vst v39;
	v32 =	vadd.f32 v32, v56  }
0x30d: {  	v39 =	vld [tilespmem:$0x1910]  }
0x30e: {  	v22 =	vsub.f32 v22, v34;
	v58 =	vmul.f32 v29, v44;
	v60 =	vld [tilespmem:$0x1990];
	[tilespmem:s11+$0x6A00] =	vst v32  }
0x30f: {  	v59 =	vld [tilespmem:$0x1910]  }
0x310: {  	v33 =	vsub.f32 v33, v36;
	v22 =	vmul.f32 v38, v22;
	v32 =	vmul.f32 v58, v43  }
0x311: {  	v61 =	vld [tilespmem:$0x1990]  }
0x312: {  	v33 =	vmul.f32 v24, v33;
	v32 =	vadd.f32 v32, v57;
	v22 =	vmul.f32 v22, v39;
	_ =	sdelay $0x1  }
0x313: {  	[tilespmem:s17+$0x6A10] =	vst v32;
	v22 =	vadd.f32 v22, v60;
	v33 =	vmul.f32 v33, v59  }
0x314: {  	v32 =	vld [tilespmem:$0x1920]  }
0x315: {  	v17 =	vsub.f32 v17, v15;
	v62 =	vld [tilespmem:$0x19A0];
	[tilespmem:s9+$0x6A10] =	vst v22;
	v33 =	vadd.f32 v33, v61  }
0x316: {  	v22 =	vld [tilespmem:$0x1920]  }
0x317: {  	v21 =	vsub.f32 v21, v34;
	v17 =	vmul.f32 v29, v17;
	v63 =	vld [tilespmem:$0x19A0];
	[tilespmem:s11+$0x6A10] =	vst v33  }
0x318: {  	v33 =	vld [tilespmem:$0x1920]  }
0x319: {  	v30 =	vsub.f32 v30, v36;
	v21 =	vmul.f32 v38, v21;
	v17 =	vmul.f32 v17, v32  }
0x31a: {  	v45 =	vld [tilespmem:$0x19A0]  }
0x31b: {  	v30 =	vmul.f32 v24, v30;
	v17 =	vadd.f32 v17, v62;
	v21 =	vmul.f32 v21, v22;
	_ =	sdelay $0x1  }
0x31c: {  	[tilespmem:s17+$0x6A20] =	vst v17;
	v17 =	vadd.f32 v21, v63;
	v22 =	vmul.f32 v30, v33  }
0x31d: {  	v21 =	vld [tilespmem:$0x1930]  }
0x31e: {  	v14 =	vsub.f32 v14, v15;
	v30 =	vld [tilespmem:$0x19B0];
	[tilespmem:s9+$0x6A20] =	vst v17;
	v22 =	vadd.f32 v22, v45  }
0x31f: {  	v17 =	vld [tilespmem:$0x1930]  }
0x320: {  	v20 =	vsub.f32 v20, v34;
	v14 =	vmul.f32 v29, v14;
	v46 =	vld [tilespmem:$0x19B0];
	[tilespmem:s11+$0x6A20] =	vst v22  }
0x321: {  	v22 =	vld [tilespmem:$0x1930]  }
0x322: {  	v27 =	vsub.f32 v27, v36;
	v20 =	vmul.f32 v38, v20;
	v14 =	vmul.f32 v14, v21  }
0x323: {  	v21 =	vld [tilespmem:$0x19B0]  }
0x324: {  	v27 =	vmul.f32 v24, v27;
	v14 =	vadd.f32 v14, v30;
	v17 =	vmul.f32 v20, v17;
	_ =	sdelay $0x1  }
0x325: {  	[tilespmem:s17+$0x6A30] =	vst v14;
	v14 =	vadd.f32 v17, v46;
	v20 =	vmul.f32 v27, v22  }
0x326: {  	v17 =	vld [tilespmem:$0x1940]  }
0x327: {  	v13 =	vsub.f32 v13, v15;
	v22 =	vld [tilespmem:$0x19C0];
	[tilespmem:s9+$0x6A30] =	vst v14;
	v20 =	vadd.f32 v20, v21  }
0x328: {  	v14 =	vld [tilespmem:$0x1940];
	v21 =	vmul.f32 v12, v42  }
0x329: {  	v19 =	vsub.f32 v19, v34;
	v13 =	vmul.f32 v29, v13;
	v27 =	vld [tilespmem:$0x19C0];
	[tilespmem:s11+$0x6A30] =	vst v20  }
0x32a: {  	v20 =	vmul.f32 v21, v40;
	v21 =	vld [tilespmem:$0x1940]  }
0x32b: {  	v26 =	vsub.f32 v26, v36;
	v13 =	vmul.f32 v13, v17;
	v17 =	vmul.f32 v38, v19  }
0x32c: {  	v19 =	vld [tilespmem:$0x19C0];
	v20 =	vadd.f32 v20, v41  }
0x32d: {  	v26 =	vmul.f32 v24, v26;
	v13 =	vadd.f32 v13, v22;
	v14 =	vmul.f32 v17, v14  }
0x32e: {  	[tilespmem:s16+$0x6A40] =	vst v20  }
0x32f: {  	[tilespmem:s17+$0x6A40] =	vst v13;
	v13 =	vadd.f32 v14, v27;
	v17 =	vld [tilespmem:$0x1950];
	v20 =	vmul.f32 v26, v21  }
0x330: {  	v6 =	vsub.f32 v6, v8;
	v14 =	vld [tilespmem:$0x1950]  }
0x331: {  	v21 =	vld [tilespmem:$0x19D0];
	[tilespmem:s9+$0x6A40] =	vst v13;
	v19 =	vadd.f32 v20, v19  }
0x332: {  	v10 =	vsub.f32 v10, v15;
	v6 =	vmul.f32 v12, v6;
	v13 =	vld [tilespmem:$0x1950]  }
0x333: {  	v20 =	vld [tilespmem:$0x19D0];
	[tilespmem:s11+$0x6A40] =	vst v19  }
0x334: {  	v10 =	vmul.f32 v29, v10;
	v6 =	vmul.f32 v6, v17;
	v17 =	vsub.f32 v18, v34;
	v18 =	vld [tilespmem:$0x1950]  }
0x335: {  	v22 =	vsub.f32 v25, v36;
	v19 =	vld [tilespmem:$0x19D0]  }
0x336: {  	v10 =	vmul.f32 v10, v14;
	v6 =	vadd.f32 v6, v21;
	v14 =	vmul.f32 v38, v17;
	v17 =	vld [tilespmem:$0x19D0]  }
0x337: {  	v21 =	vmul.f32 v24, v22  }
0x338: {  	[tilespmem:s16+$0x6A50] =	vst v6;
	v6 =	vadd.f32 v10, v20;
	v10 =	vmul.f32 v14, v13  }
0x339: {  	v13 =	vld [tilespmem:$0x1960];
	v14 =	vmul.f32 v21, v18  }
0x33a: {  	v5 =	vsub.f32 v5, v8;
	v18 =	vld [tilespmem:$0x19E0];
	[tilespmem:s17+$0x6A50] =	vst v6;
	v6 =	vadd.f32 v10, v19  }
0x33b: {  	v10 =	vld [tilespmem:$0x1960];
	v14 =	vadd.f32 v14, v17  }
0x33c: {  	v9 =	vsub.f32 v9, v15;
	v5 =	vmul.f32 v12, v5;
	v17 =	vld [tilespmem:$0x19E0];
	[tilespmem:s9+$0x6A50] =	vst v6  }
0x33d: {  	v6 =	vld [tilespmem:$0x1960];
	[tilespmem:s11+$0x6A50] =	vst v14  }
0x33e: {  	v9 =	vmul.f32 v29, v9;
	v5 =	vmul.f32 v13, v5;
	v13 =	vsub.f32 v16, v34;
	v14 =	vld [tilespmem:$0x1960]  }
0x33f: {  	v19 =	vsub.f32 v23, v36;
	v16 =	vld [tilespmem:$0x19E0]  }
0x340: {  	v5 =	vadd.f32 v18, v5;
	v9 =	vmul.f32 v10, v9;
	v10 =	vmul.f32 v38, v13;
	v13 =	vld [tilespmem:$0x19E0]  }
0x341: {  	v18 =	vmul.f32 v24, v19  }
0x342: {  	[tilespmem:s16+$0x6A60] =	vst v5;
	v5 =	vadd.f32 v17, v9;
	v6 =	vmul.f32 v6, v10  }
0x343: {  	v9 =	vld [tilespmem:$0x1970];
	v10 =	vmul.f32 v14, v18  }
0x344: {  	v14 =	vld [tilespmem:$0x19F0];
	[tilespmem:s17+$0x6A60] =	vst v5;
	v5 =	vadd.f32 v16, v6  }
0x345: {  	v6 =	vld [tilespmem:$0x1970];
	v10 =	vadd.f32 v13, v10  }
0x346: {  	v4 =	vsub.f32 v4, v8;
	v8 =	vld [tilespmem:$0x19F0];
	[tilespmem:s9+$0x6A60] =	vst v5  }
0x347: {  	v5 =	vsub.f32 v7, v15;
	v7 =	vld [tilespmem:$0x1970];
	[tilespmem:s11+$0x6A60] =	vst v10  }
0x348: {  	v4 =	vmul.f32 v12, v4;
	v10 =	vsub.f32 v11, v34;
	v11 =	vld [tilespmem:$0x1970]  }
0x349: {  	v12 =	vmul.f32 v37, v35;
	v15 =	vsub.f32 v28, v36;
	v13 =	vld [tilespmem:$0x19F0];
	v5 =	vmul.f32 v29, v5  }
0x34a: {  	v4 =	vmul.f32 v9, v4;
	v9 =	vmul.f32 v38, v10;
	v10 =	vld [tilespmem:$0x19F0]  }
0x34b: {  	v12 =	vadd.f32 v31, v12;
	v5 =	vmul.f32 v6, v5;
	v6 =	vmul.f32 v24, v15  }
0x34c: {  	v4 =	vadd.f32 v14, v4;
	v7 =	vmul.f32 v7, v9  }
0x34d: {  	[tilespmem:s0+$0x6A70] =	vst v12;
	v5 =	vadd.f32 v8, v5;
	v6 =	vmul.f32 v11, v6  }
0x34e: {  	[tilespmem:s16+$0x6A70] =	vst v4;
	v4 =	vadd.f32 v13, v7  }
0x34f: {  	[tilespmem:s17+$0x6A70] =	vst v5;
	s17 =	sadd.s32 s8, s3;
	v5 =	vadd.f32 v10, v6  }
0x350: {  	s0 =	sshll.u32 s17, $0x4;
	[tilespmem:s9+$0x6A70] =	vst v4  }
0x351: {  	s0 =	sadd.s32 s5, s0;
	[tilespmem:s11+$0x6A70] =	vst v5  }
0x352: {  	[hbm4b:s0+s6] =	stream.linear.scatter [tilespmem:s23], [sflag:$0x3], $0x2800, $0x38;
	[tilespmem:$0xE200] =	vst v63  }
0x353: {  	s0 =	simm.s32 @!p0 $0x5  }
0x354: {  	_ =	swait.ge @!p0 [sflag:s0], $0x2800  }
0x355: {  	[sflag:s0] =	ssyncset.done @!p0 $0x0  }
0x356: {  	s30 =	simm.s32 $0x0;
	[sflag:s0] =	ssyncadd.s32 @!p0 $0xFFFFD800  }
0x357: {  	[tilespmem:s28], [sflag:$0x5] =	stream.linear.gather [hbm4b:s14+s30], $0x2800, $0x38;
	[tilespmem:$0xE200] =	vst v63  }
0x358: {  	_ =	swait.ge [sflag:s29], $0x2800  }
0x359: {  	[sflag:s29] =	ssyncset.done $0x0  }
0x35a: {  	s0 =	sadd.s32 $0x140, s7;
	[sflag:s29] =	ssyncadd.s32 $0xFFFFD800  }
0x35b: {  	[tilespmem:s28], [sflag:$0x5] =	stream.indirect.gather.add.f32 [hbm:s1], $0x80, s0, s20, $0xb8;
	[tilespmem:$0xE200] =	vst v63  }
0x35c: {  	_ =	swait.ge [sflag:s26], $0x2800  }
0x35d: {  	[sflag:s26] =	ssyncset.done $0x0  }
0x35e: {  	s3 =	simm.s32 $0x0;
	[sflag:s26] =	ssyncadd.s32 $0xFFFFD800  }
0x35f: {  	v7 =	vld [tilespmem:s3+$0x9200]  }
0x360: {  	v12 =	vld [tilespmem:s3+$0x9210]  }
0x361: {  	v11 =	vld [tilespmem:s3+$0x9220]  }
0x362: {  	v15 =	vld [tilespmem:s3+$0x9230]  }
0x363: {  	v25 =	vld [tilespmem:s3+$0x9240]  }
0x364: {  	v23 =	vld [tilespmem:s3+$0x9250]  }
0x365: {  	v34 =	vld [tilespmem:s3+$0x9260]  }
0x366: {  	v31 =	vld [tilespmem:s3+$0x9270];
	_ =	sdelay $0x2  }
0x367: {  	v4 =	vadd.f32 v12, v7;
	v5 =	vmul.f32 v7, v7  }
0x368: {  	v6 =	vadd.f32 v15, v11;
	v8 =	vmul.f32 v12, v12;
	v9 =	vmul.f32 v11, v11  }
0x369: {  	v10 =	vmul.f32 v15, v15;
	v13 =	vadd.f32 v23, v25;
	v14 =	vadd.f32 v31, v34  }
0x36a: {  	v16 =	vmul.f32 v23, v23;
	v17 =	vmul.f32 v31, v31;
	v4 =	vadd.f32 v6, v4  }
0x36b: {  	v6 =	vmul.f32 v25, v25;
	v13 =	vadd.f32 v14, v13;
	v14 =	vmul.f32 v34, v34  }
0x36c: {  	v5 =	vadd.f32 v8, v5;
	v8 =	vadd.f32 v10, v9  }
0x36d: {  	v6 =	vadd.f32 v16, v6;
	v9 =	vadd.f32 v17, v14  }
0x36e: {  	v4 =	vadd.f32 v13, v4  }
0x36f: {  	v5 =	vadd.f32 v8, v5;
	v6 =	vadd.f32 v9, v6;
	_ =	sdelay $0x1  }
0x370: {  	v8 =	vperm.xlane v4, v0;
	v5 =	vadd.f32 v6, v5;
	_ =	sdelay $0x1  }
0x371: {  	v4 =	vadd.f32 v4, v8;
	v6 =	vperm.xlane v5, v0;
	_ =	sdelay $0x1  }
0x372: {  	v8 =	vperm.xlane v4, v1;
	v5 =	vadd.f32 v6, v5;
	_ =	sdelay $0x1  }
0x373: {  	v4 =	vadd.f32 v4, v8;
	v6 =	vperm.xlane v5, v1;
	_ =	sdelay $0x1  }
0x374: {  	s16 =	simm.s32 $0x80;
	v8 =	vperm.xlane v4, v2;
	v5 =	vadd.f32 v6, v5  }
0x375: {  	v28 =	vld [tilespmem:s16+$0x9200]  }
0x376: {  	v27 =	vld [tilespmem:s16+$0x9210];
	v4 =	vadd.f32 v4, v8;
	v6 =	vperm.xlane v5, v2  }
0x377: {  	v26 =	vld [tilespmem:s16+$0x9220]  }
0x378: {  	v37 =	vld [tilespmem:s16+$0x9230];
	v8 =	vperm.xlane v4, v3;
	v9 =	vadd.f32 v6, v5  }
0x379: {  	v35 =	vld [tilespmem:s16+$0x9240]  }
0x37a: {  	v6 =	vld [tilespmem:s16+$0x9250];
	v8 =	vadd.f32 v4, v8;
	v10 =	vperm.xlane v9, v3  }
0x37b: {  	v5 =	vld [tilespmem:s16+$0x9260]  }
0x37c: {  	v4 =	vld [tilespmem:s16+$0x9270];
	v36 =	vmul.f32 $7.812500000e-03, v8;
	v8 =	vadd.f32 v10, v9;
	_ =	sdelay $0x1  }
0x37d: {  	v9 =	vmul.f32 v36, v36;
	v8 =	vmul.f32 $7.812500000e-03, v8  }
0x37e: {  	v13 =	vadd.f32 v37, v26;
	v14 =	vmul.f32 v28, v28;
	v16 =	vmul.f32 v27, v27  }
0x37f: {  	v17 =	vmul.f32 v26, v26;
	v10 =	vadd.f32 v27, v28;
	v8 =	vsub.f32 v8, v9  }
0x380: {  	v18 =	vadd.f32 v6, v35;
	v19 =	vadd.f32 v4, v5;
	v20 =	vmul.f32 v5, v5  }
0x381: {  	v21 =	vmul.f32 v4, v4;
	v10 =	vadd.f32 v13, v10;
	v8 =	vadd.f32 $9.999999960e-13, v8  }
0x382: {  	v13 =	vmul.f32 v35, v35;
	v18 =	vadd.f32 v19, v18;
	v19 =	vmul.f32 v6, v6  }
0x383: {  	v9 =	vmul.f32 v37, v37;
	v22 =	vmul.f32 $5.000000000e-01, v8;
	v8 =	vshra.s32 v8, $0x1  }
0x384: {  	v14 =	vadd.f32 v16, v14;
	v16 =	vadd.f32 v21, v20;
	v8 =	vsub.s32 $0x5F3759DF, v8  }
0x385: {  	v13 =	vadd.f32 v19, v13;
	v9 =	vadd.f32 v9, v17;
	v17 =	vmul.f32 v8, v22  }
0x386: {  	v10 =	vadd.f32 v18, v10  }
0x387: {  	v13 =	vadd.f32 v16, v13;
	v9 =	vadd.f32 v9, v14;
	v14 =	vmul.f32 v8, v17;
	_ =	sdelay $0x1  }
0x388: {  	v16 =	vperm.xlane v10, v0;
	v9 =	vadd.f32 v13, v9;
	v13 =	vsub.f32 $1.500000000e+00, v14;
	_ =	sdelay $0x1  }
0x389: {  	v10 =	vadd.f32 v10, v16;
	v14 =	vperm.xlane v9, v0;
	v8 =	vmul.f32 v8, v13;
	_ =	sdelay $0x1  }
0x38a: {  	v13 =	vperm.xlane v10, v1;
	v9 =	vadd.f32 v14, v9;
	v14 =	vmul.f32 v8, v22;
	_ =	sdelay $0x1  }
0x38b: {  	s17 =	simm.s32 $0x100;
	v10 =	vadd.f32 v10, v13;
	v13 =	vperm.xlane v9, v1;
	v16 =	vmul.f32 v14, v8  }
0x38c: {  	v40 =	vld [tilespmem:s17+$0x9200]  }
0x38d: {  	v38 =	vld [tilespmem:s17+$0x9210];
	v9 =	vadd.f32 v13, v9;
	v13 =	vsub.f32 $1.500000000e+00, v16  }
0x38e: {  	v18 =	vperm.xlane v10, v2;
	v16 =	vld [tilespmem:$0x1900]  }
0x38f: {  	v7 =	vsub.f32 v7, v36;
	v19 =	vld [tilespmem:$0x1980];
	v39 =	vmul.f32 v13, v8  }
0x390: {  	v14 =	vld [tilespmem:s17+$0x9230];
	v18 =	vadd.f32 v10, v18;
	v20 =	vperm.xlane v9, v2  }
0x391: {  	v17 =	vld [tilespmem:s17+$0x9220];
	v21 =	vmul.f32 v39, v7  }
0x392: {  	v10 =	vld [tilespmem:s17+$0x9250];
	v8 =	vperm.xlane v18, v3;
	v20 =	vadd.f32 v20, v9  }
0x393: {  	v12 =	vsub.f32 v12, v36;
	v13 =	vld [tilespmem:s17+$0x9240];
	v16 =	vmul.f32 v21, v16  }
0x394: {  	v22 =	vmul.f32 v38, v38;
	v9 =	vld [tilespmem:s17+$0x9260];
	v8 =	vadd.f32 v18, v8;
	v18 =	vperm.xlane v20, v3  }
0x395: {  	v47 =	vmul.f32 v14, v14;
	v7 =	vld [tilespmem:s17+$0x9270];
	v21 =	vadd.f32 v38, v40;
	v16 =	vadd.f32 v16, v19  }
0x396: {  	v8 =	vmul.f32 $7.812500000e-03, v8;
	v18 =	vadd.f32 v18, v20;
	v19 =	vadd.f32 v14, v17  }
0x397: {  	v12 =	vmul.f32 v39, v12;
	v20 =	vmul.f32 v40, v40;
	[tilespmem:s3+$0x9200] =	vst v16  }
0x398: {  	v18 =	vmul.f32 $7.812500000e-03, v18;
	v29 =	vmul.f32 v8, v8;
	v19 =	vadd.f32 v19, v21;
	v21 =	vld [tilespmem:$0x1910]  }
0x399: {  	v24 =	vadd.f32 v10, v13;
	v20 =	vadd.f32 v22, v20;
	v22 =	vmul.f32 v9, v9  }
0x39a: {  	v30 =	vadd.f32 v7, v9;
	v49 =	vmul.f32 v7, v7;
	v18 =	vsub.f32 v18, v29;
	v48 =	vld [tilespmem:$0x1990]  }
0x39b: {  	v16 =	vmul.f32 v17, v17;
	v29 =	vmul.f32 v13, v13  }
0x39c: {  	v24 =	vadd.f32 v30, v24;
	v30 =	vmul.f32 v10, v10;
	v18 =	vadd.f32 $9.999999960e-13, v18  }
0x39d: {  	v22 =	vadd.f32 v49, v22;
	v16 =	vadd.f32 v47, v16;
	v12 =	vmul.f32 v12, v21  }
0x39e: {  	v50 =	vmul.f32 $5.000000000e-01, v18;
	v18 =	vshra.s32 v18, $0x1;
	v21 =	vadd.f32 v30, v29  }
0x39f: {  	v19 =	vadd.f32 v24, v19;
	v18 =	vsub.s32 $0x5F3759DF, v18;
	v12 =	vadd.f32 v12, v48  }
0x3a0: {  	v16 =	vadd.f32 v16, v20;
	v29 =	vmul.f32 v18, v50;
	v20 =	vadd.f32 v22, v21  }
0x3a1: {  	[tilespmem:s3+$0x9210] =	vst v12  }
0x3a2: {  	v21 =	vmul.f32 v18, v29;
	v12 =	vperm.xlane v19, v0;
	v16 =	vadd.f32 v20, v16;
	v29 =	vld [tilespmem:$0x1920]  }
0x3a3: {  	v11 =	vsub.f32 v11, v36  }
0x3a4: {  	v20 =	vsub.f32 $1.500000000e+00, v21;
	v30 =	vld [tilespmem:$0x19A0];
	v12 =	vadd.f32 v19, v12;
	v19 =	vperm.xlane v16, v0  }
0x3a5: {  	s9 =	simm.s32 $0x180;
	v54 =	vld [tilespmem:$0x1900];
	v11 =	vmul.f32 v39, v11  }
0x3a6: {  	v24 =	vld [tilespmem:s9+$0x9200];
	v51 =	vmul.f32 v18, v20;
	v18 =	vperm.xlane v12, v1;
	v16 =	vadd.f32 v19, v16  }
0x3a7: {  	v22 =	vld [tilespmem:s9+$0x9210];
	v11 =	vmul.f32 v11, v29  }
0x3a8: {  	v21 =	vld [tilespmem:s9+$0x9220];
	v52 =	vmul.f32 v51, v50;
	v12 =	vadd.f32 v12, v18;
	v29 =	vperm.xlane v16, v1  }
0x3a9: {  	v20 =	vld [tilespmem:s9+$0x9230];
	v11 =	vadd.f32 v11, v30  }
0x3aa: {  	v19 =	vld [tilespmem:s9+$0x9240];
	v33 =	vmul.f32 v52, v51;
	v30 =	vperm.xlane v12, v2;
	v29 =	vadd.f32 v29, v16  }
0x3ab: {  	v15 =	vsub.f32 v15, v36;
	v25 =	vsub.f32 v25, v36;
	v18 =	vld [tilespmem:s9+$0x9250];
	[tilespmem:s3+$0x9220] =	vst v11  }
0x3ac: {  	v33 =	vsub.f32 $1.500000000e+00, v33;
	v30 =	vadd.f32 v12, v30;
	v56 =	vperm.xlane v29, v2;
	v57 =	vld [tilespmem:$0x1930]  }
0x3ad: {  	v15 =	vmul.f32 v39, v15;
	v28 =	vsub.f32 v28, v8;
	v27 =	vsub.f32 v27, v8;
	v16 =	vld [tilespmem:s9+$0x9260]  }
0x3ae: {  	v12 =	vmul.f32 v33, v51;
	v59 =	vld [tilespmem:$0x19B0];
	v58 =	vperm.xlane v30, v3;
	v29 =	vadd.f32 v56, v29  }
0x3af: {  	v53 =	vld [tilespmem:$0x1980];
	v44 =	vmul.f32 v24, v24;
	v55 =	vadd.f32 v22, v24;
	v32 =	vmul.f32 v22, v22  }
0x3b0: {  	v11 =	vld [tilespmem:s9+$0x9270];
	v28 =	vmul.f32 v12, v28;
	v30 =	vadd.f32 v30, v58;
	v62 =	vperm.xlane v29, v3  }
0x3b1: {  	v61 =	vmul.f32 v21, v21;
	v60 =	vadd.f32 v20, v21;
	v50 =	vmul.f32 v15, v57  }
0x3b2: {  	v28 =	vmul.f32 v28, v54;
	v15 =	vmul.f32 $7.812500000e-03, v30;
	v29 =	vadd.f32 v62, v29  }
0x3b3: {  	v63 =	vadd.f32 v18, v19;
	v58 =	vmul.f32 v16, v16;
	v52 =	vadd.f32 v50, v59  }
0x3b4: {  	v28 =	vadd.f32 v28, v53;
	v29 =	vmul.f32 $7.812500000e-03, v29;
	v54 =	vmul.f32 v15, v15  }
0x3b5: {  	v51 =	vadd.f32 v11, v16;
	v30 =	vmul.f32 v20, v20;
	v53 =	vadd.f32 v60, v55;
	[tilespmem:s3+$0x9230] =	vst v52  }
0x3b6: {  	v55 =	vmul.f32 v19, v19;
	v57 =	vmul.f32 v18, v18;
	[tilespmem:s16+$0x9200] =	vst v28;
	v29 =	vsub.f32 v29, v54;
	v33 =	vld [tilespmem:$0x1940]  }
0x3b7: {  	v60 =	vmul.f32 v11, v11;
	v56 =	vadd.f32 v51, v63;
	v28 =	vadd.f32 v32, v44;
	v59 =	vld [tilespmem:$0x1910]  }
0x3b8: {  	v25 =	vmul.f32 v39, v25;
	v30 =	vadd.f32 v30, v61;
	v61 =	vld [tilespmem:$0x19C0];
	v29 =	vadd.f32 $9.999999960e-13, v29  }
0x3b9: {  	v27 =	vmul.f32 v12, v27;
	v43 =	vadd.f32 v57, v55;
	v44 =	vadd.f32 v60, v58;
	v62 =	vld [tilespmem:$0x1990]  }
0x3ba: {  	v28 =	vadd.f32 v30, v28;
	v63 =	vmul.f32 $5.000000000e-01, v29;
	v29 =	vshra.s32 v29, $0x1  }
0x3bb: {  	v51 =	vadd.f32 v44, v43;
	v29 =	vsub.s32 $0x5F3759DF, v29;
	v25 =	vmul.f32 v25, v33  }
0x3bc: {  	s11 =	simm.s32 $0x200;
	v48 =	vld [tilespmem:$0x1980];
	v41 =	vadd.f32 v56, v53;
	v27 =	vmul.f32 v27, v59;
	v50 =	vmul.f32 v29, v63  }
0x3bd: {  	v32 =	vld [tilespmem:s11+$0x9200];
	v28 =	vadd.f32 v51, v28;
	v25 =	vadd.f32 v25, v61  }
0x3be: {  	v30 =	vld [tilespmem:s11+$0x9220];
	v53 =	vadd.f32 v27, v62;
	v52 =	vmul.f32 v29, v50  }
0x3bf: {  	v54 =	vperm.xlane v41, v0;
	v56 =	vperm.xlane v28, v0;
	v33 =	vld [tilespmem:s11+$0x9210];
	[tilespmem:s3+$0x9240] =	vst v25  }
0x3c0: {  	v23 =	vsub.f32 v23, v36;
	[tilespmem:s16+$0x9210] =	vst v53;
	v25 =	vsub.f32 $1.500000000e+00, v52;
	v55 =	vld [tilespmem:$0x1950]  }
0x3c1: {  	v41 =	vadd.f32 v41, v54;
	v28 =	vadd.f32 v56, v28;
	v44 =	vld [tilespmem:$0x1920]  }
0x3c2: {  	v23 =	vmul.f32 v39, v23;
	v57 =	vld [tilespmem:$0x19D0];
	v29 =	vmul.f32 v29, v25;
	v25 =	vsub.f32 v26, v8  }
0x3c3: {  	v60 =	vperm.xlane v28, v1;
	v58 =	vld [tilespmem:$0x19A0];
	v26 =	vperm.xlane v41, v1  }
0x3c4: {  	v34 =	vsub.f32 v34, v36;
	v27 =	vld [tilespmem:s11+$0x9230];
	v59 =	vmul.f32 v29, v63;
	v25 =	vmul.f32 v12, v25  }
0x3c5: {  	v36 =	vsub.f32 v31, v36;
	v50 =	vld [tilespmem:$0x1900];
	v41 =	vadd.f32 v41, v26;
	v23 =	vmul.f32 v23, v55  }
0x3c6: {  	v49 =	vadd.f32 v60, v28;
	v28 =	vld [tilespmem:s11+$0x9270];
	v47 =	vmul.f32 v59, v29;
	v44 =	vmul.f32 v25, v44  }
0x3c7: {  	v37 =	vsub.f32 v37, v8;
	v26 =	vld [tilespmem:s11+$0x9240];
	v61 =	vperm.xlane v41, v2;
	v45 =	vadd.f32 v23, v57  }
0x3c8: {  	v25 =	vld [tilespmem:s11+$0x9250];
	v47 =	vsub.f32 $1.500000000e+00, v47;
	v43 =	vadd.f32 v44, v58  }
0x3c9: {  	v37 =	vmul.f32 v12, v37;
	v56 =	vmul.f32 v39, v34;
	v23 =	vld [tilespmem:s11+$0x9260];
	v41 =	vadd.f32 v41, v61;
	[tilespmem:s3+$0x9250] =	vst v45  }
0x3ca: {  	v40 =	vsub.f32 v40, v15;
	v62 =	vperm.xlane v49, v2;
	v29 =	vmul.f32 v47, v29;
	[tilespmem:s16+$0x9220] =	vst v43;
	v63 =	vld [tilespmem:$0x1960]  }
0x3cb: {  	v53 =	vmul.f32 v30, v30;
	v46 =	vadd.f32 v33, v32;
	v59 =	vperm.xlane v41, v3;
	v60 =	vld [tilespmem:$0x1930]  }
0x3cc: {  	v42 =	vadd.f32 v27, v30;
	v47 =	vadd.f32 v62, v49;
	v54 =	vld [tilespmem:$0x19E0];
	v40 =	vmul.f32 v29, v40  }
0x3cd: {  	v52 =	vmul.f32 v32, v32;
	v51 =	vmul.f32 v27, v27;
	v55 =	vld [tilespmem:$0x19B0];
	v41 =	vadd.f32 v41, v59  }
0x3ce: {  	v45 =	vadd.f32 v42, v46;
	v61 =	vperm.xlane v47, v3;
	v40 =	vmul.f32 v40, v50  }
0x3cf: {  	v57 =	vadd.f32 v25, v26;
	v34 =	vmul.f32 $7.812500000e-03, v41;
	v63 =	vmul.f32 v63, v56  }
0x3d0: {  	v56 =	vadd.f32 v61, v47;
	v40 =	vadd.f32 v40, v48;
	v37 =	vmul.f32 v37, v60  }
0x3d1: {  	v44 =	vmul.f32 v33, v33;
	v62 =	vadd.f32 v28, v23;
	v41 =	vadd.f32 v54, v63  }
0x3d2: {  	v59 =	vmul.f32 v34, v34;
	v47 =	vmul.f32 $7.812500000e-03, v56;
	[tilespmem:s17+$0x9200] =	vst v40;
	v37 =	vadd.f32 v37, v55  }
0x3d3: {  	v58 =	vmul.f32 v26, v26;
	v46 =	vadd.f32 v44, v52;
	v42 =	vsub.f32 v35, v8;
	v43 =	vld [tilespmem:$0x1910];
	[tilespmem:s3+$0x9260] =	vst v41  }
0x3d4: {  	v50 =	vadd.f32 v62, v57;
	v60 =	vmul.f32 v25, v25;
	v62 =	vsub.f32 v47, v59;
	[tilespmem:s16+$0x9230] =	vst v37;
	v37 =	vld [tilespmem:$0x1970]  }
0x3d5: {  	v44 =	vsub.f32 v38, v15;
	v61 =	vmul.f32 v23, v23;
	v63 =	vmul.f32 v28, v28;
	v40 =	vld [tilespmem:$0x1940]  }
0x3d6: {  	v48 =	vadd.f32 v51, v53;
	v31 =	vld [tilespmem:$0x19F0];
	v49 =	vadd.f32 $9.999999960e-13, v62  }
0x3d7: {  	s15 =	simm.s32 $0xA00;
	v35 =	vmul.f32 v39, v36;
	v47 =	vadd.f32 v60, v58;
	v51 =	vadd.f32 v63, v61;
	v41 =	vld [tilespmem:$0x19C0]  }
.LBB2_9:
0x3d8: {  	p0 =	sne.s32 s15, $0x9E00;
	v39 =	vadd.f32 v50, v45;
	v45 =	vmul.f32 $5.000000000e-01, v49;
	v50 =	vld [tilespmem:$0x1990];
	v42 =	vmul.f32 v12, v42;
	v36 =	vmovc v33;
	v38 =	vmovc v7  }
0x3d9: {  	v33 =	vshra.s32 v49, $0x1;
	v7 =	vmovc v11;
	v11 =	vmovc v28;
	v44 =	vmul.f32 v29, v44;
	v37 =	vmul.f32 v37, v35  }
0x3da: {  	s30 =	sshra.s32 s15, $0x2;
	v28 =	vadd.f32 v48, v46;
	v46 =	vsub.s32 $0x5F3759DF, v33;
	v35 =	vmovc v12;
	v12 =	vmovc v29;
	v40 =	vmul.f32 v42, v40  }
0x3db: {  	v29 =	vmul.f32 v46, v45;
	v42 =	vld [tilespmem:s30+$0x9200];
	v43 =	vmul.f32 v44, v43;
	v37 =	vadd.f32 v31, v37;
	v31 =	vmovc v8  }
0x3dc: {  	v44 =	vadd.f32 v51, v47;
	v8 =	vmovc v15;
	v15 =	vmov v34;
	v33 =	vld [tilespmem:s30+$0x9210];
	v40 =	vadd.f32 v40, v41  }
0x3dd: {  	v29 =	vmul.f32 v46, v29;
	v34 =	vld [tilespmem:s30+$0x9220];
	v41 =	vadd.f32 v43, v50;
	[tilespmem:s3+$0x9270] =	vst v37;
	s3 =	smov.u32 s16;
	s16 =	smov.u32 s17;
	s17 =	smov.u32 s9  }
0x3de: {  	v43 =	vperm.xlane v39, v0;
	v28 =	vadd.f32 v44, v28;
	s9 =	smov.u32 s11;
	s11 =	smov.u32 s30;
	v37 =	vld [tilespmem:s30+$0x9230];
	[tilespmem:s3+$0x9240] =	vst v40  }
0x3df: {  	v29 =	vsub.f32 $1.500000000e+00, v29;
	[tilespmem:s16+$0x9210] =	vst v41;
	v40 =	vld [tilespmem:$0x1950]  }
0x3e0: {  	v44 =	vsub.f32 v6, v31;
	v6 =	vmovc v10;
	v39 =	vadd.f32 v39, v43;
	v41 =	vperm.xlane v28, v0;
	v43 =	vld [tilespmem:$0x1920]  }
0x3e1: {  	v10 =	vmovc v18;
	v29 =	vmul.f32 v46, v29;
	v46 =	vsub.f32 v17, v8;
	v17 =	vmovc v21;
	v21 =	vmov v30;
	v47 =	vld [tilespmem:$0x19D0]  }
0x3e2: {  	v44 =	vmul.f32 v35, v44;
	v48 =	vperm.xlane v39, v1;
	v28 =	vadd.f32 v41, v28;
	v41 =	vld [tilespmem:$0x19A0];
	v30 =	vmovc v34  }
0x3e3: {  	v18 =	vmovc v25;
	v49 =	vadd.f32 v33, v42;
	v45 =	vmul.f32 v29, v45;
	v46 =	vmul.f32 v12, v46;
	v50 =	vld [tilespmem:$0x1980]  }
0x3e4: {  	v39 =	vadd.f32 v39, v48;
	v48 =	vperm.xlane v28, v1;
	v51 =	vld [tilespmem:$0x1900];
	v40 =	vmul.f32 v44, v40  }
0x3e5: {  	v52 =	vadd.f32 v37, v30;
	v45 =	vmul.f32 v45, v29;
	v44 =	vld [tilespmem:s11+$0x9240];
	v43 =	vmul.f32 v46, v43  }
0x3e6: {  	v46 =	vperm.xlane v39, v2;
	v48 =	vadd.f32 v48, v28;
	v25 =	vld [tilespmem:s11+$0x9250];
	v40 =	vadd.f32 v40, v47  }
0x3e7: {  	v53 =	vmul.f32 v42, v42;
	v45 =	vsub.f32 $1.500000000e+00, v45;
	v47 =	vld [tilespmem:s11+$0x9260];
	v41 =	vadd.f32 v43, v41  }
0x3e8: {  	v43 =	vmul.f32 v33, v33;
	v39 =	vadd.f32 v39, v46;
	v46 =	vperm.xlane v48, v2;
	v28 =	vld [tilespmem:s11+$0x9270];
	[tilespmem:s3+$0x9250] =	vst v40  }
0x3e9: {  	v40 =	vmul.f32 v34, v30;
	v29 =	vmul.f32 v45, v29;
	v34 =	vsub.f32 v24, v15;
	[tilespmem:s16+$0x9220] =	vst v41;
	v41 =	vld [tilespmem:$0x1960]  }
0x3ea: {  	v5 =	vsub.f32 v5, v31;
	v24 =	vmovc v32;
	v45 =	vperm.xlane v39, v3;
	v46 =	vadd.f32 v46, v48;
	v48 =	vld [tilespmem:$0x1930]  }
0x3eb: {  	v55 =	vsub.f32 v14, v8;
	v54 =	vmul.f32 v37, v37;
	v32 =	vmovc v42;
	v34 =	vmul.f32 v29, v34;
	v56 =	vld [tilespmem:$0x19E0]  }
0x3ec: {  	v14 =	vmovc v20;
	v59 =	vmul.f32 v35, v5;
	v39 =	vadd.f32 v39, v45;
	v42 =	vperm.xlane v46, v3;
	v57 =	vld [tilespmem:$0x19B0]  }
0x3ed: {  	v20 =	vmovc v27;
	v58 =	vadd.f32 v25, v44;
	v45 =	vmul.f32 v34, v51;
	v51 =	vmul.f32 v12, v55  }
0x3ee: {  	v5 =	vmovc v9;
	v27 =	vmovc v37;
	v55 =	vadd.f32 v28, v47;
	v34 =	vmul.f32 $7.812500000e-03, v39;
	v39 =	vmul.f32 v41, v59  }
0x3ef: {  	v9 =	vmovc v16;
	v37 =	vadd.f32 v42, v46;
	v41 =	vadd.f32 v45, v50;
	v42 =	vmul.f32 v51, v48  }
0x3f0: {  	v16 =	vmovc v23;
	v45 =	vadd.f32 v52, v49;
	v49 =	vmul.f32 v44, v44;
	v39 =	vadd.f32 v56, v39  }
0x3f1: {  	v23 =	vmovc v47;
	v37 =	vmul.f32 $7.812500000e-03, v37;
	v51 =	vmul.f32 v34, v34;
	[tilespmem:s17+$0x9200] =	vst v41;
	v41 =	vadd.f32 v42, v57  }
.Ltmp5:
0x3f2: {  	v46 =	vadd.f32 v43, v53;
	v50 =	vadd.f32 v55, v58;
	v42 =	vmul.f32 v25, v25;
	v43 =	vld [tilespmem:$0x1910];
	[tilespmem:s3+$0x9260] =	vst v39;
	(pc) =	sbr.rel @p0 .LBB2_9-.Ltmp5, $4  }
0x3f3: {  	v48 =	vadd.f32 v54, v40;
	v51 =	vsub.f32 v37, v51;
	v39 =	vmul.f32 v47, v23;
	[tilespmem:s16+$0x9230] =	vst v41;
	v37 =	vld [tilespmem:$0x1970]  }
0x3f4: {  	v52 =	vsub.f32 v4, v31;
	v4 =	vmovc v38;
	v41 =	vmul.f32 v28, v28;
	v47 =	vadd.f32 v42, v49;
	v40 =	vld [tilespmem:$0x1940]  }
0x3f5: {  	v49 =	vadd.f32 $9.999999960e-13, v51;
	v42 =	vsub.f32 v13, v8;
	v13 =	vmovc v19;
	v19 =	vmovc v26;
	v26 =	vmov v44;
	v31 =	vld [tilespmem:$0x19F0]  }
0x3f6: {  	s15 =	sadd.s32 $0x200, s15;
	v35 =	vmul.f32 v35, v52;
	v44 =	vsub.f32 v22, v15;
	v22 =	vmovc v36;
	v51 =	vadd.f32 v41, v39;
	v41 =	vld [tilespmem:$0x19C0]  }
0x3f7: {  	v36 =	vadd.f32 v50, v45  }
0x3f8: {  	v38 =	vadd.f32 v48, v46;
	v39 =	vadd.f32 v51, v47;
	_ =	sdelay $0x1  }
0x3f9: {  	v45 =	vperm.xlane v36, v0;
	v38 =	vadd.f32 v39, v38;
	_ =	sdelay $0x1  }
0x3fa: {  	v36 =	vadd.f32 v36, v45;
	v39 =	vperm.xlane v38, v0;
	_ =	sdelay $0x1  }
0x3fb: {  	v45 =	vperm.xlane v36, v1;
	v38 =	vadd.f32 v39, v38;
	_ =	sdelay $0x1  }
0x3fc: {  	v36 =	vadd.f32 v36, v45;
	v39 =	vperm.xlane v38, v1;
	_ =	sdelay $0x1  }
0x3fd: {  	v45 =	vperm.xlane v36, v2;
	v38 =	vadd.f32 v39, v38;
	_ =	sdelay $0x1  }
0x3fe: {  	v36 =	vadd.f32 v36, v45;
	v39 =	vperm.xlane v38, v2;
	_ =	sdelay $0x1  }
0x3ff: {  	v45 =	vperm.xlane v36, v3;
	v38 =	vadd.f32 v39, v38;
	_ =	sdelay $0x1  }
0x400: {  	v36 =	vadd.f32 v36, v45;
	v39 =	vperm.xlane v38, v3;
	_ =	sdelay $0x1  }
0x401: {  	v36 =	vmul.f32 $7.812500000e-03, v36;
	v38 =	vadd.f32 v39, v38;
	_ =	sdelay $0x1  }
0x402: {  	v54 =	vmul.f32 v36, v36;
	v38 =	vmul.f32 $7.812500000e-03, v38;
	_ =	sdelay $0x1  }
0x403: {  	v38 =	vsub.f32 v38, v54;
	_ =	sdelay $0x1  }
0x404: {  	v55 =	vmul.f32 $5.000000000e-01, v49;
	v56 =	vshra.s32 v49, $0x1;
	v38 =	vadd.f32 $9.999999960e-13, v38  }
0x405: {  	v45 =	vsub.s32 $0x5F3759DF, v56  }
0x406: {  	v58 =	vmul.f32 v45, v55;
	v57 =	vmul.f32 $5.000000000e-01, v38;
	v38 =	vshra.s32 v38, $0x1  }
0x407: {  	v38 =	vsub.s32 $0x5F3759DF, v38  }
0x408: {  	v47 =	vmul.f32 v45, v58;
	v59 =	vmul.f32 v38, v57;
	_ =	sdelay $0x1  }
0x409: {  	v47 =	vsub.f32 $1.500000000e+00, v47;
	v48 =	vmul.f32 v38, v59;
	_ =	sdelay $0x1  }
0x40a: {  	v45 =	vmul.f32 v45, v47;
	v48 =	vsub.f32 $1.500000000e+00, v48;
	_ =	sdelay $0x1  }
0x40b: {  	v61 =	vmul.f32 v45, v55;
	v60 =	vmul.f32 v38, v48;
	_ =	sdelay $0x1  }
0x40c: {  	v38 =	vmul.f32 v61, v45;
	v62 =	vmul.f32 v60, v57;
	_ =	sdelay $0x1  }
0x40d: {  	v38 =	vsub.f32 $1.500000000e+00, v38;
	v39 =	vmul.f32 v62, v60  }
0x40e: {  	v63 =	vld [tilespmem:$0x1900]  }
0x40f: {  	v52 =	vsub.f32 v24, v34;
	v53 =	vld [tilespmem:$0x1900];
	v38 =	vmul.f32 v38, v45;
	v39 =	vsub.f32 $1.500000000e+00, v39  }
0x410: {  	v54 =	vld [tilespmem:$0x1980]  }
0x411: {  	v32 =	vsub.f32 v32, v36;
	v55 =	vmul.f32 v38, v52;
	v24 =	vmul.f32 v39, v60  }
0x412: {  	v56 =	vld [tilespmem:$0x1980]  }
0x413: {  	v39 =	vmul.f32 v55, v63;
	v32 =	vmul.f32 v24, v32;
	_ =	sdelay $0x1  }
0x414: {  	v39 =	vadd.f32 v39, v54;
	v32 =	vmul.f32 v32, v53;
	_ =	sdelay $0x1  }
0x415: {  	v57 =	vld [tilespmem:$0x1990];
	[tilespmem:s9+$0x9200] =	vst v39;
	v32 =	vadd.f32 v32, v56  }
0x416: {  	v39 =	vld [tilespmem:$0x1910]  }
0x417: {  	v22 =	vsub.f32 v22, v34;
	v58 =	vmul.f32 v29, v44;
	v60 =	vld [tilespmem:$0x1990];
	[tilespmem:s11+$0x9200] =	vst v32  }
0x418: {  	v59 =	vld [tilespmem:$0x1910]  }
0x419: {  	v33 =	vsub.f32 v33, v36;
	v22 =	vmul.f32 v38, v22;
	v32 =	vmul.f32 v58, v43  }
0x41a: {  	v61 =	vld [tilespmem:$0x1990]  }
0x41b: {  	v33 =	vmul.f32 v24, v33;
	v32 =	vadd.f32 v32, v57;
	v22 =	vmul.f32 v22, v39;
	_ =	sdelay $0x1  }
0x41c: {  	[tilespmem:s17+$0x9210] =	vst v32;
	v22 =	vadd.f32 v22, v60;
	v33 =	vmul.f32 v33, v59  }
0x41d: {  	v32 =	vld [tilespmem:$0x1920]  }
0x41e: {  	v17 =	vsub.f32 v17, v15;
	v62 =	vld [tilespmem:$0x19A0];
	[tilespmem:s9+$0x9210] =	vst v22;
	v33 =	vadd.f32 v33, v61  }
0x41f: {  	v22 =	vld [tilespmem:$0x1920]  }
0x420: {  	v21 =	vsub.f32 v21, v34;
	v17 =	vmul.f32 v29, v17;
	v63 =	vld [tilespmem:$0x19A0];
	[tilespmem:s11+$0x9210] =	vst v33  }
0x421: {  	v33 =	vld [tilespmem:$0x1920]  }
0x422: {  	v30 =	vsub.f32 v30, v36;
	v21 =	vmul.f32 v38, v21;
	v17 =	vmul.f32 v17, v32  }
0x423: {  	v45 =	vld [tilespmem:$0x19A0]  }
0x424: {  	v30 =	vmul.f32 v24, v30;
	v17 =	vadd.f32 v17, v62;
	v21 =	vmul.f32 v21, v22;
	_ =	sdelay $0x1  }
0x425: {  	[tilespmem:s17+$0x9220] =	vst v17;
	v17 =	vadd.f32 v21, v63;
	v22 =	vmul.f32 v30, v33  }
0x426: {  	v21 =	vld [tilespmem:$0x1930]  }
0x427: {  	v14 =	vsub.f32 v14, v15;
	v30 =	vld [tilespmem:$0x19B0];
	[tilespmem:s9+$0x9220] =	vst v17;
	v22 =	vadd.f32 v22, v45  }
0x428: {  	v17 =	vld [tilespmem:$0x1930]  }
0x429: {  	v20 =	vsub.f32 v20, v34;
	v14 =	vmul.f32 v29, v14;
	v46 =	vld [tilespmem:$0x19B0];
	[tilespmem:s11+$0x9220] =	vst v22  }
0x42a: {  	v22 =	vld [tilespmem:$0x1930]  }
0x42b: {  	v27 =	vsub.f32 v27, v36;
	v20 =	vmul.f32 v38, v20;
	v14 =	vmul.f32 v14, v21  }
0x42c: {  	v21 =	vld [tilespmem:$0x19B0]  }
0x42d: {  	v27 =	vmul.f32 v24, v27;
	v14 =	vadd.f32 v14, v30;
	v17 =	vmul.f32 v20, v17;
	_ =	sdelay $0x1  }
0x42e: {  	[tilespmem:s17+$0x9230] =	vst v14;
	v14 =	vadd.f32 v17, v46;
	v20 =	vmul.f32 v27, v22  }
0x42f: {  	v17 =	vld [tilespmem:$0x1940]  }
0x430: {  	v13 =	vsub.f32 v13, v15;
	v22 =	vld [tilespmem:$0x19C0];
	[tilespmem:s9+$0x9230] =	vst v14;
	v20 =	vadd.f32 v20, v21  }
0x431: {  	v14 =	vld [tilespmem:$0x1940];
	v21 =	vmul.f32 v12, v42  }
0x432: {  	v19 =	vsub.f32 v19, v34;
	v13 =	vmul.f32 v29, v13;
	v27 =	vld [tilespmem:$0x19C0];
	[tilespmem:s11+$0x9230] =	vst v20  }
0x433: {  	v20 =	vmul.f32 v21, v40;
	v21 =	vld [tilespmem:$0x1940]  }
0x434: {  	v26 =	vsub.f32 v26, v36;
	v13 =	vmul.f32 v13, v17;
	v17 =	vmul.f32 v38, v19  }
0x435: {  	v19 =	vld [tilespmem:$0x19C0];
	v20 =	vadd.f32 v20, v41  }
0x436: {  	v26 =	vmul.f32 v24, v26;
	v13 =	vadd.f32 v13, v22;
	v14 =	vmul.f32 v17, v14  }
0x437: {  	[tilespmem:s16+$0x9240] =	vst v20  }
0x438: {  	[tilespmem:s17+$0x9240] =	vst v13;
	v13 =	vadd.f32 v14, v27;
	v17 =	vld [tilespmem:$0x1950];
	v20 =	vmul.f32 v26, v21  }
0x439: {  	v6 =	vsub.f32 v6, v8;
	v14 =	vld [tilespmem:$0x1950]  }
0x43a: {  	v21 =	vld [tilespmem:$0x19D0];
	[tilespmem:s9+$0x9240] =	vst v13;
	v19 =	vadd.f32 v20, v19  }
0x43b: {  	v10 =	vsub.f32 v10, v15;
	v6 =	vmul.f32 v12, v6;
	v13 =	vld [tilespmem:$0x1950]  }
0x43c: {  	v20 =	vld [tilespmem:$0x19D0];
	[tilespmem:s11+$0x9240] =	vst v19  }
0x43d: {  	v10 =	vmul.f32 v29, v10;
	v6 =	vmul.f32 v6, v17;
	v17 =	vsub.f32 v18, v34;
	v18 =	vld [tilespmem:$0x1950]  }
0x43e: {  	v22 =	vsub.f32 v25, v36;
	v19 =	vld [tilespmem:$0x19D0]  }
0x43f: {  	v10 =	vmul.f32 v10, v14;
	v6 =	vadd.f32 v6, v21;
	v14 =	vmul.f32 v38, v17;
	v17 =	vld [tilespmem:$0x19D0]  }
0x440: {  	v21 =	vmul.f32 v24, v22  }
0x441: {  	[tilespmem:s16+$0x9250] =	vst v6;
	v6 =	vadd.f32 v10, v20;
	v10 =	vmul.f32 v14, v13  }
0x442: {  	v13 =	vld [tilespmem:$0x1960];
	v14 =	vmul.f32 v21, v18  }
0x443: {  	v5 =	vsub.f32 v5, v8;
	v18 =	vld [tilespmem:$0x19E0];
	[tilespmem:s17+$0x9250] =	vst v6;
	v6 =	vadd.f32 v10, v19  }
0x444: {  	v10 =	vld [tilespmem:$0x1960];
	v14 =	vadd.f32 v14, v17  }
0x445: {  	v9 =	vsub.f32 v9, v15;
	v5 =	vmul.f32 v12, v5;
	v17 =	vld [tilespmem:$0x19E0];
	[tilespmem:s9+$0x9250] =	vst v6  }
0x446: {  	v6 =	vld [tilespmem:$0x1960];
	[tilespmem:s11+$0x9250] =	vst v14  }
0x447: {  	v9 =	vmul.f32 v29, v9;
	v5 =	vmul.f32 v13, v5;
	v13 =	vsub.f32 v16, v34;
	v14 =	vld [tilespmem:$0x1960]  }
0x448: {  	v19 =	vsub.f32 v23, v36;
	v16 =	vld [tilespmem:$0x19E0]  }
0x449: {  	v5 =	vadd.f32 v18, v5;
	v9 =	vmul.f32 v10, v9;
	v10 =	vmul.f32 v38, v13;
	v13 =	vld [tilespmem:$0x19E0]  }
0x44a: {  	v18 =	vmul.f32 v24, v19  }
0x44b: {  	[tilespmem:s16+$0x9260] =	vst v5;
	v5 =	vadd.f32 v17, v9;
	v6 =	vmul.f32 v6, v10  }
0x44c: {  	v9 =	vld [tilespmem:$0x1970];
	v10 =	vmul.f32 v14, v18  }
0x44d: {  	v14 =	vld [tilespmem:$0x19F0];
	[tilespmem:s17+$0x9260] =	vst v5;
	v5 =	vadd.f32 v16, v6  }
0x44e: {  	v6 =	vld [tilespmem:$0x1970];
	v10 =	vadd.f32 v13, v10  }
0x44f: {  	v4 =	vsub.f32 v4, v8;
	v8 =	vld [tilespmem:$0x19F0];
	[tilespmem:s9+$0x9260] =	vst v5  }
0x450: {  	v5 =	vsub.f32 v7, v15;
	v7 =	vld [tilespmem:$0x1970];
	[tilespmem:s11+$0x9260] =	vst v10  }
0x451: {  	v4 =	vmul.f32 v12, v4;
	v10 =	vsub.f32 v11, v34;
	v11 =	vld [tilespmem:$0x1970]  }
0x452: {  	v12 =	vmul.f32 v37, v35;
	v15 =	vsub.f32 v28, v36;
	v13 =	vld [tilespmem:$0x19F0];
	v5 =	vmul.f32 v29, v5  }
0x453: {  	v4 =	vmul.f32 v9, v4;
	v9 =	vmul.f32 v38, v10;
	v10 =	vld [tilespmem:$0x19F0]  }
0x454: {  	v12 =	vadd.f32 v31, v12;
	v5 =	vmul.f32 v6, v5;
	v6 =	vmul.f32 v24, v15  }
0x455: {  	v4 =	vadd.f32 v14, v4;
	v7 =	vmul.f32 v7, v9  }
0x456: {  	[tilespmem:s3+$0x9270] =	vst v12;
	v5 =	vadd.f32 v8, v5;
	v6 =	vmul.f32 v11, v6  }
0x457: {  	[tilespmem:s16+$0x9270] =	vst v4;
	v4 =	vadd.f32 v13, v7  }
0x458: {  	s30 =	sadd.s32 s8, s4;
	[tilespmem:s17+$0x9270] =	vst v5;
	v5 =	vadd.f32 v10, v6  }
0x459: {  	s3 =	sshll.u32 s30, $0x4;
	[tilespmem:s9+$0x9270] =	vst v4  }
0x45a: {  	p0 =	seq.s32 s31, $0xF;
	s3 =	sadd.s32 s5, s3;
	[tilespmem:s11+$0x9270] =	vst v5  }
0x45b: {  	[hbm4b:s3+s6] =	stream.linear.scatter [tilespmem:s25], [sflag:$0x4], $0x2800, $0x38;
	[tilespmem:$0xE200] =	vst v63  }
0x45c: {  	s3 =	simm.s32 @!p0 $0x1  }
0x45d: {  	_ =	swait.ge @!p0 [sflag:s3], $0x2800  }
0x45e: {  	[sflag:s3] =	ssyncset.done @!p0 $0x0  }
0x45f: {  	s4 =	simm.s32 @!p0 $0x0;
	s9 =	simm.s32 @!p0 $0x1A00;
	[sflag:s3] =	ssyncadd.s32 @!p0 $0xFFFFD800  }
0x460: {  	[tilespmem:s9], [sflag:$0x1] =	stream.linear.gather @!p0 [hbm4b:s2+s4], $0x2800, $0x38;
	[tilespmem:$0xE200] =	vst v63  }
0x461: {  	_ =	swait.ge @!p0 [sflag:s3], $0x2800  }
0x462: {  	[sflag:s3] =	ssyncset.done @!p0 $0x0  }
0x463: {  	s4 =	simm.s32 @!p0 $0x50;
	[sflag:s3] =	ssyncadd.s32 @!p0 $0xFFFFD800;
	s3 =	sadd.s32 @!p0 $0x190, s7  }
0x464: {  	[tilespmem:s9], [sflag:$0x1] =	stream.indirect.gather.add.f32 @!p0 [hbm:s1], $0x80, s3, s4, $0xb8;
	[tilespmem:$0xE200] =	vst v63  }
0x465: {  	_ =	swait.ge [sflag:s29], $0x2800  }
0x466: {  	[sflag:s29] =	ssyncset.done $0x0  }
0x467: {  	s3 =	simm.s32 $0x0;
	[sflag:s29] =	ssyncadd.s32 $0xFFFFD800  }
0x468: {  	v7 =	vld [tilespmem:s3+$0xBA00]  }
0x469: {  	v12 =	vld [tilespmem:s3+$0xBA10]  }
0x46a: {  	v11 =	vld [tilespmem:s3+$0xBA20]  }
0x46b: {  	v15 =	vld [tilespmem:s3+$0xBA30]  }
0x46c: {  	v25 =	vld [tilespmem:s3+$0xBA40]  }
0x46d: {  	v23 =	vld [tilespmem:s3+$0xBA50]  }
0x46e: {  	v34 =	vld [tilespmem:s3+$0xBA60]  }
0x46f: {  	v31 =	vld [tilespmem:s3+$0xBA70];
	_ =	sdelay $0x2  }
0x470: {  	v4 =	vadd.f32 v12, v7;
	v5 =	vmul.f32 v7, v7  }
0x471: {  	v6 =	vadd.f32 v15, v11;
	v8 =	vmul.f32 v12, v12;
	v9 =	vmul.f32 v11, v11  }
0x472: {  	v10 =	vmul.f32 v15, v15;
	v13 =	vadd.f32 v23, v25;
	v14 =	vadd.f32 v31, v34  }
0x473: {  	v16 =	vmul.f32 v23, v23;
	v17 =	vmul.f32 v31, v31;
	v4 =	vadd.f32 v6, v4  }
0x474: {  	v6 =	vmul.f32 v25, v25;
	v13 =	vadd.f32 v14, v13;
	v14 =	vmul.f32 v34, v34  }
0x475: {  	v5 =	vadd.f32 v8, v5;
	v8 =	vadd.f32 v10, v9  }
0x476: {  	v6 =	vadd.f32 v16, v6;
	v9 =	vadd.f32 v17, v14  }
0x477: {  	v4 =	vadd.f32 v13, v4  }
0x478: {  	v5 =	vadd.f32 v8, v5;
	v6 =	vadd.f32 v9, v6;
	_ =	sdelay $0x1  }
0x479: {  	v8 =	vperm.xlane v4, v0;
	v5 =	vadd.f32 v6, v5;
	_ =	sdelay $0x1  }
0x47a: {  	v4 =	vadd.f32 v4, v8;
	v6 =	vperm.xlane v5, v0;
	_ =	sdelay $0x1  }
0x47b: {  	v8 =	vperm.xlane v4, v1;
	v5 =	vadd.f32 v6, v5;
	_ =	sdelay $0x1  }
0x47c: {  	v4 =	vadd.f32 v4, v8;
	v6 =	vperm.xlane v5, v1;
	_ =	sdelay $0x1  }
0x47d: {  	s4 =	simm.s32 $0x80;
	v8 =	vperm.xlane v4, v2;
	v5 =	vadd.f32 v6, v5  }
0x47e: {  	v28 =	vld [tilespmem:s4+$0xBA00]  }
0x47f: {  	v27 =	vld [tilespmem:s4+$0xBA10];
	v4 =	vadd.f32 v4, v8;
	v6 =	vperm.xlane v5, v2  }
0x480: {  	v26 =	vld [tilespmem:s4+$0xBA20]  }
0x481: {  	v37 =	vld [tilespmem:s4+$0xBA30];
	v8 =	vperm.xlane v4, v3;
	v9 =	vadd.f32 v6, v5  }
0x482: {  	v35 =	vld [tilespmem:s4+$0xBA40]  }
0x483: {  	v6 =	vld [tilespmem:s4+$0xBA50];
	v8 =	vadd.f32 v4, v8;
	v10 =	vperm.xlane v9, v3  }
0x484: {  	v5 =	vld [tilespmem:s4+$0xBA60]  }
0x485: {  	v4 =	vld [tilespmem:s4+$0xBA70];
	v36 =	vmul.f32 $7.812500000e-03, v8;
	v8 =	vadd.f32 v10, v9;
	_ =	sdelay $0x1  }
0x486: {  	v9 =	vmul.f32 v36, v36;
	v8 =	vmul.f32 $7.812500000e-03, v8  }
0x487: {  	v13 =	vadd.f32 v37, v26;
	v14 =	vmul.f32 v28, v28;
	v16 =	vmul.f32 v27, v27  }
0x488: {  	v17 =	vmul.f32 v26, v26;
	v10 =	vadd.f32 v27, v28;
	v8 =	vsub.f32 v8, v9  }
0x489: {  	v18 =	vadd.f32 v6, v35;
	v19 =	vadd.f32 v4, v5;
	v20 =	vmul.f32 v5, v5  }
0x48a: {  	v21 =	vmul.f32 v4, v4;
	v10 =	vadd.f32 v13, v10;
	v8 =	vadd.f32 $9.999999960e-13, v8  }
0x48b: {  	v13 =	vmul.f32 v35, v35;
	v18 =	vadd.f32 v19, v18;
	v19 =	vmul.f32 v6, v6  }
0x48c: {  	v9 =	vmul.f32 v37, v37;
	v22 =	vmul.f32 $5.000000000e-01, v8;
	v8 =	vshra.s32 v8, $0x1  }
0x48d: {  	v14 =	vadd.f32 v16, v14;
	v16 =	vadd.f32 v21, v20;
	v8 =	vsub.s32 $0x5F3759DF, v8  }
0x48e: {  	v13 =	vadd.f32 v19, v13;
	v9 =	vadd.f32 v9, v17;
	v17 =	vmul.f32 v8, v22  }
0x48f: {  	v10 =	vadd.f32 v18, v10  }
0x490: {  	v13 =	vadd.f32 v16, v13;
	v9 =	vadd.f32 v9, v14;
	v14 =	vmul.f32 v8, v17;
	_ =	sdelay $0x1  }
0x491: {  	v16 =	vperm.xlane v10, v0;
	v9 =	vadd.f32 v13, v9;
	v13 =	vsub.f32 $1.500000000e+00, v14;
	_ =	sdelay $0x1  }
0x492: {  	v10 =	vadd.f32 v10, v16;
	v14 =	vperm.xlane v9, v0;
	v8 =	vmul.f32 v8, v13;
	_ =	sdelay $0x1  }
0x493: {  	v13 =	vperm.xlane v10, v1;
	v9 =	vadd.f32 v14, v9;
	v14 =	vmul.f32 v8, v22;
	_ =	sdelay $0x1  }
0x494: {  	s7 =	simm.s32 $0x100;
	v10 =	vadd.f32 v10, v13;
	v13 =	vperm.xlane v9, v1;
	v16 =	vmul.f32 v14, v8  }
0x495: {  	v40 =	vld [tilespmem:s7+$0xBA00]  }
0x496: {  	v38 =	vld [tilespmem:s7+$0xBA10];
	v9 =	vadd.f32 v13, v9;
	v13 =	vsub.f32 $1.500000000e+00, v16  }
0x497: {  	v18 =	vperm.xlane v10, v2;
	v16 =	vld [tilespmem:$0x1900]  }
0x498: {  	v7 =	vsub.f32 v7, v36;
	v19 =	vld [tilespmem:$0x1980];
	v39 =	vmul.f32 v13, v8  }
0x499: {  	v14 =	vld [tilespmem:s7+$0xBA30];
	v18 =	vadd.f32 v10, v18;
	v20 =	vperm.xlane v9, v2  }
0x49a: {  	v17 =	vld [tilespmem:s7+$0xBA20];
	v21 =	vmul.f32 v39, v7  }
0x49b: {  	v10 =	vld [tilespmem:s7+$0xBA50];
	v8 =	vperm.xlane v18, v3;
	v20 =	vadd.f32 v20, v9  }
0x49c: {  	v12 =	vsub.f32 v12, v36;
	v13 =	vld [tilespmem:s7+$0xBA40];
	v16 =	vmul.f32 v21, v16  }
0x49d: {  	v22 =	vmul.f32 v38, v38;
	v9 =	vld [tilespmem:s7+$0xBA60];
	v8 =	vadd.f32 v18, v8;
	v18 =	vperm.xlane v20, v3  }
0x49e: {  	v47 =	vmul.f32 v14, v14;
	v7 =	vld [tilespmem:s7+$0xBA70];
	v21 =	vadd.f32 v38, v40;
	v16 =	vadd.f32 v16, v19  }
0x49f: {  	v8 =	vmul.f32 $7.812500000e-03, v8;
	v18 =	vadd.f32 v18, v20;
	v19 =	vadd.f32 v14, v17  }
0x4a0: {  	v12 =	vmul.f32 v39, v12;
	v20 =	vmul.f32 v40, v40;
	[tilespmem:s3+$0xBA00] =	vst v16  }
0x4a1: {  	v18 =	vmul.f32 $7.812500000e-03, v18;
	v29 =	vmul.f32 v8, v8;
	v19 =	vadd.f32 v19, v21;
	v21 =	vld [tilespmem:$0x1910]  }
0x4a2: {  	v24 =	vadd.f32 v10, v13;
	v20 =	vadd.f32 v22, v20;
	v22 =	vmul.f32 v9, v9  }
0x4a3: {  	v30 =	vadd.f32 v7, v9;
	v49 =	vmul.f32 v7, v7;
	v18 =	vsub.f32 v18, v29;
	v48 =	vld [tilespmem:$0x1990]  }
0x4a4: {  	v16 =	vmul.f32 v17, v17;
	v29 =	vmul.f32 v13, v13  }
0x4a5: {  	v24 =	vadd.f32 v30, v24;
	v30 =	vmul.f32 v10, v10;
	v18 =	vadd.f32 $9.999999960e-13, v18  }
0x4a6: {  	v22 =	vadd.f32 v49, v22;
	v16 =	vadd.f32 v47, v16;
	v12 =	vmul.f32 v12, v21  }
0x4a7: {  	v50 =	vmul.f32 $5.000000000e-01, v18;
	v18 =	vshra.s32 v18, $0x1;
	v21 =	vadd.f32 v30, v29  }
0x4a8: {  	v19 =	vadd.f32 v24, v19;
	v18 =	vsub.s32 $0x5F3759DF, v18;
	v12 =	vadd.f32 v12, v48  }
0x4a9: {  	v16 =	vadd.f32 v16, v20;
	v29 =	vmul.f32 v18, v50;
	v20 =	vadd.f32 v22, v21  }
0x4aa: {  	[tilespmem:s3+$0xBA10] =	vst v12  }
0x4ab: {  	v21 =	vmul.f32 v18, v29;
	v12 =	vperm.xlane v19, v0;
	v16 =	vadd.f32 v20, v16;
	v29 =	vld [tilespmem:$0x1920]  }
0x4ac: {  	v11 =	vsub.f32 v11, v36  }
0x4ad: {  	v20 =	vsub.f32 $1.500000000e+00, v21;
	v30 =	vld [tilespmem:$0x19A0];
	v12 =	vadd.f32 v19, v12;
	v19 =	vperm.xlane v16, v0  }
0x4ae: {  	s9 =	simm.s32 $0x180;
	v54 =	vld [tilespmem:$0x1900];
	v11 =	vmul.f32 v39, v11  }
0x4af: {  	v24 =	vld [tilespmem:s9+$0xBA00];
	v51 =	vmul.f32 v18, v20;
	v18 =	vperm.xlane v12, v1;
	v16 =	vadd.f32 v19, v16  }
0x4b0: {  	v22 =	vld [tilespmem:s9+$0xBA10];
	v11 =	vmul.f32 v11, v29  }
0x4b1: {  	v21 =	vld [tilespmem:s9+$0xBA20];
	v52 =	vmul.f32 v51, v50;
	v12 =	vadd.f32 v12, v18;
	v29 =	vperm.xlane v16, v1  }
0x4b2: {  	v20 =	vld [tilespmem:s9+$0xBA30];
	v11 =	vadd.f32 v11, v30  }
0x4b3: {  	v19 =	vld [tilespmem:s9+$0xBA40];
	v33 =	vmul.f32 v52, v51;
	v30 =	vperm.xlane v12, v2;
	v29 =	vadd.f32 v29, v16  }
0x4b4: {  	v15 =	vsub.f32 v15, v36;
	v25 =	vsub.f32 v25, v36;
	v18 =	vld [tilespmem:s9+$0xBA50];
	[tilespmem:s3+$0xBA20] =	vst v11  }
0x4b5: {  	v33 =	vsub.f32 $1.500000000e+00, v33;
	v30 =	vadd.f32 v12, v30;
	v56 =	vperm.xlane v29, v2;
	v57 =	vld [tilespmem:$0x1930]  }
0x4b6: {  	v15 =	vmul.f32 v39, v15;
	v28 =	vsub.f32 v28, v8;
	v27 =	vsub.f32 v27, v8;
	v16 =	vld [tilespmem:s9+$0xBA60]  }
0x4b7: {  	v12 =	vmul.f32 v33, v51;
	v59 =	vld [tilespmem:$0x19B0];
	v58 =	vperm.xlane v30, v3;
	v29 =	vadd.f32 v56, v29  }
0x4b8: {  	v53 =	vld [tilespmem:$0x1980];
	v44 =	vmul.f32 v24, v24;
	v55 =	vadd.f32 v22, v24;
	v32 =	vmul.f32 v22, v22  }
0x4b9: {  	v11 =	vld [tilespmem:s9+$0xBA70];
	v28 =	vmul.f32 v12, v28;
	v30 =	vadd.f32 v30, v58;
	v62 =	vperm.xlane v29, v3  }
0x4ba: {  	v61 =	vmul.f32 v21, v21;
	v60 =	vadd.f32 v20, v21;
	v50 =	vmul.f32 v15, v57  }
0x4bb: {  	v28 =	vmul.f32 v28, v54;
	v15 =	vmul.f32 $7.812500000e-03, v30;
	v29 =	vadd.f32 v62, v29  }
0x4bc: {  	v63 =	vadd.f32 v18, v19;
	v58 =	vmul.f32 v16, v16;
	v52 =	vadd.f32 v50, v59  }
0x4bd: {  	v28 =	vadd.f32 v28, v53;
	v29 =	vmul.f32 $7.812500000e-03, v29;
	v54 =	vmul.f32 v15, v15  }
0x4be: {  	v51 =	vadd.f32 v11, v16;
	v30 =	vmul.f32 v20, v20;
	v53 =	vadd.f32 v60, v55;
	[tilespmem:s3+$0xBA30] =	vst v52  }
0x4bf: {  	v55 =	vmul.f32 v19, v19;
	v57 =	vmul.f32 v18, v18;
	[tilespmem:s4+$0xBA00] =	vst v28;
	v29 =	vsub.f32 v29, v54;
	v33 =	vld [tilespmem:$0x1940]  }
0x4c0: {  	v60 =	vmul.f32 v11, v11;
	v56 =	vadd.f32 v51, v63;
	v28 =	vadd.f32 v32, v44;
	v59 =	vld [tilespmem:$0x1910]  }
0x4c1: {  	v25 =	vmul.f32 v39, v25;
	v30 =	vadd.f32 v30, v61;
	v61 =	vld [tilespmem:$0x19C0];
	v29 =	vadd.f32 $9.999999960e-13, v29  }
0x4c2: {  	v27 =	vmul.f32 v12, v27;
	v43 =	vadd.f32 v57, v55;
	v44 =	vadd.f32 v60, v58;
	v62 =	vld [tilespmem:$0x1990]  }
0x4c3: {  	v28 =	vadd.f32 v30, v28;
	v63 =	vmul.f32 $5.000000000e-01, v29;
	v29 =	vshra.s32 v29, $0x1  }
0x4c4: {  	v51 =	vadd.f32 v44, v43;
	v29 =	vsub.s32 $0x5F3759DF, v29;
	v25 =	vmul.f32 v25, v33  }
0x4c5: {  	s11 =	simm.s32 $0x200;
	v48 =	vld [tilespmem:$0x1980];
	v41 =	vadd.f32 v56, v53;
	v27 =	vmul.f32 v27, v59;
	v50 =	vmul.f32 v29, v63  }
0x4c6: {  	v32 =	vld [tilespmem:s11+$0xBA00];
	v28 =	vadd.f32 v51, v28;
	v25 =	vadd.f32 v25, v61  }
0x4c7: {  	v30 =	vld [tilespmem:s11+$0xBA20];
	v53 =	vadd.f32 v27, v62;
	v52 =	vmul.f32 v29, v50  }
0x4c8: {  	v54 =	vperm.xlane v41, v0;
	v56 =	vperm.xlane v28, v0;
	v33 =	vld [tilespmem:s11+$0xBA10];
	[tilespmem:s3+$0xBA40] =	vst v25  }
0x4c9: {  	v23 =	vsub.f32 v23, v36;
	[tilespmem:s4+$0xBA10] =	vst v53;
	v25 =	vsub.f32 $1.500000000e+00, v52;
	v55 =	vld [tilespmem:$0x1950]  }
0x4ca: {  	v41 =	vadd.f32 v41, v54;
	v28 =	vadd.f32 v56, v28;
	v44 =	vld [tilespmem:$0x1920]  }
0x4cb: {  	v23 =	vmul.f32 v39, v23;
	v57 =	vld [tilespmem:$0x19D0];
	v29 =	vmul.f32 v29, v25;
	v25 =	vsub.f32 v26, v8  }
0x4cc: {  	v60 =	vperm.xlane v28, v1;
	v58 =	vld [tilespmem:$0x19A0];
	v26 =	vperm.xlane v41, v1  }
0x4cd: {  	v34 =	vsub.f32 v34, v36;
	v27 =	vld [tilespmem:s11+$0xBA30];
	v59 =	vmul.f32 v29, v63;
	v25 =	vmul.f32 v12, v25  }
0x4ce: {  	v36 =	vsub.f32 v31, v36;
	v50 =	vld [tilespmem:$0x1900];
	v41 =	vadd.f32 v41, v26;
	v23 =	vmul.f32 v23, v55  }
0x4cf: {  	v49 =	vadd.f32 v60, v28;
	v28 =	vld [tilespmem:s11+$0xBA70];
	v47 =	vmul.f32 v59, v29;
	v44 =	vmul.f32 v25, v44  }
0x4d0: {  	v37 =	vsub.f32 v37, v8;
	v26 =	vld [tilespmem:s11+$0xBA40];
	v61 =	vperm.xlane v41, v2;
	v45 =	vadd.f32 v23, v57  }
0x4d1: {  	v25 =	vld [tilespmem:s11+$0xBA50];
	v47 =	vsub.f32 $1.500000000e+00, v47;
	v43 =	vadd.f32 v44, v58  }
0x4d2: {  	v37 =	vmul.f32 v12, v37;
	v56 =	vmul.f32 v39, v34;
	v23 =	vld [tilespmem:s11+$0xBA60];
	v41 =	vadd.f32 v41, v61;
	[tilespmem:s3+$0xBA50] =	vst v45  }
0x4d3: {  	v40 =	vsub.f32 v40, v15;
	v62 =	vperm.xlane v49, v2;
	v29 =	vmul.f32 v47, v29;
	[tilespmem:s4+$0xBA20] =	vst v43;
	v63 =	vld [tilespmem:$0x1960]  }
0x4d4: {  	v53 =	vmul.f32 v30, v30;
	v46 =	vadd.f32 v33, v32;
	v59 =	vperm.xlane v41, v3;
	v60 =	vld [tilespmem:$0x1930]  }
0x4d5: {  	v42 =	vadd.f32 v27, v30;
	v47 =	vadd.f32 v62, v49;
	v54 =	vld [tilespmem:$0x19E0];
	v40 =	vmul.f32 v29, v40  }
0x4d6: {  	v52 =	vmul.f32 v32, v32;
	v51 =	vmul.f32 v27, v27;
	v55 =	vld [tilespmem:$0x19B0];
	v41 =	vadd.f32 v41, v59  }
0x4d7: {  	v45 =	vadd.f32 v42, v46;
	v61 =	vperm.xlane v47, v3;
	v40 =	vmul.f32 v40, v50  }
0x4d8: {  	v57 =	vadd.f32 v25, v26;
	v34 =	vmul.f32 $7.812500000e-03, v41;
	v63 =	vmul.f32 v63, v56  }
0x4d9: {  	v56 =	vadd.f32 v61, v47;
	v40 =	vadd.f32 v40, v48;
	v37 =	vmul.f32 v37, v60  }
0x4da: {  	v44 =	vmul.f32 v33, v33;
	v62 =	vadd.f32 v28, v23;
	v41 =	vadd.f32 v54, v63  }
0x4db: {  	v59 =	vmul.f32 v34, v34;
	v47 =	vmul.f32 $7.812500000e-03, v56;
	[tilespmem:s7+$0xBA00] =	vst v40;
	v37 =	vadd.f32 v37, v55  }
0x4dc: {  	v58 =	vmul.f32 v26, v26;
	v46 =	vadd.f32 v44, v52;
	v42 =	vsub.f32 v35, v8;
	v43 =	vld [tilespmem:$0x1910];
	[tilespmem:s3+$0xBA60] =	vst v41  }
0x4dd: {  	v50 =	vadd.f32 v62, v57;
	v60 =	vmul.f32 v25, v25;
	v62 =	vsub.f32 v47, v59;
	[tilespmem:s4+$0xBA30] =	vst v37;
	v37 =	vld [tilespmem:$0x1970]  }
0x4de: {  	v44 =	vsub.f32 v38, v15;
	v61 =	vmul.f32 v23, v23;
	v63 =	vmul.f32 v28, v28;
	v40 =	vld [tilespmem:$0x1940]  }
0x4df: {  	v48 =	vadd.f32 v51, v53;
	v31 =	vld [tilespmem:$0x19F0];
	v49 =	vadd.f32 $9.999999960e-13, v62  }
0x4e0: {  	s15 =	simm.s32 $0xA00;
	v35 =	vmul.f32 v39, v36;
	v47 =	vadd.f32 v60, v58;
	v51 =	vadd.f32 v63, v61;
	v41 =	vld [tilespmem:$0x19C0]  }
.LBB2_11:
0x4e1: {  	p1 =	sne.s32 s15, $0x9E00;
	v39 =	vadd.f32 v50, v45;
	v45 =	vmul.f32 $5.000000000e-01, v49;
	v50 =	vld [tilespmem:$0x1990];
	v42 =	vmul.f32 v12, v42;
	v36 =	vmovc v33;
	v38 =	vmovc v7  }
0x4e2: {  	v33 =	vshra.s32 v49, $0x1;
	v7 =	vmovc v11;
	v11 =	vmovc v28;
	v44 =	vmul.f32 v29, v44;
	v37 =	vmul.f32 v37, v35  }
0x4e3: {  	s16 =	sshra.s32 s15, $0x2;
	v28 =	vadd.f32 v48, v46;
	v46 =	vsub.s32 $0x5F3759DF, v33;
	v35 =	vmovc v12;
	v12 =	vmovc v29;
	v40 =	vmul.f32 v42, v40  }
0x4e4: {  	v29 =	vmul.f32 v46, v45;
	v42 =	vld [tilespmem:s16+$0xBA00];
	v43 =	vmul.f32 v44, v43;
	v37 =	vadd.f32 v31, v37;
	v31 =	vmovc v8  }
0x4e5: {  	v44 =	vadd.f32 v51, v47;
	v8 =	vmovc v15;
	v15 =	vmov v34;
	v33 =	vld [tilespmem:s16+$0xBA10];
	v40 =	vadd.f32 v40, v41  }
0x4e6: {  	v29 =	vmul.f32 v46, v29;
	v34 =	vld [tilespmem:s16+$0xBA20];
	v41 =	vadd.f32 v43, v50;
	[tilespmem:s3+$0xBA70] =	vst v37;
	s3 =	smov.u32 s4;
	s4 =	smov.u32 s7;
	s7 =	smov.u32 s9  }
0x4e7: {  	v43 =	vperm.xlane v39, v0;
	v28 =	vadd.f32 v44, v28;
	s9 =	smov.u32 s11;
	s11 =	smov.u32 s16;
	v37 =	vld [tilespmem:s16+$0xBA30];
	[tilespmem:s3+$0xBA40] =	vst v40  }
0x4e8: {  	v29 =	vsub.f32 $1.500000000e+00, v29;
	[tilespmem:s4+$0xBA10] =	vst v41;
	v40 =	vld [tilespmem:$0x1950]  }
0x4e9: {  	v44 =	vsub.f32 v6, v31;
	v6 =	vmovc v10;
	v39 =	vadd.f32 v39, v43;
	v41 =	vperm.xlane v28, v0;
	v43 =	vld [tilespmem:$0x1920]  }
0x4ea: {  	v10 =	vmovc v18;
	v29 =	vmul.f32 v46, v29;
	v46 =	vsub.f32 v17, v8;
	v17 =	vmovc v21;
	v21 =	vmov v30;
	v47 =	vld [tilespmem:$0x19D0]  }
0x4eb: {  	v44 =	vmul.f32 v35, v44;
	v48 =	vperm.xlane v39, v1;
	v28 =	vadd.f32 v41, v28;
	v41 =	vld [tilespmem:$0x19A0];
	v30 =	vmovc v34  }
0x4ec: {  	v18 =	vmovc v25;
	v49 =	vadd.f32 v33, v42;
	v45 =	vmul.f32 v29, v45;
	v46 =	vmul.f32 v12, v46;
	v50 =	vld [tilespmem:$0x1980]  }
0x4ed: {  	v39 =	vadd.f32 v39, v48;
	v48 =	vperm.xlane v28, v1;
	v51 =	vld [tilespmem:$0x1900];
	v40 =	vmul.f32 v44, v40  }
0x4ee: {  	v52 =	vadd.f32 v37, v30;
	v45 =	vmul.f32 v45, v29;
	v44 =	vld [tilespmem:s11+$0xBA40];
	v43 =	vmul.f32 v46, v43  }
0x4ef: {  	v46 =	vperm.xlane v39, v2;
	v48 =	vadd.f32 v48, v28;
	v25 =	vld [tilespmem:s11+$0xBA50];
	v40 =	vadd.f32 v40, v47  }
0x4f0: {  	v53 =	vmul.f32 v42, v42;
	v45 =	vsub.f32 $1.500000000e+00, v45;
	v47 =	vld [tilespmem:s11+$0xBA60];
	v41 =	vadd.f32 v43, v41  }
0x4f1: {  	v43 =	vmul.f32 v33, v33;
	v39 =	vadd.f32 v39, v46;
	v46 =	vperm.xlane v48, v2;
	v28 =	vld [tilespmem:s11+$0xBA70];
	[tilespmem:s3+$0xBA50] =	vst v40  }
0x4f2: {  	v40 =	vmul.f32 v34, v30;
	v29 =	vmul.f32 v45, v29;
	v34 =	vsub.f32 v24, v15;
	[tilespmem:s4+$0xBA20] =	vst v41;
	v41 =	vld [tilespmem:$0x1960]  }
0x4f3: {  	v5 =	vsub.f32 v5, v31;
	v24 =	vmovc v32;
	v45 =	vperm.xlane v39, v3;
	v46 =	vadd.f32 v46, v48;
	v48 =	vld [tilespmem:$0x1930]  }
0x4f4: {  	v55 =	vsub.f32 v14, v8;
	v54 =	vmul.f32 v37, v37;
	v32 =	vmovc v42;
	v34 =	vmul.f32 v29, v34;
	v56 =	vld [tilespmem:$0x19E0]  }
0x4f5: {  	v14 =	vmovc v20;
	v59 =	vmul.f32 v35, v5;
	v39 =	vadd.f32 v39, v45;
	v42 =	vperm.xlane v46, v3;
	v57 =	vld [tilespmem:$0x19B0]  }
0x4f6: {  	v20 =	vmovc v27;
	v58 =	vadd.f32 v25, v44;
	v45 =	vmul.f32 v34, v51;
	v51 =	vmul.f32 v12, v55  }
0x4f7: {  	v5 =	vmovc v9;
	v27 =	vmovc v37;
	v55 =	vadd.f32 v28, v47;
	v34 =	vmul.f32 $7.812500000e-03, v39;
	v39 =	vmul.f32 v41, v59  }
0x4f8: {  	v9 =	vmovc v16;
	v37 =	vadd.f32 v42, v46;
	v41 =	vadd.f32 v45, v50;
	v42 =	vmul.f32 v51, v48  }
0x4f9: {  	v16 =	vmovc v23;
	v45 =	vadd.f32 v52, v49;
	v49 =	vmul.f32 v44, v44;
	v39 =	vadd.f32 v56, v39  }
0x4fa: {  	v23 =	vmovc v47;
	v37 =	vmul.f32 $7.812500000e-03, v37;
	v51 =	vmul.f32 v34, v34;
	[tilespmem:s7+$0xBA00] =	vst v41;
	v41 =	vadd.f32 v42, v57  }
.Ltmp6:
0x4fb: {  	v46 =	vadd.f32 v43, v53;
	v50 =	vadd.f32 v55, v58;
	v42 =	vmul.f32 v25, v25;
	v43 =	vld [tilespmem:$0x1910];
	[tilespmem:s3+$0xBA60] =	vst v39;
	(pc) =	sbr.rel @p1 .LBB2_11-.Ltmp6, $4  }
0x4fc: {  	v48 =	vadd.f32 v54, v40;
	v51 =	vsub.f32 v37, v51;
	v39 =	vmul.f32 v47, v23;
	[tilespmem:s4+$0xBA30] =	vst v41;
	v37 =	vld [tilespmem:$0x1970]  }
0x4fd: {  	v52 =	vsub.f32 v4, v31;
	v4 =	vmovc v38;
	v41 =	vmul.f32 v28, v28;
	v47 =	vadd.f32 v42, v49;
	v40 =	vld [tilespmem:$0x1940]  }
0x4fe: {  	v49 =	vadd.f32 $9.999999960e-13, v51;
	v42 =	vsub.f32 v13, v8;
	v13 =	vmovc v19;
	v19 =	vmovc v26;
	v26 =	vmov v44;
	v31 =	vld [tilespmem:$0x19F0]  }
0x4ff: {  	s15 =	sadd.s32 $0x200, s15;
	v35 =	vmul.f32 v35, v52;
	v44 =	vsub.f32 v22, v15;
	v22 =	vmovc v36;
	v51 =	vadd.f32 v41, v39;
	v41 =	vld [tilespmem:$0x19C0]  }
0x500: {  	v36 =	vadd.f32 v50, v45  }
0x501: {  	v38 =	vadd.f32 v48, v46;
	v39 =	vadd.f32 v51, v47;
	_ =	sdelay $0x1  }
0x502: {  	v45 =	vperm.xlane v36, v0;
	v38 =	vadd.f32 v39, v38;
	_ =	sdelay $0x1  }
0x503: {  	v36 =	vadd.f32 v36, v45;
	v39 =	vperm.xlane v38, v0;
	_ =	sdelay $0x1  }
0x504: {  	v45 =	vperm.xlane v36, v1;
	v38 =	vadd.f32 v39, v38;
	_ =	sdelay $0x1  }
0x505: {  	v36 =	vadd.f32 v36, v45;
	v39 =	vperm.xlane v38, v1;
	_ =	sdelay $0x1  }
0x506: {  	v45 =	vperm.xlane v36, v2;
	v38 =	vadd.f32 v39, v38;
	_ =	sdelay $0x1  }
0x507: {  	v36 =	vadd.f32 v36, v45;
	v39 =	vperm.xlane v38, v2;
	_ =	sdelay $0x1  }
0x508: {  	v45 =	vperm.xlane v36, v3;
	v38 =	vadd.f32 v39, v38;
	_ =	sdelay $0x1  }
0x509: {  	v36 =	vadd.f32 v36, v45;
	v39 =	vperm.xlane v38, v3;
	_ =	sdelay $0x1  }
0x50a: {  	v36 =	vmul.f32 $7.812500000e-03, v36;
	v38 =	vadd.f32 v39, v38;
	_ =	sdelay $0x1  }
0x50b: {  	v51 =	vmul.f32 v36, v36;
	v38 =	vmul.f32 $7.812500000e-03, v38;
	_ =	sdelay $0x1  }
0x50c: {  	v38 =	vsub.f32 v38, v51;
	_ =	sdelay $0x1  }
0x50d: {  	v38 =	vadd.f32 $9.999999960e-13, v38  }
0x50e: {  	v52 =	vmul.f32 $5.000000000e-01, v49;
	v53 =	vshra.s32 v49, $0x1  }
0x50f: {  	v45 =	vsub.s32 $0x5F3759DF, v53;
	v54 =	vmul.f32 $5.000000000e-01, v38;
	v38 =	vshra.s32 v38, $0x1  }
0x510: {  	v55 =	vmul.f32 v45, v52;
	v38 =	vsub.s32 $0x5F3759DF, v38  }
0x511: {  	v56 =	vmul.f32 v38, v54  }
0x512: {  	v47 =	vmul.f32 v45, v55  }
0x513: {  	v48 =	vmul.f32 v38, v56  }
0x514: {  	v47 =	vsub.f32 $1.500000000e+00, v47  }
0x515: {  	v48 =	vsub.f32 $1.500000000e+00, v48  }
0x516: {  	v45 =	vmul.f32 v45, v47  }
0x517: {  	v57 =	vmul.f32 v38, v48  }
0x518: {  	v58 =	vmul.f32 v45, v52  }
0x519: {  	v59 =	vmul.f32 v57, v54  }
0x51a: {  	v38 =	vmul.f32 v58, v45  }
0x51b: {  	v39 =	vmul.f32 v59, v57  }
0x51c: {  	v38 =	vsub.f32 $1.500000000e+00, v38  }
0x51d: {  	v60 =	vld [tilespmem:$0x1900];
	v39 =	vsub.f32 $1.500000000e+00, v39  }
0x51e: {  	v61 =	vsub.f32 v24, v34;
	v62 =	vld [tilespmem:$0x1900];
	v38 =	vmul.f32 v38, v45  }
0x51f: {  	v63 =	vld [tilespmem:$0x1980];
	v32 =	vsub.f32 v32, v36;
	v24 =	vmul.f32 v39, v57  }
0x520: {  	v51 =	vld [tilespmem:$0x1980];
	v50 =	vmul.f32 v38, v61  }
0x521: {  	v32 =	vmul.f32 v24, v32  }
0x522: {  	v39 =	vmul.f32 v50, v60  }
0x523: {  	v32 =	vmul.f32 v32, v62  }
0x524: {  	v39 =	vadd.f32 v39, v63  }
0x525: {  	v32 =	vadd.f32 v32, v51  }
0x526: {  	v52 =	vld [tilespmem:$0x1990];
	[tilespmem:s9+$0xBA00] =	vst v39  }
0x527: {  	v39 =	vld [tilespmem:$0x1910];
	[tilespmem:s11+$0xBA00] =	vst v32  }
0x528: {  	v22 =	vsub.f32 v22, v34;
	v53 =	vmul.f32 v29, v44;
	v54 =	vld [tilespmem:$0x1910]  }
0x529: {  	v33 =	vsub.f32 v33, v36;
	v55 =	vld [tilespmem:$0x1990]  }
0x52a: {  	v22 =	vmul.f32 v38, v22;
	v32 =	vmul.f32 v53, v43;
	v56 =	vld [tilespmem:$0x1990]  }
0x52b: {  	v33 =	vmul.f32 v24, v33  }
0x52c: {  	v32 =	vadd.f32 v32, v52;
	v22 =	vmul.f32 v22, v39  }
0x52d: {  	v33 =	vmul.f32 v33, v54  }
0x52e: {  	[tilespmem:s7+$0xBA10] =	vst v32;
	v22 =	vadd.f32 v22, v55  }
0x52f: {  	v32 =	vld [tilespmem:$0x1920];
	v33 =	vadd.f32 v33, v56  }
0x530: {  	v17 =	vsub.f32 v17, v15;
	v57 =	vld [tilespmem:$0x19A0];
	[tilespmem:s9+$0xBA10] =	vst v22  }
0x531: {  	v22 =	vld [tilespmem:$0x1920];
	[tilespmem:s11+$0xBA10] =	vst v33  }
0x532: {  	v21 =	vsub.f32 v21, v34;
	v17 =	vmul.f32 v29, v17;
	v33 =	vld [tilespmem:$0x1920]  }
0x533: {  	v30 =	vsub.f32 v30, v36;
	v58 =	vld [tilespmem:$0x19A0]  }
0x534: {  	v21 =	vmul.f32 v38, v21;
	v17 =	vmul.f32 v17, v32;
	v59 =	vld [tilespmem:$0x19A0]  }
0x535: {  	v30 =	vmul.f32 v24, v30  }
0x536: {  	v17 =	vadd.f32 v17, v57;
	v21 =	vmul.f32 v21, v22  }
0x537: {  	v60 =	vmul.f32 v30, v33  }
0x538: {  	[tilespmem:s7+$0xBA20] =	vst v17;
	v61 =	vadd.f32 v21, v58  }
0x539: {  	v62 =	vld [tilespmem:$0x1930];
	v22 =	vadd.f32 v60, v59  }
0x53a: {  	v14 =	vsub.f32 v14, v15;
	v63 =	vld [tilespmem:$0x19B0];
	[tilespmem:s9+$0xBA20] =	vst v61  }
0x53b: {  	v17 =	vld [tilespmem:$0x1930];
	[tilespmem:s11+$0xBA20] =	vst v22  }
0x53c: {  	v20 =	vsub.f32 v20, v34;
	v14 =	vmul.f32 v29, v14;
	v22 =	vld [tilespmem:$0x1930]  }
0x53d: {  	v27 =	vsub.f32 v27, v36;
	v39 =	vld [tilespmem:$0x19B0]  }
0x53e: {  	v20 =	vmul.f32 v38, v20;
	v14 =	vmul.f32 v14, v62;
	v43 =	vld [tilespmem:$0x19B0]  }
0x53f: {  	v27 =	vmul.f32 v24, v27  }
0x540: {  	v14 =	vadd.f32 v14, v63;
	v17 =	vmul.f32 v20, v17  }
0x541: {  	v44 =	vmul.f32 v27, v22  }
0x542: {  	[tilespmem:s7+$0xBA30] =	vst v14;
	v45 =	vadd.f32 v17, v39  }
0x543: {  	v46 =	vld [tilespmem:$0x1940];
	v20 =	vadd.f32 v44, v43  }
0x544: {  	v13 =	vsub.f32 v13, v15;
	v47 =	vmul.f32 v12, v42;
	v48 =	vld [tilespmem:$0x19C0];
	[tilespmem:s9+$0xBA30] =	vst v45  }
0x545: {  	v14 =	vld [tilespmem:$0x1940];
	[tilespmem:s11+$0xBA30] =	vst v20  }
0x546: {  	v19 =	vsub.f32 v19, v34;
	v13 =	vmul.f32 v29, v13;
	v49 =	vmul.f32 v47, v40;
	v50 =	vld [tilespmem:$0x1940]  }
0x547: {  	v26 =	vsub.f32 v26, v36;
	v51 =	vld [tilespmem:$0x19C0]  }
0x548: {  	v52 =	vmul.f32 v38, v19;
	v20 =	vadd.f32 v49, v41;
	v13 =	vmul.f32 v13, v46;
	v53 =	vld [tilespmem:$0x19C0]  }
0x549: {  	v26 =	vmul.f32 v24, v26  }
0x54a: {  	[tilespmem:s4+$0xBA40] =	vst v20;
	v13 =	vadd.f32 v13, v48;
	v14 =	vmul.f32 v52, v14  }
0x54b: {  	v54 =	vld [tilespmem:$0x1950];
	v55 =	vmul.f32 v26, v50  }
0x54c: {  	v6 =	vsub.f32 v6, v8;
	v56 =	vld [tilespmem:$0x19D0];
	[tilespmem:s7+$0xBA40] =	vst v13;
	v57 =	vadd.f32 v14, v51  }
0x54d: {  	v58 =	vld [tilespmem:$0x1950];
	v19 =	vadd.f32 v55, v53  }
0x54e: {  	v10 =	vsub.f32 v10, v15;
	v6 =	vmul.f32 v12, v6;
	v59 =	vld [tilespmem:$0x19D0];
	[tilespmem:s9+$0xBA40] =	vst v57  }
0x54f: {  	v13 =	vld [tilespmem:$0x1950];
	[tilespmem:s11+$0xBA40] =	vst v19  }
0x550: {  	v10 =	vmul.f32 v29, v10;
	v60 =	vsub.f32 v18, v34;
	v6 =	vmul.f32 v6, v54;
	v61 =	vld [tilespmem:$0x1950]  }
0x551: {  	v63 =	vsub.f32 v25, v36;
	v62 =	vld [tilespmem:$0x19D0]  }
0x552: {  	v25 =	vmul.f32 v38, v60;
	v6 =	vadd.f32 v6, v56;
	v10 =	vmul.f32 v10, v58;
	v26 =	vld [tilespmem:$0x19D0]  }
0x553: {  	v27 =	vmul.f32 v24, v63  }
0x554: {  	[tilespmem:s4+$0xBA50] =	vst v6;
	v30 =	vadd.f32 v10, v59;
	v32 =	vmul.f32 v25, v13  }
0x555: {  	v33 =	vld [tilespmem:$0x1960];
	v39 =	vmul.f32 v27, v61  }
0x556: {  	v5 =	vsub.f32 v5, v8;
	v40 =	vld [tilespmem:$0x19E0];
	[tilespmem:s7+$0xBA50] =	vst v30;
	v41 =	vadd.f32 v32, v62  }
0x557: {  	v42 =	vld [tilespmem:$0x1960];
	v14 =	vadd.f32 v39, v26  }
0x558: {  	v9 =	vsub.f32 v9, v15;
	v5 =	vmul.f32 v12, v5;
	v43 =	vld [tilespmem:$0x19E0];
	[tilespmem:s9+$0xBA50] =	vst v41  }
0x559: {  	v6 =	vld [tilespmem:$0x1960];
	[tilespmem:s11+$0xBA50] =	vst v14  }
0x55a: {  	v9 =	vmul.f32 v29, v9;
	v44 =	vsub.f32 v16, v34;
	v5 =	vmul.f32 v33, v5;
	v14 =	vld [tilespmem:$0x1960]  }
0x55b: {  	v46 =	vsub.f32 v23, v36;
	v45 =	vld [tilespmem:$0x19E0]  }
0x55c: {  	v47 =	vmul.f32 v38, v44;
	v5 =	vadd.f32 v40, v5;
	v9 =	vmul.f32 v42, v9;
	v48 =	vld [tilespmem:$0x19E0]  }
0x55d: {  	v49 =	vmul.f32 v24, v46  }
0x55e: {  	[tilespmem:s4+$0xBA60] =	vst v5;
	v5 =	vadd.f32 v43, v9;
	v6 =	vmul.f32 v6, v47  }
0x55f: {  	v50 =	vld [tilespmem:$0x1970];
	v51 =	vmul.f32 v14, v49  }
0x560: {  	v52 =	vld [tilespmem:$0x19F0];
	[tilespmem:s7+$0xBA60] =	vst v5;
	v5 =	vadd.f32 v45, v6  }
0x561: {  	v53 =	vld [tilespmem:$0x1970];
	v10 =	vadd.f32 v48, v51  }
0x562: {  	v4 =	vsub.f32 v4, v8;
	v54 =	vld [tilespmem:$0x19F0];
	[tilespmem:s9+$0xBA60] =	vst v5  }
0x563: {  	v5 =	vsub.f32 v7, v15;
	v55 =	vld [tilespmem:$0x1970];
	[tilespmem:s11+$0xBA60] =	vst v10  }
0x564: {  	v4 =	vmul.f32 v12, v4;
	v56 =	vsub.f32 v11, v34;
	v57 =	vld [tilespmem:$0x1970]  }
0x565: {  	v60 =	vsub.f32 v28, v36;
	v58 =	vmul.f32 v37, v35;
	v59 =	vld [tilespmem:$0x19F0];
	v5 =	vmul.f32 v29, v5  }
0x566: {  	v61 =	vmul.f32 v38, v56;
	v4 =	vmul.f32 v50, v4;
	v62 =	vld [tilespmem:$0x19F0]  }
0x567: {  	v63 =	vmul.f32 v24, v60;
	v12 =	vadd.f32 v31, v58;
	v5 =	vmul.f32 v53, v5  }
0x568: {  	v4 =	vadd.f32 v52, v4;
	v7 =	vmul.f32 v55, v61  }
0x569: {  	[tilespmem:s3+$0xBA70] =	vst v12;
	v5 =	vadd.f32 v54, v5;
	v6 =	vmul.f32 v57, v63  }
.Ltmp7:
0x56a: {  	[tilespmem:s4+$0xBA70] =	vst v4;
	v4 =	vadd.f32 v59, v7;
	(pc) =	sbr.rel @p0 .LBB2_14-.Ltmp7, $4  }
0x56b: {  	s0 =	sadd.s32 s8, s0;
	[tilespmem:s7+$0xBA70] =	vst v5;
	v5 =	vadd.f32 v62, v6  }
0x56c: {  	s0 =	sshll.u32 s0, $0x4;
	[tilespmem:s9+$0xBA70] =	vst v4  }
0x56d: {  	s0 =	sadd.s32 s5, s0;
	[tilespmem:s11+$0xBA70] =	vst v5  }
0x56e: {  	[hbm4b:s0+s6] =	stream.linear.scatter [tilespmem:s28], [sflag:$0x5], $0x2800, $0x38;
	[tilespmem:$0xE200] =	vst v63  }
.Ltmp8:
0x56f: {  	(pc) =	sbr.rel .LBB2_2-.Ltmp8, $4  }
0x570: {  	_ =	swait.ge [sflag:s22], $0x2800  }
0x571: {  	[sflag:s22] =	ssyncset.done $0x0  }
0x572: {  	s31 =	sadd.s32 $0x1, s31;
	[sflag:s22] =	ssyncadd.s32 $0xFFFFD800  }
0x573: {  	[tilespmem:s21], [sflag:$0x2] =	stream.linear.gather [hbm4b:s10+s6], $0x2800, $0x38;
	[tilespmem:$0xE200] =	vst v63  }
.LBB2_15:
0x574: {  	_ =	sfence.sel $0x180000  }
0x575: {  	[bflag:$0x0] =	sbarrier.arrive $0xFFFF  }
0x576: {  	_ =	strace $0x90000047  }
0x577: {  	s0 =	stileid.u32;
	[bflag:$0x2] =	sbarrier.arrive $0xFFFF  }
0x578: {  	p0 =	sne.s32 s0, $0x0;
	s0 =	rddreg [dreg:$0x6]  }
0x579: {  	s0 =	sadd.s32 @!p0 $0x100000, s0  }
0x57a: {  	[sflag:s0] =	ssyncadd.tile.s32 @!p0 $0x1;
	_ =	shalt  }
.Lfunc_end2:
_tile_overlayer_lowered:
.L_overlay_start_2:
0x57b: {  	(tag) =	ssettag $0x2  }
0x57c: {  	s0 =	rddreg [dreg:$0x0];
	s2 =	stileid.u32  }
0x57d: {  	s1 =	rddreg [dreg:$0x1];
	p0 =	sne.s32 s2, $0x0  }
0x57e: {  	s3 =	rddreg [dreg:$0x2];
	[bflag:$0x3] =	sbarrier.arrive $0xFFFF;
	s2 =	simm.s32 @!p0 $0x1C06  }
0x57f: {  	[timem:s3], [sflag:s2] =	dma.local @!p0 [hbm:s0], s1  }
0x580: {  	s0 =	simm.s32 @!p0 $0x6  }
0x581: {  	_ =	swait.ge @!p0 [sflag:s0], s1  }
0x582: {  	s1 =	ssub.s32 @!p0 $0x0, s1;
	[sflag:s0] =	ssyncset.done @!p0 $0x0  }
0x583: {  	[sflag:s0] =	ssyncadd.s32 @!p0 s1  }
0x584: {  	[bflag:$0x3] =	sbarrier.arrive $0xFFFF  }
0x585: {  	_ =	shalt  }

</sc_bundles>
